<compile_context>
chip_gen: v7x
topology: tpu7x:2x2x1
jax: 0.10.2.dev20260603
libtpu: 0.0.44.dev20260713+nightly
codegen_flags: <defaults>
</compile_context>

<pallas_src>
import functools
import numpy as np
import jax
import jax.numpy as jnp
from jax import lax
from jax.experimental import pallas as pl
from jax.experimental.pallas import tpu as pltpu
from jax.experimental.pallas import tpu_sc as plsc

CUTOFF = 5.0
EPS = 0.1
F = 32
S = 10
LL = 4
NB = 8
NG = 16
_P = 5.0
_PREF = float(np.sqrt(2.0 / CUTOFF))
_ISQS = float(1.0 / np.sqrt(S))

_BE = 2048
_BN = 1000
_NPW = 40
_CH = 128


def _silu(x):
    return x * jax.nn.sigmoid(x)


def _dsilu(x):
    s = jax.nn.sigmoid(x)
    return s * (1.0 + x * (1.0 - s))


def _bwrow():
    iota = lax.broadcasted_iota(jnp.int32, (1, NB), 1).astype(jnp.float32)
    return (np.pi / CUTOFF) * (iota + 1.0)


def _radial_parts(v):
    r2 = jnp.sum(v * v, axis=1, keepdims=True)
    r = jnp.sqrt(r2)
    rinv = 1.0 / r
    bw = _bwrow()
    bes = _PREF * jnp.sin(r * bw) * rinv
    xs = r * (1.0 / CUTOFF)
    xp = xs ** 5
    env = (1.0 - 0.5 * (_P + 1) * (_P + 2) * xp + _P * (_P + 2) * xp * xs
           - 0.5 * _P * (_P + 1) * xp * xs * xs)
    env = jnp.where(r < CUTOFF, env, 0.0)
    return r, rinv, bes, env


def _dot(a, b):
    return jnp.dot(a, b, preferred_element_type=jnp.float32)


def _dotb(a, b):
    return jnp.dot(a.astype(jnp.bfloat16), b.astype(jnp.bfloat16),
                   preferred_element_type=jnp.float32)



def _edge_fwd_body(v_ref, a0, a1, a2, a3, b0, b1, b2, b3, o0, o1):
    v = v_ref[...]
    _, _, bes, env = _radial_parts(v)
    rad = env * bes

    def chain(m0, m1, m2, m3):
        h0 = _silu(_dot(rad, m0[...]))
        h1 = _silu(_dot(h0, m1[...]))
        h2 = _silu(_dot(h1, m2[...]))
        return _dot(h2, m3[...])

    o0[...] = chain(a0, a1, a2, a3)
    o1[...] = chain(b0, b1, b2, b3)


def _edge_bwd_body(v_ref, d0_ref, d1_ref,
                   a0, a1, a2, a3t, a2t, a1t, a0t,
                   b0, b1, b2, b3t, b2t, b1t, b0t,
                   op_ref, on_ref):
    v = v_ref[...]
    r, rinv, bes, env = _radial_parts(v)
    rad = env * bes

    def back(m0, m1, m2, m3t, m2t, m1t, m0t, dmx):
        z0 = _dot(rad, m0[...]); h0 = _silu(z0)
        z1 = _dot(h0, m1[...]); h1 = _silu(z1)
        z2 = _dot(h1, m2[...])
        dz2 = _dot(dmx, m3t[...]) * _dsilu(z2)
        dz1 = _dot(dz2, m2t[...]) * _dsilu(z1)
        dz0 = _dot(dz1, m1t[...]) * _dsilu(z0)
        return _dot(dz0, m0t[...])

    drad = (back(a0, a1, a2, a3t, a2t, a1t, a0t, d0_ref[...])
            + back(b0, b1, b2, b3t, b2t, b1t, b0t, d1_ref[...]))
    bw = _bwrow()
    dbes = _PREF * rinv * (bw * jnp.cos(r * bw) - jnp.sin(r * bw) * rinv)
    xs = r * (1.0 / CUTOFF)
    denv = (-2.5 * (_P + 1) * (_P + 2) * xs ** 4 + 6 * _P * (_P + 2) * xs ** 5
            - 3.5 * _P * (_P + 1) * xs ** 6) * (1.0 / CUTOFF)
    denv = jnp.where(r < CUTOFF, denv, 0.0)
    dr = jnp.sum(drad * (denv * bes + env * dbes), axis=1, keepdims=True)
    dv = (dr * rinv) * v
    pad = jnp.zeros((dv.shape[0], 5), jnp.float32)
    op_ref[...] = jnp.concatenate([dv, pad], axis=1)
    on_ref[...] = jnp.concatenate([-dv, pad], axis=1)


def _oh10(spf):
    iota = lax.broadcasted_iota(jnp.int32, (1, S), 1).astype(jnp.float32)
    return (spf == iota).astype(jnp.float32)


def _mwz(x, wz_ref, oh):
    acc = jnp.zeros_like(x)
    for s in range(S):
        acc = acc + oh[:, s:s + 1] * _dot(x, wz_ref[s])
    return acc * _ISQS


def _node_a_body(spf_ref, emb, wu0, o_ref):
    oh = _oh10(spf_ref[...])
    o_ref[...] = _dot(_dot(oh, emb[...]), wu0[...])


def _node_b_body(agg_ref, spf_ref, wd0, wz0, wsc_a, wp0, wz1, wu1,
                 s1_o, a1z_o, sc10_o, nfu01_o):
    oh = _oh10(spf_ref[...])
    agg = (agg_ref[0] + agg_ref[1]) * EPS
    a1 = _dot(agg, wd0[...])
    a1z = _mwz(a1, wz0, oh)
    wa0 = _dot(oh, wsc_a[0])
    wa1 = _dot(oh, wsc_a[1])
    t0 = wa0 * a1z + wa1 * a1z * a1z
    s1 = _dot(t0, wp0[...])
    s1_o[...] = s1
    a1z_o[...] = a1z
    sc10_o[...] = _mwz(s1, wz1, oh)
    nfu01_o[...] = _dot(s1, wu1[...])


def _node_c_body(agg_ref, sc10_ref, s1_ref, spf_ref, gif_ref,
                 wd1, wsc_b, wp1, wro, wo1row, wo0row, offrow, wp1t, wd1t, wrot,
                 eg_o, dagg_o, ds2_o):
    oh = _oh10(spf_ref[...])
    agg = (agg_ref[0] + agg_ref[1]) * EPS
    b1 = _dot(agg, wd1[...])
    wb0 = _dot(oh, wsc_b[0])
    wb1 = _dot(oh, wsc_b[1])
    t1 = wb0 * b1 + wb1 * b1 * b1
    s2 = _dot(t1, wp1[...]) + sc10_ref[...]
    z = _dot(s2, wro[...])
    es1 = jnp.sum(_silu(z) * wo1row[...], axis=1)
    es0 = jnp.sum(s1_ref[...] * wo0row[...], axis=1)
    ei = es0 + es1 + jnp.sum(oh * offrow[...], axis=1)
    iota = lax.broadcasted_iota(jnp.int32, (1, 128), 1).astype(jnp.float32)
    ohg = (gif_ref[...] == iota).astype(jnp.float32)
    part = _dot(ei[None, :], ohg)
    part8 = jnp.concatenate([part, jnp.zeros((7, 128), jnp.float32)], axis=0)
    i = pl.program_id(0)

    @pl.when(i == 0)
    def _():
        eg_o[...] = jnp.zeros((8, 128), jnp.float32)

    eg_o[...] += part8
    dz = _dsilu(z) * wo1row[...]
    ds2 = _dot(dz, wrot[...])
    dt1 = _dot(ds2, wp1t[...])
    db1 = (wb0 + 2.0 * wb1 * b1) * dt1
    dagg_o[...] = EPS * _dot(db1, wd1t[...])
    ds2_o[...] = ds2


def _node_d_body(dnfu_ref, ds2_ref, a1z_ref, spf_ref,
                 wo0row, wu1t, wz1t, wp0t, wsc_a, wz0t, wd0t, dagg_o):
    oh = _oh10(spf_ref[...])
    dnfu = dnfu_ref[0] + dnfu_ref[1]
    dnf1 = wo0row[...] + _dot(dnfu, wu1t[...]) + _mwz(ds2_ref[...], wz1t, oh)
    dt0 = _dot(dnf1, wp0t[...])
    wa0 = _dot(oh, wsc_a[0])
    wa1 = _dot(oh, wsc_a[1])
    da1z = (wa0 + 2.0 * wa1 * a1z_ref[...]) * dt0
    da1 = _mwz(da1z, wz0t, oh)
    dagg_o[...] = EPS * _dot(da1, wd0t[...])



def _wspec(arr):
    n = arr.ndim
    return pl.BlockSpec(arr.shape, lambda i, _n=n: (0,) * _n)


def _espec(width):
    return pl.BlockSpec((_BE, width), lambda i: (i, 0))


def _nspec(width):
    return pl.BlockSpec((_BN, width), lambda i: (i, 0))


def _pspec(width):
    return pl.BlockSpec((2, _BN, width), lambda i: (0, i, 0))


def _sds(shape):
    return jax.ShapeDtypeStruct(shape, jnp.float32)



_NC = 2
_NS = 16
_NW = _NC * _NS


@functools.cache
def _sc_mesh():
    return plsc.VectorSubcoreMesh(core_axis_name="c", subcore_axis_name="s")


def _stripe_zero(zero_h, acc, buf, sid, n):
    srb = (n // _NS) & ~7
    rem = n - srb * _NS
    pltpu.sync_copy(zero_h.at[pl.ds(sid * srb, srb)], buf)
    pltpu.sync_copy(buf, acc.at[pl.ds(sid * srb, srb)])
    if rem:
        @pl.when(sid == 0)
        def _():
            pltpu.sync_copy(zero_h.at[pl.ds(srb * _NS, rem)], buf.at[pl.ds(0, rem)])
            pltpu.sync_copy(buf.at[pl.ds(0, rem)], acc.at[pl.ds(srb * _NS, rem)])


def _stripe_out(acc, out_h, buf, cid, sid, n):
    srb = (n // _NS) & ~7
    rem = n - srb * _NS
    pltpu.sync_copy(acc.at[pl.ds(sid * srb, srb)], buf)
    pltpu.sync_copy(buf, out_h.at[cid, pl.ds(sid * srb, srb)])
    if rem:
        @pl.when(sid == 0)
        def _():
            pltpu.sync_copy(acc.at[pl.ds(srb * _NS, rem)], buf.at[pl.ds(0, rem)])
            pltpu.sync_copy(buf.at[pl.ds(0, rem)], out_h.at[cid, pl.ds(srb * _NS, rem)])


def _mulrows(dst, a, b):
    @plsc.parallel_loop(0, 2 * _CH, unroll=8)
    def _(i):
        row = i >> 1
        c0 = (i & 1) * 16
        dst[row, pl.ds(c0, 16)] = a[row, pl.ds(c0, 16)] * b[row, pl.ds(c0, 16)]


def _sc_seg_fwd(mix, tab, send2, recv2, zeros):
    N = tab.shape[0]
    SRB = (N // _NS) & ~7

    @functools.partial(
        pl.kernel, mesh=_sc_mesh(),
        compiler_params=pltpu.CompilerParams(use_tc_tiling_on_sc=False),
        out_type=_sds((_NC, N, F)),
        scratch_types=[
            pltpu.VMEM((_NPW, _CH), jnp.int32),
            pltpu.VMEM((_NPW, _CH), jnp.int32),
            pltpu.VMEM((_CH, F), jnp.float32),
            pltpu.VMEM((_CH, F), jnp.float32),
            pltpu.VMEM((_CH, F), jnp.float32),
            pltpu.VMEM((_CH, F), jnp.float32),
            pltpu.VMEM((_CH, F), jnp.float32),
            pltpu.VMEM((SRB, F), jnp.float32),
            pltpu.VMEM_SHARED((N, F), jnp.float32),
            pltpu.SemaphoreType.DMA,
            pltpu.SemaphoreType.DMA,
            pltpu.SemaphoreType.DMA,
            pltpu.SemaphoreType.DMA,
        ])
    def k(mix_h, tab_h, send_h, recv_h, zero_h, out_h,
          sidx, ridx, mA, gA, mB, gB, crow, buf, acc, s0, s1, s2, s3):
        cid = lax.axis_index("c")
        sid = lax.axis_index("s")
        wid = sid * _NC + cid
        gbase = wid * _NPW * _CH
        pltpu.sync_copy(send_h.at[pl.ds(wid * _NPW, _NPW)], sidx)
        pltpu.sync_copy(recv_h.at[pl.ds(wid * _NPW, _NPW)], ridx)
        _stripe_zero(zero_h, acc, buf, sid, N)
        plsc.subcore_barrier()

        def body(t, c):
            c0 = 2 * t
            c1 = 2 * t + 1
            hg0 = pltpu.async_copy(tab_h.at[sidx.at[c0]], gA, s0)
            hm0 = pltpu.async_copy(mix_h.at[pl.ds(gbase + c0 * _CH, _CH)], mA, s1)
            hg1 = pltpu.async_copy(tab_h.at[sidx.at[c1]], gB, s2)
            hm1 = pltpu.async_copy(mix_h.at[pl.ds(gbase + c1 * _CH, _CH)], mB, s3)
            hg0.wait(); hm0.wait()
            _mulrows(crow, mA, gA)
            pltpu.sync_copy(crow, acc.at[ridx.at[c0]], add=True)
            hg1.wait(); hm1.wait()
            _mulrows(crow, mB, gB)
            pltpu.sync_copy(crow, acc.at[ridx.at[c1]], add=True)
            return c

        lax.fori_loop(0, _NPW // 2, body, 0)
        plsc.subcore_barrier()
        _stripe_out(acc, out_h, buf, cid, sid, N)

    return k(mix, tab, send2, recv2, zeros)


def _sc_seg_bwd1(dagg, tab, mix, send2, recv2, zeros):
    E, N = mix.shape[0], tab.shape[0]
    SRB = (N // _NS) & ~7

    @functools.partial(
        pl.kernel, mesh=_sc_mesh(),
        compiler_params=pltpu.CompilerParams(use_tc_tiling_on_sc=False),
        out_type=(_sds((E, F)), _sds((_NC, N, F))),
        scratch_types=[
            pltpu.VMEM((_NPW, _CH), jnp.int32),
            pltpu.VMEM((_NPW, _CH), jnp.int32),
            pltpu.VMEM((_CH, F), jnp.float32),
            pltpu.VMEM((_CH, F), jnp.float32),
            pltpu.VMEM((_CH, F), jnp.float32),
            pltpu.VMEM((_CH, F), jnp.float32),
            pltpu.VMEM((_CH, F), jnp.float32),
            pltpu.VMEM((_CH, F), jnp.float32),
            pltpu.VMEM((_CH, F), jnp.float32),
            pltpu.VMEM((_CH, F), jnp.float32),
            pltpu.VMEM((SRB, F), jnp.float32),
            pltpu.VMEM_SHARED((N, F), jnp.float32),
            pltpu.SemaphoreType.DMA,
            pltpu.SemaphoreType.DMA,
            pltpu.SemaphoreType.DMA,
            pltpu.SemaphoreType.DMA,
            pltpu.SemaphoreType.DMA,
            pltpu.SemaphoreType.DMA,
        ])
    def k(dagg_h, tab_h, mix_h, send_h, recv_h, zero_h, dmsph_h, out_h,
          sidx, ridx, mA, dA, tA, mB, dB, tB, orow, srow, buf, acc,
          s0, s1, s2, s3, s4, s5):
        cid = lax.axis_index("c")
        sid = lax.axis_index("s")
        wid = sid * _NC + cid
        gbase = wid * _NPW * _CH
        pltpu.sync_copy(send_h.at[pl.ds(wid * _NPW, _NPW)], sidx)
        pltpu.sync_copy(recv_h.at[pl.ds(wid * _NPW, _NPW)], ridx)
        _stripe_zero(zero_h, acc, buf, sid, N)
        plsc.subcore_barrier()

        def halfstep(cc, m, d, tt):
            _mulrows(orow, d, tt)
            pltpu.sync_copy(orow, dmsph_h.at[pl.ds(gbase + cc * _CH, _CH)])
            _mulrows(srow, d, m)
            pltpu.sync_copy(srow, acc.at[sidx.at[cc]], add=True)

        def body(t, c):
            c0 = 2 * t
            c1 = 2 * t + 1
            hd0 = pltpu.async_copy(dagg_h.at[ridx.at[c0]], dA, s0)
            ht0 = pltpu.async_copy(tab_h.at[sidx.at[c0]], tA, s1)
            hm0 = pltpu.async_copy(mix_h.at[pl.ds(gbase + c0 * _CH, _CH)], mA, s2)
            hd1 = pltpu.async_copy(dagg_h.at[ridx.at[c1]], dB, s3)
            ht1 = pltpu.async_copy(tab_h.at[sidx.at[c1]], tB, s4)
            hm1 = pltpu.async_copy(mix_h.at[pl.ds(gbase + c1 * _CH, _CH)], mB, s5)
            hd0.wait(); ht0.wait(); hm0.wait()
            halfstep(c0, mA, dA, tA)
            hd1.wait(); ht1.wait(); hm1.wait()
            halfstep(c1, mB, dB, tB)
            return c

        lax.fori_loop(0, _NPW // 2, body, 0)
        plsc.subcore_barrier()
        _stripe_out(acc, out_h, buf, cid, sid, N)

    return k(dagg, tab, mix, send2, recv2, zeros)


def _sc_seg_bwd0(dagg, tab, send2, recv2, epad):
    N = tab.shape[0]

    @functools.partial(
        pl.kernel, mesh=_sc_mesh(),
        compiler_params=pltpu.CompilerParams(use_tc_tiling_on_sc=False),
        out_type=_sds((epad, F)),
        scratch_types=[
            pltpu.VMEM((_NPW, _CH), jnp.int32),
            pltpu.VMEM((_NPW, _CH), jnp.int32),
            pltpu.VMEM((_CH, F), jnp.float32),
            pltpu.VMEM((_CH, F), jnp.float32),
            pltpu.VMEM((_CH, F), jnp.float32),
            pltpu.VMEM((_CH, F), jnp.float32),
            pltpu.VMEM((_CH, F), jnp.float32),
            pltpu.SemaphoreType.DMA,
            pltpu.SemaphoreType.DMA,
            pltpu.SemaphoreType.DMA,
            pltpu.SemaphoreType.DMA,
        ])
    def k(dagg_h, tab_h, send_h, recv_h, dmsph_h,
          sidx, ridx, dA, tA, dB, tB, orow, s0, s1, s2, s3):
        cid = lax.axis_index("c")
        sid = lax.axis_index("s")
        wid = sid * _NC + cid
        gbase = wid * _NPW * _CH
        pltpu.sync_copy(send_h.at[pl.ds(wid * _NPW, _NPW)], sidx)
        pltpu.sync_copy(recv_h.at[pl.ds(wid * _NPW, _NPW)], ridx)

        def body(t, c):
            c0 = 2 * t
            c1 = 2 * t + 1
            hd0 = pltpu.async_copy(dagg_h.at[ridx.at[c0]], dA, s0)
            ht0 = pltpu.async_copy(tab_h.at[sidx.at[c0]], tA, s1)
            hd1 = pltpu.async_copy(dagg_h.at[ridx.at[c1]], dB, s2)
            ht1 = pltpu.async_copy(tab_h.at[sidx.at[c1]], tB, s3)
            hd0.wait(); ht0.wait()
            _mulrows(orow, dA, tA)
            pltpu.sync_copy(orow, dmsph_h.at[pl.ds(gbase + c0 * _CH, _CH)])
            hd1.wait(); ht1.wait()
            _mulrows(orow, dB, tB)
            pltpu.sync_copy(orow, dmsph_h.at[pl.ds(gbase + c1 * _CH, _CH)])
            return c

        lax.fori_loop(0, _NPW // 2, body, 0)

    return k(dagg, tab, send2, recv2)


def _sc_force_scatter(dvp, ndvp, send2, recv2, zeros8):
    N = zeros8.shape[0]
    SRB = (N // _NS) & ~7

    @functools.partial(
        pl.kernel, mesh=_sc_mesh(),
        compiler_params=pltpu.CompilerParams(use_tc_tiling_on_sc=False),
        out_type=_sds((_NC, N, 8)),
        scratch_types=[
            pltpu.VMEM((_NPW, _CH), jnp.int32),
            pltpu.VMEM((_NPW, _CH), jnp.int32),
            pltpu.VMEM((_CH, 8), jnp.float32),
            pltpu.VMEM((_CH, 8), jnp.float32),
            pltpu.VMEM((_CH, 8), jnp.float32),
            pltpu.VMEM((_CH, 8), jnp.float32),
            pltpu.VMEM((SRB, 8), jnp.float32),
            pltpu.VMEM_SHARED((N, 8), jnp.float32),
            pltpu.SemaphoreType.DMA,
            pltpu.SemaphoreType.DMA,
            pltpu.SemaphoreType.DMA,
            pltpu.SemaphoreType.DMA,
        ])
    def k(dvp_h, ndvp_h, send_h, recv_h, zero_h, out_h,
          sidx, ridx, vA, nA, vB, nB, buf, acc, s0, s1, s2, s3):
        cid = lax.axis_index("c")
        sid = lax.axis_index("s")
        wid = sid * _NC + cid
        gbase = wid * _NPW * _CH
        pltpu.sync_copy(send_h.at[pl.ds(wid * _NPW, _NPW)], sidx)
        pltpu.sync_copy(recv_h.at[pl.ds(wid * _NPW, _NPW)], ridx)
        _stripe_zero(zero_h, acc, buf, sid, N)
        plsc.subcore_barrier()

        def body(t, c):
            c0 = 2 * t
            c1 = 2 * t + 1
            hv0 = pltpu.async_copy(dvp_h.at[pl.ds(gbase + c0 * _CH, _CH)], vA, s0)
            hn0 = pltpu.async_copy(ndvp_h.at[pl.ds(gbase + c0 * _CH, _CH)], nA, s1)
            hv1 = pltpu.async_copy(dvp_h.at[pl.ds(gbase + c1 * _CH, _CH)], vB, s2)
            hn1 = pltpu.async_copy(ndvp_h.at[pl.ds(gbase + c1 * _CH, _CH)], nB, s3)
            hv0.wait(); hn0.wait()
            pltpu.sync_copy(vA, acc.at[sidx.at[c0]], add=True)
            pltpu.sync_copy(nA, acc.at[ridx.at[c0]], add=True)
            hv1.wait(); hn1.wait()
            pltpu.sync_copy(vB, acc.at[sidx.at[c1]], add=True)
            pltpu.sync_copy(nB, acc.at[ridx.at[c1]], add=True)
            return c

        lax.fori_loop(0, _NPW // 2, body, 0)
        plsc.subcore_barrier()
        _stripe_out(acc, out_h, buf, cid, sid, N)

    return k(dvp, ndvp, send2, recv2, zeros8)



def kernel(vecs, species, senders, receivers, graph_index, num_graphs, params):
    E = vecs.shape[0]
    N = species.shape[0]
    epad = _NW * _NPW * _CH
    pe = epad - E
    gn = N // _BN
    ge = epad // _BE
    p0, p1 = params['layers']

    m3_0 = p0['mlp3'][:, 0::LL]
    m3_1 = p1['mlp3'][:, 0::LL]
    embs = params['embed'] * _ISQS
    wsc_a = jnp.swapaxes(p0['w_sc'], 0, 1)
    wsc_b = jnp.swapaxes(p1['w_sc'], 0, 1)
    wz0, wz1 = p0['Wz'], p1['Wz']
    wz0t = jnp.swapaxes(wz0, 1, 2)
    wz1t = jnp.swapaxes(wz1, 1, 2)
    wo0row = p0['W_out'][:, 0][None, :]
    wo1row = p1['W_out'][:, 0][None, :]
    offrow = params['offsets'][None, :]
    spf = species.astype(jnp.float32)[:, None]
    gif = graph_index.astype(jnp.float32)[:, None]
    vpad = jnp.broadcast_to(jnp.asarray([2.0 * CUTOFF, 0.0, 0.0], jnp.float32),
                            (pe, 3))
    vecs_p = jnp.concatenate([vecs, vpad], axis=0)
    ipad = jnp.zeros((pe,), jnp.int32)
    send2 = jnp.concatenate([senders.astype(jnp.int32), ipad]).reshape(-1, _CH)
    recv2 = jnp.concatenate([receivers.astype(jnp.int32), ipad]).reshape(-1, _CH)
    zNF = jnp.zeros((N, F), jnp.float32)
    z8 = jnp.zeros((N, 8), jnp.float32)

    mix00, mix01 = pl.pallas_call(
        _edge_fwd_body,
        grid=(ge,),
        in_specs=[_espec(3)] + [_wspec(w) for w in
                                (p0['mlp0'], p0['mlp1'], p0['mlp2'], m3_0,
                                 p1['mlp0'], p1['mlp1'], p1['mlp2'], m3_1)],
        out_specs=[_espec(F), _espec(F)],
        out_shape=[_sds((epad, F)), _sds((epad, F))],
    )(vecs_p, p0['mlp0'], p0['mlp1'], p0['mlp2'], m3_0,
      p1['mlp0'], p1['mlp1'], p1['mlp2'], m3_1)

    nfu00 = pl.pallas_call(
        _node_a_body,
        grid=(gn,),
        in_specs=[_nspec(1), _wspec(embs), _wspec(p0['W_up'])],
        out_specs=_nspec(F),
        out_shape=_sds((N, F)),
    )(spf, embs, p0['W_up'])

    aggp0 = _sc_seg_fwd(mix00, nfu00, send2, recv2, zNF)

    s1, a1z, sc10, nfu01 = pl.pallas_call(
        _node_b_body,
        grid=(gn,),
        in_specs=[_pspec(F), _nspec(1)] + [_wspec(w) for w in
                  (p0['W_down'], wz0, wsc_a, p0['W_post'], wz1, p1['W_up'])],
        out_specs=[_nspec(F)] * 4,
        out_shape=[_sds((N, F))] * 4,
    )(aggp0, spf, p0['W_down'], wz0, wsc_a, p0['W_post'], wz1, p1['W_up'])

    aggp1 = _sc_seg_fwd(mix01, nfu01, send2, recv2, zNF)

    wp1t = p1['W_post'].T
    wd1t = p1['W_down'].T
    wrot = p1['W_mlp_ro'].T
    eg8, dagg1s, ds2 = pl.pallas_call(
        _node_c_body,
        grid=(gn,),
        in_specs=[_pspec(F), _nspec(F), _nspec(F), _nspec(1), _nspec(1)]
        + [_wspec(w) for w in (p1['W_down'], wsc_b, p1['W_post'], p1['W_mlp_ro'],
                               wo1row, wo0row, offrow, wp1t, wd1t, wrot)],
        out_specs=[pl.BlockSpec((8, 128), lambda i: (0, 0)), _nspec(F), _nspec(F)],
        out_shape=[_sds((8, 128)), _sds((N, F)), _sds((N, F))],
    )(aggp1, sc10, s1, spf, gif, p1['W_down'], wsc_b, p1['W_post'],
      p1['W_mlp_ro'], wo1row, wo0row, offrow, wp1t, wd1t, wrot)

    dmsph1, dnfup = _sc_seg_bwd1(dagg1s, nfu01, mix01, send2, recv2, zNF)

    wu1t = p1['W_up'].T
    wp0t = p0['W_post'].T
    wd0t = p0['W_down'].T
    dagg0s = pl.pallas_call(
        _node_d_body,
        grid=(gn,),
        in_specs=[_pspec(F), _nspec(F), _nspec(F), _nspec(1)]
        + [_wspec(w) for w in (wo0row, wu1t, wz1t, wp0t, wsc_a, wz0t, wd0t)],
        out_specs=_nspec(F),
        out_shape=_sds((N, F)),
    )(dnfup, ds2, a1z, spf, wo0row, wu1t, wz1t, wp0t, wsc_a, wz0t, wd0t)

    dmsph0 = _sc_seg_bwd0(dagg0s, nfu00, send2, recv2, epad)

    m3t_0 = m3_0.T
    m3t_1 = m3_1.T
    dvp, ndvp = pl.pallas_call(
        _edge_bwd_body,
        grid=(ge,),
        in_specs=[_espec(3), _espec(F), _espec(F)] + [_wspec(w) for w in
                  (p0['mlp0'], p0['mlp1'], p0['mlp2'], m3t_0,
                   p0['mlp2'].T, p0['mlp1'].T, p0['mlp0'].T,
                   p1['mlp0'], p1['mlp1'], p1['mlp2'], m3t_1,
                   p1['mlp2'].T, p1['mlp1'].T, p1['mlp0'].T)],
        out_specs=[_espec(8), _espec(8)],
        out_shape=[_sds((epad, 8)), _sds((epad, 8))],
    )(vecs_p, dmsph0, dmsph1,
      p0['mlp0'], p0['mlp1'], p0['mlp2'], m3t_0,
      p0['mlp2'].T, p0['mlp1'].T, p0['mlp0'].T,
      p1['mlp0'], p1['mlp1'], p1['mlp2'], m3t_1,
      p1['mlp2'].T, p1['mlp1'].T, p1['mlp0'].T)

    frp = _sc_force_scatter(dvp, ndvp, send2, recv2, z8)

    Eg = eg8[0, :NG]
    Fr = (frp[0] + frp[1])[:, :3]
    return Eg, Fr

# --- scband reference (transcript-rebuilt; emitter-appended) ---
"""Pipeline reference for scband-macemodel-78683800863183 (READ-ONLY COPY).

The authoritative reference and input builder live on the scoring server;
editing this copy changes nothing except your own understanding.
"""

import jax, jax.numpy as jnp
import numpy as np

NUM_LAYERS = 2
F = 32
S = 10
MAX_ELL = 1
L = (MAX_ELL + 1) ** 2
B = 8
CUTOFF = 5.0
EPS = 0.1
NG = 16
N = 10000
E = 160000


def _envelope(x):
    p = 5.0
    xs = x / CUTOFF
    xp = xs ** 5
    return 1.0 - 0.5 * (p + 1.0) * (p + 2.0) * xp + p * (p + 2.0) * xp * xs - 0.5 * p * (p + 1.0) * xp * xs * xs


def _bessel(x):
    bw = jnp.pi / CUTOFF * jnp.arange(1, B + 0.5)
    pref = jnp.sqrt(2.0 / CUTOFF)
    return pref * jnp.sin(bw * x[:, None]) / x[:, None]


def _make_params(key):
    ks = jax.random.split(key, 64)
    idx = [0]
    def nxt():
        k = ks[idx[0]]
        idx[0] += 1
        return k
    params = {}
    params['embed'] = jax.random.normal(nxt(), (S, F), jnp.float32)
    params['offsets'] = jnp.zeros((S,), jnp.float32)
    layers = []
    for li in range(NUM_LAYERS):
        last = li == NUM_LAYERS - 1
        p = {}
        p['W_up'] = jax.random.normal(nxt(), (F, F), jnp.float32) / jnp.sqrt(F)
        p['mlp0'] = jax.random.normal(nxt(), (B, 64), jnp.float32) / jnp.sqrt(B)
        p['mlp1'] = jax.random.normal(nxt(), (64, 64), jnp.float32) / 8.0
        p['mlp2'] = jax.random.normal(nxt(), (64, 64), jnp.float32) / 8.0
        p['mlp3'] = jax.random.normal(nxt(), (64, F * L), jnp.float32) / 8.0
        p['W_down'] = jax.random.normal(nxt(), (F, F), jnp.float32) / jnp.sqrt(F)
        p['Wz'] = jax.random.normal(nxt(), (S, F, F), jnp.float32) / jnp.sqrt(F)
        p['w_sc'] = jax.random.normal(nxt(), (S, 2, F), jnp.float32) * 0.1
        p['W_post'] = jax.random.normal(nxt(), (F, F), jnp.float32) / jnp.sqrt(F)
        if last:
            p['W_mlp_ro'] = jax.random.normal(nxt(), (F, 16), jnp.float32) / jnp.sqrt(F)
            p['W_out'] = jax.random.normal(nxt(), (16, 1), jnp.float32) / 4.0
        else:
            p['W_out'] = jax.random.normal(nxt(), (F, 1), jnp.float32) / jnp.sqrt(F)
        layers.append(p)
    params['layers'] = tuple(layers)
    return params


def setup_inputs(seed: int = 0):
    key = jax.random.key(seed)
    k1, k2, k3, k4, k5, k6 = jax.random.split(key, 6)
    return {
        'vecs': jax.random.normal(k1, (E, 3), jnp.float32),
        'species': jax.random.randint(k2, (N,), 0, S),
        'senders': jax.random.randint(k3, (E,), 0, N),
        'receivers': jax.random.randint(k4, (E,), 0, N),
        'graph_index': jnp.sort(jax.random.randint(k5, (N,), 0, NG)),
        'num_graphs': NG,
        'params': _make_params(k6),
    }


def _mace(vecs, params, species, senders, receivers, graph_index, num_graphs):
    order = jnp.argsort(receivers)
    senders_s = senders[order]
    receivers_s = receivers[order]
    vecs_s = vecs[order]
    nats = species.shape[0]

    def model(v):
        r = jnp.linalg.norm(v, axis=1)
        radial = jnp.where(r < CUTOFF, _envelope(r), 0.0)[:, None] * _bessel(r)
        unit = v / r[:, None]
        sph = jnp.concatenate([jnp.ones((v.shape[0], 1), v.dtype), unit], axis=1)
        nf = jnp.zeros((nats, F, L), v.dtype).at[:, :, 0].set(params['embed'][species] / jnp.sqrt(S))
        Es = 0.0
        for li, p in enumerate(params['layers']):
            first = li == 0
            last = li == NUM_LAYERS - 1
            sc = None
            if not first:
                sc = jnp.einsum('nfl,nfg->ngl', nf, p['Wz'][species]) / jnp.sqrt(S)
            nf = jnp.einsum('nfl,fg->ngl', nf, p['W_up'])
            msg = nf[senders_s]
            h = jax.nn.silu(radial @ p['mlp0'])
            h = jax.nn.silu(h @ p['mlp1'])
            h = jax.nn.silu(h @ p['mlp2'])
            mix = (h @ p['mlp3']).reshape(-1, F, L)
            combined = mix * msg[:, :, 0:1] * sph[:, None, :]
            agg = jax.ops.segment_sum(combined, receivers_s, num_segments=nats, indices_are_sorted=True)
            agg = agg * EPS
            agg = jnp.einsum('nfl,fg->ngl', agg, p['W_down'])
            if first:
                agg = jnp.einsum('nfl,nfg->ngl', agg, p['Wz'][species]) / jnp.sqrt(S)
            wsc = p['w_sc'][species]
            agg = wsc[:, 0, :, None] * agg + wsc[:, 1, :, None] * (agg[:, :, 0:1] * agg)
            agg = jnp.einsum('nfl,fg->ngl', agg, p['W_post'])
            if sc is not None:
                agg = agg + sc
            nf = agg
            scalars = nf[:, :, 0]
            if last:
                out = jax.nn.silu(scalars @ p['W_mlp_ro']) @ p['W_out']
            else:
                out = scalars @ p['W_out']
            Es = Es + jnp.squeeze(out, 1)
        return jnp.sum(Es), Es

    Fterms, Ei = jax.grad(model, has_aux=True)(vecs_s)
    Ei = Ei + params['offsets'][species]
    ng_zero = (jnp.asarray(num_graphs) * 0).astype(Ei.dtype)
    Eg = (jnp.zeros((NG,), Ei.dtype) + ng_zero).at[graph_index].add(Ei)
    Fr = jnp.zeros((nats, 3), Ei.dtype).at[senders_s].add(Fterms).at[receivers_s].add(-Fterms)
    return Eg, Fr


def reference(vecs, species, senders, receivers, graph_index, num_graphs, params):
    return _mace(vecs, params, species, senders, receivers, graph_index, num_graphs)

if __name__ == "__main__":
    import jax
    _d = setup_inputs()
    print(jax.jit(kernel)(*tuple(_d.values())))

</pallas_src>

<mosaic_0001>
#map = affine_map<(d0, d1) -> (0, 0)>
#map1 = affine_map<(d0, d1) -> (0, 0, 0)>
module attributes {stable_mosaic.version = 14 : i64} {
  func.func @k(%arg0: i32, %arg1: i32, %arg2: memref<163840x32xf32, #tpu.memory_space<hbm>>, %arg3: memref<10000x32xf32, #tpu.memory_space<hbm>>, %arg4: memref<1280x128xi32, #tpu.memory_space<hbm>>, %arg5: memref<1280x128xi32, #tpu.memory_space<hbm>>, %arg6: memref<10000x32xf32, #tpu.memory_space<hbm>>, %arg7: memref<2x10000x32xf32, #tpu.memory_space<hbm>>, %arg8: memref<40x128xi32, #tpu.memory_space<vmem>>, %arg9: memref<40x128xi32, #tpu.memory_space<vmem>>, %arg10: memref<128x32xf32, #tpu.memory_space<vmem>>, %arg11: memref<128x32xf32, #tpu.memory_space<vmem>>, %arg12: memref<128x32xf32, #tpu.memory_space<vmem>>, %arg13: memref<128x32xf32, #tpu.memory_space<vmem>>, %arg14: memref<128x32xf32, #tpu.memory_space<vmem>>, %arg15: memref<624x32xf32, #tpu.memory_space<vmem>>, %arg16: memref<10000x32xf32, #tpu.memory_space<vmem_shared>>, %arg17: memref<!tpu.dma_semaphore, #tpu.memory_space<semaphore_mem>>, %arg18: memref<!tpu.dma_semaphore, #tpu.memory_space<semaphore_mem>>, %arg19: memref<!tpu.dma_semaphore, #tpu.memory_space<semaphore_mem>>, %arg20: memref<!tpu.dma_semaphore, #tpu.memory_space<semaphore_mem>>) attributes {dimension_semantics = [#tpu.dimension_semantics<core_parallel>, #tpu.dimension_semantics<subcore_parallel>], iteration_bounds = array<i64: 2, 16>, scalar_prefetch = 0 : i64, scratch_operands = 13 : i64, tpu.core_type = #tpu.core_type<sc_vector_subcore>, window_params = [{transform_indices = #map}, {transform_indices = #map}, {transform_indices = #map}, {transform_indices = #map}, {transform_indices = #map}, {transform_indices = #map1}]} {
    %mul3A = arith.constant 2 : i32
    %mul3A_0 = arith.muli %arg1, %mul3A : i32
    %add3A = arith.addi %mul3A_0, %arg0 : i32
    %mul3A_1 = arith.constant 40 : i32
    %mul3A_2 = arith.muli %add3A, %mul3A_1 : i32
    %mul3A_3 = arith.constant 128 : i32
    %mul3A_4 = arith.muli %mul3A_2, %mul3A_3 : i32
    %mul3A_5 = arith.constant 40 : i32
    %mul3A_6 = arith.muli %add3A, %mul3A_5 : i32
    "tpu.region"() ({
      %run_scoped3A = tpu.sem_alloc : memref<!tpu.dma_semaphore, #tpu.memory_space<semaphore_mem>>
      %dma_start3A = arith.constant 0 : i32
      %dma_start3A_30 = tpu.memref_slice %arg4[%mul3A_6, %dma_start3A] : memref<1280x128xi32, #tpu.memory_space<hbm>> -> memref<40x128xi32, #tpu.memory_space<hbm>>
      %dma_start3A_31 = arith.constant 0 : i32
      %dma_start3A_32 = tpu.memref_slice %arg4[%mul3A_6, %dma_start3A_31] : memref<1280x128xi32, #tpu.memory_space<hbm>> -> memref<40x128xi32, #tpu.memory_space<hbm>>
      tpu.enqueue_dma source(%dma_start3A_32 : memref<40x128xi32, #tpu.memory_space<hbm>>) target(%arg8 : memref<40x128xi32, #tpu.memory_space<vmem>>) target_semaphore(%run_scoped3A : memref<!tpu.dma_semaphore, #tpu.memory_space<semaphore_mem>>)
      %dma_wait3A = arith.constant 0 : i32
      %dma_wait3A_33 = tpu.memref_slice %arg4[%mul3A_6, %dma_wait3A] : memref<1280x128xi32, #tpu.memory_space<hbm>> -> memref<40x128xi32, #tpu.memory_space<hbm>>
      %dma_wait3A_34 = arith.constant 0 : i32
      %dma_wait3A_35 = tpu.memref_slice %arg4[%mul3A_6, %dma_wait3A_34] : memref<1280x128xi32, #tpu.memory_space<hbm>> -> memref<40x128xi32, #tpu.memory_space<hbm>>
      tpu.wait_dma2 semaphore(%run_scoped3A : memref<!tpu.dma_semaphore, #tpu.memory_space<semaphore_mem>>) src(%dma_wait3A_35 : memref<40x128xi32, #tpu.memory_space<hbm>>) dst(%arg8 : memref<40x128xi32, #tpu.memory_space<vmem>>)
      tpu.yield
    }) : () -> ()
    %mul3A_7 = arith.constant 40 : i32
    %mul3A_8 = arith.muli %add3A, %mul3A_7 : i32
    "tpu.region"() ({
      %run_scoped3A = tpu.sem_alloc : memref<!tpu.dma_semaphore, #tpu.memory_space<semaphore_mem>>
      %dma_start3A = arith.constant 0 : i32
      %dma_start3A_30 = tpu.memref_slice %arg5[%mul3A_8, %dma_start3A] : memref<1280x128xi32, #tpu.memory_space<hbm>> -> memref<40x128xi32, #tpu.memory_space<hbm>>
      %dma_start3A_31 = arith.constant 0 : i32
      %dma_start3A_32 = tpu.memref_slice %arg5[%mul3A_8, %dma_start3A_31] : memref<1280x128xi32, #tpu.memory_space<hbm>> -> memref<40x128xi32, #tpu.memory_space<hbm>>
      tpu.enqueue_dma source(%dma_start3A_32 : memref<40x128xi32, #tpu.memory_space<hbm>>) target(%arg9 : memref<40x128xi32, #tpu.memory_space<vmem>>) target_semaphore(%run_scoped3A : memref<!tpu.dma_semaphore, #tpu.memory_space<semaphore_mem>>)
      %dma_wait3A = arith.constant 0 : i32
      %dma_wait3A_33 = tpu.memref_slice %arg5[%mul3A_8, %dma_wait3A] : memref<1280x128xi32, #tpu.memory_space<hbm>> -> memref<40x128xi32, #tpu.memory_space<hbm>>
      %dma_wait3A_34 = arith.constant 0 : i32
      %dma_wait3A_35 = tpu.memref_slice %arg5[%mul3A_8, %dma_wait3A_34] : memref<1280x128xi32, #tpu.memory_space<hbm>> -> memref<40x128xi32, #tpu.memory_space<hbm>>
      tpu.wait_dma2 semaphore(%run_scoped3A : memref<!tpu.dma_semaphore, #tpu.memory_space<semaphore_mem>>) src(%dma_wait3A_35 : memref<40x128xi32, #tpu.memory_space<hbm>>) dst(%arg9 : memref<40x128xi32, #tpu.memory_space<vmem>>)
      tpu.yield
    }) : () -> ()
    %mul3A_9 = arith.constant 624 : i32
    %mul3A_10 = arith.muli %arg1, %mul3A_9 : i32
    "tpu.region"() ({
      %run_scoped3A = tpu.sem_alloc : memref<!tpu.dma_semaphore, #tpu.memory_space<semaphore_mem>>
      %dma_start3A = arith.constant 0 : i32
      %dma_start3A_30 = tpu.memref_slice %arg6[%mul3A_10, %dma_start3A] : memref<10000x32xf32, #tpu.memory_space<hbm>> -> memref<624x32xf32, #tpu.memory_space<hbm>>
      %dma_start3A_31 = arith.constant 0 : i32
      %dma_start3A_32 = tpu.memref_slice %arg6[%mul3A_10, %dma_start3A_31] : memref<10000x32xf32, #tpu.memory_space<hbm>> -> memref<624x32xf32, #tpu.memory_space<hbm>>
      tpu.enqueue_dma source(%dma_start3A_32 : memref<624x32xf32, #tpu.memory_space<hbm>>) target(%arg15 : memref<624x32xf32, #tpu.memory_space<vmem>>) target_semaphore(%run_scoped3A : memref<!tpu.dma_semaphore, #tpu.memory_space<semaphore_mem>>)
      %dma_wait3A = arith.constant 0 : i32
      %dma_wait3A_33 = tpu.memref_slice %arg6[%mul3A_10, %dma_wait3A] : memref<10000x32xf32, #tpu.memory_space<hbm>> -> memref<624x32xf32, #tpu.memory_space<hbm>>
      %dma_wait3A_34 = arith.constant 0 : i32
      %dma_wait3A_35 = tpu.memref_slice %arg6[%mul3A_10, %dma_wait3A_34] : memref<10000x32xf32, #tpu.memory_space<hbm>> -> memref<624x32xf32, #tpu.memory_space<hbm>>
      tpu.wait_dma2 semaphore(%run_scoped3A : memref<!tpu.dma_semaphore, #tpu.memory_space<semaphore_mem>>) src(%dma_wait3A_35 : memref<624x32xf32, #tpu.memory_space<hbm>>) dst(%arg15 : memref<624x32xf32, #tpu.memory_space<vmem>>)
      tpu.yield
    }) : () -> ()
    %mul3A_11 = arith.constant 624 : i32
    %mul3A_12 = arith.muli %arg1, %mul3A_11 : i32
    "tpu.region"() ({
      %run_scoped3A = tpu.sem_alloc : memref<!tpu.dma_semaphore, #tpu.memory_space<semaphore_mem>>
      %dma_start3A = arith.constant 0 : i32
      %dma_start3A_30 = tpu.memref_slice %arg16[%mul3A_12, %dma_start3A] : memref<10000x32xf32, #tpu.memory_space<vmem_shared>> -> memref<624x32xf32, #tpu.memory_space<vmem_shared>>
      %dma_start3A_31 = arith.constant 0 : i32
      %dma_start3A_32 = tpu.memref_slice %arg16[%mul3A_12, %dma_start3A_31] : memref<10000x32xf32, #tpu.memory_space<vmem_shared>> -> memref<624x32xf32, #tpu.memory_space<vmem_shared>>
      tpu.enqueue_dma source(%arg15 : memref<624x32xf32, #tpu.memory_space<vmem>>) target(%dma_start3A_32 : memref<624x32xf32, #tpu.memory_space<vmem_shared>>) target_semaphore(%run_scoped3A : memref<!tpu.dma_semaphore, #tpu.memory_space<semaphore_mem>>)
      %dma_wait3A = arith.constant 0 : i32
      %dma_wait3A_33 = tpu.memref_slice %arg16[%mul3A_12, %dma_wait3A] : memref<10000x32xf32, #tpu.memory_space<vmem_shared>> -> memref<624x32xf32, #tpu.memory_space<vmem_shared>>
      %dma_wait3A_34 = arith.constant 0 : i32
      %dma_wait3A_35 = tpu.memref_slice %arg16[%mul3A_12, %dma_wait3A_34] : memref<10000x32xf32, #tpu.memory_space<vmem_shared>> -> memref<624x32xf32, #tpu.memory_space<vmem_shared>>
      tpu.wait_dma2 semaphore(%run_scoped3A : memref<!tpu.dma_semaphore, #tpu.memory_space<semaphore_mem>>) src(%arg15 : memref<624x32xf32, #tpu.memory_space<vmem>>) dst(%dma_wait3A_35 : memref<624x32xf32, #tpu.memory_space<vmem_shared>>)
      tpu.yield
    }) : () -> ()
    %eq3A = arith.constant 0 : i32
    %eq3A_13 = arith.cmpi eq, %arg1, %eq3A : i32
    %convert_element_type3A = arith.extui %eq3A_13 : i1 to i32
    %cond3A = arith.constant 0 : i32
    %cond3A_14 = arith.cmpi ne, %convert_element_type3A, %cond3A : i32
    scf.if %cond3A_14 {
      "tpu.region"() ({
        %run_scoped3A = tpu.sem_alloc : memref<!tpu.dma_semaphore, #tpu.memory_space<semaphore_mem>>
        %dma_start3A = arith.constant 0 : i32
        %dma_start3A_30 = arith.constant 0 : i32
        %dma_start3A_31 = tpu.memref_slice %arg15[%dma_start3A, %dma_start3A_30] : memref<624x32xf32, #tpu.memory_space<vmem>> -> memref<16x32xf32, #tpu.memory_space<vmem>>
        %dma_start3A_32 = arith.constant 9984 : i32
        %dma_start3A_33 = arith.constant 0 : i32
        %dma_start3A_34 = tpu.memref_slice %arg6[%dma_start3A_32, %dma_start3A_33] : memref<10000x32xf32, #tpu.memory_space<hbm>> -> memref<16x32xf32, #tpu.memory_space<hbm>>
        %dma_start3A_35 = arith.constant 0 : i32
        %dma_start3A_36 = arith.constant 0 : i32
        %dma_start3A_37 = tpu.memref_slice %arg15[%dma_start3A_35, %dma_start3A_36] : memref<624x32xf32, #tpu.memory_space<vmem>> -> memref<16x32xf32, #tpu.memory_space<vmem>>
        %dma_start3A_38 = arith.constant 9984 : i32
        %dma_start3A_39 = arith.constant 0 : i32
        %dma_start3A_40 = tpu.memref_slice %arg6[%dma_start3A_38, %dma_start3A_39] : memref<10000x32xf32, #tpu.memory_space<hbm>> -> memref<16x32xf32, #tpu.memory_space<hbm>>
        tpu.enqueue_dma source(%dma_start3A_40 : memref<16x32xf32, #tpu.memory_space<hbm>>) target(%dma_start3A_37 : memref<16x32xf32, #tpu.memory_space<vmem>>) target_semaphore(%run_scoped3A : memref<!tpu.dma_semaphore, #tpu.memory_space<semaphore_mem>>)
        %dma_wait3A = arith.constant 0 : i32
        %dma_wait3A_41 = arith.constant 0 : i32
        %dma_wait3A_42 = tpu.memref_slice %arg15[%dma_wait3A, %dma_wait3A_41] : memref<624x32xf32, #tpu.memory_space<vmem>> -> memref<16x32xf32, #tpu.memory_space<vmem>>
        %dma_wait3A_43 = arith.constant 9984 : i32
        %dma_wait3A_44 = arith.constant 0 : i32
        %dma_wait3A_45 = tpu.memref_slice %arg6[%dma_wait3A_43, %dma_wait3A_44] : memref<10000x32xf32, #tpu.memory_space<hbm>> -> memref<16x32xf32, #tpu.memory_space<hbm>>
        %dma_wait3A_46 = arith.constant 0 : i32
        %dma_wait3A_47 = arith.constant 0 : i32
        %dma_wait3A_48 = tpu.memref_slice %arg15[%dma_wait3A_46, %dma_wait3A_47] : memref<624x32xf32, #tpu.memory_space<vmem>> -> memref<16x32xf32, #tpu.memory_space<vmem>>
        %dma_wait3A_49 = arith.constant 9984 : i32
        %dma_wait3A_50 = arith.constant 0 : i32
        %dma_wait3A_51 = tpu.memref_slice %arg6[%dma_wait3A_49, %dma_wait3A_50] : memref<10000x32xf32, #tpu.memory_space<hbm>> -> memref<16x32xf32, #tpu.memory_space<hbm>>
        tpu.wait_dma2 semaphore(%run_scoped3A : memref<!tpu.dma_semaphore, #tpu.memory_space<semaphore_mem>>) src(%dma_wait3A_51 : memref<16x32xf32, #tpu.memory_space<hbm>>) dst(%dma_wait3A_48 : memref<16x32xf32, #tpu.memory_space<vmem>>)
        tpu.yield
      }) : () -> ()
      "tpu.region"() ({
        %run_scoped3A = tpu.sem_alloc : memref<!tpu.dma_semaphore, #tpu.memory_space<semaphore_mem>>
        %dma_start3A = arith.constant 0 : i32
        %dma_start3A_30 = arith.constant 0 : i32
        %dma_start3A_31 = tpu.memref_slice %arg15[%dma_start3A, %dma_start3A_30] : memref<624x32xf32, #tpu.memory_space<vmem>> -> memref<16x32xf32, #tpu.memory_space<vmem>>
        %dma_start3A_32 = arith.constant 9984 : i32
        %dma_start3A_33 = arith.constant 0 : i32
        %dma_start3A_34 = tpu.memref_slice %arg16[%dma_start3A_32, %dma_start3A_33] : memref<10000x32xf32, #tpu.memory_space<vmem_shared>> -> memref<16x32xf32, #tpu.memory_space<vmem_shared>>
        %dma_start3A_35 = arith.constant 9984 : i32
        %dma_start3A_36 = arith.constant 0 : i32
        %dma_start3A_37 = tpu.memref_slice %arg16[%dma_start3A_35, %dma_start3A_36] : memref<10000x32xf32, #tpu.memory_space<vmem_shared>> -> memref<16x32xf32, #tpu.memory_space<vmem_shared>>
        %dma_start3A_38 = arith.constant 0 : i32
        %dma_start3A_39 = arith.constant 0 : i32
        %dma_start3A_40 = tpu.memref_slice %arg15[%dma_start3A_38, %dma_start3A_39] : memref<624x32xf32, #tpu.memory_space<vmem>> -> memref<16x32xf32, #tpu.memory_space<vmem>>
        tpu.enqueue_dma source(%dma_start3A_40 : memref<16x32xf32, #tpu.memory_space<vmem>>) target(%dma_start3A_37 : memref<16x32xf32, #tpu.memory_space<vmem_shared>>) target_semaphore(%run_scoped3A : memref<!tpu.dma_semaphore, #tpu.memory_space<semaphore_mem>>)
        %dma_wait3A = arith.constant 0 : i32
        %dma_wait3A_41 = arith.constant 0 : i32
        %dma_wait3A_42 = tpu.memref_slice %arg15[%dma_wait3A, %dma_wait3A_41] : memref<624x32xf32, #tpu.memory_space<vmem>> -> memref<16x32xf32, #tpu.memory_space<vmem>>
        %dma_wait3A_43 = arith.constant 9984 : i32
        %dma_wait3A_44 = arith.constant 0 : i32
        %dma_wait3A_45 = tpu.memref_slice %arg16[%dma_wait3A_43, %dma_wait3A_44] : memref<10000x32xf32, #tpu.memory_space<vmem_shared>> -> memref<16x32xf32, #tpu.memory_space<vmem_shared>>
        %dma_wait3A_46 = arith.constant 9984 : i32
        %dma_wait3A_47 = arith.constant 0 : i32
        %dma_wait3A_48 = tpu.memref_slice %arg16[%dma_wait3A_46, %dma_wait3A_47] : memref<10000x32xf32, #tpu.memory_space<vmem_shared>> -> memref<16x32xf32, #tpu.memory_space<vmem_shared>>
        %dma_wait3A_49 = arith.constant 0 : i32
        %dma_wait3A_50 = arith.constant 0 : i32
        %dma_wait3A_51 = tpu.memref_slice %arg15[%dma_wait3A_49, %dma_wait3A_50] : memref<624x32xf32, #tpu.memory_space<vmem>> -> memref<16x32xf32, #tpu.memory_space<vmem>>
        tpu.wait_dma2 semaphore(%run_scoped3A : memref<!tpu.dma_semaphore, #tpu.memory_space<semaphore_mem>>) src(%dma_wait3A_51 : memref<16x32xf32, #tpu.memory_space<vmem>>) dst(%dma_wait3A_48 : memref<16x32xf32, #tpu.memory_space<vmem_shared>>)
        tpu.yield
      }) : () -> ()
    } else {
    }
    %barrier3A = arith.constant 0 : index
    tpu.barrier barrier_id(%barrier3A)
    %scan3A = arith.constant 0 : i32
    %scan3A_15 = arith.constant 0 : i32
    %scan3A_16 = arith.constant 20 : i32
    %scan3A_17 = arith.addi %scan3A_15, %scan3A_16 : i32
    %scan3A_18 = arith.constant 1 : i32
    scf.for %scan3A_30 = %scan3A_15 to %scan3A_17 step %scan3A_18  : i32 {
      %mul3A_31 = arith.constant 2 : i32
      %mul3A_32 = arith.muli %mul3A_31, %scan3A_30 : i32
      %mul3A_33 = arith.constant 2 : i32
      %mul3A_34 = arith.muli %mul3A_33, %scan3A_30 : i32
      %add3A_35 = arith.constant 1 : i32
      %add3A_36 = arith.addi %mul3A_34, %add3A_35 : i32
      %dma_start3A = arith.constant 0 : i32
      %dma_start3A_37 = tpu.memref_slice %arg8[%mul3A_32, %dma_start3A] : memref<40x128xi32, #tpu.memory_space<vmem>> -> memref<1x128xi32, #tpu.memory_space<vmem>>
      %dma_start3A_38 = tpu.memref_squeeze %dma_start3A_37 : memref<1x128xi32, #tpu.memory_space<vmem>> -> memref<128xi32, #tpu.memory_space<vmem>>
      %dma_start3A_39 = arith.constant 0 : i32
      %dma_start3A_40 = arith.constant 0 : i32
      %dma_start3A_41 = tpu.memref_slice %arg3[%dma_start3A_39, %dma_start3A_40] : memref<10000x32xf32, #tpu.memory_space<hbm>> -> memref<10000x32xf32, #tpu.memory_space<hbm>>
      tpu.enqueue_indirect_dma source(%dma_start3A_41 : memref<10000x32xf32, #tpu.memory_space<hbm>>) target(%arg11 : memref<128x32xf32, #tpu.memory_space<vmem>>) offsets(%dma_start3A_38 : memref<128xi32, #tpu.memory_space<vmem>>) semaphore(%arg17 : memref<!tpu.dma_semaphore, #tpu.memory_space<semaphore_mem>>)
      %mul3A_42 = arith.constant 128 : i32
      %mul3A_43 = arith.muli %mul3A_32, %mul3A_42 : i32
      %add3A_44 = arith.addi %mul3A_4, %mul3A_43 : i32
      %dma_start3A_45 = arith.constant 0 : i32
      %dma_start3A_46 = tpu.memref_slice %arg2[%add3A_44, %dma_start3A_45] : memref<163840x32xf32, #tpu.memory_space<hbm>> -> memref<128x32xf32, #tpu.memory_space<hbm>>
      %dma_start3A_47 = arith.constant 0 : i32
      %dma_start3A_48 = tpu.memref_slice %arg2[%add3A_44, %dma_start3A_47] : memref<163840x32xf32, #tpu.memory_space<hbm>> -> memref<128x32xf32, #tpu.memory_space<hbm>>
      tpu.enqueue_dma source(%dma_start3A_48 : memref<128x32xf32, #tpu.memory_space<hbm>>) target(%arg10 : memref<128x32xf32, #tpu.memory_space<vmem>>) target_semaphore(%arg18 : memref<!tpu.dma_semaphore, #tpu.memory_space<semaphore_mem>>)
      %dma_start3A_49 = arith.constant 0 : i32
      %dma_start3A_50 = tpu.memref_slice %arg8[%add3A_36, %dma_start3A_49] : memref<40x128xi32, #tpu.memory_space<vmem>> -> memref<1x128xi32, #tpu.memory_space<vmem>>
      %dma_start3A_51 = tpu.memref_squeeze %dma_start3A_50 : memref<1x128xi32, #tpu.memory_space<vmem>> -> memref<128xi32, #tpu.memory_space<vmem>>
      %dma_start3A_52 = arith.constant 0 : i32
      %dma_start3A_53 = arith.constant 0 : i32
      %dma_start3A_54 = tpu.memref_slice %arg3[%dma_start3A_52, %dma_start3A_53] : memref<10000x32xf32, #tpu.memory_space<hbm>> -> memref<10000x32xf32, #tpu.memory_space<hbm>>
      tpu.enqueue_indirect_dma source(%dma_start3A_54 : memref<10000x32xf32, #tpu.memory_space<hbm>>) target(%arg13 : memref<128x32xf32, #tpu.memory_space<vmem>>) offsets(%dma_start3A_51 : memref<128xi32, #tpu.memory_space<vmem>>) semaphore(%arg19 : memref<!tpu.dma_semaphore, #tpu.memory_space<semaphore_mem>>)
      %mul3A_55 = arith.constant 128 : i32
      %mul3A_56 = arith.muli %add3A_36, %mul3A_55 : i32
      %add3A_57 = arith.addi %mul3A_4, %mul3A_56 : i32
      %dma_start3A_58 = arith.constant 0 : i32
      %dma_start3A_59 = tpu.memref_slice %arg2[%add3A_57, %dma_start3A_58] : memref<163840x32xf32, #tpu.memory_space<hbm>> -> memref<128x32xf32, #tpu.memory_space<hbm>>
      %dma_start3A_60 = arith.constant 0 : i32
      %dma_start3A_61 = tpu.memref_slice %arg2[%add3A_57, %dma_start3A_60] : memref<163840x32xf32, #tpu.memory_space<hbm>> -> memref<128x32xf32, #tpu.memory_space<hbm>>
      tpu.enqueue_dma source(%dma_start3A_61 : memref<128x32xf32, #tpu.memory_space<hbm>>) target(%arg12 : memref<128x32xf32, #tpu.memory_space<vmem>>) target_semaphore(%arg20 : memref<!tpu.dma_semaphore, #tpu.memory_space<semaphore_mem>>)
      %dma_wait3A = arith.constant 0 : i32
      %dma_wait3A_62 = tpu.memref_slice %arg8[%mul3A_32, %dma_wait3A] : memref<40x128xi32, #tpu.memory_space<vmem>> -> memref<1x128xi32, #tpu.memory_space<vmem>>
      %dma_wait3A_63 = tpu.memref_squeeze %dma_wait3A_62 : memref<1x128xi32, #tpu.memory_space<vmem>> -> memref<128xi32, #tpu.memory_space<vmem>>
      %dma_wait3A_64 = arith.constant 0 : i32
      %dma_wait3A_65 = arith.constant 0 : i32
      %dma_wait3A_66 = tpu.memref_slice %arg3[%dma_wait3A_64, %dma_wait3A_65] : memref<10000x32xf32, #tpu.memory_space<hbm>> -> memref<10000x32xf32, #tpu.memory_space<hbm>>
      tpu.wait_indirect_dma semaphore(%arg17 : memref<!tpu.dma_semaphore, #tpu.memory_space<semaphore_mem>>) src(%dma_wait3A_66 : memref<10000x32xf32, #tpu.memory_space<hbm>>) dst(%arg11 : memref<128x32xf32, #tpu.memory_space<vmem>>)
      %dma_wait3A_67 = arith.constant 0 : i32
      %dma_wait3A_68 = tpu.memref_slice %arg2[%add3A_44, %dma_wait3A_67] : memref<163840x32xf32, #tpu.memory_space<hbm>> -> memref<128x32xf32, #tpu.memory_space<hbm>>
      %dma_wait3A_69 = arith.constant 0 : i32
      %dma_wait3A_70 = tpu.memref_slice %arg2[%add3A_44, %dma_wait3A_69] : memref<163840x32xf32, #tpu.memory_space<hbm>> -> memref<128x32xf32, #tpu.memory_space<hbm>>
      tpu.wait_dma2 semaphore(%arg18 : memref<!tpu.dma_semaphore, #tpu.memory_space<semaphore_mem>>) src(%dma_wait3A_70 : memref<128x32xf32, #tpu.memory_space<hbm>>) dst(%arg10 : memref<128x32xf32, #tpu.memory_space<vmem>>)
      %parallel_loop3A = arith.constant 0 : i32
      %parallel_loop3A_71 = arith.constant 256 : i32
      %parallel_loop3A_72 = arith.constant 1 : i32
      scf.for %parallel_loop3A_86 = %parallel_loop3A to %parallel_loop3A_71 step %parallel_loop3A_72  : i32 {
        %parallel_loop3A_87 = arith.constant 1 : i32
        %parallel_loop3A_88 = arith.shrsi %parallel_loop3A_86, %parallel_loop3A_87 : i32
        %parallel_loop3A_89 = arith.constant 1 : i32
        %parallel_loop3A_90 = arith.andi %parallel_loop3A_86, %parallel_loop3A_89 : i32
        %parallel_loop3A_91 = arith.constant 16 : i32
        %parallel_loop3A_92 = arith.muli %parallel_loop3A_90, %parallel_loop3A_91 : i32
        %parallel_loop3A_93 = arith.index_cast %parallel_loop3A_88 : i32 to index
        %parallel_loop3A_94 = arith.index_cast %parallel_loop3A_92 : i32 to index
        %parallel_loop3A_95 = tpu.vector_load %arg10[%parallel_loop3A_93, %parallel_loop3A_94] {strides = array<i32>} : memref<128x32xf32, #tpu.memory_space<vmem>>, vector<1x16xf32>,
        %parallel_loop3A_96 = vector.shape_cast %parallel_loop3A_95 : vector<1x16xf32> to vector<16xf32>
        %parallel_loop3A_97 = arith.index_cast %parallel_loop3A_88 : i32 to index
        %parallel_loop3A_98 = arith.index_cast %parallel_loop3A_92 : i32 to index
        %parallel_loop3A_99 = tpu.vector_load %arg11[%parallel_loop3A_97, %parallel_loop3A_98] {strides = array<i32>} : memref<128x32xf32, #tpu.memory_space<vmem>>, vector<1x16xf32>,
        %parallel_loop3A_100 = vector.shape_cast %parallel_loop3A_99 : vector<1x16xf32> to vector<16xf32>
        %parallel_loop3A_101 = arith.mulf %parallel_loop3A_96, %parallel_loop3A_100 : vector<16xf32>
        %parallel_loop3A_102 = arith.index_cast %parallel_loop3A_88 : i32 to index
        %parallel_loop3A_103 = arith.index_cast %parallel_loop3A_92 : i32 to index
        %parallel_loop3A_104 = tpu.vector_load %arg14[%parallel_loop3A_102, %parallel_loop3A_103] {strides = array<i32>} : memref<128x32xf32, #tpu.memory_space<vmem>>, vector<1x16xf32>,
        %parallel_loop3A_105 = vector.shape_cast %parallel_loop3A_104 : vector<1x16xf32> to vector<16xf32>
        %parallel_loop3A_106 = vector.shape_cast %parallel_loop3A_101 : vector<16xf32> to vector<1x16xf32>
        tpu.vector_store %arg14[%parallel_loop3A_102, %parallel_loop3A_103], %parallel_loop3A_106 {strides = array<i32>} : memref<128x32xf32, #tpu.memory_space<vmem>>, vector<1x16xf32>,
      } {sc.loop_unroll_factor = 8 : i64, sc.parallel_access}
      "tpu.region"() ({
        %run_scoped3A = tpu.sem_alloc : memref<!tpu.dma_semaphore, #tpu.memory_space<semaphore_mem>>
        %dma_start3A_86 = arith.constant 0 : i32
        %dma_start3A_87 = tpu.memref_slice %arg9[%mul3A_32, %dma_start3A_86] : memref<40x128xi32, #tpu.memory_space<vmem>> -> memref<1x128xi32, #tpu.memory_space<vmem>>
        %dma_start3A_88 = tpu.memref_squeeze %dma_start3A_87 : memref<1x128xi32, #tpu.memory_space<vmem>> -> memref<128xi32, #tpu.memory_space<vmem>>
        %dma_start3A_89 = arith.constant 0 : i32
        %dma_start3A_90 = arith.constant 0 : i32
        %dma_start3A_91 = tpu.memref_slice %arg16[%dma_start3A_89, %dma_start3A_90] : memref<10000x32xf32, #tpu.memory_space<vmem_shared>> -> memref<10000x32xf32, #tpu.memory_space<vmem_shared>>
        tpu.enqueue_indirect_dma source(%arg14 : memref<128x32xf32, #tpu.memory_space<vmem>>) target(%dma_start3A_91 : memref<10000x32xf32, #tpu.memory_space<vmem_shared>>) offsets(%dma_start3A_88 : memref<128xi32, #tpu.memory_space<vmem>>) semaphore(%run_scoped3A : memref<!tpu.dma_semaphore, #tpu.memory_space<semaphore_mem>>) {add = true}
        %dma_wait3A_92 = arith.constant 0 : i32
        %dma_wait3A_93 = tpu.memref_slice %arg9[%mul3A_32, %dma_wait3A_92] : memref<40x128xi32, #tpu.memory_space<vmem>> -> memref<1x128xi32, #tpu.memory_space<vmem>>
        %dma_wait3A_94 = tpu.memref_squeeze %dma_wait3A_93 : memref<1x128xi32, #tpu.memory_space<vmem>> -> memref<128xi32, #tpu.memory_space<vmem>>
        %dma_wait3A_95 = arith.constant 0 : i32
        %dma_wait3A_96 = arith.constant 0 : i32
        %dma_wait3A_97 = tpu.memref_slice %arg16[%dma_wait3A_95, %dma_wait3A_96] : memref<10000x32xf32, #tpu.memory_space<vmem_shared>> -> memref<10000x32xf32, #tpu.memory_space<vmem_shared>>
        tpu.wait_indirect_dma semaphore(%run_scoped3A : memref<!tpu.dma_semaphore, #tpu.memory_space<semaphore_mem>>) src(%arg14 : memref<128x32xf32, #tpu.memory_space<vmem>>) dst(%dma_wait3A_97 : memref<10000x32xf32, #tpu.memory_space<vmem_shared>>)
        tpu.yield
      }) : () -> ()
      %dma_wait3A_73 = arith.constant 0 : i32
      %dma_wait3A_74 = tpu.memref_slice %arg8[%add3A_36, %dma_wait3A_73] : memref<40x128xi32, #tpu.memory_space<vmem>> -> memref<1x128xi32, #tpu.memory_space<vmem>>
      %dma_wait3A_75 = tpu.memref_squeeze %dma_wait3A_74 : memref<1x128xi32, #tpu.memory_space<vmem>> -> memref<128xi32, #tpu.memory_space<vmem>>
      %dma_wait3A_76 = arith.constant 0 : i32
      %dma_wait3A_77 = arith.constant 0 : i32
      %dma_wait3A_78 = tpu.memref_slice %arg3[%dma_wait3A_76, %dma_wait3A_77] : memref<10000x32xf32, #tpu.memory_space<hbm>> -> memref<10000x32xf32, #tpu.memory_space<hbm>>
      tpu.wait_indirect_dma semaphore(%arg19 : memref<!tpu.dma_semaphore, #tpu.memory_space<semaphore_mem>>) src(%dma_wait3A_78 : memref<10000x32xf32, #tpu.memory_space<hbm>>) dst(%arg13 : memref<128x32xf32, #tpu.memory_space<vmem>>)
      %dma_wait3A_79 = arith.constant 0 : i32
      %dma_wait3A_80 = tpu.memref_slice %arg2[%add3A_57, %dma_wait3A_79] : memref<163840x32xf32, #tpu.memory_space<hbm>> -> memref<128x32xf32, #tpu.memory_space<hbm>>
      %dma_wait3A_81 = arith.constant 0 : i32
      %dma_wait3A_82 = tpu.memref_slice %arg2[%add3A_57, %dma_wait3A_81] : memref<163840x32xf32, #tpu.memory_space<hbm>> -> memref<128x32xf32, #tpu.memory_space<hbm>>
      tpu.wait_dma2 semaphore(%arg20 : memref<!tpu.dma_semaphore, #tpu.memory_space<semaphore_mem>>) src(%dma_wait3A_82 : memref<128x32xf32, #tpu.memory_space<hbm>>) dst(%arg12 : memref<128x32xf32, #tpu.memory_space<vmem>>)
      %parallel_loop3A_83 = arith.constant 0 : i32
      %parallel_loop3A_84 = arith.constant 256 : i32
      %parallel_loop3A_85 = arith.constant 1 : i32
      scf.for %parallel_loop3A_86 = %parallel_loop3A_83 to %parallel_loop3A_84 step %parallel_loop3A_85  : i32 {
        %parallel_loop3A_87 = arith.constant 1 : i32
        %parallel_loop3A_88 = arith.shrsi %parallel_loop3A_86, %parallel_loop3A_87 : i32
        %parallel_loop3A_89 = arith.constant 1 : i32
        %parallel_loop3A_90 = arith.andi %parallel_loop3A_86, %parallel_loop3A_89 : i32
        %parallel_loop3A_91 = arith.constant 16 : i32
        %parallel_loop3A_92 = arith.muli %parallel_loop3A_90, %parallel_loop3A_91 : i32
        %parallel_loop3A_93 = arith.index_cast %parallel_loop3A_88 : i32 to index
        %parallel_loop3A_94 = arith.index_cast %parallel_loop3A_92 : i32 to index
        %parallel_loop3A_95 = tpu.vector_load %arg12[%parallel_loop3A_93, %parallel_loop3A_94] {strides = array<i32>} : memref<128x32xf32, #tpu.memory_space<vmem>>, vector<1x16xf32>,
        %parallel_loop3A_96 = vector.shape_cast %parallel_loop3A_95 : vector<1x16xf32> to vector<16xf32>
        %parallel_loop3A_97 = arith.index_cast %parallel_loop3A_88 : i32 to index
        %parallel_loop3A_98 = arith.index_cast %parallel_loop3A_92 : i32 to index
        %parallel_loop3A_99 = tpu.vector_load %arg13[%parallel_loop3A_97, %parallel_loop3A_98] {strides = array<i32>} : memref<128x32xf32, #tpu.memory_space<vmem>>, vector<1x16xf32>,
        %parallel_loop3A_100 = vector.shape_cast %parallel_loop3A_99 : vector<1x16xf32> to vector<16xf32>
        %parallel_loop3A_101 = arith.mulf %parallel_loop3A_96, %parallel_loop3A_100 : vector<16xf32>
        %parallel_loop3A_102 = arith.index_cast %parallel_loop3A_88 : i32 to index
        %parallel_loop3A_103 = arith.index_cast %parallel_loop3A_92 : i32 to index
        %parallel_loop3A_104 = tpu.vector_load %arg14[%parallel_loop3A_102, %parallel_loop3A_103] {strides = array<i32>} : memref<128x32xf32, #tpu.memory_space<vmem>>, vector<1x16xf32>,
        %parallel_loop3A_105 = vector.shape_cast %parallel_loop3A_104 : vector<1x16xf32> to vector<16xf32>
        %parallel_loop3A_106 = vector.shape_cast %parallel_loop3A_101 : vector<16xf32> to vector<1x16xf32>
        tpu.vector_store %arg14[%parallel_loop3A_102, %parallel_loop3A_103], %parallel_loop3A_106 {strides = array<i32>} : memref<128x32xf32, #tpu.memory_space<vmem>>, vector<1x16xf32>,
      } {sc.loop_unroll_factor = 8 : i64, sc.parallel_access}
      "tpu.region"() ({
        %run_scoped3A = tpu.sem_alloc : memref<!tpu.dma_semaphore, #tpu.memory_space<semaphore_mem>>
        %dma_start3A_86 = arith.constant 0 : i32
        %dma_start3A_87 = tpu.memref_slice %arg9[%add3A_36, %dma_start3A_86] : memref<40x128xi32, #tpu.memory_space<vmem>> -> memref<1x128xi32, #tpu.memory_space<vmem>>
        %dma_start3A_88 = tpu.memref_squeeze %dma_start3A_87 : memref<1x128xi32, #tpu.memory_space<vmem>> -> memref<128xi32, #tpu.memory_space<vmem>>
        %dma_start3A_89 = arith.constant 0 : i32
        %dma_start3A_90 = arith.constant 0 : i32
        %dma_start3A_91 = tpu.memref_slice %arg16[%dma_start3A_89, %dma_start3A_90] : memref<10000x32xf32, #tpu.memory_space<vmem_shared>> -> memref<10000x32xf32, #tpu.memory_space<vmem_shared>>
        tpu.enqueue_indirect_dma source(%arg14 : memref<128x32xf32, #tpu.memory_space<vmem>>) target(%dma_start3A_91 : memref<10000x32xf32, #tpu.memory_space<vmem_shared>>) offsets(%dma_start3A_88 : memref<128xi32, #tpu.memory_space<vmem>>) semaphore(%run_scoped3A : memref<!tpu.dma_semaphore, #tpu.memory_space<semaphore_mem>>) {add = true}
        %dma_wait3A_92 = arith.constant 0 : i32
        %dma_wait3A_93 = tpu.memref_slice %arg9[%add3A_36, %dma_wait3A_92] : memref<40x128xi32, #tpu.memory_space<vmem>> -> memref<1x128xi32, #tpu.memory_space<vmem>>
        %dma_wait3A_94 = tpu.memref_squeeze %dma_wait3A_93 : memref<1x128xi32, #tpu.memory_space<vmem>> -> memref<128xi32, #tpu.memory_space<vmem>>
        %dma_wait3A_95 = arith.constant 0 : i32
        %dma_wait3A_96 = arith.constant 0 : i32
        %dma_wait3A_97 = tpu.memref_slice %arg16[%dma_wait3A_95, %dma_wait3A_96] : memref<10000x32xf32, #tpu.memory_space<vmem_shared>> -> memref<10000x32xf32, #tpu.memory_space<vmem_shared>>
        tpu.wait_indirect_dma semaphore(%run_scoped3A : memref<!tpu.dma_semaphore, #tpu.memory_space<semaphore_mem>>) src(%arg14 : memref<128x32xf32, #tpu.memory_space<vmem>>) dst(%dma_wait3A_97 : memref<10000x32xf32, #tpu.memory_space<vmem_shared>>)
        tpu.yield
      }) : () -> ()
    }
    %scan3A_19 = arith.constant 20 : i32
    %barrier3A_20 = arith.constant 0 : index
    tpu.barrier barrier_id(%barrier3A_20)
    %mul3A_21 = arith.constant 624 : i32
    %mul3A_22 = arith.muli %arg1, %mul3A_21 : i32
    "tpu.region"() ({
      %run_scoped3A = tpu.sem_alloc : memref<!tpu.dma_semaphore, #tpu.memory_space<semaphore_mem>>
      %dma_start3A = arith.constant 0 : i32
      %dma_start3A_30 = tpu.memref_slice %arg16[%mul3A_22, %dma_start3A] : memref<10000x32xf32, #tpu.memory_space<vmem_shared>> -> memref<624x32xf32, #tpu.memory_space<vmem_shared>>
      %dma_start3A_31 = arith.constant 0 : i32
      %dma_start3A_32 = tpu.memref_slice %arg16[%mul3A_22, %dma_start3A_31] : memref<10000x32xf32, #tpu.memory_space<vmem_shared>> -> memref<624x32xf32, #tpu.memory_space<vmem_shared>>
      tpu.enqueue_dma source(%dma_start3A_32 : memref<624x32xf32, #tpu.memory_space<vmem_shared>>) target(%arg15 : memref<624x32xf32, #tpu.memory_space<vmem>>) target_semaphore(%run_scoped3A : memref<!tpu.dma_semaphore, #tpu.memory_space<semaphore_mem>>)
      %dma_wait3A = arith.constant 0 : i32
      %dma_wait3A_33 = tpu.memref_slice %arg16[%mul3A_22, %dma_wait3A] : memref<10000x32xf32, #tpu.memory_space<vmem_shared>> -> memref<624x32xf32, #tpu.memory_space<vmem_shared>>
      %dma_wait3A_34 = arith.constant 0 : i32
      %dma_wait3A_35 = tpu.memref_slice %arg16[%mul3A_22, %dma_wait3A_34] : memref<10000x32xf32, #tpu.memory_space<vmem_shared>> -> memref<624x32xf32, #tpu.memory_space<vmem_shared>>
      tpu.wait_dma2 semaphore(%run_scoped3A : memref<!tpu.dma_semaphore, #tpu.memory_space<semaphore_mem>>) src(%dma_wait3A_35 : memref<624x32xf32, #tpu.memory_space<vmem_shared>>) dst(%arg15 : memref<624x32xf32, #tpu.memory_space<vmem>>)
      tpu.yield
    }) : () -> ()
    %mul3A_23 = arith.constant 624 : i32
    %mul3A_24 = arith.muli %arg1, %mul3A_23 : i32
    "tpu.region"() ({
      %run_scoped3A = tpu.sem_alloc : memref<!tpu.dma_semaphore, #tpu.memory_space<semaphore_mem>>
      %dma_start3A = arith.constant 0 : i32
      %dma_start3A_30 = tpu.memref_slice %arg7[%arg0, %mul3A_24, %dma_start3A] : memref<2x10000x32xf32, #tpu.memory_space<hbm>> -> memref<1x624x32xf32, #tpu.memory_space<hbm>>
      %dma_start3A_31 = tpu.memref_squeeze %dma_start3A_30 : memref<1x624x32xf32, #tpu.memory_space<hbm>> -> memref<624x32xf32, #tpu.memory_space<hbm>>
      %dma_start3A_32 = arith.constant 0 : i32
      %dma_start3A_33 = tpu.memref_slice %arg7[%arg0, %mul3A_24, %dma_start3A_32] : memref<2x10000x32xf32, #tpu.memory_space<hbm>> -> memref<1x624x32xf32, #tpu.memory_space<hbm>>
      %dma_start3A_34 = tpu.memref_squeeze %dma_start3A_33 : memref<1x624x32xf32, #tpu.memory_space<hbm>> -> memref<624x32xf32, #tpu.memory_space<hbm>>
      tpu.enqueue_dma source(%arg15 : memref<624x32xf32, #tpu.memory_space<vmem>>) target(%dma_start3A_34 : memref<624x32xf32, #tpu.memory_space<hbm>>) target_semaphore(%run_scoped3A : memref<!tpu.dma_semaphore, #tpu.memory_space<semaphore_mem>>)
      %dma_wait3A = arith.constant 0 : i32
      %dma_wait3A_35 = tpu.memref_slice %arg7[%arg0, %mul3A_24, %dma_wait3A] : memref<2x10000x32xf32, #tpu.memory_space<hbm>> -> memref<1x624x32xf32, #tpu.memory_space<hbm>>
      %dma_wait3A_36 = tpu.memref_squeeze %dma_wait3A_35 : memref<1x624x32xf32, #tpu.memory_space<hbm>> -> memref<624x32xf32, #tpu.memory_space<hbm>>
      %dma_wait3A_37 = arith.constant 0 : i32
      %dma_wait3A_38 = tpu.memref_slice %arg7[%arg0, %mul3A_24, %dma_wait3A_37] : memref<2x10000x32xf32, #tpu.memory_space<hbm>> -> memref<1x624x32xf32, #tpu.memory_space<hbm>>
      %dma_wait3A_39 = tpu.memref_squeeze %dma_wait3A_38 : memref<1x624x32xf32, #tpu.memory_space<hbm>> -> memref<624x32xf32, #tpu.memory_space<hbm>>
      tpu.wait_dma2 semaphore(%run_scoped3A : memref<!tpu.dma_semaphore, #tpu.memory_space<semaphore_mem>>) src(%arg15 : memref<624x32xf32, #tpu.memory_space<vmem>>) dst(%dma_wait3A_39 : memref<624x32xf32, #tpu.memory_space<hbm>>)
      tpu.yield
    }) : () -> ()
    %eq3A_25 = arith.constant 0 : i32
    %eq3A_26 = arith.cmpi eq, %arg1, %eq3A_25 : i32
    %convert_element_type3A_27 = arith.extui %eq3A_26 : i1 to i32
    %cond3A_28 = arith.constant 0 : i32
    %cond3A_29 = arith.cmpi ne, %convert_element_type3A_27, %cond3A_28 : i32
    scf.if %cond3A_29 {
      "tpu.region"() ({
        %run_scoped3A = tpu.sem_alloc : memref<!tpu.dma_semaphore, #tpu.memory_space<semaphore_mem>>
        %dma_start3A = arith.constant 0 : i32
        %dma_start3A_30 = arith.constant 0 : i32
        %dma_start3A_31 = tpu.memref_slice %arg15[%dma_start3A, %dma_start3A_30] : memref<624x32xf32, #tpu.memory_space<vmem>> -> memref<16x32xf32, #tpu.memory_space<vmem>>
        %dma_start3A_32 = arith.constant 9984 : i32
        %dma_start3A_33 = arith.constant 0 : i32
        %dma_start3A_34 = tpu.memref_slice %arg16[%dma_start3A_32, %dma_start3A_33] : memref<10000x32xf32, #tpu.memory_space<vmem_shared>> -> memref<16x32xf32, #tpu.memory_space<vmem_shared>>
        %dma_start3A_35 = arith.constant 0 : i32
        %dma_start3A_36 = arith.constant 0 : i32
        %dma_start3A_37 = tpu.memref_slice %arg15[%dma_start3A_35, %dma_start3A_36] : memref<624x32xf32, #tpu.memory_space<vmem>> -> memref<16x32xf32, #tpu.memory_space<vmem>>
        %dma_start3A_38 = arith.constant 9984 : i32
        %dma_start3A_39 = arith.constant 0 : i32
        %dma_start3A_40 = tpu.memref_slice %arg16[%dma_start3A_38, %dma_start3A_39] : memref<10000x32xf32, #tpu.memory_space<vmem_shared>> -> memref<16x32xf32, #tpu.memory_space<vmem_shared>>
        tpu.enqueue_dma source(%dma_start3A_40 : memref<16x32xf32, #tpu.memory_space<vmem_shared>>) target(%dma_start3A_37 : memref<16x32xf32, #tpu.memory_space<vmem>>) target_semaphore(%run_scoped3A : memref<!tpu.dma_semaphore, #tpu.memory_space<semaphore_mem>>)
        %dma_wait3A = arith.constant 0 : i32
        %dma_wait3A_41 = arith.constant 0 : i32
        %dma_wait3A_42 = tpu.memref_slice %arg15[%dma_wait3A, %dma_wait3A_41] : memref<624x32xf32, #tpu.memory_space<vmem>> -> memref<16x32xf32, #tpu.memory_space<vmem>>
        %dma_wait3A_43 = arith.constant 9984 : i32
        %dma_wait3A_44 = arith.constant 0 : i32
        %dma_wait3A_45 = tpu.memref_slice %arg16[%dma_wait3A_43, %dma_wait3A_44] : memref<10000x32xf32, #tpu.memory_space<vmem_shared>> -> memref<16x32xf32, #tpu.memory_space<vmem_shared>>
        %dma_wait3A_46 = arith.constant 0 : i32
        %dma_wait3A_47 = arith.constant 0 : i32
        %dma_wait3A_48 = tpu.memref_slice %arg15[%dma_wait3A_46, %dma_wait3A_47] : memref<624x32xf32, #tpu.memory_space<vmem>> -> memref<16x32xf32, #tpu.memory_space<vmem>>
        %dma_wait3A_49 = arith.constant 9984 : i32
        %dma_wait3A_50 = arith.constant 0 : i32
        %dma_wait3A_51 = tpu.memref_slice %arg16[%dma_wait3A_49, %dma_wait3A_50] : memref<10000x32xf32, #tpu.memory_space<vmem_shared>> -> memref<16x32xf32, #tpu.memory_space<vmem_shared>>
        tpu.wait_dma2 semaphore(%run_scoped3A : memref<!tpu.dma_semaphore, #tpu.memory_space<semaphore_mem>>) src(%dma_wait3A_51 : memref<16x32xf32, #tpu.memory_space<vmem_shared>>) dst(%dma_wait3A_48 : memref<16x32xf32, #tpu.memory_space<vmem>>)
        tpu.yield
      }) : () -> ()
      "tpu.region"() ({
        %run_scoped3A = tpu.sem_alloc : memref<!tpu.dma_semaphore, #tpu.memory_space<semaphore_mem>>
        %dma_start3A = arith.constant 0 : i32
        %dma_start3A_30 = arith.constant 0 : i32
        %dma_start3A_31 = tpu.memref_slice %arg15[%dma_start3A, %dma_start3A_30] : memref<624x32xf32, #tpu.memory_space<vmem>> -> memref<16x32xf32, #tpu.memory_space<vmem>>
        %dma_start3A_32 = arith.constant 9984 : i32
        %dma_start3A_33 = arith.constant 0 : i32
        %dma_start3A_34 = tpu.memref_slice %arg7[%arg0, %dma_start3A_32, %dma_start3A_33] : memref<2x10000x32xf32, #tpu.memory_space<hbm>> -> memref<1x16x32xf32, #tpu.memory_space<hbm>>
        %dma_start3A_35 = tpu.memref_squeeze %dma_start3A_34 : memref<1x16x32xf32, #tpu.memory_space<hbm>> -> memref<16x32xf32, #tpu.memory_space<hbm>>
        %dma_start3A_36 = arith.constant 9984 : i32
        %dma_start3A_37 = arith.constant 0 : i32
        %dma_start3A_38 = tpu.memref_slice %arg7[%arg0, %dma_start3A_36, %dma_start3A_37] : memref<2x10000x32xf32, #tpu.memory_space<hbm>> -> memref<1x16x32xf32, #tpu.memory_space<hbm>>
        %dma_start3A_39 = tpu.memref_squeeze %dma_start3A_38 : memref<1x16x32xf32, #tpu.memory_space<hbm>> -> memref<16x32xf32, #tpu.memory_space<hbm>>
        %dma_start3A_40 = arith.constant 0 : i32
        %dma_start3A_41 = arith.constant 0 : i32
        %dma_start3A_42 = tpu.memref_slice %arg15[%dma_start3A_40, %dma_start3A_41] : memref<624x32xf32, #tpu.memory_space<vmem>> -> memref<16x32xf32, #tpu.memory_space<vmem>>
        tpu.enqueue_dma source(%dma_start3A_42 : memref<16x32xf32, #tpu.memory_space<vmem>>) target(%dma_start3A_39 : memref<16x32xf32, #tpu.memory_space<hbm>>) target_semaphore(%run_scoped3A : memref<!tpu.dma_semaphore, #tpu.memory_space<semaphore_mem>>)
        %dma_wait3A = arith.constant 0 : i32
        %dma_wait3A_43 = arith.constant 0 : i32
        %dma_wait3A_44 = tpu.memref_slice %arg15[%dma_wait3A, %dma_wait3A_43] : memref<624x32xf32, #tpu.memory_space<vmem>> -> memref<16x32xf32, #tpu.memory_space<vmem>>
        %dma_wait3A_45 = arith.constant 9984 : i32
        %dma_wait3A_46 = arith.constant 0 : i32
        %dma_wait3A_47 = tpu.memref_slice %arg7[%arg0, %dma_wait3A_45, %dma_wait3A_46] : memref<2x10000x32xf32, #tpu.memory_space<hbm>> -> memref<1x16x32xf32, #tpu.memory_space<hbm>>
        %dma_wait3A_48 = tpu.memref_squeeze %dma_wait3A_47 : memref<1x16x32xf32, #tpu.memory_space<hbm>> -> memref<16x32xf32, #tpu.memory_space<hbm>>
        %dma_wait3A_49 = arith.constant 9984 : i32
        %dma_wait3A_50 = arith.constant 0 : i32
        %dma_wait3A_51 = tpu.memref_slice %arg7[%arg0, %dma_wait3A_49, %dma_wait3A_50] : memref<2x10000x32xf32, #tpu.memory_space<hbm>> -> memref<1x16x32xf32, #tpu.memory_space<hbm>>
        %dma_wait3A_52 = tpu.memref_squeeze %dma_wait3A_51 : memref<1x16x32xf32, #tpu.memory_space<hbm>> -> memref<16x32xf32, #tpu.memory_space<hbm>>
        %dma_wait3A_53 = arith.constant 0 : i32
        %dma_wait3A_54 = arith.constant 0 : i32
        %dma_wait3A_55 = tpu.memref_slice %arg15[%dma_wait3A_53, %dma_wait3A_54] : memref<624x32xf32, #tpu.memory_space<vmem>> -> memref<16x32xf32, #tpu.memory_space<vmem>>
        tpu.wait_dma2 semaphore(%run_scoped3A : memref<!tpu.dma_semaphore, #tpu.memory_space<semaphore_mem>>) src(%dma_wait3A_55 : memref<16x32xf32, #tpu.memory_space<vmem>>) dst(%dma_wait3A_52 : memref<16x32xf32, #tpu.memory_space<hbm>>)
        tpu.yield
      }) : () -> ()
    } else {
    }
    return
  }
}

#map = affine_map<(d0, d1) -> (0, 0)>
module attributes {stable_mosaic.version = 14 : i64} {
  func.func @k(%arg0: i32, %arg1: i32, %arg2: memref<10000x32xf32, #tpu.memory_space<hbm>>, %arg3: memref<10000x32xf32, #tpu.memory_space<hbm>>, %arg4: memref<1280x128xi32, #tpu.memory_space<hbm>>, %arg5: memref<1280x128xi32, #tpu.memory_space<hbm>>, %arg6: memref<163840x32xf32, #tpu.memory_space<hbm>>, %arg7: memref<40x128xi32, #tpu.memory_space<vmem>>, %arg8: memref<40x128xi32, #tpu.memory_space<vmem>>, %arg9: memref<128x32xf32, #tpu.memory_space<vmem>>, %arg10: memref<128x32xf32, #tpu.memory_space<vmem>>, %arg11: memref<128x32xf32, #tpu.memory_space<vmem>>, %arg12: memref<128x32xf32, #tpu.memory_space<vmem>>, %arg13: memref<128x32xf32, #tpu.memory_space<vmem>>, %arg14: memref<!tpu.dma_semaphore, #tpu.memory_space<semaphore_mem>>, %arg15: memref<!tpu.dma_semaphore, #tpu.memory_space<semaphore_mem>>, %arg16: memref<!tpu.dma_semaphore, #tpu.memory_space<semaphore_mem>>, %arg17: memref<!tpu.dma_semaphore, #tpu.memory_space<semaphore_mem>>) attributes {dimension_semantics = [#tpu.dimension_semantics<core_parallel>, #tpu.dimension_semantics<subcore_parallel>], iteration_bounds = array<i64: 2, 16>, scalar_prefetch = 0 : i64, scratch_operands = 11 : i64, tpu.core_type = #tpu.core_type<sc_vector_subcore>, window_params = [{transform_indices = #map}, {transform_indices = #map}, {transform_indices = #map}, {transform_indices = #map}, {transform_indices = #map}]} {
    %mul3A = arith.constant 2 : i32
    %mul3A_0 = arith.muli %arg1, %mul3A : i32
    %add3A = arith.addi %mul3A_0, %arg0 : i32
    %mul3A_1 = arith.constant 40 : i32
    %mul3A_2 = arith.muli %add3A, %mul3A_1 : i32
    %mul3A_3 = arith.constant 128 : i32
    %mul3A_4 = arith.muli %mul3A_2, %mul3A_3 : i32
    %mul3A_5 = arith.constant 40 : i32
    %mul3A_6 = arith.muli %add3A, %mul3A_5 : i32
    "tpu.region"() ({
      %run_scoped3A = tpu.sem_alloc : memref<!tpu.dma_semaphore, #tpu.memory_space<semaphore_mem>>
      %dma_start3A = arith.constant 0 : i32
      %dma_start3A_14 = tpu.memref_slice %arg4[%mul3A_6, %dma_start3A] : memref<1280x128xi32, #tpu.memory_space<hbm>> -> memref<40x128xi32, #tpu.memory_space<hbm>>
      %dma_start3A_15 = arith.constant 0 : i32
      %dma_start3A_16 = tpu.memref_slice %arg4[%mul3A_6, %dma_start3A_15] : memref<1280x128xi32, #tpu.memory_space<hbm>> -> memref<40x128xi32, #tpu.memory_space<hbm>>
      tpu.enqueue_dma source(%dma_start3A_16 : memref<40x128xi32, #tpu.memory_space<hbm>>) target(%arg7 : memref<40x128xi32, #tpu.memory_space<vmem>>) target_semaphore(%run_scoped3A : memref<!tpu.dma_semaphore, #tpu.memory_space<semaphore_mem>>)
      %dma_wait3A = arith.constant 0 : i32
      %dma_wait3A_17 = tpu.memref_slice %arg4[%mul3A_6, %dma_wait3A] : memref<1280x128xi32, #tpu.memory_space<hbm>> -> memref<40x128xi32, #tpu.memory_space<hbm>>
      %dma_wait3A_18 = arith.constant 0 : i32
      %dma_wait3A_19 = tpu.memref_slice %arg4[%mul3A_6, %dma_wait3A_18] : memref<1280x128xi32, #tpu.memory_space<hbm>> -> memref<40x128xi32, #tpu.memory_space<hbm>>
      tpu.wait_dma2 semaphore(%run_scoped3A : memref<!tpu.dma_semaphore, #tpu.memory_space<semaphore_mem>>) src(%dma_wait3A_19 : memref<40x128xi32, #tpu.memory_space<hbm>>) dst(%arg7 : memref<40x128xi32, #tpu.memory_space<vmem>>)
      tpu.yield
    }) : () -> ()
    %mul3A_7 = arith.constant 40 : i32
    %mul3A_8 = arith.muli %add3A, %mul3A_7 : i32
    "tpu.region"() ({
      %run_scoped3A = tpu.sem_alloc : memref<!tpu.dma_semaphore, #tpu.memory_space<semaphore_mem>>
      %dma_start3A = arith.constant 0 : i32
      %dma_start3A_14 = tpu.memref_slice %arg5[%mul3A_8, %dma_start3A] : memref<1280x128xi32, #tpu.memory_space<hbm>> -> memref<40x128xi32, #tpu.memory_space<hbm>>
      %dma_start3A_15 = arith.constant 0 : i32
      %dma_start3A_16 = tpu.memref_slice %arg5[%mul3A_8, %dma_start3A_15] : memref<1280x128xi32, #tpu.memory_space<hbm>> -> memref<40x128xi32, #tpu.memory_space<hbm>>
      tpu.enqueue_dma source(%dma_start3A_16 : memref<40x128xi32, #tpu.memory_space<hbm>>) target(%arg8 : memref<40x128xi32, #tpu.memory_space<vmem>>) target_semaphore(%run_scoped3A : memref<!tpu.dma_semaphore, #tpu.memory_space<semaphore_mem>>)
      %dma_wait3A = arith.constant 0 : i32
      %dma_wait3A_17 = tpu.memref_slice %arg5[%mul3A_8, %dma_wait3A] : memref<1280x128xi32, #tpu.memory_space<hbm>> -> memref<40x128xi32, #tpu.memory_space<hbm>>
      %dma_wait3A_18 = arith.constant 0 : i32
      %dma_wait3A_19 = tpu.memref_slice %arg5[%mul3A_8, %dma_wait3A_18] : memref<1280x128xi32, #tpu.memory_space<hbm>> -> memref<40x128xi32, #tpu.memory_space<hbm>>
      tpu.wait_dma2 semaphore(%run_scoped3A : memref<!tpu.dma_semaphore, #tpu.memory_space<semaphore_mem>>) src(%dma_wait3A_19 : memref<40x128xi32, #tpu.memory_space<hbm>>) dst(%arg8 : memref<40x128xi32, #tpu.memory_space<vmem>>)
      tpu.yield
    }) : () -> ()
    %scan3A = arith.constant 0 : i32
    %scan3A_9 = arith.constant 0 : i32
    %scan3A_10 = arith.constant 20 : i32
    %scan3A_11 = arith.addi %scan3A_9, %scan3A_10 : i32
    %scan3A_12 = arith.constant 1 : i32
    scf.for %scan3A_14 = %scan3A_9 to %scan3A_11 step %scan3A_12  : i32 {
      %mul3A_15 = arith.constant 2 : i32
      %mul3A_16 = arith.muli %mul3A_15, %scan3A_14 : i32
      %mul3A_17 = arith.constant 2 : i32
      %mul3A_18 = arith.muli %mul3A_17, %scan3A_14 : i32
      %add3A_19 = arith.constant 1 : i32
      %add3A_20 = arith.addi %mul3A_18, %add3A_19 : i32
      %dma_start3A = arith.constant 0 : i32
      %dma_start3A_21 = tpu.memref_slice %arg8[%mul3A_16, %dma_start3A] : memref<40x128xi32, #tpu.memory_space<vmem>> -> memref<1x128xi32, #tpu.memory_space<vmem>>
      %dma_start3A_22 = tpu.memref_squeeze %dma_start3A_21 : memref<1x128xi32, #tpu.memory_space<vmem>> -> memref<128xi32, #tpu.memory_space<vmem>>
      %dma_start3A_23 = arith.constant 0 : i32
      %dma_start3A_24 = arith.constant 0 : i32
      %dma_start3A_25 = tpu.memref_slice %arg2[%dma_start3A_23, %dma_start3A_24] : memref<10000x32xf32, #tpu.memory_space<hbm>> -> memref<10000x32xf32, #tpu.memory_space<hbm>>
      tpu.enqueue_indirect_dma source(%dma_start3A_25 : memref<10000x32xf32, #tpu.memory_space<hbm>>) target(%arg9 : memref<128x32xf32, #tpu.memory_space<vmem>>) offsets(%dma_start3A_22 : memref<128xi32, #tpu.memory_space<vmem>>) semaphore(%arg14 : memref<!tpu.dma_semaphore, #tpu.memory_space<semaphore_mem>>)
      %dma_start3A_26 = arith.constant 0 : i32
      %dma_start3A_27 = tpu.memref_slice %arg7[%mul3A_16, %dma_start3A_26] : memref<40x128xi32, #tpu.memory_space<vmem>> -> memref<1x128xi32, #tpu.memory_space<vmem>>
      %dma_start3A_28 = tpu.memref_squeeze %dma_start3A_27 : memref<1x128xi32, #tpu.memory_space<vmem>> -> memref<128xi32, #tpu.memory_space<vmem>>
      %dma_start3A_29 = arith.constant 0 : i32
      %dma_start3A_30 = arith.constant 0 : i32
      %dma_start3A_31 = tpu.memref_slice %arg3[%dma_start3A_29, %dma_start3A_30] : memref<10000x32xf32, #tpu.memory_space<hbm>> -> memref<10000x32xf32, #tpu.memory_space<hbm>>
      tpu.enqueue_indirect_dma source(%dma_start3A_31 : memref<10000x32xf32, #tpu.memory_space<hbm>>) target(%arg10 : memref<128x32xf32, #tpu.memory_space<vmem>>) offsets(%dma_start3A_28 : memref<128xi32, #tpu.memory_space<vmem>>) semaphore(%arg15 : memref<!tpu.dma_semaphore, #tpu.memory_space<semaphore_mem>>)
      %dma_start3A_32 = arith.constant 0 : i32
      %dma_start3A_33 = tpu.memref_slice %arg8[%add3A_20, %dma_start3A_32] : memref<40x128xi32, #tpu.memory_space<vmem>> -> memref<1x128xi32, #tpu.memory_space<vmem>>
      %dma_start3A_34 = tpu.memref_squeeze %dma_start3A_33 : memref<1x128xi32, #tpu.memory_space<vmem>> -> memref<128xi32, #tpu.memory_space<vmem>>
      %dma_start3A_35 = arith.constant 0 : i32
      %dma_start3A_36 = arith.constant 0 : i32
      %dma_start3A_37 = tpu.memref_slice %arg2[%dma_start3A_35, %dma_start3A_36] : memref<10000x32xf32, #tpu.memory_space<hbm>> -> memref<10000x32xf32, #tpu.memory_space<hbm>>
      tpu.enqueue_indirect_dma source(%dma_start3A_37 : memref<10000x32xf32, #tpu.memory_space<hbm>>) target(%arg11 : memref<128x32xf32, #tpu.memory_space<vmem>>) offsets(%dma_start3A_34 : memref<128xi32, #tpu.memory_space<vmem>>) semaphore(%arg16 : memref<!tpu.dma_semaphore, #tpu.memory_space<semaphore_mem>>)
      %dma_start3A_38 = arith.constant 0 : i32
      %dma_start3A_39 = tpu.memref_slice %arg7[%add3A_20, %dma_start3A_38] : memref<40x128xi32, #tpu.memory_space<vmem>> -> memref<1x128xi32, #tpu.memory_space<vmem>>
      %dma_start3A_40 = tpu.memref_squeeze %dma_start3A_39 : memref<1x128xi32, #tpu.memory_space<vmem>> -> memref<128xi32, #tpu.memory_space<vmem>>
      %dma_start3A_41 = arith.constant 0 : i32
      %dma_start3A_42 = arith.constant 0 : i32
      %dma_start3A_43 = tpu.memref_slice %arg3[%dma_start3A_41, %dma_start3A_42] : memref<10000x32xf32, #tpu.memory_space<hbm>> -> memref<10000x32xf32, #tpu.memory_space<hbm>>
      tpu.enqueue_indirect_dma source(%dma_start3A_43 : memref<10000x32xf32, #tpu.memory_space<hbm>>) target(%arg12 : memref<128x32xf32, #tpu.memory_space<vmem>>) offsets(%dma_start3A_40 : memref<128xi32, #tpu.memory_space<vmem>>) semaphore(%arg17 : memref<!tpu.dma_semaphore, #tpu.memory_space<semaphore_mem>>)
      %dma_wait3A = arith.constant 0 : i32
      %dma_wait3A_44 = tpu.memref_slice %arg8[%mul3A_16, %dma_wait3A] : memref<40x128xi32, #tpu.memory_space<vmem>> -> memref<1x128xi32, #tpu.memory_space<vmem>>
      %dma_wait3A_45 = tpu.memref_squeeze %dma_wait3A_44 : memref<1x128xi32, #tpu.memory_space<vmem>> -> memref<128xi32, #tpu.memory_space<vmem>>
      %dma_wait3A_46 = arith.constant 0 : i32
      %dma_wait3A_47 = arith.constant 0 : i32
      %dma_wait3A_48 = tpu.memref_slice %arg2[%dma_wait3A_46, %dma_wait3A_47] : memref<10000x32xf32, #tpu.memory_space<hbm>> -> memref<10000x32xf32, #tpu.memory_space<hbm>>
      tpu.wait_indirect_dma semaphore(%arg14 : memref<!tpu.dma_semaphore, #tpu.memory_space<semaphore_mem>>) src(%dma_wait3A_48 : memref<10000x32xf32, #tpu.memory_space<hbm>>) dst(%arg9 : memref<128x32xf32, #tpu.memory_space<vmem>>)
      %dma_wait3A_49 = arith.constant 0 : i32
      %dma_wait3A_50 = tpu.memref_slice %arg7[%mul3A_16, %dma_wait3A_49] : memref<40x128xi32, #tpu.memory_space<vmem>> -> memref<1x128xi32, #tpu.memory_space<vmem>>
      %dma_wait3A_51 = tpu.memref_squeeze %dma_wait3A_50 : memref<1x128xi32, #tpu.memory_space<vmem>> -> memref<128xi32, #tpu.memory_space<vmem>>
      %dma_wait3A_52 = arith.constant 0 : i32
      %dma_wait3A_53 = arith.constant 0 : i32
      %dma_wait3A_54 = tpu.memref_slice %arg3[%dma_wait3A_52, %dma_wait3A_53] : memref<10000x32xf32, #tpu.memory_space<hbm>> -> memref<10000x32xf32, #tpu.memory_space<hbm>>
      tpu.wait_indirect_dma semaphore(%arg15 : memref<!tpu.dma_semaphore, #tpu.memory_space<semaphore_mem>>) src(%dma_wait3A_54 : memref<10000x32xf32, #tpu.memory_space<hbm>>) dst(%arg10 : memref<128x32xf32, #tpu.memory_space<vmem>>)
      %parallel_loop3A = arith.constant 0 : i32
      %parallel_loop3A_55 = arith.constant 256 : i32
      %parallel_loop3A_56 = arith.constant 1 : i32
      scf.for %parallel_loop3A_78 = %parallel_loop3A to %parallel_loop3A_55 step %parallel_loop3A_56  : i32 {
        %parallel_loop3A_79 = arith.constant 1 : i32
        %parallel_loop3A_80 = arith.shrsi %parallel_loop3A_78, %parallel_loop3A_79 : i32
        %parallel_loop3A_81 = arith.constant 1 : i32
        %parallel_loop3A_82 = arith.andi %parallel_loop3A_78, %parallel_loop3A_81 : i32
        %parallel_loop3A_83 = arith.constant 16 : i32
        %parallel_loop3A_84 = arith.muli %parallel_loop3A_82, %parallel_loop3A_83 : i32
        %parallel_loop3A_85 = arith.index_cast %parallel_loop3A_80 : i32 to index
        %parallel_loop3A_86 = arith.index_cast %parallel_loop3A_84 : i32 to index
        %parallel_loop3A_87 = tpu.vector_load %arg9[%parallel_loop3A_85, %parallel_loop3A_86] {strides = array<i32>} : memref<128x32xf32, #tpu.memory_space<vmem>>, vector<1x16xf32>,
        %parallel_loop3A_88 = vector.shape_cast %parallel_loop3A_87 : vector<1x16xf32> to vector<16xf32>
        %parallel_loop3A_89 = arith.index_cast %parallel_loop3A_80 : i32 to index
        %parallel_loop3A_90 = arith.index_cast %parallel_loop3A_84 : i32 to index
        %parallel_loop3A_91 = tpu.vector_load %arg10[%parallel_loop3A_89, %parallel_loop3A_90] {strides = array<i32>} : memref<128x32xf32, #tpu.memory_space<vmem>>, vector<1x16xf32>,
        %parallel_loop3A_92 = vector.shape_cast %parallel_loop3A_91 : vector<1x16xf32> to vector<16xf32>
        %parallel_loop3A_93 = arith.mulf %parallel_loop3A_88, %parallel_loop3A_92 : vector<16xf32>
        %parallel_loop3A_94 = arith.index_cast %parallel_loop3A_80 : i32 to index
        %parallel_loop3A_95 = arith.index_cast %parallel_loop3A_84 : i32 to index
        %parallel_loop3A_96 = tpu.vector_load %arg13[%parallel_loop3A_94, %parallel_loop3A_95] {strides = array<i32>} : memref<128x32xf32, #tpu.memory_space<vmem>>, vector<1x16xf32>,
        %parallel_loop3A_97 = vector.shape_cast %parallel_loop3A_96 : vector<1x16xf32> to vector<16xf32>
        %parallel_loop3A_98 = vector.shape_cast %parallel_loop3A_93 : vector<16xf32> to vector<1x16xf32>
        tpu.vector_store %arg13[%parallel_loop3A_94, %parallel_loop3A_95], %parallel_loop3A_98 {strides = array<i32>} : memref<128x32xf32, #tpu.memory_space<vmem>>, vector<1x16xf32>,
      } {sc.loop_unroll_factor = 8 : i64, sc.parallel_access}
      %mul3A_57 = arith.constant 128 : i32
      %mul3A_58 = arith.muli %mul3A_16, %mul3A_57 : i32
      %add3A_59 = arith.addi %mul3A_4, %mul3A_58 : i32
      "tpu.region"() ({
        %run_scoped3A = tpu.sem_alloc : memref<!tpu.dma_semaphore, #tpu.memory_space<semaphore_mem>>
        %dma_start3A_78 = arith.constant 0 : i32
        %dma_start3A_79 = tpu.memref_slice %arg6[%add3A_59, %dma_start3A_78] : memref<163840x32xf32, #tpu.memory_space<hbm>> -> memref<128x32xf32, #tpu.memory_space<hbm>>
        %dma_start3A_80 = arith.constant 0 : i32
        %dma_start3A_81 = tpu.memref_slice %arg6[%add3A_59, %dma_start3A_80] : memref<163840x32xf32, #tpu.memory_space<hbm>> -> memref<128x32xf32, #tpu.memory_space<hbm>>
        tpu.enqueue_dma source(%arg13 : memref<128x32xf32, #tpu.memory_space<vmem>>) target(%dma_start3A_81 : memref<128x32xf32, #tpu.memory_space<hbm>>) target_semaphore(%run_scoped3A : memref<!tpu.dma_semaphore, #tpu.memory_space<semaphore_mem>>)
        %dma_wait3A_82 = arith.constant 0 : i32
        %dma_wait3A_83 = tpu.memref_slice %arg6[%add3A_59, %dma_wait3A_82] : memref<163840x32xf32, #tpu.memory_space<hbm>> -> memref<128x32xf32, #tpu.memory_space<hbm>>
        %dma_wait3A_84 = arith.constant 0 : i32
        %dma_wait3A_85 = tpu.memref_slice %arg6[%add3A_59, %dma_wait3A_84] : memref<163840x32xf32, #tpu.memory_space<hbm>> -> memref<128x32xf32, #tpu.memory_space<hbm>>
        tpu.wait_dma2 semaphore(%run_scoped3A : memref<!tpu.dma_semaphore, #tpu.memory_space<semaphore_mem>>) src(%arg13 : memref<128x32xf32, #tpu.memory_space<vmem>>) dst(%dma_wait3A_85 : memref<128x32xf32, #tpu.memory_space<hbm>>)
        tpu.yield
      }) : () -> ()
      %dma_wait3A_60 = arith.constant 0 : i32
      %dma_wait3A_61 = tpu.memref_slice %arg8[%add3A_20, %dma_wait3A_60] : memref<40x128xi32, #tpu.memory_space<vmem>> -> memref<1x128xi32, #tpu.memory_space<vmem>>
      %dma_wait3A_62 = tpu.memref_squeeze %dma_wait3A_61 : memref<1x128xi32, #tpu.memory_space<vmem>> -> memref<128xi32, #tpu.memory_space<vmem>>
      %dma_wait3A_63 = arith.constant 0 : i32
      %dma_wait3A_64 = arith.constant 0 : i32
      %dma_wait3A_65 = tpu.memref_slice %arg2[%dma_wait3A_63, %dma_wait3A_64] : memref<10000x32xf32, #tpu.memory_space<hbm>> -> memref<10000x32xf32, #tpu.memory_space<hbm>>
      tpu.wait_indirect_dma semaphore(%arg16 : memref<!tpu.dma_semaphore, #tpu.memory_space<semaphore_mem>>) src(%dma_wait3A_65 : memref<10000x32xf32, #tpu.memory_space<hbm>>) dst(%arg11 : memref<128x32xf32, #tpu.memory_space<vmem>>)
      %dma_wait3A_66 = arith.constant 0 : i32
      %dma_wait3A_67 = tpu.memref_slice %arg7[%add3A_20, %dma_wait3A_66] : memref<40x128xi32, #tpu.memory_space<vmem>> -> memref<1x128xi32, #tpu.memory_space<vmem>>
      %dma_wait3A_68 = tpu.memref_squeeze %dma_wait3A_67 : memref<1x128xi32, #tpu.memory_space<vmem>> -> memref<128xi32, #tpu.memory_space<vmem>>
      %dma_wait3A_69 = arith.constant 0 : i32
      %dma_wait3A_70 = arith.constant 0 : i32
      %dma_wait3A_71 = tpu.memref_slice %arg3[%dma_wait3A_69, %dma_wait3A_70] : memref<10000x32xf32, #tpu.memory_space<hbm>> -> memref<10000x32xf32, #tpu.memory_space<hbm>>
      tpu.wait_indirect_dma semaphore(%arg17 : memref<!tpu.dma_semaphore, #tpu.memory_space<semaphore_mem>>) src(%dma_wait3A_71 : memref<10000x32xf32, #tpu.memory_space<hbm>>) dst(%arg12 : memref<128x32xf32, #tpu.memory_space<vmem>>)
      %parallel_loop3A_72 = arith.constant 0 : i32
      %parallel_loop3A_73 = arith.constant 256 : i32
      %parallel_loop3A_74 = arith.constant 1 : i32
      scf.for %parallel_loop3A_78 = %parallel_loop3A_72 to %parallel_loop3A_73 step %parallel_loop3A_74  : i32 {
        %parallel_loop3A_79 = arith.constant 1 : i32
        %parallel_loop3A_80 = arith.shrsi %parallel_loop3A_78, %parallel_loop3A_79 : i32
        %parallel_loop3A_81 = arith.constant 1 : i32
        %parallel_loop3A_82 = arith.andi %parallel_loop3A_78, %parallel_loop3A_81 : i32
        %parallel_loop3A_83 = arith.constant 16 : i32
        %parallel_loop3A_84 = arith.muli %parallel_loop3A_82, %parallel_loop3A_83 : i32
        %parallel_loop3A_85 = arith.index_cast %parallel_loop3A_80 : i32 to index
        %parallel_loop3A_86 = arith.index_cast %parallel_loop3A_84 : i32 to index
        %parallel_loop3A_87 = tpu.vector_load %arg11[%parallel_loop3A_85, %parallel_loop3A_86] {strides = array<i32>} : memref<128x32xf32, #tpu.memory_space<vmem>>, vector<1x16xf32>,
        %parallel_loop3A_88 = vector.shape_cast %parallel_loop3A_87 : vector<1x16xf32> to vector<16xf32>
        %parallel_loop3A_89 = arith.index_cast %parallel_loop3A_80 : i32 to index
        %parallel_loop3A_90 = arith.index_cast %parallel_loop3A_84 : i32 to index
        %parallel_loop3A_91 = tpu.vector_load %arg12[%parallel_loop3A_89, %parallel_loop3A_90] {strides = array<i32>} : memref<128x32xf32, #tpu.memory_space<vmem>>, vector<1x16xf32>,
        %parallel_loop3A_92 = vector.shape_cast %parallel_loop3A_91 : vector<1x16xf32> to vector<16xf32>
        %parallel_loop3A_93 = arith.mulf %parallel_loop3A_88, %parallel_loop3A_92 : vector<16xf32>
        %parallel_loop3A_94 = arith.index_cast %parallel_loop3A_80 : i32 to index
        %parallel_loop3A_95 = arith.index_cast %parallel_loop3A_84 : i32 to index
        %parallel_loop3A_96 = tpu.vector_load %arg13[%parallel_loop3A_94, %parallel_loop3A_95] {strides = array<i32>} : memref<128x32xf32, #tpu.memory_space<vmem>>, vector<1x16xf32>,
        %parallel_loop3A_97 = vector.shape_cast %parallel_loop3A_96 : vector<1x16xf32> to vector<16xf32>
        %parallel_loop3A_98 = vector.shape_cast %parallel_loop3A_93 : vector<16xf32> to vector<1x16xf32>
        tpu.vector_store %arg13[%parallel_loop3A_94, %parallel_loop3A_95], %parallel_loop3A_98 {strides = array<i32>} : memref<128x32xf32, #tpu.memory_space<vmem>>, vector<1x16xf32>,
      } {sc.loop_unroll_factor = 8 : i64, sc.parallel_access}
      %mul3A_75 = arith.constant 128 : i32
      %mul3A_76 = arith.muli %add3A_20, %mul3A_75 : i32
      %add3A_77 = arith.addi %mul3A_4, %mul3A_76 : i32
      "tpu.region"() ({
        %run_scoped3A = tpu.sem_alloc : memref<!tpu.dma_semaphore, #tpu.memory_space<semaphore_mem>>
        %dma_start3A_78 = arith.constant 0 : i32
        %dma_start3A_79 = tpu.memref_slice %arg6[%add3A_77, %dma_start3A_78] : memref<163840x32xf32, #tpu.memory_space<hbm>> -> memref<128x32xf32, #tpu.memory_space<hbm>>
        %dma_start3A_80 = arith.constant 0 : i32
        %dma_start3A_81 = tpu.memref_slice %arg6[%add3A_77, %dma_start3A_80] : memref<163840x32xf32, #tpu.memory_space<hbm>> -> memref<128x32xf32, #tpu.memory_space<hbm>>
        tpu.enqueue_dma source(%arg13 : memref<128x32xf32, #tpu.memory_space<vmem>>) target(%dma_start3A_81 : memref<128x32xf32, #tpu.memory_space<hbm>>) target_semaphore(%run_scoped3A : memref<!tpu.dma_semaphore, #tpu.memory_space<semaphore_mem>>)
        %dma_wait3A_82 = arith.constant 0 : i32
        %dma_wait3A_83 = tpu.memref_slice %arg6[%add3A_77, %dma_wait3A_82] : memref<163840x32xf32, #tpu.memory_space<hbm>> -> memref<128x32xf32, #tpu.memory_space<hbm>>
        %dma_wait3A_84 = arith.constant 0 : i32
        %dma_wait3A_85 = tpu.memref_slice %arg6[%add3A_77, %dma_wait3A_84] : memref<163840x32xf32, #tpu.memory_space<hbm>> -> memref<128x32xf32, #tpu.memory_space<hbm>>
        tpu.wait_dma2 semaphore(%run_scoped3A : memref<!tpu.dma_semaphore, #tpu.memory_space<semaphore_mem>>) src(%arg13 : memref<128x32xf32, #tpu.memory_space<vmem>>) dst(%dma_wait3A_85 : memref<128x32xf32, #tpu.memory_space<hbm>>)
        tpu.yield
      }) : () -> ()
    }
    %scan3A_13 = arith.constant 20 : i32
    return
  }
}

#map = affine_map<(d0, d1) -> (0, 0)>
#map1 = affine_map<(d0, d1) -> (0, 0, 0)>
module attributes {stable_mosaic.version = 14 : i64} {
  func.func @k(%arg0: i32, %arg1: i32, %arg2: memref<10000x32xf32, #tpu.memory_space<hbm>>, %arg3: memref<10000x32xf32, #tpu.memory_space<hbm>>, %arg4: memref<163840x32xf32, #tpu.memory_space<hbm>>, %arg5: memref<1280x128xi32, #tpu.memory_space<hbm>>, %arg6: memref<1280x128xi32, #tpu.memory_space<hbm>>, %arg7: memref<10000x32xf32, #tpu.memory_space<hbm>>, %arg8: memref<163840x32xf32, #tpu.memory_space<hbm>>, %arg9: memref<2x10000x32xf32, #tpu.memory_space<hbm>>, %arg10: memref<40x128xi32, #tpu.memory_space<vmem>>, %arg11: memref<40x128xi32, #tpu.memory_space<vmem>>, %arg12: memref<128x32xf32, #tpu.memory_space<vmem>>, %arg13: memref<128x32xf32, #tpu.memory_space<vmem>>, %arg14: memref<128x32xf32, #tpu.memory_space<vmem>>, %arg15: memref<128x32xf32, #tpu.memory_space<vmem>>, %arg16: memref<128x32xf32, #tpu.memory_space<vmem>>, %arg17: memref<128x32xf32, #tpu.memory_space<vmem>>, %arg18: memref<128x32xf32, #tpu.memory_space<vmem>>, %arg19: memref<128x32xf32, #tpu.memory_space<vmem>>, %arg20: memref<624x32xf32, #tpu.memory_space<vmem>>, %arg21: memref<10000x32xf32, #tpu.memory_space<vmem_shared>>, %arg22: memref<!tpu.dma_semaphore, #tpu.memory_space<semaphore_mem>>, %arg23: memref<!tpu.dma_semaphore, #tpu.memory_space<semaphore_mem>>, %arg24: memref<!tpu.dma_semaphore, #tpu.memory_space<semaphore_mem>>, %arg25: memref<!tpu.dma_semaphore, #tpu.memory_space<semaphore_mem>>, %arg26: memref<!tpu.dma_semaphore, #tpu.memory_space<semaphore_mem>>, %arg27: memref<!tpu.dma_semaphore, #tpu.memory_space<semaphore_mem>>) attributes {dimension_semantics = [#tpu.dimension_semantics<core_parallel>, #tpu.dimension_semantics<subcore_parallel>], iteration_bounds = array<i64: 2, 16>, scalar_prefetch = 0 : i64, scratch_operands = 18 : i64, tpu.core_type = #tpu.core_type<sc_vector_subcore>, window_params = [{transform_indices = #map}, {transform_indices = #map}, {transform_indices = #map}, {transform_indices = #map}, {transform_indices = #map}, {transform_indices = #map}, {transform_indices = #map}, {transform_indices = #map1}]} {
    %mul3A = arith.constant 2 : i32
    %mul3A_0 = arith.muli %arg1, %mul3A : i32
    %add3A = arith.addi %mul3A_0, %arg0 : i32
    %mul3A_1 = arith.constant 40 : i32
    %mul3A_2 = arith.muli %add3A, %mul3A_1 : i32
    %mul3A_3 = arith.constant 128 : i32
    %mul3A_4 = arith.muli %mul3A_2, %mul3A_3 : i32
    %mul3A_5 = arith.constant 40 : i32
    %mul3A_6 = arith.muli %add3A, %mul3A_5 : i32
    "tpu.region"() ({
      %run_scoped3A = tpu.sem_alloc : memref<!tpu.dma_semaphore, #tpu.memory_space<semaphore_mem>>
      %dma_start3A = arith.constant 0 : i32
      %dma_start3A_30 = tpu.memref_slice %arg5[%mul3A_6, %dma_start3A] : memref<1280x128xi32, #tpu.memory_space<hbm>> -> memref<40x128xi32, #tpu.memory_space<hbm>>
      %dma_start3A_31 = arith.constant 0 : i32
      %dma_start3A_32 = tpu.memref_slice %arg5[%mul3A_6, %dma_start3A_31] : memref<1280x128xi32, #tpu.memory_space<hbm>> -> memref<40x128xi32, #tpu.memory_space<hbm>>
      tpu.enqueue_dma source(%dma_start3A_32 : memref<40x128xi32, #tpu.memory_space<hbm>>) target(%arg10 : memref<40x128xi32, #tpu.memory_space<vmem>>) target_semaphore(%run_scoped3A : memref<!tpu.dma_semaphore, #tpu.memory_space<semaphore_mem>>)
      %dma_wait3A = arith.constant 0 : i32
      %dma_wait3A_33 = tpu.memref_slice %arg5[%mul3A_6, %dma_wait3A] : memref<1280x128xi32, #tpu.memory_space<hbm>> -> memref<40x128xi32, #tpu.memory_space<hbm>>
      %dma_wait3A_34 = arith.constant 0 : i32
      %dma_wait3A_35 = tpu.memref_slice %arg5[%mul3A_6, %dma_wait3A_34] : memref<1280x128xi32, #tpu.memory_space<hbm>> -> memref<40x128xi32, #tpu.memory_space<hbm>>
      tpu.wait_dma2 semaphore(%run_scoped3A : memref<!tpu.dma_semaphore, #tpu.memory_space<semaphore_mem>>) src(%dma_wait3A_35 : memref<40x128xi32, #tpu.memory_space<hbm>>) dst(%arg10 : memref<40x128xi32, #tpu.memory_space<vmem>>)
      tpu.yield
    }) : () -> ()
    %mul3A_7 = arith.constant 40 : i32
    %mul3A_8 = arith.muli %add3A, %mul3A_7 : i32
    "tpu.region"() ({
      %run_scoped3A = tpu.sem_alloc : memref<!tpu.dma_semaphore, #tpu.memory_space<semaphore_mem>>
      %dma_start3A = arith.constant 0 : i32
      %dma_start3A_30 = tpu.memref_slice %arg6[%mul3A_8, %dma_start3A] : memref<1280x128xi32, #tpu.memory_space<hbm>> -> memref<40x128xi32, #tpu.memory_space<hbm>>
      %dma_start3A_31 = arith.constant 0 : i32
      %dma_start3A_32 = tpu.memref_slice %arg6[%mul3A_8, %dma_start3A_31] : memref<1280x128xi32, #tpu.memory_space<hbm>> -> memref<40x128xi32, #tpu.memory_space<hbm>>
      tpu.enqueue_dma source(%dma_start3A_32 : memref<40x128xi32, #tpu.memory_space<hbm>>) target(%arg11 : memref<40x128xi32, #tpu.memory_space<vmem>>) target_semaphore(%run_scoped3A : memref<!tpu.dma_semaphore, #tpu.memory_space<semaphore_mem>>)
      %dma_wait3A = arith.constant 0 : i32
      %dma_wait3A_33 = tpu.memref_slice %arg6[%mul3A_8, %dma_wait3A] : memref<1280x128xi32, #tpu.memory_space<hbm>> -> memref<40x128xi32, #tpu.memory_space<hbm>>
      %dma_wait3A_34 = arith.constant 0 : i32
      %dma_wait3A_35 = tpu.memref_slice %arg6[%mul3A_8, %dma_wait3A_34] : memref<1280x128xi32, #tpu.memory_space<hbm>> -> memref<40x128xi32, #tpu.memory_space<hbm>>
      tpu.wait_dma2 semaphore(%run_scoped3A : memref<!tpu.dma_semaphore, #tpu.memory_space<semaphore_mem>>) src(%dma_wait3A_35 : memref<40x128xi32, #tpu.memory_space<hbm>>) dst(%arg11 : memref<40x128xi32, #tpu.memory_space<vmem>>)
      tpu.yield
    }) : () -> ()
    %mul3A_9 = arith.constant 624 : i32
    %mul3A_10 = arith.muli %arg1, %mul3A_9 : i32
    "tpu.region"() ({
      %run_scoped3A = tpu.sem_alloc : memref<!tpu.dma_semaphore, #tpu.memory_space<semaphore_mem>>
      %dma_start3A = arith.constant 0 : i32
      %dma_start3A_30 = tpu.memref_slice %arg7[%mul3A_10, %dma_start3A] : memref<10000x32xf32, #tpu.memory_space<hbm>> -> memref<624x32xf32, #tpu.memory_space<hbm>>
      %dma_start3A_31 = arith.constant 0 : i32
      %dma_start3A_32 = tpu.memref_slice %arg7[%mul3A_10, %dma_start3A_31] : memref<10000x32xf32, #tpu.memory_space<hbm>> -> memref<624x32xf32, #tpu.memory_space<hbm>>
      tpu.enqueue_dma source(%dma_start3A_32 : memref<624x32xf32, #tpu.memory_space<hbm>>) target(%arg20 : memref<624x32xf32, #tpu.memory_space<vmem>>) target_semaphore(%run_scoped3A : memref<!tpu.dma_semaphore, #tpu.memory_space<semaphore_mem>>)
      %dma_wait3A = arith.constant 0 : i32
      %dma_wait3A_33 = tpu.memref_slice %arg7[%mul3A_10, %dma_wait3A] : memref<10000x32xf32, #tpu.memory_space<hbm>> -> memref<624x32xf32, #tpu.memory_space<hbm>>
      %dma_wait3A_34 = arith.constant 0 : i32
      %dma_wait3A_35 = tpu.memref_slice %arg7[%mul3A_10, %dma_wait3A_34] : memref<10000x32xf32, #tpu.memory_space<hbm>> -> memref<624x32xf32, #tpu.memory_space<hbm>>
      tpu.wait_dma2 semaphore(%run_scoped3A : memref<!tpu.dma_semaphore, #tpu.memory_space<semaphore_mem>>) src(%dma_wait3A_35 : memref<624x32xf32, #tpu.memory_space<hbm>>) dst(%arg20 : memref<624x32xf32, #tpu.memory_space<vmem>>)
      tpu.yield
    }) : () -> ()
    %mul3A_11 = arith.constant 624 : i32
    %mul3A_12 = arith.muli %arg1, %mul3A_11 : i32
    "tpu.region"() ({
      %run_scoped3A = tpu.sem_alloc : memref<!tpu.dma_semaphore, #tpu.memory_space<semaphore_mem>>
      %dma_start3A = arith.constant 0 : i32
      %dma_start3A_30 = tpu.memref_slice %arg21[%mul3A_12, %dma_start3A] : memref<10000x32xf32, #tpu.memory_space<vmem_shared>> -> memref<624x32xf32, #tpu.memory_space<vmem_shared>>
      %dma_start3A_31 = arith.constant 0 : i32
      %dma_start3A_32 = tpu.memref_slice %arg21[%mul3A_12, %dma_start3A_31] : memref<10000x32xf32, #tpu.memory_space<vmem_shared>> -> memref<624x32xf32, #tpu.memory_space<vmem_shared>>
      tpu.enqueue_dma source(%arg20 : memref<624x32xf32, #tpu.memory_space<vmem>>) target(%dma_start3A_32 : memref<624x32xf32, #tpu.memory_space<vmem_shared>>) target_semaphore(%run_scoped3A : memref<!tpu.dma_semaphore, #tpu.memory_space<semaphore_mem>>)
      %dma_wait3A = arith.constant 0 : i32
      %dma_wait3A_33 = tpu.memref_slice %arg21[%mul3A_12, %dma_wait3A] : memref<10000x32xf32, #tpu.memory_space<vmem_shared>> -> memref<624x32xf32, #tpu.memory_space<vmem_shared>>
      %dma_wait3A_34 = arith.constant 0 : i32
      %dma_wait3A_35 = tpu.memref_slice %arg21[%mul3A_12, %dma_wait3A_34] : memref<10000x32xf32, #tpu.memory_space<vmem_shared>> -> memref<624x32xf32, #tpu.memory_space<vmem_shared>>
      tpu.wait_dma2 semaphore(%run_scoped3A : memref<!tpu.dma_semaphore, #tpu.memory_space<semaphore_mem>>) src(%arg20 : memref<624x32xf32, #tpu.memory_space<vmem>>) dst(%dma_wait3A_35 : memref<624x32xf32, #tpu.memory_space<vmem_shared>>)
      tpu.yield
    }) : () -> ()
    %eq3A = arith.constant 0 : i32
    %eq3A_13 = arith.cmpi eq, %arg1, %eq3A : i32
    %convert_element_type3A = arith.extui %eq3A_13 : i1 to i32
    %cond3A = arith.constant 0 : i32
    %cond3A_14 = arith.cmpi ne, %convert_element_type3A, %cond3A : i32
    scf.if %cond3A_14 {
      "tpu.region"() ({
        %run_scoped3A = tpu.sem_alloc : memref<!tpu.dma_semaphore, #tpu.memory_space<semaphore_mem>>
        %dma_start3A = arith.constant 0 : i32
        %dma_start3A_30 = arith.constant 0 : i32
        %dma_start3A_31 = tpu.memref_slice %arg20[%dma_start3A, %dma_start3A_30] : memref<624x32xf32, #tpu.memory_space<vmem>> -> memref<16x32xf32, #tpu.memory_space<vmem>>
        %dma_start3A_32 = arith.constant 9984 : i32
        %dma_start3A_33 = arith.constant 0 : i32
        %dma_start3A_34 = tpu.memref_slice %arg7[%dma_start3A_32, %dma_start3A_33] : memref<10000x32xf32, #tpu.memory_space<hbm>> -> memref<16x32xf32, #tpu.memory_space<hbm>>
        %dma_start3A_35 = arith.constant 0 : i32
        %dma_start3A_36 = arith.constant 0 : i32
        %dma_start3A_37 = tpu.memref_slice %arg20[%dma_start3A_35, %dma_start3A_36] : memref<624x32xf32, #tpu.memory_space<vmem>> -> memref<16x32xf32, #tpu.memory_space<vmem>>
        %dma_start3A_38 = arith.constant 9984 : i32
        %dma_start3A_39 = arith.constant 0 : i32
        %dma_start3A_40 = tpu.memref_slice %arg7[%dma_start3A_38, %dma_start3A_39] : memref<10000x32xf32, #tpu.memory_space<hbm>> -> memref<16x32xf32, #tpu.memory_space<hbm>>
        tpu.enqueue_dma source(%dma_start3A_40 : memref<16x32xf32, #tpu.memory_space<hbm>>) target(%dma_start3A_37 : memref<16x32xf32, #tpu.memory_space<vmem>>) target_semaphore(%run_scoped3A : memref<!tpu.dma_semaphore, #tpu.memory_space<semaphore_mem>>)
        %dma_wait3A = arith.constant 0 : i32
        %dma_wait3A_41 = arith.constant 0 : i32
        %dma_wait3A_42 = tpu.memref_slice %arg20[%dma_wait3A, %dma_wait3A_41] : memref<624x32xf32, #tpu.memory_space<vmem>> -> memref<16x32xf32, #tpu.memory_space<vmem>>
        %dma_wait3A_43 = arith.constant 9984 : i32
        %dma_wait3A_44 = arith.constant 0 : i32
        %dma_wait3A_45 = tpu.memref_slice %arg7[%dma_wait3A_43, %dma_wait3A_44] : memref<10000x32xf32, #tpu.memory_space<hbm>> -> memref<16x32xf32, #tpu.memory_space<hbm>>
        %dma_wait3A_46 = arith.constant 0 : i32
        %dma_wait3A_47 = arith.constant 0 : i32
        %dma_wait3A_48 = tpu.memref_slice %arg20[%dma_wait3A_46, %dma_wait3A_47] : memref<624x32xf32, #tpu.memory_space<vmem>> -> memref<16x32xf32, #tpu.memory_space<vmem>>
        %dma_wait3A_49 = arith.constant 9984 : i32
        %dma_wait3A_50 = arith.constant 0 : i32
        %dma_wait3A_51 = tpu.memref_slice %arg7[%dma_wait3A_49, %dma_wait3A_50] : memref<10000x32xf32, #tpu.memory_space<hbm>> -> memref<16x32xf32, #tpu.memory_space<hbm>>
        tpu.wait_dma2 semaphore(%run_scoped3A : memref<!tpu.dma_semaphore, #tpu.memory_space<semaphore_mem>>) src(%dma_wait3A_51 : memref<16x32xf32, #tpu.memory_space<hbm>>) dst(%dma_wait3A_48 : memref<16x32xf32, #tpu.memory_space<vmem>>)
        tpu.yield
      }) : () -> ()
      "tpu.region"() ({
        %run_scoped3A = tpu.sem_alloc : memref<!tpu.dma_semaphore, #tpu.memory_space<semaphore_mem>>
        %dma_start3A = arith.constant 0 : i32
        %dma_start3A_30 = arith.constant 0 : i32
        %dma_start3A_31 = tpu.memref_slice %arg20[%dma_start3A, %dma_start3A_30] : memref<624x32xf32, #tpu.memory_space<vmem>> -> memref<16x32xf32, #tpu.memory_space<vmem>>
        %dma_start3A_32 = arith.constant 9984 : i32
        %dma_start3A_33 = arith.constant 0 : i32
        %dma_start3A_34 = tpu.memref_slice %arg21[%dma_start3A_32, %dma_start3A_33] : memref<10000x32xf32, #tpu.memory_space<vmem_shared>> -> memref<16x32xf32, #tpu.memory_space<vmem_shared>>
        %dma_start3A_35 = arith.constant 9984 : i32
        %dma_start3A_36 = arith.constant 0 : i32
        %dma_start3A_37 = tpu.memref_slice %arg21[%dma_start3A_35, %dma_start3A_36] : memref<10000x32xf32, #tpu.memory_space<vmem_shared>> -> memref<16x32xf32, #tpu.memory_space<vmem_shared>>
        %dma_start3A_38 = arith.constant 0 : i32
        %dma_start3A_39 = arith.constant 0 : i32
        %dma_start3A_40 = tpu.memref_slice %arg20[%dma_start3A_38, %dma_start3A_39] : memref<624x32xf32, #tpu.memory_space<vmem>> -> memref<16x32xf32, #tpu.memory_space<vmem>>
        tpu.enqueue_dma source(%dma_start3A_40 : memref<16x32xf32, #tpu.memory_space<vmem>>) target(%dma_start3A_37 : memref<16x32xf32, #tpu.memory_space<vmem_shared>>) target_semaphore(%run_scoped3A : memref<!tpu.dma_semaphore, #tpu.memory_space<semaphore_mem>>)
        %dma_wait3A = arith.constant 0 : i32
        %dma_wait3A_41 = arith.constant 0 : i32
        %dma_wait3A_42 = tpu.memref_slice %arg20[%dma_wait3A, %dma_wait3A_41] : memref<624x32xf32, #tpu.memory_space<vmem>> -> memref<16x32xf32, #tpu.memory_space<vmem>>
        %dma_wait3A_43 = arith.constant 9984 : i32
        %dma_wait3A_44 = arith.constant 0 : i32
        %dma_wait3A_45 = tpu.memref_slice %arg21[%dma_wait3A_43, %dma_wait3A_44] : memref<10000x32xf32, #tpu.memory_space<vmem_shared>> -> memref<16x32xf32, #tpu.memory_space<vmem_shared>>
        %dma_wait3A_46 = arith.constant 9984 : i32
        %dma_wait3A_47 = arith.constant 0 : i32
        %dma_wait3A_48 = tpu.memref_slice %arg21[%dma_wait3A_46, %dma_wait3A_47] : memref<10000x32xf32, #tpu.memory_space<vmem_shared>> -> memref<16x32xf32, #tpu.memory_space<vmem_shared>>
        %dma_wait3A_49 = arith.constant 0 : i32
        %dma_wait3A_50 = arith.constant 0 : i32
        %dma_wait3A_51 = tpu.memref_slice %arg20[%dma_wait3A_49, %dma_wait3A_50] : memref<624x32xf32, #tpu.memory_space<vmem>> -> memref<16x32xf32, #tpu.memory_space<vmem>>
        tpu.wait_dma2 semaphore(%run_scoped3A : memref<!tpu.dma_semaphore, #tpu.memory_space<semaphore_mem>>) src(%dma_wait3A_51 : memref<16x32xf32, #tpu.memory_space<vmem>>) dst(%dma_wait3A_48 : memref<16x32xf32, #tpu.memory_space<vmem_shared>>)
        tpu.yield
      }) : () -> ()
    } else {
    }
    %barrier3A = arith.constant 0 : index
    tpu.barrier barrier_id(%barrier3A)
    %scan3A = arith.constant 0 : i32
    %scan3A_15 = arith.constant 0 : i32
    %scan3A_16 = arith.constant 20 : i32
    %scan3A_17 = arith.addi %scan3A_15, %scan3A_16 : i32
    %scan3A_18 = arith.constant 1 : i32
    scf.for %scan3A_30 = %scan3A_15 to %scan3A_17 step %scan3A_18  : i32 {
      %mul3A_31 = arith.constant 2 : i32
      %mul3A_32 = arith.muli %mul3A_31, %scan3A_30 : i32
      %mul3A_33 = arith.constant 2 : i32
      %mul3A_34 = arith.muli %mul3A_33, %scan3A_30 : i32
      %add3A_35 = arith.constant 1 : i32
      %add3A_36 = arith.addi %mul3A_34, %add3A_35 : i32
      %dma_start3A = arith.constant 0 : i32
      %dma_start3A_37 = tpu.memref_slice %arg11[%mul3A_32, %dma_start3A] : memref<40x128xi32, #tpu.memory_space<vmem>> -> memref<1x128xi32, #tpu.memory_space<vmem>>
      %dma_start3A_38 = tpu.memref_squeeze %dma_start3A_37 : memref<1x128xi32, #tpu.memory_space<vmem>> -> memref<128xi32, #tpu.memory_space<vmem>>
      %dma_start3A_39 = arith.constant 0 : i32
      %dma_start3A_40 = arith.constant 0 : i32
      %dma_start3A_41 = tpu.memref_slice %arg2[%dma_start3A_39, %dma_start3A_40] : memref<10000x32xf32, #tpu.memory_space<hbm>> -> memref<10000x32xf32, #tpu.memory_space<hbm>>
      tpu.enqueue_indirect_dma source(%dma_start3A_41 : memref<10000x32xf32, #tpu.memory_space<hbm>>) target(%arg13 : memref<128x32xf32, #tpu.memory_space<vmem>>) offsets(%dma_start3A_38 : memref<128xi32, #tpu.memory_space<vmem>>) semaphore(%arg22 : memref<!tpu.dma_semaphore, #tpu.memory_space<semaphore_mem>>)
      %dma_start3A_42 = arith.constant 0 : i32
      %dma_start3A_43 = tpu.memref_slice %arg10[%mul3A_32, %dma_start3A_42] : memref<40x128xi32, #tpu.memory_space<vmem>> -> memref<1x128xi32, #tpu.memory_space<vmem>>
      %dma_start3A_44 = tpu.memref_squeeze %dma_start3A_43 : memref<1x128xi32, #tpu.memory_space<vmem>> -> memref<128xi32, #tpu.memory_space<vmem>>
      %dma_start3A_45 = arith.constant 0 : i32
      %dma_start3A_46 = arith.constant 0 : i32
      %dma_start3A_47 = tpu.memref_slice %arg3[%dma_start3A_45, %dma_start3A_46] : memref<10000x32xf32, #tpu.memory_space<hbm>> -> memref<10000x32xf32, #tpu.memory_space<hbm>>
      tpu.enqueue_indirect_dma source(%dma_start3A_47 : memref<10000x32xf32, #tpu.memory_space<hbm>>) target(%arg14 : memref<128x32xf32, #tpu.memory_space<vmem>>) offsets(%dma_start3A_44 : memref<128xi32, #tpu.memory_space<vmem>>) semaphore(%arg23 : memref<!tpu.dma_semaphore, #tpu.memory_space<semaphore_mem>>)
      %mul3A_48 = arith.constant 128 : i32
      %mul3A_49 = arith.muli %mul3A_32, %mul3A_48 : i32
      %add3A_50 = arith.addi %mul3A_4, %mul3A_49 : i32
      %dma_start3A_51 = arith.constant 0 : i32
      %dma_start3A_52 = tpu.memref_slice %arg4[%add3A_50, %dma_start3A_51] : memref<163840x32xf32, #tpu.memory_space<hbm>> -> memref<128x32xf32, #tpu.memory_space<hbm>>
      %dma_start3A_53 = arith.constant 0 : i32
      %dma_start3A_54 = tpu.memref_slice %arg4[%add3A_50, %dma_start3A_53] : memref<163840x32xf32, #tpu.memory_space<hbm>> -> memref<128x32xf32, #tpu.memory_space<hbm>>
      tpu.enqueue_dma source(%dma_start3A_54 : memref<128x32xf32, #tpu.memory_space<hbm>>) target(%arg12 : memref<128x32xf32, #tpu.memory_space<vmem>>) target_semaphore(%arg24 : memref<!tpu.dma_semaphore, #tpu.memory_space<semaphore_mem>>)
      %dma_start3A_55 = arith.constant 0 : i32
      %dma_start3A_56 = tpu.memref_slice %arg11[%add3A_36, %dma_start3A_55] : memref<40x128xi32, #tpu.memory_space<vmem>> -> memref<1x128xi32, #tpu.memory_space<vmem>>
      %dma_start3A_57 = tpu.memref_squeeze %dma_start3A_56 : memref<1x128xi32, #tpu.memory_space<vmem>> -> memref<128xi32, #tpu.memory_space<vmem>>
      %dma_start3A_58 = arith.constant 0 : i32
      %dma_start3A_59 = arith.constant 0 : i32
      %dma_start3A_60 = tpu.memref_slice %arg2[%dma_start3A_58, %dma_start3A_59] : memref<10000x32xf32, #tpu.memory_space<hbm>> -> memref<10000x32xf32, #tpu.memory_space<hbm>>
      tpu.enqueue_indirect_dma source(%dma_start3A_60 : memref<10000x32xf32, #tpu.memory_space<hbm>>) target(%arg16 : memref<128x32xf32, #tpu.memory_space<vmem>>) offsets(%dma_start3A_57 : memref<128xi32, #tpu.memory_space<vmem>>) semaphore(%arg25 : memref<!tpu.dma_semaphore, #tpu.memory_space<semaphore_mem>>)
      %dma_start3A_61 = arith.constant 0 : i32
      %dma_start3A_62 = tpu.memref_slice %arg10[%add3A_36, %dma_start3A_61] : memref<40x128xi32, #tpu.memory_space<vmem>> -> memref<1x128xi32, #tpu.memory_space<vmem>>
      %dma_start3A_63 = tpu.memref_squeeze %dma_start3A_62 : memref<1x128xi32, #tpu.memory_space<vmem>> -> memref<128xi32, #tpu.memory_space<vmem>>
      %dma_start3A_64 = arith.constant 0 : i32
      %dma_start3A_65 = arith.constant 0 : i32
      %dma_start3A_66 = tpu.memref_slice %arg3[%dma_start3A_64, %dma_start3A_65] : memref<10000x32xf32, #tpu.memory_space<hbm>> -> memref<10000x32xf32, #tpu.memory_space<hbm>>
      tpu.enqueue_indirect_dma source(%dma_start3A_66 : memref<10000x32xf32, #tpu.memory_space<hbm>>) target(%arg17 : memref<128x32xf32, #tpu.memory_space<vmem>>) offsets(%dma_start3A_63 : memref<128xi32, #tpu.memory_space<vmem>>) semaphore(%arg26 : memref<!tpu.dma_semaphore, #tpu.memory_space<semaphore_mem>>)
      %mul3A_67 = arith.constant 128 : i32
      %mul3A_68 = arith.muli %add3A_36, %mul3A_67 : i32
      %add3A_69 = arith.addi %mul3A_4, %mul3A_68 : i32
      %dma_start3A_70 = arith.constant 0 : i32
      %dma_start3A_71 = tpu.memref_slice %arg4[%add3A_69, %dma_start3A_70] : memref<163840x32xf32, #tpu.memory_space<hbm>> -> memref<128x32xf32, #tpu.memory_space<hbm>>
      %dma_start3A_72 = arith.constant 0 : i32
      %dma_start3A_73 = tpu.memref_slice %arg4[%add3A_69, %dma_start3A_72] : memref<163840x32xf32, #tpu.memory_space<hbm>> -> memref<128x32xf32, #tpu.memory_space<hbm>>
      tpu.enqueue_dma source(%dma_start3A_73 : memref<128x32xf32, #tpu.memory_space<hbm>>) target(%arg15 : memref<128x32xf32, #tpu.memory_space<vmem>>) target_semaphore(%arg27 : memref<!tpu.dma_semaphore, #tpu.memory_space<semaphore_mem>>)
      %dma_wait3A = arith.constant 0 : i32
      %dma_wait3A_74 = tpu.memref_slice %arg11[%mul3A_32, %dma_wait3A] : memref<40x128xi32, #tpu.memory_space<vmem>> -> memref<1x128xi32, #tpu.memory_space<vmem>>
      %dma_wait3A_75 = tpu.memref_squeeze %dma_wait3A_74 : memref<1x128xi32, #tpu.memory_space<vmem>> -> memref<128xi32, #tpu.memory_space<vmem>>
      %dma_wait3A_76 = arith.constant 0 : i32
      %dma_wait3A_77 = arith.constant 0 : i32
      %dma_wait3A_78 = tpu.memref_slice %arg2[%dma_wait3A_76, %dma_wait3A_77] : memref<10000x32xf32, #tpu.memory_space<hbm>> -> memref<10000x32xf32, #tpu.memory_space<hbm>>
      tpu.wait_indirect_dma semaphore(%arg22 : memref<!tpu.dma_semaphore, #tpu.memory_space<semaphore_mem>>) src(%dma_wait3A_78 : memref<10000x32xf32, #tpu.memory_space<hbm>>) dst(%arg13 : memref<128x32xf32, #tpu.memory_space<vmem>>)
      %dma_wait3A_79 = arith.constant 0 : i32
      %dma_wait3A_80 = tpu.memref_slice %arg10[%mul3A_32, %dma_wait3A_79] : memref<40x128xi32, #tpu.memory_space<vmem>> -> memref<1x128xi32, #tpu.memory_space<vmem>>
      %dma_wait3A_81 = tpu.memref_squeeze %dma_wait3A_80 : memref<1x128xi32, #tpu.memory_space<vmem>> -> memref<128xi32, #tpu.memory_space<vmem>>
      %dma_wait3A_82 = arith.constant 0 : i32
      %dma_wait3A_83 = arith.constant 0 : i32
      %dma_wait3A_84 = tpu.memref_slice %arg3[%dma_wait3A_82, %dma_wait3A_83] : memref<10000x32xf32, #tpu.memory_space<hbm>> -> memref<10000x32xf32, #tpu.memory_space<hbm>>
      tpu.wait_indirect_dma semaphore(%arg23 : memref<!tpu.dma_semaphore, #tpu.memory_space<semaphore_mem>>) src(%dma_wait3A_84 : memref<10000x32xf32, #tpu.memory_space<hbm>>) dst(%arg14 : memref<128x32xf32, #tpu.memory_space<vmem>>)
      %dma_wait3A_85 = arith.constant 0 : i32
      %dma_wait3A_86 = tpu.memref_slice %arg4[%add3A_50, %dma_wait3A_85] : memref<163840x32xf32, #tpu.memory_space<hbm>> -> memref<128x32xf32, #tpu.memory_space<hbm>>
      %dma_wait3A_87 = arith.constant 0 : i32
      %dma_wait3A_88 = tpu.memref_slice %arg4[%add3A_50, %dma_wait3A_87] : memref<163840x32xf32, #tpu.memory_space<hbm>> -> memref<128x32xf32, #tpu.memory_space<hbm>>
      tpu.wait_dma2 semaphore(%arg24 : memref<!tpu.dma_semaphore, #tpu.memory_space<semaphore_mem>>) src(%dma_wait3A_88 : memref<128x32xf32, #tpu.memory_space<hbm>>) dst(%arg12 : memref<128x32xf32, #tpu.memory_space<vmem>>)
      %parallel_loop3A = arith.constant 0 : i32
      %parallel_loop3A_89 = arith.constant 256 : i32
      %parallel_loop3A_90 = arith.constant 1 : i32
      scf.for %parallel_loop3A_122 = %parallel_loop3A to %parallel_loop3A_89 step %parallel_loop3A_90  : i32 {
        %parallel_loop3A_123 = arith.constant 1 : i32
        %parallel_loop3A_124 = arith.shrsi %parallel_loop3A_122, %parallel_loop3A_123 : i32
        %parallel_loop3A_125 = arith.constant 1 : i32
        %parallel_loop3A_126 = arith.andi %parallel_loop3A_122, %parallel_loop3A_125 : i32
        %parallel_loop3A_127 = arith.constant 16 : i32
        %parallel_loop3A_128 = arith.muli %parallel_loop3A_126, %parallel_loop3A_127 : i32
        %parallel_loop3A_129 = arith.index_cast %parallel_loop3A_124 : i32 to index
        %parallel_loop3A_130 = arith.index_cast %parallel_loop3A_128 : i32 to index
        %parallel_loop3A_131 = tpu.vector_load %arg13[%parallel_loop3A_129, %parallel_loop3A_130] {strides = array<i32>} : memref<128x32xf32, #tpu.memory_space<vmem>>, vector<1x16xf32>,
        %parallel_loop3A_132 = vector.shape_cast %parallel_loop3A_131 : vector<1x16xf32> to vector<16xf32>
        %parallel_loop3A_133 = arith.index_cast %parallel_loop3A_124 : i32 to index
        %parallel_loop3A_134 = arith.index_cast %parallel_loop3A_128 : i32 to index
        %parallel_loop3A_135 = tpu.vector_load %arg14[%parallel_loop3A_133, %parallel_loop3A_134] {strides = array<i32>} : memref<128x32xf32, #tpu.memory_space<vmem>>, vector<1x16xf32>,
        %parallel_loop3A_136 = vector.shape_cast %parallel_loop3A_135 : vector<1x16xf32> to vector<16xf32>
        %parallel_loop3A_137 = arith.mulf %parallel_loop3A_132, %parallel_loop3A_136 : vector<16xf32>
        %parallel_loop3A_138 = arith.index_cast %parallel_loop3A_124 : i32 to index
        %parallel_loop3A_139 = arith.index_cast %parallel_loop3A_128 : i32 to index
        %parallel_loop3A_140 = tpu.vector_load %arg18[%parallel_loop3A_138, %parallel_loop3A_139] {strides = array<i32>} : memref<128x32xf32, #tpu.memory_space<vmem>>, vector<1x16xf32>,
        %parallel_loop3A_141 = vector.shape_cast %parallel_loop3A_140 : vector<1x16xf32> to vector<16xf32>
        %parallel_loop3A_142 = vector.shape_cast %parallel_loop3A_137 : vector<16xf32> to vector<1x16xf32>
        tpu.vector_store %arg18[%parallel_loop3A_138, %parallel_loop3A_139], %parallel_loop3A_142 {strides = array<i32>} : memref<128x32xf32, #tpu.memory_space<vmem>>, vector<1x16xf32>,
      } {sc.loop_unroll_factor = 8 : i64, sc.parallel_access}
      %mul3A_91 = arith.constant 128 : i32
      %mul3A_92 = arith.muli %mul3A_32, %mul3A_91 : i32
      %add3A_93 = arith.addi %mul3A_4, %mul3A_92 : i32
      "tpu.region"() ({
        %run_scoped3A = tpu.sem_alloc : memref<!tpu.dma_semaphore, #tpu.memory_space<semaphore_mem>>
        %dma_start3A_122 = arith.constant 0 : i32
        %dma_start3A_123 = tpu.memref_slice %arg8[%add3A_93, %dma_start3A_122] : memref<163840x32xf32, #tpu.memory_space<hbm>> -> memref<128x32xf32, #tpu.memory_space<hbm>>
        %dma_start3A_124 = arith.constant 0 : i32
        %dma_start3A_125 = tpu.memref_slice %arg8[%add3A_93, %dma_start3A_124] : memref<163840x32xf32, #tpu.memory_space<hbm>> -> memref<128x32xf32, #tpu.memory_space<hbm>>
        tpu.enqueue_dma source(%arg18 : memref<128x32xf32, #tpu.memory_space<vmem>>) target(%dma_start3A_125 : memref<128x32xf32, #tpu.memory_space<hbm>>) target_semaphore(%run_scoped3A : memref<!tpu.dma_semaphore, #tpu.memory_space<semaphore_mem>>)
        %dma_wait3A_126 = arith.constant 0 : i32
        %dma_wait3A_127 = tpu.memref_slice %arg8[%add3A_93, %dma_wait3A_126] : memref<163840x32xf32, #tpu.memory_space<hbm>> -> memref<128x32xf32, #tpu.memory_space<hbm>>
        %dma_wait3A_128 = arith.constant 0 : i32
        %dma_wait3A_129 = tpu.memref_slice %arg8[%add3A_93, %dma_wait3A_128] : memref<163840x32xf32, #tpu.memory_space<hbm>> -> memref<128x32xf32, #tpu.memory_space<hbm>>
        tpu.wait_dma2 semaphore(%run_scoped3A : memref<!tpu.dma_semaphore, #tpu.memory_space<semaphore_mem>>) src(%arg18 : memref<128x32xf32, #tpu.memory_space<vmem>>) dst(%dma_wait3A_129 : memref<128x32xf32, #tpu.memory_space<hbm>>)
        tpu.yield
      }) : () -> ()
      %parallel_loop3A_94 = arith.constant 0 : i32
      %parallel_loop3A_95 = arith.constant 256 : i32
      %parallel_loop3A_96 = arith.constant 1 : i32
      scf.for %parallel_loop3A_122 = %parallel_loop3A_94 to %parallel_loop3A_95 step %parallel_loop3A_96  : i32 {
        %parallel_loop3A_123 = arith.constant 1 : i32
        %parallel_loop3A_124 = arith.shrsi %parallel_loop3A_122, %parallel_loop3A_123 : i32
        %parallel_loop3A_125 = arith.constant 1 : i32
        %parallel_loop3A_126 = arith.andi %parallel_loop3A_122, %parallel_loop3A_125 : i32
        %parallel_loop3A_127 = arith.constant 16 : i32
        %parallel_loop3A_128 = arith.muli %parallel_loop3A_126, %parallel_loop3A_127 : i32
        %parallel_loop3A_129 = arith.index_cast %parallel_loop3A_124 : i32 to index
        %parallel_loop3A_130 = arith.index_cast %parallel_loop3A_128 : i32 to index
        %parallel_loop3A_131 = tpu.vector_load %arg13[%parallel_loop3A_129, %parallel_loop3A_130] {strides = array<i32>} : memref<128x32xf32, #tpu.memory_space<vmem>>, vector<1x16xf32>,
        %parallel_loop3A_132 = vector.shape_cast %parallel_loop3A_131 : vector<1x16xf32> to vector<16xf32>
        %parallel_loop3A_133 = arith.index_cast %parallel_loop3A_124 : i32 to index
        %parallel_loop3A_134 = arith.index_cast %parallel_loop3A_128 : i32 to index
        %parallel_loop3A_135 = tpu.vector_load %arg12[%parallel_loop3A_133, %parallel_loop3A_134] {strides = array<i32>} : memref<128x32xf32, #tpu.memory_space<vmem>>, vector<1x16xf32>,
        %parallel_loop3A_136 = vector.shape_cast %parallel_loop3A_135 : vector<1x16xf32> to vector<16xf32>
        %parallel_loop3A_137 = arith.mulf %parallel_loop3A_132, %parallel_loop3A_136 : vector<16xf32>
        %parallel_loop3A_138 = arith.index_cast %parallel_loop3A_124 : i32 to index
        %parallel_loop3A_139 = arith.index_cast %parallel_loop3A_128 : i32 to index
        %parallel_loop3A_140 = tpu.vector_load %arg19[%parallel_loop3A_138, %parallel_loop3A_139] {strides = array<i32>} : memref<128x32xf32, #tpu.memory_space<vmem>>, vector<1x16xf32>,
        %parallel_loop3A_141 = vector.shape_cast %parallel_loop3A_140 : vector<1x16xf32> to vector<16xf32>
        %parallel_loop3A_142 = vector.shape_cast %parallel_loop3A_137 : vector<16xf32> to vector<1x16xf32>
        tpu.vector_store %arg19[%parallel_loop3A_138, %parallel_loop3A_139], %parallel_loop3A_142 {strides = array<i32>} : memref<128x32xf32, #tpu.memory_space<vmem>>, vector<1x16xf32>,
      } {sc.loop_unroll_factor = 8 : i64, sc.parallel_access}
      "tpu.region"() ({
        %run_scoped3A = tpu.sem_alloc : memref<!tpu.dma_semaphore, #tpu.memory_space<semaphore_mem>>
        %dma_start3A_122 = arith.constant 0 : i32
        %dma_start3A_123 = tpu.memref_slice %arg10[%mul3A_32, %dma_start3A_122] : memref<40x128xi32, #tpu.memory_space<vmem>> -> memref<1x128xi32, #tpu.memory_space<vmem>>
        %dma_start3A_124 = tpu.memref_squeeze %dma_start3A_123 : memref<1x128xi32, #tpu.memory_space<vmem>> -> memref<128xi32, #tpu.memory_space<vmem>>
        %dma_start3A_125 = arith.constant 0 : i32
        %dma_start3A_126 = arith.constant 0 : i32
        %dma_start3A_127 = tpu.memref_slice %arg21[%dma_start3A_125, %dma_start3A_126] : memref<10000x32xf32, #tpu.memory_space<vmem_shared>> -> memref<10000x32xf32, #tpu.memory_space<vmem_shared>>
        tpu.enqueue_indirect_dma source(%arg19 : memref<128x32xf32, #tpu.memory_space<vmem>>) target(%dma_start3A_127 : memref<10000x32xf32, #tpu.memory_space<vmem_shared>>) offsets(%dma_start3A_124 : memref<128xi32, #tpu.memory_space<vmem>>) semaphore(%run_scoped3A : memref<!tpu.dma_semaphore, #tpu.memory_space<semaphore_mem>>) {add = true}
        %dma_wait3A_128 = arith.constant 0 : i32
        %dma_wait3A_129 = tpu.memref_slice %arg10[%mul3A_32, %dma_wait3A_128] : memref<40x128xi32, #tpu.memory_space<vmem>> -> memref<1x128xi32, #tpu.memory_space<vmem>>
        %dma_wait3A_130 = tpu.memref_squeeze %dma_wait3A_129 : memref<1x128xi32, #tpu.memory_space<vmem>> -> memref<128xi32, #tpu.memory_space<vmem>>
        %dma_wait3A_131 = arith.constant 0 : i32
        %dma_wait3A_132 = arith.constant 0 : i32
        %dma_wait3A_133 = tpu.memref_slice %arg21[%dma_wait3A_131, %dma_wait3A_132] : memref<10000x32xf32, #tpu.memory_space<vmem_shared>> -> memref<10000x32xf32, #tpu.memory_space<vmem_shared>>
        tpu.wait_indirect_dma semaphore(%run_scoped3A : memref<!tpu.dma_semaphore, #tpu.memory_space<semaphore_mem>>) src(%arg19 : memref<128x32xf32, #tpu.memory_space<vmem>>) dst(%dma_wait3A_133 : memref<10000x32xf32, #tpu.memory_space<vmem_shared>>)
        tpu.yield
      }) : () -> ()
      %dma_wait3A_97 = arith.constant 0 : i32
      %dma_wait3A_98 = tpu.memref_slice %arg11[%add3A_36, %dma_wait3A_97] : memref<40x128xi32, #tpu.memory_space<vmem>> -> memref<1x128xi32, #tpu.memory_space<vmem>>
      %dma_wait3A_99 = tpu.memref_squeeze %dma_wait3A_98 : memref<1x128xi32, #tpu.memory_space<vmem>> -> memref<128xi32, #tpu.memory_space<vmem>>
      %dma_wait3A_100 = arith.constant 0 : i32
      %dma_wait3A_101 = arith.constant 0 : i32
      %dma_wait3A_102 = tpu.memref_slice %arg2[%dma_wait3A_100, %dma_wait3A_101] : memref<10000x32xf32, #tpu.memory_space<hbm>> -> memref<10000x32xf32, #tpu.memory_space<hbm>>
      tpu.wait_indirect_dma semaphore(%arg25 : memref<!tpu.dma_semaphore, #tpu.memory_space<semaphore_mem>>) src(%dma_wait3A_102 : memref<10000x32xf32, #tpu.memory_space<hbm>>) dst(%arg16 : memref<128x32xf32, #tpu.memory_space<vmem>>)
      %dma_wait3A_103 = arith.constant 0 : i32
      %dma_wait3A_104 = tpu.memref_slice %arg10[%add3A_36, %dma_wait3A_103] : memref<40x128xi32, #tpu.memory_space<vmem>> -> memref<1x128xi32, #tpu.memory_space<vmem>>
      %dma_wait3A_105 = tpu.memref_squeeze %dma_wait3A_104 : memref<1x128xi32, #tpu.memory_space<vmem>> -> memref<128xi32, #tpu.memory_space<vmem>>
      %dma_wait3A_106 = arith.constant 0 : i32
      %dma_wait3A_107 = arith.constant 0 : i32
      %dma_wait3A_108 = tpu.memref_slice %arg3[%dma_wait3A_106, %dma_wait3A_107] : memref<10000x32xf32, #tpu.memory_space<hbm>> -> memref<10000x32xf32, #tpu.memory_space<hbm>>
      tpu.wait_indirect_dma semaphore(%arg26 : memref<!tpu.dma_semaphore, #tpu.memory_space<semaphore_mem>>) src(%dma_wait3A_108 : memref<10000x32xf32, #tpu.memory_space<hbm>>) dst(%arg17 : memref<128x32xf32, #tpu.memory_space<vmem>>)
      %dma_wait3A_109 = arith.constant 0 : i32
      %dma_wait3A_110 = tpu.memref_slice %arg4[%add3A_69, %dma_wait3A_109] : memref<163840x32xf32, #tpu.memory_space<hbm>> -> memref<128x32xf32, #tpu.memory_space<hbm>>
      %dma_wait3A_111 = arith.constant 0 : i32
      %dma_wait3A_112 = tpu.memref_slice %arg4[%add3A_69, %dma_wait3A_111] : memref<163840x32xf32, #tpu.memory_space<hbm>> -> memref<128x32xf32, #tpu.memory_space<hbm>>
      tpu.wait_dma2 semaphore(%arg27 : memref<!tpu.dma_semaphore, #tpu.memory_space<semaphore_mem>>) src(%dma_wait3A_112 : memref<128x32xf32, #tpu.memory_space<hbm>>) dst(%arg15 : memref<128x32xf32, #tpu.memory_space<vmem>>)
      %parallel_loop3A_113 = arith.constant 0 : i32
      %parallel_loop3A_114 = arith.constant 256 : i32
      %parallel_loop3A_115 = arith.constant 1 : i32
      scf.for %parallel_loop3A_122 = %parallel_loop3A_113 to %parallel_loop3A_114 step %parallel_loop3A_115  : i32 {
        %parallel_loop3A_123 = arith.constant 1 : i32
        %parallel_loop3A_124 = arith.shrsi %parallel_loop3A_122, %parallel_loop3A_123 : i32
        %parallel_loop3A_125 = arith.constant 1 : i32
        %parallel_loop3A_126 = arith.andi %parallel_loop3A_122, %parallel_loop3A_125 : i32
        %parallel_loop3A_127 = arith.constant 16 : i32
        %parallel_loop3A_128 = arith.muli %parallel_loop3A_126, %parallel_loop3A_127 : i32
        %parallel_loop3A_129 = arith.index_cast %parallel_loop3A_124 : i32 to index
        %parallel_loop3A_130 = arith.index_cast %parallel_loop3A_128 : i32 to index
        %parallel_loop3A_131 = tpu.vector_load %arg16[%parallel_loop3A_129, %parallel_loop3A_130] {strides = array<i32>} : memref<128x32xf32, #tpu.memory_space<vmem>>, vector<1x16xf32>,
        %parallel_loop3A_132 = vector.shape_cast %parallel_loop3A_131 : vector<1x16xf32> to vector<16xf32>
        %parallel_loop3A_133 = arith.index_cast %parallel_loop3A_124 : i32 to index
        %parallel_loop3A_134 = arith.index_cast %parallel_loop3A_128 : i32 to index
        %parallel_loop3A_135 = tpu.vector_load %arg17[%parallel_loop3A_133, %parallel_loop3A_134] {strides = array<i32>} : memref<128x32xf32, #tpu.memory_space<vmem>>, vector<1x16xf32>,
        %parallel_loop3A_136 = vector.shape_cast %parallel_loop3A_135 : vector<1x16xf32> to vector<16xf32>
        %parallel_loop3A_137 = arith.mulf %parallel_loop3A_132, %parallel_loop3A_136 : vector<16xf32>
        %parallel_loop3A_138 = arith.index_cast %parallel_loop3A_124 : i32 to index
        %parallel_loop3A_139 = arith.index_cast %parallel_loop3A_128 : i32 to index
        %parallel_loop3A_140 = tpu.vector_load %arg18[%parallel_loop3A_138, %parallel_loop3A_139] {strides = array<i32>} : memref<128x32xf32, #tpu.memory_space<vmem>>, vector<1x16xf32>,
        %parallel_loop3A_141 = vector.shape_cast %parallel_loop3A_140 : vector<1x16xf32> to vector<16xf32>
        %parallel_loop3A_142 = vector.shape_cast %parallel_loop3A_137 : vector<16xf32> to vector<1x16xf32>
        tpu.vector_store %arg18[%parallel_loop3A_138, %parallel_loop3A_139], %parallel_loop3A_142 {strides = array<i32>} : memref<128x32xf32, #tpu.memory_space<vmem>>, vector<1x16xf32>,
      } {sc.loop_unroll_factor = 8 : i64, sc.parallel_access}
      %mul3A_116 = arith.constant 128 : i32
      %mul3A_117 = arith.muli %add3A_36, %mul3A_116 : i32
      %add3A_118 = arith.addi %mul3A_4, %mul3A_117 : i32
      "tpu.region"() ({
        %run_scoped3A = tpu.sem_alloc : memref<!tpu.dma_semaphore, #tpu.memory_space<semaphore_mem>>
        %dma_start3A_122 = arith.constant 0 : i32
        %dma_start3A_123 = tpu.memref_slice %arg8[%add3A_118, %dma_start3A_122] : memref<163840x32xf32, #tpu.memory_space<hbm>> -> memref<128x32xf32, #tpu.memory_space<hbm>>
        %dma_start3A_124 = arith.constant 0 : i32
        %dma_start3A_125 = tpu.memref_slice %arg8[%add3A_118, %dma_start3A_124] : memref<163840x32xf32, #tpu.memory_space<hbm>> -> memref<128x32xf32, #tpu.memory_space<hbm>>
        tpu.enqueue_dma source(%arg18 : memref<128x32xf32, #tpu.memory_space<vmem>>) target(%dma_start3A_125 : memref<128x32xf32, #tpu.memory_space<hbm>>) target_semaphore(%run_scoped3A : memref<!tpu.dma_semaphore, #tpu.memory_space<semaphore_mem>>)
        %dma_wait3A_126 = arith.constant 0 : i32
        %dma_wait3A_127 = tpu.memref_slice %arg8[%add3A_118, %dma_wait3A_126] : memref<163840x32xf32, #tpu.memory_space<hbm>> -> memref<128x32xf32, #tpu.memory_space<hbm>>
        %dma_wait3A_128 = arith.constant 0 : i32
        %dma_wait3A_129 = tpu.memref_slice %arg8[%add3A_118, %dma_wait3A_128] : memref<163840x32xf32, #tpu.memory_space<hbm>> -> memref<128x32xf32, #tpu.memory_space<hbm>>
        tpu.wait_dma2 semaphore(%run_scoped3A : memref<!tpu.dma_semaphore, #tpu.memory_space<semaphore_mem>>) src(%arg18 : memref<128x32xf32, #tpu.memory_space<vmem>>) dst(%dma_wait3A_129 : memref<128x32xf32, #tpu.memory_space<hbm>>)
        tpu.yield
      }) : () -> ()
      %parallel_loop3A_119 = arith.constant 0 : i32
      %parallel_loop3A_120 = arith.constant 256 : i32
      %parallel_loop3A_121 = arith.constant 1 : i32
      scf.for %parallel_loop3A_122 = %parallel_loop3A_119 to %parallel_loop3A_120 step %parallel_loop3A_121  : i32 {
        %parallel_loop3A_123 = arith.constant 1 : i32
        %parallel_loop3A_124 = arith.shrsi %parallel_loop3A_122, %parallel_loop3A_123 : i32
        %parallel_loop3A_125 = arith.constant 1 : i32
        %parallel_loop3A_126 = arith.andi %parallel_loop3A_122, %parallel_loop3A_125 : i32
        %parallel_loop3A_127 = arith.constant 16 : i32
        %parallel_loop3A_128 = arith.muli %parallel_loop3A_126, %parallel_loop3A_127 : i32
        %parallel_loop3A_129 = arith.index_cast %parallel_loop3A_124 : i32 to index
        %parallel_loop3A_130 = arith.index_cast %parallel_loop3A_128 : i32 to index
        %parallel_loop3A_131 = tpu.vector_load %arg16[%parallel_loop3A_129, %parallel_loop3A_130] {strides = array<i32>} : memref<128x32xf32, #tpu.memory_space<vmem>>, vector<1x16xf32>,
        %parallel_loop3A_132 = vector.shape_cast %parallel_loop3A_131 : vector<1x16xf32> to vector<16xf32>
        %parallel_loop3A_133 = arith.index_cast %parallel_loop3A_124 : i32 to index
        %parallel_loop3A_134 = arith.index_cast %parallel_loop3A_128 : i32 to index
        %parallel_loop3A_135 = tpu.vector_load %arg15[%parallel_loop3A_133, %parallel_loop3A_134] {strides = array<i32>} : memref<128x32xf32, #tpu.memory_space<vmem>>, vector<1x16xf32>,
        %parallel_loop3A_136 = vector.shape_cast %parallel_loop3A_135 : vector<1x16xf32> to vector<16xf32>
        %parallel_loop3A_137 = arith.mulf %parallel_loop3A_132, %parallel_loop3A_136 : vector<16xf32>
        %parallel_loop3A_138 = arith.index_cast %parallel_loop3A_124 : i32 to index
        %parallel_loop3A_139 = arith.index_cast %parallel_loop3A_128 : i32 to index
        %parallel_loop3A_140 = tpu.vector_load %arg19[%parallel_loop3A_138, %parallel_loop3A_139] {strides = array<i32>} : memref<128x32xf32, #tpu.memory_space<vmem>>, vector<1x16xf32>,
        %parallel_loop3A_141 = vector.shape_cast %parallel_loop3A_140 : vector<1x16xf32> to vector<16xf32>
        %parallel_loop3A_142 = vector.shape_cast %parallel_loop3A_137 : vector<16xf32> to vector<1x16xf32>
        tpu.vector_store %arg19[%parallel_loop3A_138, %parallel_loop3A_139], %parallel_loop3A_142 {strides = array<i32>} : memref<128x32xf32, #tpu.memory_space<vmem>>, vector<1x16xf32>,
      } {sc.loop_unroll_factor = 8 : i64, sc.parallel_access}
      "tpu.region"() ({
        %run_scoped3A = tpu.sem_alloc : memref<!tpu.dma_semaphore, #tpu.memory_space<semaphore_mem>>
        %dma_start3A_122 = arith.constant 0 : i32
        %dma_start3A_123 = tpu.memref_slice %arg10[%add3A_36, %dma_start3A_122] : memref<40x128xi32, #tpu.memory_space<vmem>> -> memref<1x128xi32, #tpu.memory_space<vmem>>
        %dma_start3A_124 = tpu.memref_squeeze %dma_start3A_123 : memref<1x128xi32, #tpu.memory_space<vmem>> -> memref<128xi32, #tpu.memory_space<vmem>>
        %dma_start3A_125 = arith.constant 0 : i32
        %dma_start3A_126 = arith.constant 0 : i32
        %dma_start3A_127 = tpu.memref_slice %arg21[%dma_start3A_125, %dma_start3A_126] : memref<10000x32xf32, #tpu.memory_space<vmem_shared>> -> memref<10000x32xf32, #tpu.memory_space<vmem_shared>>
        tpu.enqueue_indirect_dma source(%arg19 : memref<128x32xf32, #tpu.memory_space<vmem>>) target(%dma_start3A_127 : memref<10000x32xf32, #tpu.memory_space<vmem_shared>>) offsets(%dma_start3A_124 : memref<128xi32, #tpu.memory_space<vmem>>) semaphore(%run_scoped3A : memref<!tpu.dma_semaphore, #tpu.memory_space<semaphore_mem>>) {add = true}
        %dma_wait3A_128 = arith.constant 0 : i32
        %dma_wait3A_129 = tpu.memref_slice %arg10[%add3A_36, %dma_wait3A_128] : memref<40x128xi32, #tpu.memory_space<vmem>> -> memref<1x128xi32, #tpu.memory_space<vmem>>
        %dma_wait3A_130 = tpu.memref_squeeze %dma_wait3A_129 : memref<1x128xi32, #tpu.memory_space<vmem>> -> memref<128xi32, #tpu.memory_space<vmem>>
        %dma_wait3A_131 = arith.constant 0 : i32
        %dma_wait3A_132 = arith.constant 0 : i32
        %dma_wait3A_133 = tpu.memref_slice %arg21[%dma_wait3A_131, %dma_wait3A_132] : memref<10000x32xf32, #tpu.memory_space<vmem_shared>> -> memref<10000x32xf32, #tpu.memory_space<vmem_shared>>
        tpu.wait_indirect_dma semaphore(%run_scoped3A : memref<!tpu.dma_semaphore, #tpu.memory_space<semaphore_mem>>) src(%arg19 : memref<128x32xf32, #tpu.memory_space<vmem>>) dst(%dma_wait3A_133 : memref<10000x32xf32, #tpu.memory_space<vmem_shared>>)
        tpu.yield
      }) : () -> ()
    }
    %scan3A_19 = arith.constant 20 : i32
    %barrier3A_20 = arith.constant 0 : index
    tpu.barrier barrier_id(%barrier3A_20)
    %mul3A_21 = arith.constant 624 : i32
    %mul3A_22 = arith.muli %arg1, %mul3A_21 : i32
    "tpu.region"() ({
      %run_scoped3A = tpu.sem_alloc : memref<!tpu.dma_semaphore, #tpu.memory_space<semaphore_mem>>
      %dma_start3A = arith.constant 0 : i32
      %dma_start3A_30 = tpu.memref_slice %arg21[%mul3A_22, %dma_start3A] : memref<10000x32xf32, #tpu.memory_space<vmem_shared>> -> memref<624x32xf32, #tpu.memory_space<vmem_shared>>
      %dma_start3A_31 = arith.constant 0 : i32
      %dma_start3A_32 = tpu.memref_slice %arg21[%mul3A_22, %dma_start3A_31] : memref<10000x32xf32, #tpu.memory_space<vmem_shared>> -> memref<624x32xf32, #tpu.memory_space<vmem_shared>>
      tpu.enqueue_dma source(%dma_start3A_32 : memref<624x32xf32, #tpu.memory_space<vmem_shared>>) target(%arg20 : memref<624x32xf32, #tpu.memory_space<vmem>>) target_semaphore(%run_scoped3A : memref<!tpu.dma_semaphore, #tpu.memory_space<semaphore_mem>>)
      %dma_wait3A = arith.constant 0 : i32
      %dma_wait3A_33 = tpu.memref_slice %arg21[%mul3A_22, %dma_wait3A] : memref<10000x32xf32, #tpu.memory_space<vmem_shared>> -> memref<624x32xf32, #tpu.memory_space<vmem_shared>>
      %dma_wait3A_34 = arith.constant 0 : i32
      %dma_wait3A_35 = tpu.memref_slice %arg21[%mul3A_22, %dma_wait3A_34] : memref<10000x32xf32, #tpu.memory_space<vmem_shared>> -> memref<624x32xf32, #tpu.memory_space<vmem_shared>>
      tpu.wait_dma2 semaphore(%run_scoped3A : memref<!tpu.dma_semaphore, #tpu.memory_space<semaphore_mem>>) src(%dma_wait3A_35 : memref<624x32xf32, #tpu.memory_space<vmem_shared>>) dst(%arg20 : memref<624x32xf32, #tpu.memory_space<vmem>>)
      tpu.yield
    }) : () -> ()
    %mul3A_23 = arith.constant 624 : i32
    %mul3A_24 = arith.muli %arg1, %mul3A_23 : i32
    "tpu.region"() ({
      %run_scoped3A = tpu.sem_alloc : memref<!tpu.dma_semaphore, #tpu.memory_space<semaphore_mem>>
      %dma_start3A = arith.constant 0 : i32
      %dma_start3A_30 = tpu.memref_slice %arg9[%arg0, %mul3A_24, %dma_start3A] : memref<2x10000x32xf32, #tpu.memory_space<hbm>> -> memref<1x624x32xf32, #tpu.memory_space<hbm>>
      %dma_start3A_31 = tpu.memref_squeeze %dma_start3A_30 : memref<1x624x32xf32, #tpu.memory_space<hbm>> -> memref<624x32xf32, #tpu.memory_space<hbm>>
      %dma_start3A_32 = arith.constant 0 : i32
      %dma_start3A_33 = tpu.memref_slice %arg9[%arg0, %mul3A_24, %dma_start3A_32] : memref<2x10000x32xf32, #tpu.memory_space<hbm>> -> memref<1x624x32xf32, #tpu.memory_space<hbm>>
      %dma_start3A_34 = tpu.memref_squeeze %dma_start3A_33 : memref<1x624x32xf32, #tpu.memory_space<hbm>> -> memref<624x32xf32, #tpu.memory_space<hbm>>
      tpu.enqueue_dma source(%arg20 : memref<624x32xf32, #tpu.memory_space<vmem>>) target(%dma_start3A_34 : memref<624x32xf32, #tpu.memory_space<hbm>>) target_semaphore(%run_scoped3A : memref<!tpu.dma_semaphore, #tpu.memory_space<semaphore_mem>>)
      %dma_wait3A = arith.constant 0 : i32
      %dma_wait3A_35 = tpu.memref_slice %arg9[%arg0, %mul3A_24, %dma_wait3A] : memref<2x10000x32xf32, #tpu.memory_space<hbm>> -> memref<1x624x32xf32, #tpu.memory_space<hbm>>
      %dma_wait3A_36 = tpu.memref_squeeze %dma_wait3A_35 : memref<1x624x32xf32, #tpu.memory_space<hbm>> -> memref<624x32xf32, #tpu.memory_space<hbm>>
      %dma_wait3A_37 = arith.constant 0 : i32
      %dma_wait3A_38 = tpu.memref_slice %arg9[%arg0, %mul3A_24, %dma_wait3A_37] : memref<2x10000x32xf32, #tpu.memory_space<hbm>> -> memref<1x624x32xf32, #tpu.memory_space<hbm>>
      %dma_wait3A_39 = tpu.memref_squeeze %dma_wait3A_38 : memref<1x624x32xf32, #tpu.memory_space<hbm>> -> memref<624x32xf32, #tpu.memory_space<hbm>>
      tpu.wait_dma2 semaphore(%run_scoped3A : memref<!tpu.dma_semaphore, #tpu.memory_space<semaphore_mem>>) src(%arg20 : memref<624x32xf32, #tpu.memory_space<vmem>>) dst(%dma_wait3A_39 : memref<624x32xf32, #tpu.memory_space<hbm>>)
      tpu.yield
    }) : () -> ()
    %eq3A_25 = arith.constant 0 : i32
    %eq3A_26 = arith.cmpi eq, %arg1, %eq3A_25 : i32
    %convert_element_type3A_27 = arith.extui %eq3A_26 : i1 to i32
    %cond3A_28 = arith.constant 0 : i32
    %cond3A_29 = arith.cmpi ne, %convert_element_type3A_27, %cond3A_28 : i32
    scf.if %cond3A_29 {
      "tpu.region"() ({
        %run_scoped3A = tpu.sem_alloc : memref<!tpu.dma_semaphore, #tpu.memory_space<semaphore_mem>>
        %dma_start3A = arith.constant 0 : i32
        %dma_start3A_30 = arith.constant 0 : i32
        %dma_start3A_31 = tpu.memref_slice %arg20[%dma_start3A, %dma_start3A_30] : memref<624x32xf32, #tpu.memory_space<vmem>> -> memref<16x32xf32, #tpu.memory_space<vmem>>
        %dma_start3A_32 = arith.constant 9984 : i32
        %dma_start3A_33 = arith.constant 0 : i32
        %dma_start3A_34 = tpu.memref_slice %arg21[%dma_start3A_32, %dma_start3A_33] : memref<10000x32xf32, #tpu.memory_space<vmem_shared>> -> memref<16x32xf32, #tpu.memory_space<vmem_shared>>
        %dma_start3A_35 = arith.constant 0 : i32
        %dma_start3A_36 = arith.constant 0 : i32
        %dma_start3A_37 = tpu.memref_slice %arg20[%dma_start3A_35, %dma_start3A_36] : memref<624x32xf32, #tpu.memory_space<vmem>> -> memref<16x32xf32, #tpu.memory_space<vmem>>
        %dma_start3A_38 = arith.constant 9984 : i32
        %dma_start3A_39 = arith.constant 0 : i32
        %dma_start3A_40 = tpu.memref_slice %arg21[%dma_start3A_38, %dma_start3A_39] : memref<10000x32xf32, #tpu.memory_space<vmem_shared>> -> memref<16x32xf32, #tpu.memory_space<vmem_shared>>
        tpu.enqueue_dma source(%dma_start3A_40 : memref<16x32xf32, #tpu.memory_space<vmem_shared>>) target(%dma_start3A_37 : memref<16x32xf32, #tpu.memory_space<vmem>>) target_semaphore(%run_scoped3A : memref<!tpu.dma_semaphore, #tpu.memory_space<semaphore_mem>>)
        %dma_wait3A = arith.constant 0 : i32
        %dma_wait3A_41 = arith.constant 0 : i32
        %dma_wait3A_42 = tpu.memref_slice %arg20[%dma_wait3A, %dma_wait3A_41] : memref<624x32xf32, #tpu.memory_space<vmem>> -> memref<16x32xf32, #tpu.memory_space<vmem>>
        %dma_wait3A_43 = arith.constant 9984 : i32
        %dma_wait3A_44 = arith.constant 0 : i32
        %dma_wait3A_45 = tpu.memref_slice %arg21[%dma_wait3A_43, %dma_wait3A_44] : memref<10000x32xf32, #tpu.memory_space<vmem_shared>> -> memref<16x32xf32, #tpu.memory_space<vmem_shared>>
        %dma_wait3A_46 = arith.constant 0 : i32
        %dma_wait3A_47 = arith.constant 0 : i32
        %dma_wait3A_48 = tpu.memref_slice %arg20[%dma_wait3A_46, %dma_wait3A_47] : memref<624x32xf32, #tpu.memory_space<vmem>> -> memref<16x32xf32, #tpu.memory_space<vmem>>
        %dma_wait3A_49 = arith.constant 9984 : i32
        %dma_wait3A_50 = arith.constant 0 : i32
        %dma_wait3A_51 = tpu.memref_slice %arg21[%dma_wait3A_49, %dma_wait3A_50] : memref<10000x32xf32, #tpu.memory_space<vmem_shared>> -> memref<16x32xf32, #tpu.memory_space<vmem_shared>>
        tpu.wait_dma2 semaphore(%run_scoped3A : memref<!tpu.dma_semaphore, #tpu.memory_space<semaphore_mem>>) src(%dma_wait3A_51 : memref<16x32xf32, #tpu.memory_space<vmem_shared>>) dst(%dma_wait3A_48 : memref<16x32xf32, #tpu.memory_space<vmem>>)
        tpu.yield
      }) : () -> ()
      "tpu.region"() ({
        %run_scoped3A = tpu.sem_alloc : memref<!tpu.dma_semaphore, #tpu.memory_space<semaphore_mem>>
        %dma_start3A = arith.constant 0 : i32
        %dma_start3A_30 = arith.constant 0 : i32
        %dma_start3A_31 = tpu.memref_slice %arg20[%dma_start3A, %dma_start3A_30] : memref<624x32xf32, #tpu.memory_space<vmem>> -> memref<16x32xf32, #tpu.memory_space<vmem>>
        %dma_start3A_32 = arith.constant 9984 : i32
        %dma_start3A_33 = arith.constant 0 : i32
        %dma_start3A_34 = tpu.memref_slice %arg9[%arg0, %dma_start3A_32, %dma_start3A_33] : memref<2x10000x32xf32, #tpu.memory_space<hbm>> -> memref<1x16x32xf32, #tpu.memory_space<hbm>>
        %dma_start3A_35 = tpu.memref_squeeze %dma_start3A_34 : memref<1x16x32xf32, #tpu.memory_space<hbm>> -> memref<16x32xf32, #tpu.memory_space<hbm>>
        %dma_start3A_36 = arith.constant 9984 : i32
        %dma_start3A_37 = arith.constant 0 : i32
        %dma_start3A_38 = tpu.memref_slice %arg9[%arg0, %dma_start3A_36, %dma_start3A_37] : memref<2x10000x32xf32, #tpu.memory_space<hbm>> -> memref<1x16x32xf32, #tpu.memory_space<hbm>>
        %dma_start3A_39 = tpu.memref_squeeze %dma_start3A_38 : memref<1x16x32xf32, #tpu.memory_space<hbm>> -> memref<16x32xf32, #tpu.memory_space<hbm>>
        %dma_start3A_40 = arith.constant 0 : i32
        %dma_start3A_41 = arith.constant 0 : i32
        %dma_start3A_42 = tpu.memref_slice %arg20[%dma_start3A_40, %dma_start3A_41] : memref<624x32xf32, #tpu.memory_space<vmem>> -> memref<16x32xf32, #tpu.memory_space<vmem>>
        tpu.enqueue_dma source(%dma_start3A_42 : memref<16x32xf32, #tpu.memory_space<vmem>>) target(%dma_start3A_39 : memref<16x32xf32, #tpu.memory_space<hbm>>) target_semaphore(%run_scoped3A : memref<!tpu.dma_semaphore, #tpu.memory_space<semaphore_mem>>)
        %dma_wait3A = arith.constant 0 : i32
        %dma_wait3A_43 = arith.constant 0 : i32
        %dma_wait3A_44 = tpu.memref_slice %arg20[%dma_wait3A, %dma_wait3A_43] : memref<624x32xf32, #tpu.memory_space<vmem>> -> memref<16x32xf32, #tpu.memory_space<vmem>>
        %dma_wait3A_45 = arith.constant 9984 : i32
        %dma_wait3A_46 = arith.constant 0 : i32
        %dma_wait3A_47 = tpu.memref_slice %arg9[%arg0, %dma_wait3A_45, %dma_wait3A_46] : memref<2x10000x32xf32, #tpu.memory_space<hbm>> -> memref<1x16x32xf32, #tpu.memory_space<hbm>>
        %dma_wait3A_48 = tpu.memref_squeeze %dma_wait3A_47 : memref<1x16x32xf32, #tpu.memory_space<hbm>> -> memref<16x32xf32, #tpu.memory_space<hbm>>
        %dma_wait3A_49 = arith.constant 9984 : i32
        %dma_wait3A_50 = arith.constant 0 : i32
        %dma_wait3A_51 = tpu.memref_slice %arg9[%arg0, %dma_wait3A_49, %dma_wait3A_50] : memref<2x10000x32xf32, #tpu.memory_space<hbm>> -> memref<1x16x32xf32, #tpu.memory_space<hbm>>
        %dma_wait3A_52 = tpu.memref_squeeze %dma_wait3A_51 : memref<1x16x32xf32, #tpu.memory_space<hbm>> -> memref<16x32xf32, #tpu.memory_space<hbm>>
        %dma_wait3A_53 = arith.constant 0 : i32
        %dma_wait3A_54 = arith.constant 0 : i32
        %dma_wait3A_55 = tpu.memref_slice %arg20[%dma_wait3A_53, %dma_wait3A_54] : memref<624x32xf32, #tpu.memory_space<vmem>> -> memref<16x32xf32, #tpu.memory_space<vmem>>
        tpu.wait_dma2 semaphore(%run_scoped3A : memref<!tpu.dma_semaphore, #tpu.memory_space<semaphore_mem>>) src(%dma_wait3A_55 : memref<16x32xf32, #tpu.memory_space<vmem>>) dst(%dma_wait3A_52 : memref<16x32xf32, #tpu.memory_space<hbm>>)
        tpu.yield
      }) : () -> ()
    } else {
    }
    return
  }
}

#map = affine_map<(d0, d1) -> (0, 0)>
#map1 = affine_map<(d0, d1) -> (0, 0, 0)>
module attributes {stable_mosaic.version = 14 : i64} {
  func.func @k(%arg0: i32, %arg1: i32, %arg2: memref<163840x32xf32, #tpu.memory_space<hbm>>, %arg3: memref<10000x32xf32, #tpu.memory_space<hbm>>, %arg4: memref<1280x128xi32, #tpu.memory_space<hbm>>, %arg5: memref<1280x128xi32, #tpu.memory_space<hbm>>, %arg6: memref<10000x32xf32, #tpu.memory_space<hbm>>, %arg7: memref<2x10000x32xf32, #tpu.memory_space<hbm>>, %arg8: memref<40x128xi32, #tpu.memory_space<vmem>>, %arg9: memref<40x128xi32, #tpu.memory_space<vmem>>, %arg10: memref<128x32xf32, #tpu.memory_space<vmem>>, %arg11: memref<128x32xf32, #tpu.memory_space<vmem>>, %arg12: memref<128x32xf32, #tpu.memory_space<vmem>>, %arg13: memref<128x32xf32, #tpu.memory_space<vmem>>, %arg14: memref<128x32xf32, #tpu.memory_space<vmem>>, %arg15: memref<624x32xf32, #tpu.memory_space<vmem>>, %arg16: memref<10000x32xf32, #tpu.memory_space<vmem_shared>>, %arg17: memref<!tpu.dma_semaphore, #tpu.memory_space<semaphore_mem>>, %arg18: memref<!tpu.dma_semaphore, #tpu.memory_space<semaphore_mem>>, %arg19: memref<!tpu.dma_semaphore, #tpu.memory_space<semaphore_mem>>, %arg20: memref<!tpu.dma_semaphore, #tpu.memory_space<semaphore_mem>>) attributes {dimension_semantics = [#tpu.dimension_semantics<core_parallel>, #tpu.dimension_semantics<subcore_parallel>], iteration_bounds = array<i64: 2, 16>, scalar_prefetch = 0 : i64, scratch_operands = 13 : i64, tpu.core_type = #tpu.core_type<sc_vector_subcore>, window_params = [{transform_indices = #map}, {transform_indices = #map}, {transform_indices = #map}, {transform_indices = #map}, {transform_indices = #map}, {transform_indices = #map1}]} {
    %mul3A = arith.constant 2 : i32
    %mul3A_0 = arith.muli %arg1, %mul3A : i32
    %add3A = arith.addi %mul3A_0, %arg0 : i32
    %mul3A_1 = arith.constant 40 : i32
    %mul3A_2 = arith.muli %add3A, %mul3A_1 : i32
    %mul3A_3 = arith.constant 128 : i32
    %mul3A_4 = arith.muli %mul3A_2, %mul3A_3 : i32
    %mul3A_5 = arith.constant 40 : i32
    %mul3A_6 = arith.muli %add3A, %mul3A_5 : i32
    "tpu.region"() ({
      %run_scoped3A = tpu.sem_alloc : memref<!tpu.dma_semaphore, #tpu.memory_space<semaphore_mem>>
      %dma_start3A = arith.constant 0 : i32
      %dma_start3A_30 = tpu.memref_slice %arg4[%mul3A_6, %dma_start3A] : memref<1280x128xi32, #tpu.memory_space<hbm>> -> memref<40x128xi32, #tpu.memory_space<hbm>>
      %dma_start3A_31 = arith.constant 0 : i32
      %dma_start3A_32 = tpu.memref_slice %arg4[%mul3A_6, %dma_start3A_31] : memref<1280x128xi32, #tpu.memory_space<hbm>> -> memref<40x128xi32, #tpu.memory_space<hbm>>
      tpu.enqueue_dma source(%dma_start3A_32 : memref<40x128xi32, #tpu.memory_space<hbm>>) target(%arg8 : memref<40x128xi32, #tpu.memory_space<vmem>>) target_semaphore(%run_scoped3A : memref<!tpu.dma_semaphore, #tpu.memory_space<semaphore_mem>>)
      %dma_wait3A = arith.constant 0 : i32
      %dma_wait3A_33 = tpu.memref_slice %arg4[%mul3A_6, %dma_wait3A] : memref<1280x128xi32, #tpu.memory_space<hbm>> -> memref<40x128xi32, #tpu.memory_space<hbm>>
      %dma_wait3A_34 = arith.constant 0 : i32
      %dma_wait3A_35 = tpu.memref_slice %arg4[%mul3A_6, %dma_wait3A_34] : memref<1280x128xi32, #tpu.memory_space<hbm>> -> memref<40x128xi32, #tpu.memory_space<hbm>>
      tpu.wait_dma2 semaphore(%run_scoped3A : memref<!tpu.dma_semaphore, #tpu.memory_space<semaphore_mem>>) src(%dma_wait3A_35 : memref<40x128xi32, #tpu.memory_space<hbm>>) dst(%arg8 : memref<40x128xi32, #tpu.memory_space<vmem>>)
      tpu.yield
    }) : () -> ()
    %mul3A_7 = arith.constant 40 : i32
    %mul3A_8 = arith.muli %add3A, %mul3A_7 : i32
    "tpu.region"() ({
      %run_scoped3A = tpu.sem_alloc : memref<!tpu.dma_semaphore, #tpu.memory_space<semaphore_mem>>
      %dma_start3A = arith.constant 0 : i32
      %dma_start3A_30 = tpu.memref_slice %arg5[%mul3A_8, %dma_start3A] : memref<1280x128xi32, #tpu.memory_space<hbm>> -> memref<40x128xi32, #tpu.memory_space<hbm>>
      %dma_start3A_31 = arith.constant 0 : i32
      %dma_start3A_32 = tpu.memref_slice %arg5[%mul3A_8, %dma_start3A_31] : memref<1280x128xi32, #tpu.memory_space<hbm>> -> memref<40x128xi32, #tpu.memory_space<hbm>>
      tpu.enqueue_dma source(%dma_start3A_32 : memref<40x128xi32, #tpu.memory_space<hbm>>) target(%arg9 : memref<40x128xi32, #tpu.memory_space<vmem>>) target_semaphore(%run_scoped3A : memref<!tpu.dma_semaphore, #tpu.memory_space<semaphore_mem>>)
      %dma_wait3A = arith.constant 0 : i32
      %dma_wait3A_33 = tpu.memref_slice %arg5[%mul3A_8, %dma_wait3A] : memref<1280x128xi32, #tpu.memory_space<hbm>> -> memref<40x128xi32, #tpu.memory_space<hbm>>
      %dma_wait3A_34 = arith.constant 0 : i32
      %dma_wait3A_35 = tpu.memref_slice %arg5[%mul3A_8, %dma_wait3A_34] : memref<1280x128xi32, #tpu.memory_space<hbm>> -> memref<40x128xi32, #tpu.memory_space<hbm>>
      tpu.wait_dma2 semaphore(%run_scoped3A : memref<!tpu.dma_semaphore, #tpu.memory_space<semaphore_mem>>) src(%dma_wait3A_35 : memref<40x128xi32, #tpu.memory_space<hbm>>) dst(%arg9 : memref<40x128xi32, #tpu.memory_space<vmem>>)
      tpu.yield
    }) : () -> ()
    %mul3A_9 = arith.constant 624 : i32
    %mul3A_10 = arith.muli %arg1, %mul3A_9 : i32
    "tpu.region"() ({
      %run_scoped3A = tpu.sem_alloc : memref<!tpu.dma_semaphore, #tpu.memory_space<semaphore_mem>>
      %dma_start3A = arith.constant 0 : i32
      %dma_start3A_30 = tpu.memref_slice %arg6[%mul3A_10, %dma_start3A] : memref<10000x32xf32, #tpu.memory_space<hbm>> -> memref<624x32xf32, #tpu.memory_space<hbm>>
      %dma_start3A_31 = arith.constant 0 : i32
      %dma_start3A_32 = tpu.memref_slice %arg6[%mul3A_10, %dma_start3A_31] : memref<10000x32xf32, #tpu.memory_space<hbm>> -> memref<624x32xf32, #tpu.memory_space<hbm>>
      tpu.enqueue_dma source(%dma_start3A_32 : memref<624x32xf32, #tpu.memory_space<hbm>>) target(%arg15 : memref<624x32xf32, #tpu.memory_space<vmem>>) target_semaphore(%run_scoped3A : memref<!tpu.dma_semaphore, #tpu.memory_space<semaphore_mem>>)
      %dma_wait3A = arith.constant 0 : i32
      %dma_wait3A_33 = tpu.memref_slice %arg6[%mul3A_10, %dma_wait3A] : memref<10000x32xf32, #tpu.memory_space<hbm>> -> memref<624x32xf32, #tpu.memory_space<hbm>>
      %dma_wait3A_34 = arith.constant 0 : i32
      %dma_wait3A_35 = tpu.memref_slice %arg6[%mul3A_10, %dma_wait3A_34] : memref<10000x32xf32, #tpu.memory_space<hbm>> -> memref<624x32xf32, #tpu.memory_space<hbm>>
      tpu.wait_dma2 semaphore(%run_scoped3A : memref<!tpu.dma_semaphore, #tpu.memory_space<semaphore_mem>>) src(%dma_wait3A_35 : memref<624x32xf32, #tpu.memory_space<hbm>>) dst(%arg15 : memref<624x32xf32, #tpu.memory_space<vmem>>)
      tpu.yield
    }) : () -> ()
    %mul3A_11 = arith.constant 624 : i32
    %mul3A_12 = arith.muli %arg1, %mul3A_11 : i32
    "tpu.region"() ({
      %run_scoped3A = tpu.sem_alloc : memref<!tpu.dma_semaphore, #tpu.memory_space<semaphore_mem>>
      %dma_start3A = arith.constant 0 : i32
      %dma_start3A_30 = tpu.memref_slice %arg16[%mul3A_12, %dma_start3A] : memref<10000x32xf32, #tpu.memory_space<vmem_shared>> -> memref<624x32xf32, #tpu.memory_space<vmem_shared>>
      %dma_start3A_31 = arith.constant 0 : i32
      %dma_start3A_32 = tpu.memref_slice %arg16[%mul3A_12, %dma_start3A_31] : memref<10000x32xf32, #tpu.memory_space<vmem_shared>> -> memref<624x32xf32, #tpu.memory_space<vmem_shared>>
      tpu.enqueue_dma source(%arg15 : memref<624x32xf32, #tpu.memory_space<vmem>>) target(%dma_start3A_32 : memref<624x32xf32, #tpu.memory_space<vmem_shared>>) target_semaphore(%run_scoped3A : memref<!tpu.dma_semaphore, #tpu.memory_space<semaphore_mem>>)
      %dma_wait3A = arith.constant 0 : i32
      %dma_wait3A_33 = tpu.memref_slice %arg16[%mul3A_12, %dma_wait3A] : memref<10000x32xf32, #tpu.memory_space<vmem_shared>> -> memref<624x32xf32, #tpu.memory_space<vmem_shared>>
      %dma_wait3A_34 = arith.constant 0 : i32
      %dma_wait3A_35 = tpu.memref_slice %arg16[%mul3A_12, %dma_wait3A_34] : memref<10000x32xf32, #tpu.memory_space<vmem_shared>> -> memref<624x32xf32, #tpu.memory_space<vmem_shared>>
      tpu.wait_dma2 semaphore(%run_scoped3A : memref<!tpu.dma_semaphore, #tpu.memory_space<semaphore_mem>>) src(%arg15 : memref<624x32xf32, #tpu.memory_space<vmem>>) dst(%dma_wait3A_35 : memref<624x32xf32, #tpu.memory_space<vmem_shared>>)
      tpu.yield
    }) : () -> ()
    %eq3A = arith.constant 0 : i32
    %eq3A_13 = arith.cmpi eq, %arg1, %eq3A : i32
    %convert_element_type3A = arith.extui %eq3A_13 : i1 to i32
    %cond3A = arith.constant 0 : i32
    %cond3A_14 = arith.cmpi ne, %convert_element_type3A, %cond3A : i32
    scf.if %cond3A_14 {
      "tpu.region"() ({
        %run_scoped3A = tpu.sem_alloc : memref<!tpu.dma_semaphore, #tpu.memory_space<semaphore_mem>>
        %dma_start3A = arith.constant 0 : i32
        %dma_start3A_30 = arith.constant 0 : i32
        %dma_start3A_31 = tpu.memref_slice %arg15[%dma_start3A, %dma_start3A_30] : memref<624x32xf32, #tpu.memory_space<vmem>> -> memref<16x32xf32, #tpu.memory_space<vmem>>
        %dma_start3A_32 = arith.constant 9984 : i32
        %dma_start3A_33 = arith.constant 0 : i32
        %dma_start3A_34 = tpu.memref_slice %arg6[%dma_start3A_32, %dma_start3A_33] : memref<10000x32xf32, #tpu.memory_space<hbm>> -> memref<16x32xf32, #tpu.memory_space<hbm>>
        %dma_start3A_35 = arith.constant 0 : i32
        %dma_start3A_36 = arith.constant 0 : i32
        %dma_start3A_37 = tpu.memref_slice %arg15[%dma_start3A_35, %dma_start3A_36] : memref<624x32xf32, #tpu.memory_space<vmem>> -> memref<16x32xf32, #tpu.memory_space<vmem>>
        %dma_start3A_38 = arith.constant 9984 : i32
        %dma_start3A_39 = arith.constant 0 : i32
        %dma_start3A_40 = tpu.memref_slice %arg6[%dma_start3A_38, %dma_start3A_39] : memref<10000x32xf32, #tpu.memory_space<hbm>> -> memref<16x32xf32, #tpu.memory_space<hbm>>
        tpu.enqueue_dma source(%dma_start3A_40 : memref<16x32xf32, #tpu.memory_space<hbm>>) target(%dma_start3A_37 : memref<16x32xf32, #tpu.memory_space<vmem>>) target_semaphore(%run_scoped3A : memref<!tpu.dma_semaphore, #tpu.memory_space<semaphore_mem>>)
        %dma_wait3A = arith.constant 0 : i32
        %dma_wait3A_41 = arith.constant 0 : i32
        %dma_wait3A_42 = tpu.memref_slice %arg15[%dma_wait3A, %dma_wait3A_41] : memref<624x32xf32, #tpu.memory_space<vmem>> -> memref<16x32xf32, #tpu.memory_space<vmem>>
        %dma_wait3A_43 = arith.constant 9984 : i32
        %dma_wait3A_44 = arith.constant 0 : i32
        %dma_wait3A_45 = tpu.memref_slice %arg6[%dma_wait3A_43, %dma_wait3A_44] : memref<10000x32xf32, #tpu.memory_space<hbm>> -> memref<16x32xf32, #tpu.memory_space<hbm>>
        %dma_wait3A_46 = arith.constant 0 : i32
        %dma_wait3A_47 = arith.constant 0 : i32
        %dma_wait3A_48 = tpu.memref_slice %arg15[%dma_wait3A_46, %dma_wait3A_47] : memref<624x32xf32, #tpu.memory_space<vmem>> -> memref<16x32xf32, #tpu.memory_space<vmem>>
        %dma_wait3A_49 = arith.constant 9984 : i32
        %dma_wait3A_50 = arith.constant 0 : i32
        %dma_wait3A_51 = tpu.memref_slice %arg6[%dma_wait3A_49, %dma_wait3A_50] : memref<10000x32xf32, #tpu.memory_space<hbm>> -> memref<16x32xf32, #tpu.memory_space<hbm>>
        tpu.wait_dma2 semaphore(%run_scoped3A : memref<!tpu.dma_semaphore, #tpu.memory_space<semaphore_mem>>) src(%dma_wait3A_51 : memref<16x32xf32, #tpu.memory_space<hbm>>) dst(%dma_wait3A_48 : memref<16x32xf32, #tpu.memory_space<vmem>>)
        tpu.yield
      }) : () -> ()
      "tpu.region"() ({
        %run_scoped3A = tpu.sem_alloc : memref<!tpu.dma_semaphore, #tpu.memory_space<semaphore_mem>>
        %dma_start3A = arith.constant 0 : i32
        %dma_start3A_30 = arith.constant 0 : i32
        %dma_start3A_31 = tpu.memref_slice %arg15[%dma_start3A, %dma_start3A_30] : memref<624x32xf32, #tpu.memory_space<vmem>> -> memref<16x32xf32, #tpu.memory_space<vmem>>
        %dma_start3A_32 = arith.constant 9984 : i32
        %dma_start3A_33 = arith.constant 0 : i32
        %dma_start3A_34 = tpu.memref_slice %arg16[%dma_start3A_32, %dma_start3A_33] : memref<10000x32xf32, #tpu.memory_space<vmem_shared>> -> memref<16x32xf32, #tpu.memory_space<vmem_shared>>
        %dma_start3A_35 = arith.constant 9984 : i32
        %dma_start3A_36 = arith.constant 0 : i32
        %dma_start3A_37 = tpu.memref_slice %arg16[%dma_start3A_35, %dma_start3A_36] : memref<10000x32xf32, #tpu.memory_space<vmem_shared>> -> memref<16x32xf32, #tpu.memory_space<vmem_shared>>
        %dma_start3A_38 = arith.constant 0 : i32
        %dma_start3A_39 = arith.constant 0 : i32
        %dma_start3A_40 = tpu.memref_slice %arg15[%dma_start3A_38, %dma_start3A_39] : memref<624x32xf32, #tpu.memory_space<vmem>> -> memref<16x32xf32, #tpu.memory_space<vmem>>
        tpu.enqueue_dma source(%dma_start3A_40 : memref<16x32xf32, #tpu.memory_space<vmem>>) target(%dma_start3A_37 : memref<16x32xf32, #tpu.memory_space<vmem_shared>>) target_semaphore(%run_scoped3A : memref<!tpu.dma_semaphore, #tpu.memory_space<semaphore_mem>>)
        %dma_wait3A = arith.constant 0 : i32
        %dma_wait3A_41 = arith.constant 0 : i32
        %dma_wait3A_42 = tpu.memref_slice %arg15[%dma_wait3A, %dma_wait3A_41] : memref<624x32xf32, #tpu.memory_space<vmem>> -> memref<16x32xf32, #tpu.memory_space<vmem>>
        %dma_wait3A_43 = arith.constant 9984 : i32
        %dma_wait3A_44 = arith.constant 0 : i32
        %dma_wait3A_45 = tpu.memref_slice %arg16[%dma_wait3A_43, %dma_wait3A_44] : memref<10000x32xf32, #tpu.memory_space<vmem_shared>> -> memref<16x32xf32, #tpu.memory_space<vmem_shared>>
        %dma_wait3A_46 = arith.constant 9984 : i32
        %dma_wait3A_47 = arith.constant 0 : i32
        %dma_wait3A_48 = tpu.memref_slice %arg16[%dma_wait3A_46, %dma_wait3A_47] : memref<10000x32xf32, #tpu.memory_space<vmem_shared>> -> memref<16x32xf32, #tpu.memory_space<vmem_shared>>
        %dma_wait3A_49 = arith.constant 0 : i32
        %dma_wait3A_50 = arith.constant 0 : i32
        %dma_wait3A_51 = tpu.memref_slice %arg15[%dma_wait3A_49, %dma_wait3A_50] : memref<624x32xf32, #tpu.memory_space<vmem>> -> memref<16x32xf32, #tpu.memory_space<vmem>>
        tpu.wait_dma2 semaphore(%run_scoped3A : memref<!tpu.dma_semaphore, #tpu.memory_space<semaphore_mem>>) src(%dma_wait3A_51 : memref<16x32xf32, #tpu.memory_space<vmem>>) dst(%dma_wait3A_48 : memref<16x32xf32, #tpu.memory_space<vmem_shared>>)
        tpu.yield
      }) : () -> ()
    } else {
    }
    %barrier3A = arith.constant 0 : index
    tpu.barrier barrier_id(%barrier3A)
    %scan3A = arith.constant 0 : i32
    %scan3A_15 = arith.constant 0 : i32
    %scan3A_16 = arith.constant 20 : i32
    %scan3A_17 = arith.addi %scan3A_15, %scan3A_16 : i32
    %scan3A_18 = arith.constant 1 : i32
    scf.for %scan3A_30 = %scan3A_15 to %scan3A_17 step %scan3A_18  : i32 {
      %mul3A_31 = arith.constant 2 : i32
      %mul3A_32 = arith.muli %mul3A_31, %scan3A_30 : i32
      %mul3A_33 = arith.constant 2 : i32
      %mul3A_34 = arith.muli %mul3A_33, %scan3A_30 : i32
      %add3A_35 = arith.constant 1 : i32
      %add3A_36 = arith.addi %mul3A_34, %add3A_35 : i32
      %dma_start3A = arith.constant 0 : i32
      %dma_start3A_37 = tpu.memref_slice %arg8[%mul3A_32, %dma_start3A] : memref<40x128xi32, #tpu.memory_space<vmem>> -> memref<1x128xi32, #tpu.memory_space<vmem>>
      %dma_start3A_38 = tpu.memref_squeeze %dma_start3A_37 : memref<1x128xi32, #tpu.memory_space<vmem>> -> memref<128xi32, #tpu.memory_space<vmem>>
      %dma_start3A_39 = arith.constant 0 : i32
      %dma_start3A_40 = arith.constant 0 : i32
      %dma_start3A_41 = tpu.memref_slice %arg3[%dma_start3A_39, %dma_start3A_40] : memref<10000x32xf32, #tpu.memory_space<hbm>> -> memref<10000x32xf32, #tpu.memory_space<hbm>>
      tpu.enqueue_indirect_dma source(%dma_start3A_41 : memref<10000x32xf32, #tpu.memory_space<hbm>>) target(%arg11 : memref<128x32xf32, #tpu.memory_space<vmem>>) offsets(%dma_start3A_38 : memref<128xi32, #tpu.memory_space<vmem>>) semaphore(%arg17 : memref<!tpu.dma_semaphore, #tpu.memory_space<semaphore_mem>>)
      %mul3A_42 = arith.constant 128 : i32
      %mul3A_43 = arith.muli %mul3A_32, %mul3A_42 : i32
      %add3A_44 = arith.addi %mul3A_4, %mul3A_43 : i32
      %dma_start3A_45 = arith.constant 0 : i32
      %dma_start3A_46 = tpu.memref_slice %arg2[%add3A_44, %dma_start3A_45] : memref<163840x32xf32, #tpu.memory_space<hbm>> -> memref<128x32xf32, #tpu.memory_space<hbm>>
      %dma_start3A_47 = arith.constant 0 : i32
      %dma_start3A_48 = tpu.memref_slice %arg2[%add3A_44, %dma_start3A_47] : memref<163840x32xf32, #tpu.memory_space<hbm>> -> memref<128x32xf32, #tpu.memory_space<hbm>>
      tpu.enqueue_dma source(%dma_start3A_48 : memref<128x32xf32, #tpu.memory_space<hbm>>) target(%arg10 : memref<128x32xf32, #tpu.memory_space<vmem>>) target_semaphore(%arg18 : memref<!tpu.dma_semaphore, #tpu.memory_space<semaphore_mem>>)
      %dma_start3A_49 = arith.constant 0 : i32
      %dma_start3A_50 = tpu.memref_slice %arg8[%add3A_36, %dma_start3A_49] : memref<40x128xi32, #tpu.memory_space<vmem>> -> memref<1x128xi32, #tpu.memory_space<vmem>>
      %dma_start3A_51 = tpu.memref_squeeze %dma_start3A_50 : memref<1x128xi32, #tpu.memory_space<vmem>> -> memref<128xi32, #tpu.memory_space<vmem>>
      %dma_start3A_52 = arith.constant 0 : i32
      %dma_start3A_53 = arith.constant 0 : i32
      %dma_start3A_54 = tpu.memref_slice %arg3[%dma_start3A_52, %dma_start3A_53] : memref<10000x32xf32, #tpu.memory_space<hbm>> -> memref<10000x32xf32, #tpu.memory_space<hbm>>
      tpu.enqueue_indirect_dma source(%dma_start3A_54 : memref<10000x32xf32, #tpu.memory_space<hbm>>) target(%arg13 : memref<128x32xf32, #tpu.memory_space<vmem>>) offsets(%dma_start3A_51 : memref<128xi32, #tpu.memory_space<vmem>>) semaphore(%arg19 : memref<!tpu.dma_semaphore, #tpu.memory_space<semaphore_mem>>)
      %mul3A_55 = arith.constant 128 : i32
      %mul3A_56 = arith.muli %add3A_36, %mul3A_55 : i32
      %add3A_57 = arith.addi %mul3A_4, %mul3A_56 : i32
      %dma_start3A_58 = arith.constant 0 : i32
      %dma_start3A_59 = tpu.memref_slice %arg2[%add3A_57, %dma_start3A_58] : memref<163840x32xf32, #tpu.memory_space<hbm>> -> memref<128x32xf32, #tpu.memory_space<hbm>>
      %dma_start3A_60 = arith.constant 0 : i32
      %dma_start3A_61 = tpu.memref_slice %arg2[%add3A_57, %dma_start3A_60] : memref<163840x32xf32, #tpu.memory_space<hbm>> -> memref<128x32xf32, #tpu.memory_space<hbm>>
      tpu.enqueue_dma source(%dma_start3A_61 : memref<128x32xf32, #tpu.memory_space<hbm>>) target(%arg12 : memref<128x32xf32, #tpu.memory_space<vmem>>) target_semaphore(%arg20 : memref<!tpu.dma_semaphore, #tpu.memory_space<semaphore_mem>>)
      %dma_wait3A = arith.constant 0 : i32
      %dma_wait3A_62 = tpu.memref_slice %arg8[%mul3A_32, %dma_wait3A] : memref<40x128xi32, #tpu.memory_space<vmem>> -> memref<1x128xi32, #tpu.memory_space<vmem>>
      %dma_wait3A_63 = tpu.memref_squeeze %dma_wait3A_62 : memref<1x128xi32, #tpu.memory_space<vmem>> -> memref<128xi32, #tpu.memory_space<vmem>>
      %dma_wait3A_64 = arith.constant 0 : i32
      %dma_wait3A_65 = arith.constant 0 : i32
      %dma_wait3A_66 = tpu.memref_slice %arg3[%dma_wait3A_64, %dma_wait3A_65] : memref<10000x32xf32, #tpu.memory_space<hbm>> -> memref<10000x32xf32, #tpu.memory_space<hbm>>
      tpu.wait_indirect_dma semaphore(%arg17 : memref<!tpu.dma_semaphore, #tpu.memory_space<semaphore_mem>>) src(%dma_wait3A_66 : memref<10000x32xf32, #tpu.memory_space<hbm>>) dst(%arg11 : memref<128x32xf32, #tpu.memory_space<vmem>>)
      %dma_wait3A_67 = arith.constant 0 : i32
      %dma_wait3A_68 = tpu.memref_slice %arg2[%add3A_44, %dma_wait3A_67] : memref<163840x32xf32, #tpu.memory_space<hbm>> -> memref<128x32xf32, #tpu.memory_space<hbm>>
      %dma_wait3A_69 = arith.constant 0 : i32
      %dma_wait3A_70 = tpu.memref_slice %arg2[%add3A_44, %dma_wait3A_69] : memref<163840x32xf32, #tpu.memory_space<hbm>> -> memref<128x32xf32, #tpu.memory_space<hbm>>
      tpu.wait_dma2 semaphore(%arg18 : memref<!tpu.dma_semaphore, #tpu.memory_space<semaphore_mem>>) src(%dma_wait3A_70 : memref<128x32xf32, #tpu.memory_space<hbm>>) dst(%arg10 : memref<128x32xf32, #tpu.memory_space<vmem>>)
      %parallel_loop3A = arith.constant 0 : i32
      %parallel_loop3A_71 = arith.constant 256 : i32
      %parallel_loop3A_72 = arith.constant 1 : i32
      scf.for %parallel_loop3A_86 = %parallel_loop3A to %parallel_loop3A_71 step %parallel_loop3A_72  : i32 {
        %parallel_loop3A_87 = arith.constant 1 : i32
        %parallel_loop3A_88 = arith.shrsi %parallel_loop3A_86, %parallel_loop3A_87 : i32
        %parallel_loop3A_89 = arith.constant 1 : i32
        %parallel_loop3A_90 = arith.andi %parallel_loop3A_86, %parallel_loop3A_89 : i32
        %parallel_loop3A_91 = arith.constant 16 : i32
        %parallel_loop3A_92 = arith.muli %parallel_loop3A_90, %parallel_loop3A_91 : i32
        %parallel_loop3A_93 = arith.index_cast %parallel_loop3A_88 : i32 to index
        %parallel_loop3A_94 = arith.index_cast %parallel_loop3A_92 : i32 to index
        %parallel_loop3A_95 = tpu.vector_load %arg10[%parallel_loop3A_93, %parallel_loop3A_94] {strides = array<i32>} : memref<128x32xf32, #tpu.memory_space<vmem>>, vector<1x16xf32>,
        %parallel_loop3A_96 = vector.shape_cast %parallel_loop3A_95 : vector<1x16xf32> to vector<16xf32>
        %parallel_loop3A_97 = arith.index_cast %parallel_loop3A_88 : i32 to index
        %parallel_loop3A_98 = arith.index_cast %parallel_loop3A_92 : i32 to index
        %parallel_loop3A_99 = tpu.vector_load %arg11[%parallel_loop3A_97, %parallel_loop3A_98] {strides = array<i32>} : memref<128x32xf32, #tpu.memory_space<vmem>>, vector<1x16xf32>,
        %parallel_loop3A_100 = vector.shape_cast %parallel_loop3A_99 : vector<1x16xf32> to vector<16xf32>
        %parallel_loop3A_101 = arith.mulf %parallel_loop3A_96, %parallel_loop3A_100 : vector<16xf32>
        %parallel_loop3A_102 = arith.index_cast %parallel_loop3A_88 : i32 to index
        %parallel_loop3A_103 = arith.index_cast %parallel_loop3A_92 : i32 to index
        %parallel_loop3A_104 = tpu.vector_load %arg14[%parallel_loop3A_102, %parallel_loop3A_103] {strides = array<i32>} : memref<128x32xf32, #tpu.memory_space<vmem>>, vector<1x16xf32>,
        %parallel_loop3A_105 = vector.shape_cast %parallel_loop3A_104 : vector<1x16xf32> to vector<16xf32>
        %parallel_loop3A_106 = vector.shape_cast %parallel_loop3A_101 : vector<16xf32> to vector<1x16xf32>
        tpu.vector_store %arg14[%parallel_loop3A_102, %parallel_loop3A_103], %parallel_loop3A_106 {strides = array<i32>} : memref<128x32xf32, #tpu.memory_space<vmem>>, vector<1x16xf32>,
      } {sc.loop_unroll_factor = 8 : i64, sc.parallel_access}
      "tpu.region"() ({
        %run_scoped3A = tpu.sem_alloc : memref<!tpu.dma_semaphore, #tpu.memory_space<semaphore_mem>>
        %dma_start3A_86 = arith.constant 0 : i32
        %dma_start3A_87 = tpu.memref_slice %arg9[%mul3A_32, %dma_start3A_86] : memref<40x128xi32, #tpu.memory_space<vmem>> -> memref<1x128xi32, #tpu.memory_space<vmem>>
        %dma_start3A_88 = tpu.memref_squeeze %dma_start3A_87 : memref<1x128xi32, #tpu.memory_space<vmem>> -> memref<128xi32, #tpu.memory_space<vmem>>
        %dma_start3A_89 = arith.constant 0 : i32
        %dma_start3A_90 = arith.constant 0 : i32
        %dma_start3A_91 = tpu.memref_slice %arg16[%dma_start3A_89, %dma_start3A_90] : memref<10000x32xf32, #tpu.memory_space<vmem_shared>> -> memref<10000x32xf32, #tpu.memory_space<vmem_shared>>
        tpu.enqueue_indirect_dma source(%arg14 : memref<128x32xf32, #tpu.memory_space<vmem>>) target(%dma_start3A_91 : memref<10000x32xf32, #tpu.memory_space<vmem_shared>>) offsets(%dma_start3A_88 : memref<128xi32, #tpu.memory_space<vmem>>) semaphore(%run_scoped3A : memref<!tpu.dma_semaphore, #tpu.memory_space<semaphore_mem>>) {add = true}
        %dma_wait3A_92 = arith.constant 0 : i32
        %dma_wait3A_93 = tpu.memref_slice %arg9[%mul3A_32, %dma_wait3A_92] : memref<40x128xi32, #tpu.memory_space<vmem>> -> memref<1x128xi32, #tpu.memory_space<vmem>>
        %dma_wait3A_94 = tpu.memref_squeeze %dma_wait3A_93 : memref<1x128xi32, #tpu.memory_space<vmem>> -> memref<128xi32, #tpu.memory_space<vmem>>
        %dma_wait3A_95 = arith.constant 0 : i32
        %dma_wait3A_96 = arith.constant 0 : i32
        %dma_wait3A_97 = tpu.memref_slice %arg16[%dma_wait3A_95, %dma_wait3A_96] : memref<10000x32xf32, #tpu.memory_space<vmem_shared>> -> memref<10000x32xf32, #tpu.memory_space<vmem_shared>>
        tpu.wait_indirect_dma semaphore(%run_scoped3A : memref<!tpu.dma_semaphore, #tpu.memory_space<semaphore_mem>>) src(%arg14 : memref<128x32xf32, #tpu.memory_space<vmem>>) dst(%dma_wait3A_97 : memref<10000x32xf32, #tpu.memory_space<vmem_shared>>)
        tpu.yield
      }) : () -> ()
      %dma_wait3A_73 = arith.constant 0 : i32
      %dma_wait3A_74 = tpu.memref_slice %arg8[%add3A_36, %dma_wait3A_73] : memref<40x128xi32, #tpu.memory_space<vmem>> -> memref<1x128xi32, #tpu.memory_space<vmem>>
      %dma_wait3A_75 = tpu.memref_squeeze %dma_wait3A_74 : memref<1x128xi32, #tpu.memory_space<vmem>> -> memref<128xi32, #tpu.memory_space<vmem>>
      %dma_wait3A_76 = arith.constant 0 : i32
      %dma_wait3A_77 = arith.constant 0 : i32
      %dma_wait3A_78 = tpu.memref_slice %arg3[%dma_wait3A_76, %dma_wait3A_77] : memref<10000x32xf32, #tpu.memory_space<hbm>> -> memref<10000x32xf32, #tpu.memory_space<hbm>>
      tpu.wait_indirect_dma semaphore(%arg19 : memref<!tpu.dma_semaphore, #tpu.memory_space<semaphore_mem>>) src(%dma_wait3A_78 : memref<10000x32xf32, #tpu.memory_space<hbm>>) dst(%arg13 : memref<128x32xf32, #tpu.memory_space<vmem>>)
      %dma_wait3A_79 = arith.constant 0 : i32
      %dma_wait3A_80 = tpu.memref_slice %arg2[%add3A_57, %dma_wait3A_79] : memref<163840x32xf32, #tpu.memory_space<hbm>> -> memref<128x32xf32, #tpu.memory_space<hbm>>
      %dma_wait3A_81 = arith.constant 0 : i32
      %dma_wait3A_82 = tpu.memref_slice %arg2[%add3A_57, %dma_wait3A_81] : memref<163840x32xf32, #tpu.memory_space<hbm>> -> memref<128x32xf32, #tpu.memory_space<hbm>>
      tpu.wait_dma2 semaphore(%arg20 : memref<!tpu.dma_semaphore, #tpu.memory_space<semaphore_mem>>) src(%dma_wait3A_82 : memref<128x32xf32, #tpu.memory_space<hbm>>) dst(%arg12 : memref<128x32xf32, #tpu.memory_space<vmem>>)
      %parallel_loop3A_83 = arith.constant 0 : i32
      %parallel_loop3A_84 = arith.constant 256 : i32
      %parallel_loop3A_85 = arith.constant 1 : i32
      scf.for %parallel_loop3A_86 = %parallel_loop3A_83 to %parallel_loop3A_84 step %parallel_loop3A_85  : i32 {
        %parallel_loop3A_87 = arith.constant 1 : i32
        %parallel_loop3A_88 = arith.shrsi %parallel_loop3A_86, %parallel_loop3A_87 : i32
        %parallel_loop3A_89 = arith.constant 1 : i32
        %parallel_loop3A_90 = arith.andi %parallel_loop3A_86, %parallel_loop3A_89 : i32
        %parallel_loop3A_91 = arith.constant 16 : i32
        %parallel_loop3A_92 = arith.muli %parallel_loop3A_90, %parallel_loop3A_91 : i32
        %parallel_loop3A_93 = arith.index_cast %parallel_loop3A_88 : i32 to index
        %parallel_loop3A_94 = arith.index_cast %parallel_loop3A_92 : i32 to index
        %parallel_loop3A_95 = tpu.vector_load %arg12[%parallel_loop3A_93, %parallel_loop3A_94] {strides = array<i32>} : memref<128x32xf32, #tpu.memory_space<vmem>>, vector<1x16xf32>,
        %parallel_loop3A_96 = vector.shape_cast %parallel_loop3A_95 : vector<1x16xf32> to vector<16xf32>
        %parallel_loop3A_97 = arith.index_cast %parallel_loop3A_88 : i32 to index
        %parallel_loop3A_98 = arith.index_cast %parallel_loop3A_92 : i32 to index
        %parallel_loop3A_99 = tpu.vector_load %arg13[%parallel_loop3A_97, %parallel_loop3A_98] {strides = array<i32>} : memref<128x32xf32, #tpu.memory_space<vmem>>, vector<1x16xf32>,
        %parallel_loop3A_100 = vector.shape_cast %parallel_loop3A_99 : vector<1x16xf32> to vector<16xf32>
        %parallel_loop3A_101 = arith.mulf %parallel_loop3A_96, %parallel_loop3A_100 : vector<16xf32>
        %parallel_loop3A_102 = arith.index_cast %parallel_loop3A_88 : i32 to index
        %parallel_loop3A_103 = arith.index_cast %parallel_loop3A_92 : i32 to index
        %parallel_loop3A_104 = tpu.vector_load %arg14[%parallel_loop3A_102, %parallel_loop3A_103] {strides = array<i32>} : memref<128x32xf32, #tpu.memory_space<vmem>>, vector<1x16xf32>,
        %parallel_loop3A_105 = vector.shape_cast %parallel_loop3A_104 : vector<1x16xf32> to vector<16xf32>
        %parallel_loop3A_106 = vector.shape_cast %parallel_loop3A_101 : vector<16xf32> to vector<1x16xf32>
        tpu.vector_store %arg14[%parallel_loop3A_102, %parallel_loop3A_103], %parallel_loop3A_106 {strides = array<i32>} : memref<128x32xf32, #tpu.memory_space<vmem>>, vector<1x16xf32>,
      } {sc.loop_unroll_factor = 8 : i64, sc.parallel_access}
      "tpu.region"() ({
        %run_scoped3A = tpu.sem_alloc : memref<!tpu.dma_semaphore, #tpu.memory_space<semaphore_mem>>
        %dma_start3A_86 = arith.constant 0 : i32
        %dma_start3A_87 = tpu.memref_slice %arg9[%add3A_36, %dma_start3A_86] : memref<40x128xi32, #tpu.memory_space<vmem>> -> memref<1x128xi32, #tpu.memory_space<vmem>>
        %dma_start3A_88 = tpu.memref_squeeze %dma_start3A_87 : memref<1x128xi32, #tpu.memory_space<vmem>> -> memref<128xi32, #tpu.memory_space<vmem>>
        %dma_start3A_89 = arith.constant 0 : i32
        %dma_start3A_90 = arith.constant 0 : i32
        %dma_start3A_91 = tpu.memref_slice %arg16[%dma_start3A_89, %dma_start3A_90] : memref<10000x32xf32, #tpu.memory_space<vmem_shared>> -> memref<10000x32xf32, #tpu.memory_space<vmem_shared>>
        tpu.enqueue_indirect_dma source(%arg14 : memref<128x32xf32, #tpu.memory_space<vmem>>) target(%dma_start3A_91 : memref<10000x32xf32, #tpu.memory_space<vmem_shared>>) offsets(%dma_start3A_88 : memref<128xi32, #tpu.memory_space<vmem>>) semaphore(%run_scoped3A : memref<!tpu.dma_semaphore, #tpu.memory_space<semaphore_mem>>) {add = true}
        %dma_wait3A_92 = arith.constant 0 : i32
        %dma_wait3A_93 = tpu.memref_slice %arg9[%add3A_36, %dma_wait3A_92] : memref<40x128xi32, #tpu.memory_space<vmem>> -> memref<1x128xi32, #tpu.memory_space<vmem>>
        %dma_wait3A_94 = tpu.memref_squeeze %dma_wait3A_93 : memref<1x128xi32, #tpu.memory_space<vmem>> -> memref<128xi32, #tpu.memory_space<vmem>>
        %dma_wait3A_95 = arith.constant 0 : i32
        %dma_wait3A_96 = arith.constant 0 : i32
        %dma_wait3A_97 = tpu.memref_slice %arg16[%dma_wait3A_95, %dma_wait3A_96] : memref<10000x32xf32, #tpu.memory_space<vmem_shared>> -> memref<10000x32xf32, #tpu.memory_space<vmem_shared>>
        tpu.wait_indirect_dma semaphore(%run_scoped3A : memref<!tpu.dma_semaphore, #tpu.memory_space<semaphore_mem>>) src(%arg14 : memref<128x32xf32, #tpu.memory_space<vmem>>) dst(%dma_wait3A_97 : memref<10000x32xf32, #tpu.memory_space<vmem_shared>>)
        tpu.yield
      }) : () -> ()
    }
    %scan3A_19 = arith.constant 20 : i32
    %barrier3A_20 = arith.constant 0 : index
    tpu.barrier barrier_id(%barrier3A_20)
    %mul3A_21 = arith.constant 624 : i32
    %mul3A_22 = arith.muli %arg1, %mul3A_21 : i32
    "tpu.region"() ({
      %run_scoped3A = tpu.sem_alloc : memref<!tpu.dma_semaphore, #tpu.memory_space<semaphore_mem>>
      %dma_start3A = arith.constant 0 : i32
      %dma_start3A_30 = tpu.memref_slice %arg16[%mul3A_22, %dma_start3A] : memref<10000x32xf32, #tpu.memory_space<vmem_shared>> -> memref<624x32xf32, #tpu.memory_space<vmem_shared>>
      %dma_start3A_31 = arith.constant 0 : i32
      %dma_start3A_32 = tpu.memref_slice %arg16[%mul3A_22, %dma_start3A_31] : memref<10000x32xf32, #tpu.memory_space<vmem_shared>> -> memref<624x32xf32, #tpu.memory_space<vmem_shared>>
      tpu.enqueue_dma source(%dma_start3A_32 : memref<624x32xf32, #tpu.memory_space<vmem_shared>>) target(%arg15 : memref<624x32xf32, #tpu.memory_space<vmem>>) target_semaphore(%run_scoped3A : memref<!tpu.dma_semaphore, #tpu.memory_space<semaphore_mem>>)
      %dma_wait3A = arith.constant 0 : i32
      %dma_wait3A_33 = tpu.memref_slice %arg16[%mul3A_22, %dma_wait3A] : memref<10000x32xf32, #tpu.memory_space<vmem_shared>> -> memref<624x32xf32, #tpu.memory_space<vmem_shared>>
      %dma_wait3A_34 = arith.constant 0 : i32
      %dma_wait3A_35 = tpu.memref_slice %arg16[%mul3A_22, %dma_wait3A_34] : memref<10000x32xf32, #tpu.memory_space<vmem_shared>> -> memref<624x32xf32, #tpu.memory_space<vmem_shared>>
      tpu.wait_dma2 semaphore(%run_scoped3A : memref<!tpu.dma_semaphore, #tpu.memory_space<semaphore_mem>>) src(%dma_wait3A_35 : memref<624x32xf32, #tpu.memory_space<vmem_shared>>) dst(%arg15 : memref<624x32xf32, #tpu.memory_space<vmem>>)
      tpu.yield
    }) : () -> ()
    %mul3A_23 = arith.constant 624 : i32
    %mul3A_24 = arith.muli %arg1, %mul3A_23 : i32
    "tpu.region"() ({
      %run_scoped3A = tpu.sem_alloc : memref<!tpu.dma_semaphore, #tpu.memory_space<semaphore_mem>>
      %dma_start3A = arith.constant 0 : i32
      %dma_start3A_30 = tpu.memref_slice %arg7[%arg0, %mul3A_24, %dma_start3A] : memref<2x10000x32xf32, #tpu.memory_space<hbm>> -> memref<1x624x32xf32, #tpu.memory_space<hbm>>
      %dma_start3A_31 = tpu.memref_squeeze %dma_start3A_30 : memref<1x624x32xf32, #tpu.memory_space<hbm>> -> memref<624x32xf32, #tpu.memory_space<hbm>>
      %dma_start3A_32 = arith.constant 0 : i32
      %dma_start3A_33 = tpu.memref_slice %arg7[%arg0, %mul3A_24, %dma_start3A_32] : memref<2x10000x32xf32, #tpu.memory_space<hbm>> -> memref<1x624x32xf32, #tpu.memory_space<hbm>>
      %dma_start3A_34 = tpu.memref_squeeze %dma_start3A_33 : memref<1x624x32xf32, #tpu.memory_space<hbm>> -> memref<624x32xf32, #tpu.memory_space<hbm>>
      tpu.enqueue_dma source(%arg15 : memref<624x32xf32, #tpu.memory_space<vmem>>) target(%dma_start3A_34 : memref<624x32xf32, #tpu.memory_space<hbm>>) target_semaphore(%run_scoped3A : memref<!tpu.dma_semaphore, #tpu.memory_space<semaphore_mem>>)
      %dma_wait3A = arith.constant 0 : i32
      %dma_wait3A_35 = tpu.memref_slice %arg7[%arg0, %mul3A_24, %dma_wait3A] : memref<2x10000x32xf32, #tpu.memory_space<hbm>> -> memref<1x624x32xf32, #tpu.memory_space<hbm>>
      %dma_wait3A_36 = tpu.memref_squeeze %dma_wait3A_35 : memref<1x624x32xf32, #tpu.memory_space<hbm>> -> memref<624x32xf32, #tpu.memory_space<hbm>>
      %dma_wait3A_37 = arith.constant 0 : i32
      %dma_wait3A_38 = tpu.memref_slice %arg7[%arg0, %mul3A_24, %dma_wait3A_37] : memref<2x10000x32xf32, #tpu.memory_space<hbm>> -> memref<1x624x32xf32, #tpu.memory_space<hbm>>
      %dma_wait3A_39 = tpu.memref_squeeze %dma_wait3A_38 : memref<1x624x32xf32, #tpu.memory_space<hbm>> -> memref<624x32xf32, #tpu.memory_space<hbm>>
      tpu.wait_dma2 semaphore(%run_scoped3A : memref<!tpu.dma_semaphore, #tpu.memory_space<semaphore_mem>>) src(%arg15 : memref<624x32xf32, #tpu.memory_space<vmem>>) dst(%dma_wait3A_39 : memref<624x32xf32, #tpu.memory_space<hbm>>)
      tpu.yield
    }) : () -> ()
    %eq3A_25 = arith.constant 0 : i32
    %eq3A_26 = arith.cmpi eq, %arg1, %eq3A_25 : i32
    %convert_element_type3A_27 = arith.extui %eq3A_26 : i1 to i32
    %cond3A_28 = arith.constant 0 : i32
    %cond3A_29 = arith.cmpi ne, %convert_element_type3A_27, %cond3A_28 : i32
    scf.if %cond3A_29 {
      "tpu.region"() ({
        %run_scoped3A = tpu.sem_alloc : memref<!tpu.dma_semaphore, #tpu.memory_space<semaphore_mem>>
        %dma_start3A = arith.constant 0 : i32
        %dma_start3A_30 = arith.constant 0 : i32
        %dma_start3A_31 = tpu.memref_slice %arg15[%dma_start3A, %dma_start3A_30] : memref<624x32xf32, #tpu.memory_space<vmem>> -> memref<16x32xf32, #tpu.memory_space<vmem>>
        %dma_start3A_32 = arith.constant 9984 : i32
        %dma_start3A_33 = arith.constant 0 : i32
        %dma_start3A_34 = tpu.memref_slice %arg16[%dma_start3A_32, %dma_start3A_33] : memref<10000x32xf32, #tpu.memory_space<vmem_shared>> -> memref<16x32xf32, #tpu.memory_space<vmem_shared>>
        %dma_start3A_35 = arith.constant 0 : i32
        %dma_start3A_36 = arith.constant 0 : i32
        %dma_start3A_37 = tpu.memref_slice %arg15[%dma_start3A_35, %dma_start3A_36] : memref<624x32xf32, #tpu.memory_space<vmem>> -> memref<16x32xf32, #tpu.memory_space<vmem>>
        %dma_start3A_38 = arith.constant 9984 : i32
        %dma_start3A_39 = arith.constant 0 : i32
        %dma_start3A_40 = tpu.memref_slice %arg16[%dma_start3A_38, %dma_start3A_39] : memref<10000x32xf32, #tpu.memory_space<vmem_shared>> -> memref<16x32xf32, #tpu.memory_space<vmem_shared>>
        tpu.enqueue_dma source(%dma_start3A_40 : memref<16x32xf32, #tpu.memory_space<vmem_shared>>) target(%dma_start3A_37 : memref<16x32xf32, #tpu.memory_space<vmem>>) target_semaphore(%run_scoped3A : memref<!tpu.dma_semaphore, #tpu.memory_space<semaphore_mem>>)
        %dma_wait3A = arith.constant 0 : i32
        %dma_wait3A_41 = arith.constant 0 : i32
        %dma_wait3A_42 = tpu.memref_slice %arg15[%dma_wait3A, %dma_wait3A_41] : memref<624x32xf32, #tpu.memory_space<vmem>> -> memref<16x32xf32, #tpu.memory_space<vmem>>
        %dma_wait3A_43 = arith.constant 9984 : i32
        %dma_wait3A_44 = arith.constant 0 : i32
        %dma_wait3A_45 = tpu.memref_slice %arg16[%dma_wait3A_43, %dma_wait3A_44] : memref<10000x32xf32, #tpu.memory_space<vmem_shared>> -> memref<16x32xf32, #tpu.memory_space<vmem_shared>>
        %dma_wait3A_46 = arith.constant 0 : i32
        %dma_wait3A_47 = arith.constant 0 : i32
        %dma_wait3A_48 = tpu.memref_slice %arg15[%dma_wait3A_46, %dma_wait3A_47] : memref<624x32xf32, #tpu.memory_space<vmem>> -> memref<16x32xf32, #tpu.memory_space<vmem>>
        %dma_wait3A_49 = arith.constant 9984 : i32
        %dma_wait3A_50 = arith.constant 0 : i32
        %dma_wait3A_51 = tpu.memref_slice %arg16[%dma_wait3A_49, %dma_wait3A_50] : memref<10000x32xf32, #tpu.memory_space<vmem_shared>> -> memref<16x32xf32, #tpu.memory_space<vmem_shared>>
        tpu.wait_dma2 semaphore(%run_scoped3A : memref<!tpu.dma_semaphore, #tpu.memory_space<semaphore_mem>>) src(%dma_wait3A_51 : memref<16x32xf32, #tpu.memory_space<vmem_shared>>) dst(%dma_wait3A_48 : memref<16x32xf32, #tpu.memory_space<vmem>>)
        tpu.yield
      }) : () -> ()
      "tpu.region"() ({
        %run_scoped3A = tpu.sem_alloc : memref<!tpu.dma_semaphore, #tpu.memory_space<semaphore_mem>>
        %dma_start3A = arith.constant 0 : i32
        %dma_start3A_30 = arith.constant 0 : i32
        %dma_start3A_31 = tpu.memref_slice %arg15[%dma_start3A, %dma_start3A_30] : memref<624x32xf32, #tpu.memory_space<vmem>> -> memref<16x32xf32, #tpu.memory_space<vmem>>
        %dma_start3A_32 = arith.constant 9984 : i32
        %dma_start3A_33 = arith.constant 0 : i32
        %dma_start3A_34 = tpu.memref_slice %arg7[%arg0, %dma_start3A_32, %dma_start3A_33] : memref<2x10000x32xf32, #tpu.memory_space<hbm>> -> memref<1x16x32xf32, #tpu.memory_space<hbm>>
        %dma_start3A_35 = tpu.memref_squeeze %dma_start3A_34 : memref<1x16x32xf32, #tpu.memory_space<hbm>> -> memref<16x32xf32, #tpu.memory_space<hbm>>
        %dma_start3A_36 = arith.constant 9984 : i32
        %dma_start3A_37 = arith.constant 0 : i32
        %dma_start3A_38 = tpu.memref_slice %arg7[%arg0, %dma_start3A_36, %dma_start3A_37] : memref<2x10000x32xf32, #tpu.memory_space<hbm>> -> memref<1x16x32xf32, #tpu.memory_space<hbm>>
        %dma_start3A_39 = tpu.memref_squeeze %dma_start3A_38 : memref<1x16x32xf32, #tpu.memory_space<hbm>> -> memref<16x32xf32, #tpu.memory_space<hbm>>
        %dma_start3A_40 = arith.constant 0 : i32
        %dma_start3A_41 = arith.constant 0 : i32
        %dma_start3A_42 = tpu.memref_slice %arg15[%dma_start3A_40, %dma_start3A_41] : memref<624x32xf32, #tpu.memory_space<vmem>> -> memref<16x32xf32, #tpu.memory_space<vmem>>
        tpu.enqueue_dma source(%dma_start3A_42 : memref<16x32xf32, #tpu.memory_space<vmem>>) target(%dma_start3A_39 : memref<16x32xf32, #tpu.memory_space<hbm>>) target_semaphore(%run_scoped3A : memref<!tpu.dma_semaphore, #tpu.memory_space<semaphore_mem>>)
        %dma_wait3A = arith.constant 0 : i32
        %dma_wait3A_43 = arith.constant 0 : i32
        %dma_wait3A_44 = tpu.memref_slice %arg15[%dma_wait3A, %dma_wait3A_43] : memref<624x32xf32, #tpu.memory_space<vmem>> -> memref<16x32xf32, #tpu.memory_space<vmem>>
        %dma_wait3A_45 = arith.constant 9984 : i32
        %dma_wait3A_46 = arith.constant 0 : i32
        %dma_wait3A_47 = tpu.memref_slice %arg7[%arg0, %dma_wait3A_45, %dma_wait3A_46] : memref<2x10000x32xf32, #tpu.memory_space<hbm>> -> memref<1x16x32xf32, #tpu.memory_space<hbm>>
        %dma_wait3A_48 = tpu.memref_squeeze %dma_wait3A_47 : memref<1x16x32xf32, #tpu.memory_space<hbm>> -> memref<16x32xf32, #tpu.memory_space<hbm>>
        %dma_wait3A_49 = arith.constant 9984 : i32
        %dma_wait3A_50 = arith.constant 0 : i32
        %dma_wait3A_51 = tpu.memref_slice %arg7[%arg0, %dma_wait3A_49, %dma_wait3A_50] : memref<2x10000x32xf32, #tpu.memory_space<hbm>> -> memref<1x16x32xf32, #tpu.memory_space<hbm>>
        %dma_wait3A_52 = tpu.memref_squeeze %dma_wait3A_51 : memref<1x16x32xf32, #tpu.memory_space<hbm>> -> memref<16x32xf32, #tpu.memory_space<hbm>>
        %dma_wait3A_53 = arith.constant 0 : i32
        %dma_wait3A_54 = arith.constant 0 : i32
        %dma_wait3A_55 = tpu.memref_slice %arg15[%dma_wait3A_53, %dma_wait3A_54] : memref<624x32xf32, #tpu.memory_space<vmem>> -> memref<16x32xf32, #tpu.memory_space<vmem>>
        tpu.wait_dma2 semaphore(%run_scoped3A : memref<!tpu.dma_semaphore, #tpu.memory_space<semaphore_mem>>) src(%dma_wait3A_55 : memref<16x32xf32, #tpu.memory_space<vmem>>) dst(%dma_wait3A_52 : memref<16x32xf32, #tpu.memory_space<hbm>>)
        tpu.yield
      }) : () -> ()
    } else {
    }
    return
  }
}

#map = affine_map<(d0, d1) -> (0, 0)>
#map1 = affine_map<(d0, d1) -> (0, 0, 0)>
module attributes {stable_mosaic.version = 14 : i64} {
  func.func @k(%arg0: i32, %arg1: i32, %arg2: memref<163840x8xf32, #tpu.memory_space<hbm>>, %arg3: memref<163840x8xf32, #tpu.memory_space<hbm>>, %arg4: memref<1280x128xi32, #tpu.memory_space<hbm>>, %arg5: memref<1280x128xi32, #tpu.memory_space<hbm>>, %arg6: memref<10000x8xf32, #tpu.memory_space<hbm>>, %arg7: memref<2x10000x8xf32, #tpu.memory_space<hbm>>, %arg8: memref<40x128xi32, #tpu.memory_space<vmem>>, %arg9: memref<40x128xi32, #tpu.memory_space<vmem>>, %arg10: memref<128x8xf32, #tpu.memory_space<vmem>>, %arg11: memref<128x8xf32, #tpu.memory_space<vmem>>, %arg12: memref<128x8xf32, #tpu.memory_space<vmem>>, %arg13: memref<128x8xf32, #tpu.memory_space<vmem>>, %arg14: memref<624x8xf32, #tpu.memory_space<vmem>>, %arg15: memref<10000x8xf32, #tpu.memory_space<vmem_shared>>, %arg16: memref<!tpu.dma_semaphore, #tpu.memory_space<semaphore_mem>>, %arg17: memref<!tpu.dma_semaphore, #tpu.memory_space<semaphore_mem>>, %arg18: memref<!tpu.dma_semaphore, #tpu.memory_space<semaphore_mem>>, %arg19: memref<!tpu.dma_semaphore, #tpu.memory_space<semaphore_mem>>) attributes {dimension_semantics = [#tpu.dimension_semantics<core_parallel>, #tpu.dimension_semantics<subcore_parallel>], iteration_bounds = array<i64: 2, 16>, scalar_prefetch = 0 : i64, scratch_operands = 12 : i64, tpu.core_type = #tpu.core_type<sc_vector_subcore>, window_params = [{transform_indices = #map}, {transform_indices = #map}, {transform_indices = #map}, {transform_indices = #map}, {transform_indices = #map}, {transform_indices = #map1}]} {
    %mul3A = arith.constant 2 : i32
    %mul3A_0 = arith.muli %arg1, %mul3A : i32
    %add3A = arith.addi %mul3A_0, %arg0 : i32
    %mul3A_1 = arith.constant 40 : i32
    %mul3A_2 = arith.muli %add3A, %mul3A_1 : i32
    %mul3A_3 = arith.constant 128 : i32
    %mul3A_4 = arith.muli %mul3A_2, %mul3A_3 : i32
    %mul3A_5 = arith.constant 40 : i32
    %mul3A_6 = arith.muli %add3A, %mul3A_5 : i32
    "tpu.region"() ({
      %run_scoped3A = tpu.sem_alloc : memref<!tpu.dma_semaphore, #tpu.memory_space<semaphore_mem>>
      %dma_start3A = arith.constant 0 : i32
      %dma_start3A_30 = tpu.memref_slice %arg4[%mul3A_6, %dma_start3A] : memref<1280x128xi32, #tpu.memory_space<hbm>> -> memref<40x128xi32, #tpu.memory_space<hbm>>
      %dma_start3A_31 = arith.constant 0 : i32
      %dma_start3A_32 = tpu.memref_slice %arg4[%mul3A_6, %dma_start3A_31] : memref<1280x128xi32, #tpu.memory_space<hbm>> -> memref<40x128xi32, #tpu.memory_space<hbm>>
      tpu.enqueue_dma source(%dma_start3A_32 : memref<40x128xi32, #tpu.memory_space<hbm>>) target(%arg8 : memref<40x128xi32, #tpu.memory_space<vmem>>) target_semaphore(%run_scoped3A : memref<!tpu.dma_semaphore, #tpu.memory_space<semaphore_mem>>)
      %dma_wait3A = arith.constant 0 : i32
      %dma_wait3A_33 = tpu.memref_slice %arg4[%mul3A_6, %dma_wait3A] : memref<1280x128xi32, #tpu.memory_space<hbm>> -> memref<40x128xi32, #tpu.memory_space<hbm>>
      %dma_wait3A_34 = arith.constant 0 : i32
      %dma_wait3A_35 = tpu.memref_slice %arg4[%mul3A_6, %dma_wait3A_34] : memref<1280x128xi32, #tpu.memory_space<hbm>> -> memref<40x128xi32, #tpu.memory_space<hbm>>
      tpu.wait_dma2 semaphore(%run_scoped3A : memref<!tpu.dma_semaphore, #tpu.memory_space<semaphore_mem>>) src(%dma_wait3A_35 : memref<40x128xi32, #tpu.memory_space<hbm>>) dst(%arg8 : memref<40x128xi32, #tpu.memory_space<vmem>>)
      tpu.yield
    }) : () -> ()
    %mul3A_7 = arith.constant 40 : i32
    %mul3A_8 = arith.muli %add3A, %mul3A_7 : i32
    "tpu.region"() ({
      %run_scoped3A = tpu.sem_alloc : memref<!tpu.dma_semaphore, #tpu.memory_space<semaphore_mem>>
      %dma_start3A = arith.constant 0 : i32
      %dma_start3A_30 = tpu.memref_slice %arg5[%mul3A_8, %dma_start3A] : memref<1280x128xi32, #tpu.memory_space<hbm>> -> memref<40x128xi32, #tpu.memory_space<hbm>>
      %dma_start3A_31 = arith.constant 0 : i32
      %dma_start3A_32 = tpu.memref_slice %arg5[%mul3A_8, %dma_start3A_31] : memref<1280x128xi32, #tpu.memory_space<hbm>> -> memref<40x128xi32, #tpu.memory_space<hbm>>
      tpu.enqueue_dma source(%dma_start3A_32 : memref<40x128xi32, #tpu.memory_space<hbm>>) target(%arg9 : memref<40x128xi32, #tpu.memory_space<vmem>>) target_semaphore(%run_scoped3A : memref<!tpu.dma_semaphore, #tpu.memory_space<semaphore_mem>>)
      %dma_wait3A = arith.constant 0 : i32
      %dma_wait3A_33 = tpu.memref_slice %arg5[%mul3A_8, %dma_wait3A] : memref<1280x128xi32, #tpu.memory_space<hbm>> -> memref<40x128xi32, #tpu.memory_space<hbm>>
      %dma_wait3A_34 = arith.constant 0 : i32
      %dma_wait3A_35 = tpu.memref_slice %arg5[%mul3A_8, %dma_wait3A_34] : memref<1280x128xi32, #tpu.memory_space<hbm>> -> memref<40x128xi32, #tpu.memory_space<hbm>>
      tpu.wait_dma2 semaphore(%run_scoped3A : memref<!tpu.dma_semaphore, #tpu.memory_space<semaphore_mem>>) src(%dma_wait3A_35 : memref<40x128xi32, #tpu.memory_space<hbm>>) dst(%arg9 : memref<40x128xi32, #tpu.memory_space<vmem>>)
      tpu.yield
    }) : () -> ()
    %mul3A_9 = arith.constant 624 : i32
    %mul3A_10 = arith.muli %arg1, %mul3A_9 : i32
    "tpu.region"() ({
      %run_scoped3A = tpu.sem_alloc : memref<!tpu.dma_semaphore, #tpu.memory_space<semaphore_mem>>
      %dma_start3A = arith.constant 0 : i32
      %dma_start3A_30 = tpu.memref_slice %arg6[%mul3A_10, %dma_start3A] : memref<10000x8xf32, #tpu.memory_space<hbm>> -> memref<624x8xf32, #tpu.memory_space<hbm>>
      %dma_start3A_31 = arith.constant 0 : i32
      %dma_start3A_32 = tpu.memref_slice %arg6[%mul3A_10, %dma_start3A_31] : memref<10000x8xf32, #tpu.memory_space<hbm>> -> memref<624x8xf32, #tpu.memory_space<hbm>>
      tpu.enqueue_dma source(%dma_start3A_32 : memref<624x8xf32, #tpu.memory_space<hbm>>) target(%arg14 : memref<624x8xf32, #tpu.memory_space<vmem>>) target_semaphore(%run_scoped3A : memref<!tpu.dma_semaphore, #tpu.memory_space<semaphore_mem>>)
      %dma_wait3A = arith.constant 0 : i32
      %dma_wait3A_33 = tpu.memref_slice %arg6[%mul3A_10, %dma_wait3A] : memref<10000x8xf32, #tpu.memory_space<hbm>> -> memref<624x8xf32, #tpu.memory_space<hbm>>
      %dma_wait3A_34 = arith.constant 0 : i32
      %dma_wait3A_35 = tpu.memref_slice %arg6[%mul3A_10, %dma_wait3A_34] : memref<10000x8xf32, #tpu.memory_space<hbm>> -> memref<624x8xf32, #tpu.memory_space<hbm>>
      tpu.wait_dma2 semaphore(%run_scoped3A : memref<!tpu.dma_semaphore, #tpu.memory_space<semaphore_mem>>) src(%dma_wait3A_35 : memref<624x8xf32, #tpu.memory_space<hbm>>) dst(%arg14 : memref<624x8xf32, #tpu.memory_space<vmem>>)
      tpu.yield
    }) : () -> ()
    %mul3A_11 = arith.constant 624 : i32
    %mul3A_12 = arith.muli %arg1, %mul3A_11 : i32
    "tpu.region"() ({
      %run_scoped3A = tpu.sem_alloc : memref<!tpu.dma_semaphore, #tpu.memory_space<semaphore_mem>>
      %dma_start3A = arith.constant 0 : i32
      %dma_start3A_30 = tpu.memref_slice %arg15[%mul3A_12, %dma_start3A] : memref<10000x8xf32, #tpu.memory_space<vmem_shared>> -> memref<624x8xf32, #tpu.memory_space<vmem_shared>>
      %dma_start3A_31 = arith.constant 0 : i32
      %dma_start3A_32 = tpu.memref_slice %arg15[%mul3A_12, %dma_start3A_31] : memref<10000x8xf32, #tpu.memory_space<vmem_shared>> -> memref<624x8xf32, #tpu.memory_space<vmem_shared>>
      tpu.enqueue_dma source(%arg14 : memref<624x8xf32, #tpu.memory_space<vmem>>) target(%dma_start3A_32 : memref<624x8xf32, #tpu.memory_space<vmem_shared>>) target_semaphore(%run_scoped3A : memref<!tpu.dma_semaphore, #tpu.memory_space<semaphore_mem>>)
      %dma_wait3A = arith.constant 0 : i32
      %dma_wait3A_33 = tpu.memref_slice %arg15[%mul3A_12, %dma_wait3A] : memref<10000x8xf32, #tpu.memory_space<vmem_shared>> -> memref<624x8xf32, #tpu.memory_space<vmem_shared>>
      %dma_wait3A_34 = arith.constant 0 : i32
      %dma_wait3A_35 = tpu.memref_slice %arg15[%mul3A_12, %dma_wait3A_34] : memref<10000x8xf32, #tpu.memory_space<vmem_shared>> -> memref<624x8xf32, #tpu.memory_space<vmem_shared>>
      tpu.wait_dma2 semaphore(%run_scoped3A : memref<!tpu.dma_semaphore, #tpu.memory_space<semaphore_mem>>) src(%arg14 : memref<624x8xf32, #tpu.memory_space<vmem>>) dst(%dma_wait3A_35 : memref<624x8xf32, #tpu.memory_space<vmem_shared>>)
      tpu.yield
    }) : () -> ()
    %eq3A = arith.constant 0 : i32
    %eq3A_13 = arith.cmpi eq, %arg1, %eq3A : i32
    %convert_element_type3A = arith.extui %eq3A_13 : i1 to i32
    %cond3A = arith.constant 0 : i32
    %cond3A_14 = arith.cmpi ne, %convert_element_type3A, %cond3A : i32
    scf.if %cond3A_14 {
      "tpu.region"() ({
        %run_scoped3A = tpu.sem_alloc : memref<!tpu.dma_semaphore, #tpu.memory_space<semaphore_mem>>
        %dma_start3A = arith.constant 0 : i32
        %dma_start3A_30 = arith.constant 0 : i32
        %dma_start3A_31 = tpu.memref_slice %arg14[%dma_start3A, %dma_start3A_30] : memref<624x8xf32, #tpu.memory_space<vmem>> -> memref<16x8xf32, #tpu.memory_space<vmem>>
        %dma_start3A_32 = arith.constant 9984 : i32
        %dma_start3A_33 = arith.constant 0 : i32
        %dma_start3A_34 = tpu.memref_slice %arg6[%dma_start3A_32, %dma_start3A_33] : memref<10000x8xf32, #tpu.memory_space<hbm>> -> memref<16x8xf32, #tpu.memory_space<hbm>>
        %dma_start3A_35 = arith.constant 0 : i32
        %dma_start3A_36 = arith.constant 0 : i32
        %dma_start3A_37 = tpu.memref_slice %arg14[%dma_start3A_35, %dma_start3A_36] : memref<624x8xf32, #tpu.memory_space<vmem>> -> memref<16x8xf32, #tpu.memory_space<vmem>>
        %dma_start3A_38 = arith.constant 9984 : i32
        %dma_start3A_39 = arith.constant 0 : i32
        %dma_start3A_40 = tpu.memref_slice %arg6[%dma_start3A_38, %dma_start3A_39] : memref<10000x8xf32, #tpu.memory_space<hbm>> -> memref<16x8xf32, #tpu.memory_space<hbm>>
        tpu.enqueue_dma source(%dma_start3A_40 : memref<16x8xf32, #tpu.memory_space<hbm>>) target(%dma_start3A_37 : memref<16x8xf32, #tpu.memory_space<vmem>>) target_semaphore(%run_scoped3A : memref<!tpu.dma_semaphore, #tpu.memory_space<semaphore_mem>>)
        %dma_wait3A = arith.constant 0 : i32
        %dma_wait3A_41 = arith.constant 0 : i32
        %dma_wait3A_42 = tpu.memref_slice %arg14[%dma_wait3A, %dma_wait3A_41] : memref<624x8xf32, #tpu.memory_space<vmem>> -> memref<16x8xf32, #tpu.memory_space<vmem>>
        %dma_wait3A_43 = arith.constant 9984 : i32
        %dma_wait3A_44 = arith.constant 0 : i32
        %dma_wait3A_45 = tpu.memref_slice %arg6[%dma_wait3A_43, %dma_wait3A_44] : memref<10000x8xf32, #tpu.memory_space<hbm>> -> memref<16x8xf32, #tpu.memory_space<hbm>>
        %dma_wait3A_46 = arith.constant 0 : i32
        %dma_wait3A_47 = arith.constant 0 : i32
        %dma_wait3A_48 = tpu.memref_slice %arg14[%dma_wait3A_46, %dma_wait3A_47] : memref<624x8xf32, #tpu.memory_space<vmem>> -> memref<16x8xf32, #tpu.memory_space<vmem>>
        %dma_wait3A_49 = arith.constant 9984 : i32
        %dma_wait3A_50 = arith.constant 0 : i32
        %dma_wait3A_51 = tpu.memref_slice %arg6[%dma_wait3A_49, %dma_wait3A_50] : memref<10000x8xf32, #tpu.memory_space<hbm>> -> memref<16x8xf32, #tpu.memory_space<hbm>>
        tpu.wait_dma2 semaphore(%run_scoped3A : memref<!tpu.dma_semaphore, #tpu.memory_space<semaphore_mem>>) src(%dma_wait3A_51 : memref<16x8xf32, #tpu.memory_space<hbm>>) dst(%dma_wait3A_48 : memref<16x8xf32, #tpu.memory_space<vmem>>)
        tpu.yield
      }) : () -> ()
      "tpu.region"() ({
        %run_scoped3A = tpu.sem_alloc : memref<!tpu.dma_semaphore, #tpu.memory_space<semaphore_mem>>
        %dma_start3A = arith.constant 0 : i32
        %dma_start3A_30 = arith.constant 0 : i32
        %dma_start3A_31 = tpu.memref_slice %arg14[%dma_start3A, %dma_start3A_30] : memref<624x8xf32, #tpu.memory_space<vmem>> -> memref<16x8xf32, #tpu.memory_space<vmem>>
        %dma_start3A_32 = arith.constant 9984 : i32
        %dma_start3A_33 = arith.constant 0 : i32
        %dma_start3A_34 = tpu.memref_slice %arg15[%dma_start3A_32, %dma_start3A_33] : memref<10000x8xf32, #tpu.memory_space<vmem_shared>> -> memref<16x8xf32, #tpu.memory_space<vmem_shared>>
        %dma_start3A_35 = arith.constant 9984 : i32
        %dma_start3A_36 = arith.constant 0 : i32
        %dma_start3A_37 = tpu.memref_slice %arg15[%dma_start3A_35, %dma_start3A_36] : memref<10000x8xf32, #tpu.memory_space<vmem_shared>> -> memref<16x8xf32, #tpu.memory_space<vmem_shared>>
        %dma_start3A_38 = arith.constant 0 : i32
        %dma_start3A_39 = arith.constant 0 : i32
        %dma_start3A_40 = tpu.memref_slice %arg14[%dma_start3A_38, %dma_start3A_39] : memref<624x8xf32, #tpu.memory_space<vmem>> -> memref<16x8xf32, #tpu.memory_space<vmem>>
        tpu.enqueue_dma source(%dma_start3A_40 : memref<16x8xf32, #tpu.memory_space<vmem>>) target(%dma_start3A_37 : memref<16x8xf32, #tpu.memory_space<vmem_shared>>) target_semaphore(%run_scoped3A : memref<!tpu.dma_semaphore, #tpu.memory_space<semaphore_mem>>)
        %dma_wait3A = arith.constant 0 : i32
        %dma_wait3A_41 = arith.constant 0 : i32
        %dma_wait3A_42 = tpu.memref_slice %arg14[%dma_wait3A, %dma_wait3A_41] : memref<624x8xf32, #tpu.memory_space<vmem>> -> memref<16x8xf32, #tpu.memory_space<vmem>>
        %dma_wait3A_43 = arith.constant 9984 : i32
        %dma_wait3A_44 = arith.constant 0 : i32
        %dma_wait3A_45 = tpu.memref_slice %arg15[%dma_wait3A_43, %dma_wait3A_44] : memref<10000x8xf32, #tpu.memory_space<vmem_shared>> -> memref<16x8xf32, #tpu.memory_space<vmem_shared>>
        %dma_wait3A_46 = arith.constant 9984 : i32
        %dma_wait3A_47 = arith.constant 0 : i32
        %dma_wait3A_48 = tpu.memref_slice %arg15[%dma_wait3A_46, %dma_wait3A_47] : memref<10000x8xf32, #tpu.memory_space<vmem_shared>> -> memref<16x8xf32, #tpu.memory_space<vmem_shared>>
        %dma_wait3A_49 = arith.constant 0 : i32
        %dma_wait3A_50 = arith.constant 0 : i32
        %dma_wait3A_51 = tpu.memref_slice %arg14[%dma_wait3A_49, %dma_wait3A_50] : memref<624x8xf32, #tpu.memory_space<vmem>> -> memref<16x8xf32, #tpu.memory_space<vmem>>
        tpu.wait_dma2 semaphore(%run_scoped3A : memref<!tpu.dma_semaphore, #tpu.memory_space<semaphore_mem>>) src(%dma_wait3A_51 : memref<16x8xf32, #tpu.memory_space<vmem>>) dst(%dma_wait3A_48 : memref<16x8xf32, #tpu.memory_space<vmem_shared>>)
        tpu.yield
      }) : () -> ()
    } else {
    }
    %barrier3A = arith.constant 0 : index
    tpu.barrier barrier_id(%barrier3A)
    %scan3A = arith.constant 0 : i32
    %scan3A_15 = arith.constant 0 : i32
    %scan3A_16 = arith.constant 20 : i32
    %scan3A_17 = arith.addi %scan3A_15, %scan3A_16 : i32
    %scan3A_18 = arith.constant 1 : i32
    scf.for %scan3A_30 = %scan3A_15 to %scan3A_17 step %scan3A_18  : i32 {
      %mul3A_31 = arith.constant 2 : i32
      %mul3A_32 = arith.muli %mul3A_31, %scan3A_30 : i32
      %mul3A_33 = arith.constant 2 : i32
      %mul3A_34 = arith.muli %mul3A_33, %scan3A_30 : i32
      %add3A_35 = arith.constant 1 : i32
      %add3A_36 = arith.addi %mul3A_34, %add3A_35 : i32
      %mul3A_37 = arith.constant 128 : i32
      %mul3A_38 = arith.muli %mul3A_32, %mul3A_37 : i32
      %add3A_39 = arith.addi %mul3A_4, %mul3A_38 : i32
      %dma_start3A = arith.constant 0 : i32
      %dma_start3A_40 = tpu.memref_slice %arg2[%add3A_39, %dma_start3A] : memref<163840x8xf32, #tpu.memory_space<hbm>> -> memref<128x8xf32, #tpu.memory_space<hbm>>
      %dma_start3A_41 = arith.constant 0 : i32
      %dma_start3A_42 = tpu.memref_slice %arg2[%add3A_39, %dma_start3A_41] : memref<163840x8xf32, #tpu.memory_space<hbm>> -> memref<128x8xf32, #tpu.memory_space<hbm>>
      tpu.enqueue_dma source(%dma_start3A_42 : memref<128x8xf32, #tpu.memory_space<hbm>>) target(%arg10 : memref<128x8xf32, #tpu.memory_space<vmem>>) target_semaphore(%arg16 : memref<!tpu.dma_semaphore, #tpu.memory_space<semaphore_mem>>)
      %mul3A_43 = arith.constant 128 : i32
      %mul3A_44 = arith.muli %mul3A_32, %mul3A_43 : i32
      %add3A_45 = arith.addi %mul3A_4, %mul3A_44 : i32
      %dma_start3A_46 = arith.constant 0 : i32
      %dma_start3A_47 = tpu.memref_slice %arg3[%add3A_45, %dma_start3A_46] : memref<163840x8xf32, #tpu.memory_space<hbm>> -> memref<128x8xf32, #tpu.memory_space<hbm>>
      %dma_start3A_48 = arith.constant 0 : i32
      %dma_start3A_49 = tpu.memref_slice %arg3[%add3A_45, %dma_start3A_48] : memref<163840x8xf32, #tpu.memory_space<hbm>> -> memref<128x8xf32, #tpu.memory_space<hbm>>
      tpu.enqueue_dma source(%dma_start3A_49 : memref<128x8xf32, #tpu.memory_space<hbm>>) target(%arg11 : memref<128x8xf32, #tpu.memory_space<vmem>>) target_semaphore(%arg17 : memref<!tpu.dma_semaphore, #tpu.memory_space<semaphore_mem>>)
      %mul3A_50 = arith.constant 128 : i32
      %mul3A_51 = arith.muli %add3A_36, %mul3A_50 : i32
      %add3A_52 = arith.addi %mul3A_4, %mul3A_51 : i32
      %dma_start3A_53 = arith.constant 0 : i32
      %dma_start3A_54 = tpu.memref_slice %arg2[%add3A_52, %dma_start3A_53] : memref<163840x8xf32, #tpu.memory_space<hbm>> -> memref<128x8xf32, #tpu.memory_space<hbm>>
      %dma_start3A_55 = arith.constant 0 : i32
      %dma_start3A_56 = tpu.memref_slice %arg2[%add3A_52, %dma_start3A_55] : memref<163840x8xf32, #tpu.memory_space<hbm>> -> memref<128x8xf32, #tpu.memory_space<hbm>>
      tpu.enqueue_dma source(%dma_start3A_56 : memref<128x8xf32, #tpu.memory_space<hbm>>) target(%arg12 : memref<128x8xf32, #tpu.memory_space<vmem>>) target_semaphore(%arg18 : memref<!tpu.dma_semaphore, #tpu.memory_space<semaphore_mem>>)
      %mul3A_57 = arith.constant 128 : i32
      %mul3A_58 = arith.muli %add3A_36, %mul3A_57 : i32
      %add3A_59 = arith.addi %mul3A_4, %mul3A_58 : i32
      %dma_start3A_60 = arith.constant 0 : i32
      %dma_start3A_61 = tpu.memref_slice %arg3[%add3A_59, %dma_start3A_60] : memref<163840x8xf32, #tpu.memory_space<hbm>> -> memref<128x8xf32, #tpu.memory_space<hbm>>
      %dma_start3A_62 = arith.constant 0 : i32
      %dma_start3A_63 = tpu.memref_slice %arg3[%add3A_59, %dma_start3A_62] : memref<163840x8xf32, #tpu.memory_space<hbm>> -> memref<128x8xf32, #tpu.memory_space<hbm>>
      tpu.enqueue_dma source(%dma_start3A_63 : memref<128x8xf32, #tpu.memory_space<hbm>>) target(%arg13 : memref<128x8xf32, #tpu.memory_space<vmem>>) target_semaphore(%arg19 : memref<!tpu.dma_semaphore, #tpu.memory_space<semaphore_mem>>)
      %dma_wait3A = arith.constant 0 : i32
      %dma_wait3A_64 = tpu.memref_slice %arg2[%add3A_39, %dma_wait3A] : memref<163840x8xf32, #tpu.memory_space<hbm>> -> memref<128x8xf32, #tpu.memory_space<hbm>>
      %dma_wait3A_65 = arith.constant 0 : i32
      %dma_wait3A_66 = tpu.memref_slice %arg2[%add3A_39, %dma_wait3A_65] : memref<163840x8xf32, #tpu.memory_space<hbm>> -> memref<128x8xf32, #tpu.memory_space<hbm>>
      tpu.wait_dma2 semaphore(%arg16 : memref<!tpu.dma_semaphore, #tpu.memory_space<semaphore_mem>>) src(%dma_wait3A_66 : memref<128x8xf32, #tpu.memory_space<hbm>>) dst(%arg10 : memref<128x8xf32, #tpu.memory_space<vmem>>)
      %dma_wait3A_67 = arith.constant 0 : i32
      %dma_wait3A_68 = tpu.memref_slice %arg3[%add3A_45, %dma_wait3A_67] : memref<163840x8xf32, #tpu.memory_space<hbm>> -> memref<128x8xf32, #tpu.memory_space<hbm>>
      %dma_wait3A_69 = arith.constant 0 : i32
      %dma_wait3A_70 = tpu.memref_slice %arg3[%add3A_45, %dma_wait3A_69] : memref<163840x8xf32, #tpu.memory_space<hbm>> -> memref<128x8xf32, #tpu.memory_space<hbm>>
      tpu.wait_dma2 semaphore(%arg17 : memref<!tpu.dma_semaphore, #tpu.memory_space<semaphore_mem>>) src(%dma_wait3A_70 : memref<128x8xf32, #tpu.memory_space<hbm>>) dst(%arg11 : memref<128x8xf32, #tpu.memory_space<vmem>>)
      "tpu.region"() ({
        %run_scoped3A = tpu.sem_alloc : memref<!tpu.dma_semaphore, #tpu.memory_space<semaphore_mem>>
        %dma_start3A_79 = arith.constant 0 : i32
        %dma_start3A_80 = tpu.memref_slice %arg8[%mul3A_32, %dma_start3A_79] : memref<40x128xi32, #tpu.memory_space<vmem>> -> memref<1x128xi32, #tpu.memory_space<vmem>>
        %dma_start3A_81 = tpu.memref_squeeze %dma_start3A_80 : memref<1x128xi32, #tpu.memory_space<vmem>> -> memref<128xi32, #tpu.memory_space<vmem>>
        %dma_start3A_82 = arith.constant 0 : i32
        %dma_start3A_83 = arith.constant 0 : i32
        %dma_start3A_84 = tpu.memref_slice %arg15[%dma_start3A_82, %dma_start3A_83] : memref<10000x8xf32, #tpu.memory_space<vmem_shared>> -> memref<10000x8xf32, #tpu.memory_space<vmem_shared>>
        tpu.enqueue_indirect_dma source(%arg10 : memref<128x8xf32, #tpu.memory_space<vmem>>) target(%dma_start3A_84 : memref<10000x8xf32, #tpu.memory_space<vmem_shared>>) offsets(%dma_start3A_81 : memref<128xi32, #tpu.memory_space<vmem>>) semaphore(%run_scoped3A : memref<!tpu.dma_semaphore, #tpu.memory_space<semaphore_mem>>) {add = true}
        %dma_wait3A_85 = arith.constant 0 : i32
        %dma_wait3A_86 = tpu.memref_slice %arg8[%mul3A_32, %dma_wait3A_85] : memref<40x128xi32, #tpu.memory_space<vmem>> -> memref<1x128xi32, #tpu.memory_space<vmem>>
        %dma_wait3A_87 = tpu.memref_squeeze %dma_wait3A_86 : memref<1x128xi32, #tpu.memory_space<vmem>> -> memref<128xi32, #tpu.memory_space<vmem>>
        %dma_wait3A_88 = arith.constant 0 : i32
        %dma_wait3A_89 = arith.constant 0 : i32
        %dma_wait3A_90 = tpu.memref_slice %arg15[%dma_wait3A_88, %dma_wait3A_89] : memref<10000x8xf32, #tpu.memory_space<vmem_shared>> -> memref<10000x8xf32, #tpu.memory_space<vmem_shared>>
        tpu.wait_indirect_dma semaphore(%run_scoped3A : memref<!tpu.dma_semaphore, #tpu.memory_space<semaphore_mem>>) src(%arg10 : memref<128x8xf32, #tpu.memory_space<vmem>>) dst(%dma_wait3A_90 : memref<10000x8xf32, #tpu.memory_space<vmem_shared>>)
        tpu.yield
      }) : () -> ()
      "tpu.region"() ({
        %run_scoped3A = tpu.sem_alloc : memref<!tpu.dma_semaphore, #tpu.memory_space<semaphore_mem>>
        %dma_start3A_79 = arith.constant 0 : i32
        %dma_start3A_80 = tpu.memref_slice %arg9[%mul3A_32, %dma_start3A_79] : memref<40x128xi32, #tpu.memory_space<vmem>> -> memref<1x128xi32, #tpu.memory_space<vmem>>
        %dma_start3A_81 = tpu.memref_squeeze %dma_start3A_80 : memref<1x128xi32, #tpu.memory_space<vmem>> -> memref<128xi32, #tpu.memory_space<vmem>>
        %dma_start3A_82 = arith.constant 0 : i32
        %dma_start3A_83 = arith.constant 0 : i32
        %dma_start3A_84 = tpu.memref_slice %arg15[%dma_start3A_82, %dma_start3A_83] : memref<10000x8xf32, #tpu.memory_space<vmem_shared>> -> memref<10000x8xf32, #tpu.memory_space<vmem_shared>>
        tpu.enqueue_indirect_dma source(%arg11 : memref<128x8xf32, #tpu.memory_space<vmem>>) target(%dma_start3A_84 : memref<10000x8xf32, #tpu.memory_space<vmem_shared>>) offsets(%dma_start3A_81 : memref<128xi32, #tpu.memory_space<vmem>>) semaphore(%run_scoped3A : memref<!tpu.dma_semaphore, #tpu.memory_space<semaphore_mem>>) {add = true}
        %dma_wait3A_85 = arith.constant 0 : i32
        %dma_wait3A_86 = tpu.memref_slice %arg9[%mul3A_32, %dma_wait3A_85] : memref<40x128xi32, #tpu.memory_space<vmem>> -> memref<1x128xi32, #tpu.memory_space<vmem>>
        %dma_wait3A_87 = tpu.memref_squeeze %dma_wait3A_86 : memref<1x128xi32, #tpu.memory_space<vmem>> -> memref<128xi32, #tpu.memory_space<vmem>>
        %dma_wait3A_88 = arith.constant 0 : i32
        %dma_wait3A_89 = arith.constant 0 : i32
        %dma_wait3A_90 = tpu.memref_slice %arg15[%dma_wait3A_88, %dma_wait3A_89] : memref<10000x8xf32, #tpu.memory_space<vmem_shared>> -> memref<10000x8xf32, #tpu.memory_space<vmem_shared>>
        tpu.wait_indirect_dma semaphore(%run_scoped3A : memref<!tpu.dma_semaphore, #tpu.memory_space<semaphore_mem>>) src(%arg11 : memref<128x8xf32, #tpu.memory_space<vmem>>) dst(%dma_wait3A_90 : memref<10000x8xf32, #tpu.memory_space<vmem_shared>>)
        tpu.yield
      }) : () -> ()
      %dma_wait3A_71 = arith.constant 0 : i32
      %dma_wait3A_72 = tpu.memref_slice %arg2[%add3A_52, %dma_wait3A_71] : memref<163840x8xf32, #tpu.memory_space<hbm>> -> memref<128x8xf32, #tpu.memory_space<hbm>>
      %dma_wait3A_73 = arith.constant 0 : i32
      %dma_wait3A_74 = tpu.memref_slice %arg2[%add3A_52, %dma_wait3A_73] : memref<163840x8xf32, #tpu.memory_space<hbm>> -> memref<128x8xf32, #tpu.memory_space<hbm>>
      tpu.wait_dma2 semaphore(%arg18 : memref<!tpu.dma_semaphore, #tpu.memory_space<semaphore_mem>>) src(%dma_wait3A_74 : memref<128x8xf32, #tpu.memory_space<hbm>>) dst(%arg12 : memref<128x8xf32, #tpu.memory_space<vmem>>)
      %dma_wait3A_75 = arith.constant 0 : i32
      %dma_wait3A_76 = tpu.memref_slice %arg3[%add3A_59, %dma_wait3A_75] : memref<163840x8xf32, #tpu.memory_space<hbm>> -> memref<128x8xf32, #tpu.memory_space<hbm>>
      %dma_wait3A_77 = arith.constant 0 : i32
      %dma_wait3A_78 = tpu.memref_slice %arg3[%add3A_59, %dma_wait3A_77] : memref<163840x8xf32, #tpu.memory_space<hbm>> -> memref<128x8xf32, #tpu.memory_space<hbm>>
      tpu.wait_dma2 semaphore(%arg19 : memref<!tpu.dma_semaphore, #tpu.memory_space<semaphore_mem>>) src(%dma_wait3A_78 : memref<128x8xf32, #tpu.memory_space<hbm>>) dst(%arg13 : memref<128x8xf32, #tpu.memory_space<vmem>>)
      "tpu.region"() ({
        %run_scoped3A = tpu.sem_alloc : memref<!tpu.dma_semaphore, #tpu.memory_space<semaphore_mem>>
        %dma_start3A_79 = arith.constant 0 : i32
        %dma_start3A_80 = tpu.memref_slice %arg8[%add3A_36, %dma_start3A_79] : memref<40x128xi32, #tpu.memory_space<vmem>> -> memref<1x128xi32, #tpu.memory_space<vmem>>
        %dma_start3A_81 = tpu.memref_squeeze %dma_start3A_80 : memref<1x128xi32, #tpu.memory_space<vmem>> -> memref<128xi32, #tpu.memory_space<vmem>>
        %dma_start3A_82 = arith.constant 0 : i32
        %dma_start3A_83 = arith.constant 0 : i32
        %dma_start3A_84 = tpu.memref_slice %arg15[%dma_start3A_82, %dma_start3A_83] : memref<10000x8xf32, #tpu.memory_space<vmem_shared>> -> memref<10000x8xf32, #tpu.memory_space<vmem_shared>>
        tpu.enqueue_indirect_dma source(%arg12 : memref<128x8xf32, #tpu.memory_space<vmem>>) target(%dma_start3A_84 : memref<10000x8xf32, #tpu.memory_space<vmem_shared>>) offsets(%dma_start3A_81 : memref<128xi32, #tpu.memory_space<vmem>>) semaphore(%run_scoped3A : memref<!tpu.dma_semaphore, #tpu.memory_space<semaphore_mem>>) {add = true}
        %dma_wait3A_85 = arith.constant 0 : i32
        %dma_wait3A_86 = tpu.memref_slice %arg8[%add3A_36, %dma_wait3A_85] : memref<40x128xi32, #tpu.memory_space<vmem>> -> memref<1x128xi32, #tpu.memory_space<vmem>>
        %dma_wait3A_87 = tpu.memref_squeeze %dma_wait3A_86 : memref<1x128xi32, #tpu.memory_space<vmem>> -> memref<128xi32, #tpu.memory_space<vmem>>
        %dma_wait3A_88 = arith.constant 0 : i32
        %dma_wait3A_89 = arith.constant 0 : i32
        %dma_wait3A_90 = tpu.memref_slice %arg15[%dma_wait3A_88, %dma_wait3A_89] : memref<10000x8xf32, #tpu.memory_space<vmem_shared>> -> memref<10000x8xf32, #tpu.memory_space<vmem_shared>>
        tpu.wait_indirect_dma semaphore(%run_scoped3A : memref<!tpu.dma_semaphore, #tpu.memory_space<semaphore_mem>>) src(%arg12 : memref<128x8xf32, #tpu.memory_space<vmem>>) dst(%dma_wait3A_90 : memref<10000x8xf32, #tpu.memory_space<vmem_shared>>)
        tpu.yield
      }) : () -> ()
      "tpu.region"() ({
        %run_scoped3A = tpu.sem_alloc : memref<!tpu.dma_semaphore, #tpu.memory_space<semaphore_mem>>
        %dma_start3A_79 = arith.constant 0 : i32
        %dma_start3A_80 = tpu.memref_slice %arg9[%add3A_36, %dma_start3A_79] : memref<40x128xi32, #tpu.memory_space<vmem>> -> memref<1x128xi32, #tpu.memory_space<vmem>>
        %dma_start3A_81 = tpu.memref_squeeze %dma_start3A_80 : memref<1x128xi32, #tpu.memory_space<vmem>> -> memref<128xi32, #tpu.memory_space<vmem>>
        %dma_start3A_82 = arith.constant 0 : i32
        %dma_start3A_83 = arith.constant 0 : i32
        %dma_start3A_84 = tpu.memref_slice %arg15[%dma_start3A_82, %dma_start3A_83] : memref<10000x8xf32, #tpu.memory_space<vmem_shared>> -> memref<10000x8xf32, #tpu.memory_space<vmem_shared>>
        tpu.enqueue_indirect_dma source(%arg13 : memref<128x8xf32, #tpu.memory_space<vmem>>) target(%dma_start3A_84 : memref<10000x8xf32, #tpu.memory_space<vmem_shared>>) offsets(%dma_start3A_81 : memref<128xi32, #tpu.memory_space<vmem>>) semaphore(%run_scoped3A : memref<!tpu.dma_semaphore, #tpu.memory_space<semaphore_mem>>) {add = true}
        %dma_wait3A_85 = arith.constant 0 : i32
        %dma_wait3A_86 = tpu.memref_slice %arg9[%add3A_36, %dma_wait3A_85] : memref<40x128xi32, #tpu.memory_space<vmem>> -> memref<1x128xi32, #tpu.memory_space<vmem>>
        %dma_wait3A_87 = tpu.memref_squeeze %dma_wait3A_86 : memref<1x128xi32, #tpu.memory_space<vmem>> -> memref<128xi32, #tpu.memory_space<vmem>>
        %dma_wait3A_88 = arith.constant 0 : i32
        %dma_wait3A_89 = arith.constant 0 : i32
        %dma_wait3A_90 = tpu.memref_slice %arg15[%dma_wait3A_88, %dma_wait3A_89] : memref<10000x8xf32, #tpu.memory_space<vmem_shared>> -> memref<10000x8xf32, #tpu.memory_space<vmem_shared>>
        tpu.wait_indirect_dma semaphore(%run_scoped3A : memref<!tpu.dma_semaphore, #tpu.memory_space<semaphore_mem>>) src(%arg13 : memref<128x8xf32, #tpu.memory_space<vmem>>) dst(%dma_wait3A_90 : memref<10000x8xf32, #tpu.memory_space<vmem_shared>>)
        tpu.yield
      }) : () -> ()
    }
    %scan3A_19 = arith.constant 20 : i32
    %barrier3A_20 = arith.constant 0 : index
    tpu.barrier barrier_id(%barrier3A_20)
    %mul3A_21 = arith.constant 624 : i32
    %mul3A_22 = arith.muli %arg1, %mul3A_21 : i32
    "tpu.region"() ({
      %run_scoped3A = tpu.sem_alloc : memref<!tpu.dma_semaphore, #tpu.memory_space<semaphore_mem>>
      %dma_start3A = arith.constant 0 : i32
      %dma_start3A_30 = tpu.memref_slice %arg15[%mul3A_22, %dma_start3A] : memref<10000x8xf32, #tpu.memory_space<vmem_shared>> -> memref<624x8xf32, #tpu.memory_space<vmem_shared>>
      %dma_start3A_31 = arith.constant 0 : i32
      %dma_start3A_32 = tpu.memref_slice %arg15[%mul3A_22, %dma_start3A_31] : memref<10000x8xf32, #tpu.memory_space<vmem_shared>> -> memref<624x8xf32, #tpu.memory_space<vmem_shared>>
      tpu.enqueue_dma source(%dma_start3A_32 : memref<624x8xf32, #tpu.memory_space<vmem_shared>>) target(%arg14 : memref<624x8xf32, #tpu.memory_space<vmem>>) target_semaphore(%run_scoped3A : memref<!tpu.dma_semaphore, #tpu.memory_space<semaphore_mem>>)
      %dma_wait3A = arith.constant 0 : i32
      %dma_wait3A_33 = tpu.memref_slice %arg15[%mul3A_22, %dma_wait3A] : memref<10000x8xf32, #tpu.memory_space<vmem_shared>> -> memref<624x8xf32, #tpu.memory_space<vmem_shared>>
      %dma_wait3A_34 = arith.constant 0 : i32
      %dma_wait3A_35 = tpu.memref_slice %arg15[%mul3A_22, %dma_wait3A_34] : memref<10000x8xf32, #tpu.memory_space<vmem_shared>> -> memref<624x8xf32, #tpu.memory_space<vmem_shared>>
      tpu.wait_dma2 semaphore(%run_scoped3A : memref<!tpu.dma_semaphore, #tpu.memory_space<semaphore_mem>>) src(%dma_wait3A_35 : memref<624x8xf32, #tpu.memory_space<vmem_shared>>) dst(%arg14 : memref<624x8xf32, #tpu.memory_space<vmem>>)
      tpu.yield
    }) : () -> ()
    %mul3A_23 = arith.constant 624 : i32
    %mul3A_24 = arith.muli %arg1, %mul3A_23 : i32
    "tpu.region"() ({
      %run_scoped3A = tpu.sem_alloc : memref<!tpu.dma_semaphore, #tpu.memory_space<semaphore_mem>>
      %dma_start3A = arith.constant 0 : i32
      %dma_start3A_30 = tpu.memref_slice %arg7[%arg0, %mul3A_24, %dma_start3A] : memref<2x10000x8xf32, #tpu.memory_space<hbm>> -> memref<1x624x8xf32, #tpu.memory_space<hbm>>
      %dma_start3A_31 = tpu.memref_squeeze %dma_start3A_30 : memref<1x624x8xf32, #tpu.memory_space<hbm>> -> memref<624x8xf32, #tpu.memory_space<hbm>>
      %dma_start3A_32 = arith.constant 0 : i32
      %dma_start3A_33 = tpu.memref_slice %arg7[%arg0, %mul3A_24, %dma_start3A_32] : memref<2x10000x8xf32, #tpu.memory_space<hbm>> -> memref<1x624x8xf32, #tpu.memory_space<hbm>>
      %dma_start3A_34 = tpu.memref_squeeze %dma_start3A_33 : memref<1x624x8xf32, #tpu.memory_space<hbm>> -> memref<624x8xf32, #tpu.memory_space<hbm>>
      tpu.enqueue_dma source(%arg14 : memref<624x8xf32, #tpu.memory_space<vmem>>) target(%dma_start3A_34 : memref<624x8xf32, #tpu.memory_space<hbm>>) target_semaphore(%run_scoped3A : memref<!tpu.dma_semaphore, #tpu.memory_space<semaphore_mem>>)
      %dma_wait3A = arith.constant 0 : i32
      %dma_wait3A_35 = tpu.memref_slice %arg7[%arg0, %mul3A_24, %dma_wait3A] : memref<2x10000x8xf32, #tpu.memory_space<hbm>> -> memref<1x624x8xf32, #tpu.memory_space<hbm>>
      %dma_wait3A_36 = tpu.memref_squeeze %dma_wait3A_35 : memref<1x624x8xf32, #tpu.memory_space<hbm>> -> memref<624x8xf32, #tpu.memory_space<hbm>>
      %dma_wait3A_37 = arith.constant 0 : i32
      %dma_wait3A_38 = tpu.memref_slice %arg7[%arg0, %mul3A_24, %dma_wait3A_37] : memref<2x10000x8xf32, #tpu.memory_space<hbm>> -> memref<1x624x8xf32, #tpu.memory_space<hbm>>
      %dma_wait3A_39 = tpu.memref_squeeze %dma_wait3A_38 : memref<1x624x8xf32, #tpu.memory_space<hbm>> -> memref<624x8xf32, #tpu.memory_space<hbm>>
      tpu.wait_dma2 semaphore(%run_scoped3A : memref<!tpu.dma_semaphore, #tpu.memory_space<semaphore_mem>>) src(%arg14 : memref<624x8xf32, #tpu.memory_space<vmem>>) dst(%dma_wait3A_39 : memref<624x8xf32, #tpu.memory_space<hbm>>)
      tpu.yield
    }) : () -> ()
    %eq3A_25 = arith.constant 0 : i32
    %eq3A_26 = arith.cmpi eq, %arg1, %eq3A_25 : i32
    %convert_element_type3A_27 = arith.extui %eq3A_26 : i1 to i32
    %cond3A_28 = arith.constant 0 : i32
    %cond3A_29 = arith.cmpi ne, %convert_element_type3A_27, %cond3A_28 : i32
    scf.if %cond3A_29 {
      "tpu.region"() ({
        %run_scoped3A = tpu.sem_alloc : memref<!tpu.dma_semaphore, #tpu.memory_space<semaphore_mem>>
        %dma_start3A = arith.constant 0 : i32
        %dma_start3A_30 = arith.constant 0 : i32
        %dma_start3A_31 = tpu.memref_slice %arg14[%dma_start3A, %dma_start3A_30] : memref<624x8xf32, #tpu.memory_space<vmem>> -> memref<16x8xf32, #tpu.memory_space<vmem>>
        %dma_start3A_32 = arith.constant 9984 : i32
        %dma_start3A_33 = arith.constant 0 : i32
        %dma_start3A_34 = tpu.memref_slice %arg15[%dma_start3A_32, %dma_start3A_33] : memref<10000x8xf32, #tpu.memory_space<vmem_shared>> -> memref<16x8xf32, #tpu.memory_space<vmem_shared>>
        %dma_start3A_35 = arith.constant 0 : i32
        %dma_start3A_36 = arith.constant 0 : i32
        %dma_start3A_37 = tpu.memref_slice %arg14[%dma_start3A_35, %dma_start3A_36] : memref<624x8xf32, #tpu.memory_space<vmem>> -> memref<16x8xf32, #tpu.memory_space<vmem>>
        %dma_start3A_38 = arith.constant 9984 : i32
        %dma_start3A_39 = arith.constant 0 : i32
        %dma_start3A_40 = tpu.memref_slice %arg15[%dma_start3A_38, %dma_start3A_39] : memref<10000x8xf32, #tpu.memory_space<vmem_shared>> -> memref<16x8xf32, #tpu.memory_space<vmem_shared>>
        tpu.enqueue_dma source(%dma_start3A_40 : memref<16x8xf32, #tpu.memory_space<vmem_shared>>) target(%dma_start3A_37 : memref<16x8xf32, #tpu.memory_space<vmem>>) target_semaphore(%run_scoped3A : memref<!tpu.dma_semaphore, #tpu.memory_space<semaphore_mem>>)
        %dma_wait3A = arith.constant 0 : i32
        %dma_wait3A_41 = arith.constant 0 : i32
        %dma_wait3A_42 = tpu.memref_slice %arg14[%dma_wait3A, %dma_wait3A_41] : memref<624x8xf32, #tpu.memory_space<vmem>> -> memref<16x8xf32, #tpu.memory_space<vmem>>
        %dma_wait3A_43 = arith.constant 9984 : i32
        %dma_wait3A_44 = arith.constant 0 : i32
        %dma_wait3A_45 = tpu.memref_slice %arg15[%dma_wait3A_43, %dma_wait3A_44] : memref<10000x8xf32, #tpu.memory_space<vmem_shared>> -> memref<16x8xf32, #tpu.memory_space<vmem_shared>>
        %dma_wait3A_46 = arith.constant 0 : i32
        %dma_wait3A_47 = arith.constant 0 : i32
        %dma_wait3A_48 = tpu.memref_slice %arg14[%dma_wait3A_46, %dma_wait3A_47] : memref<624x8xf32, #tpu.memory_space<vmem>> -> memref<16x8xf32, #tpu.memory_space<vmem>>
        %dma_wait3A_49 = arith.constant 9984 : i32
        %dma_wait3A_50 = arith.constant 0 : i32
        %dma_wait3A_51 = tpu.memref_slice %arg15[%dma_wait3A_49, %dma_wait3A_50] : memref<10000x8xf32, #tpu.memory_space<vmem_shared>> -> memref<16x8xf32, #tpu.memory_space<vmem_shared>>
        tpu.wait_dma2 semaphore(%run_scoped3A : memref<!tpu.dma_semaphore, #tpu.memory_space<semaphore_mem>>) src(%dma_wait3A_51 : memref<16x8xf32, #tpu.memory_space<vmem_shared>>) dst(%dma_wait3A_48 : memref<16x8xf32, #tpu.memory_space<vmem>>)
        tpu.yield
      }) : () -> ()
      "tpu.region"() ({
        %run_scoped3A = tpu.sem_alloc : memref<!tpu.dma_semaphore, #tpu.memory_space<semaphore_mem>>
        %dma_start3A = arith.constant 0 : i32
        %dma_start3A_30 = arith.constant 0 : i32
        %dma_start3A_31 = tpu.memref_slice %arg14[%dma_start3A, %dma_start3A_30] : memref<624x8xf32, #tpu.memory_space<vmem>> -> memref<16x8xf32, #tpu.memory_space<vmem>>
        %dma_start3A_32 = arith.constant 9984 : i32
        %dma_start3A_33 = arith.constant 0 : i32
        %dma_start3A_34 = tpu.memref_slice %arg7[%arg0, %dma_start3A_32, %dma_start3A_33] : memref<2x10000x8xf32, #tpu.memory_space<hbm>> -> memref<1x16x8xf32, #tpu.memory_space<hbm>>
        %dma_start3A_35 = tpu.memref_squeeze %dma_start3A_34 : memref<1x16x8xf32, #tpu.memory_space<hbm>> -> memref<16x8xf32, #tpu.memory_space<hbm>>
        %dma_start3A_36 = arith.constant 9984 : i32
        %dma_start3A_37 = arith.constant 0 : i32
        %dma_start3A_38 = tpu.memref_slice %arg7[%arg0, %dma_start3A_36, %dma_start3A_37] : memref<2x10000x8xf32, #tpu.memory_space<hbm>> -> memref<1x16x8xf32, #tpu.memory_space<hbm>>
        %dma_start3A_39 = tpu.memref_squeeze %dma_start3A_38 : memref<1x16x8xf32, #tpu.memory_space<hbm>> -> memref<16x8xf32, #tpu.memory_space<hbm>>
        %dma_start3A_40 = arith.constant 0 : i32
        %dma_start3A_41 = arith.constant 0 : i32
        %dma_start3A_42 = tpu.memref_slice %arg14[%dma_start3A_40, %dma_start3A_41] : memref<624x8xf32, #tpu.memory_space<vmem>> -> memref<16x8xf32, #tpu.memory_space<vmem>>
        tpu.enqueue_dma source(%dma_start3A_42 : memref<16x8xf32, #tpu.memory_space<vmem>>) target(%dma_start3A_39 : memref<16x8xf32, #tpu.memory_space<hbm>>) target_semaphore(%run_scoped3A : memref<!tpu.dma_semaphore, #tpu.memory_space<semaphore_mem>>)
        %dma_wait3A = arith.constant 0 : i32
        %dma_wait3A_43 = arith.constant 0 : i32
        %dma_wait3A_44 = tpu.memref_slice %arg14[%dma_wait3A, %dma_wait3A_43] : memref<624x8xf32, #tpu.memory_space<vmem>> -> memref<16x8xf32, #tpu.memory_space<vmem>>
        %dma_wait3A_45 = arith.constant 9984 : i32
        %dma_wait3A_46 = arith.constant 0 : i32
        %dma_wait3A_47 = tpu.memref_slice %arg7[%arg0, %dma_wait3A_45, %dma_wait3A_46] : memref<2x10000x8xf32, #tpu.memory_space<hbm>> -> memref<1x16x8xf32, #tpu.memory_space<hbm>>
        %dma_wait3A_48 = tpu.memref_squeeze %dma_wait3A_47 : memref<1x16x8xf32, #tpu.memory_space<hbm>> -> memref<16x8xf32, #tpu.memory_space<hbm>>
        %dma_wait3A_49 = arith.constant 9984 : i32
        %dma_wait3A_50 = arith.constant 0 : i32
        %dma_wait3A_51 = tpu.memref_slice %arg7[%arg0, %dma_wait3A_49, %dma_wait3A_50] : memref<2x10000x8xf32, #tpu.memory_space<hbm>> -> memref<1x16x8xf32, #tpu.memory_space<hbm>>
        %dma_wait3A_52 = tpu.memref_squeeze %dma_wait3A_51 : memref<1x16x8xf32, #tpu.memory_space<hbm>> -> memref<16x8xf32, #tpu.memory_space<hbm>>
        %dma_wait3A_53 = arith.constant 0 : i32
        %dma_wait3A_54 = arith.constant 0 : i32
        %dma_wait3A_55 = tpu.memref_slice %arg14[%dma_wait3A_53, %dma_wait3A_54] : memref<624x8xf32, #tpu.memory_space<vmem>> -> memref<16x8xf32, #tpu.memory_space<vmem>>
        tpu.wait_dma2 semaphore(%run_scoped3A : memref<!tpu.dma_semaphore, #tpu.memory_space<semaphore_mem>>) src(%dma_wait3A_55 : memref<16x8xf32, #tpu.memory_space<vmem>>) dst(%dma_wait3A_52 : memref<16x8xf32, #tpu.memory_space<hbm>>)
        tpu.yield
      }) : () -> ()
    } else {
    }
    return
  }
}

module attributes {stable_mosaic.version = 14 : i64} {
  func.func @_edge_fwd_body(%arg0: i32, %arg1: memref<2048x3xf32, #tpu.memory_space<vmem>>, %arg2: memref<8x64xf32, #tpu.memory_space<vmem>>, %arg3: memref<64x64xf32, #tpu.memory_space<vmem>>, %arg4: memref<64x64xf32, #tpu.memory_space<vmem>>, %arg5: memref<64x32xf32, #tpu.memory_space<vmem>>, %arg6: memref<8x64xf32, #tpu.memory_space<vmem>>, %arg7: memref<64x64xf32, #tpu.memory_space<vmem>>, %arg8: memref<64x64xf32, #tpu.memory_space<vmem>>, %arg9: memref<64x32xf32, #tpu.memory_space<vmem>>, %arg10: memref<2048x32xf32, #tpu.memory_space<vmem>>, %arg11: memref<2048x32xf32, #tpu.memory_space<vmem>>) attributes {dimension_semantics = [#tpu.dimension_semantics<arbitrary>], iteration_bounds = array<i64: 80>, scalar_prefetch = 0 : i64, scratch_operands = 0 : i64, tpu.core_type = #tpu.core_type<tc>, window_params = [{transform_indices = @transform_0, window_bounds = array<i64: 2048, 3>}, {pipeline_mode = #tpu.pipeline_mode<synchronous>, transform_indices = @transform_1, window_bounds = array<i64: 8, 64>}, {pipeline_mode = #tpu.pipeline_mode<synchronous>, transform_indices = @transform_2, window_bounds = array<i64: 64, 64>}, {pipeline_mode = #tpu.pipeline_mode<synchronous>, transform_indices = @transform_3, window_bounds = array<i64: 64, 64>}, {pipeline_mode = #tpu.pipeline_mode<synchronous>, transform_indices = @transform_4, window_bounds = array<i64: 64, 32>}, {pipeline_mode = #tpu.pipeline_mode<synchronous>, transform_indices = @transform_5, window_bounds = array<i64: 8, 64>}, {pipeline_mode = #tpu.pipeline_mode<synchronous>, transform_indices = @transform_6, window_bounds = array<i64: 64, 64>}, {pipeline_mode = #tpu.pipeline_mode<synchronous>, transform_indices = @transform_7, window_bounds = array<i64: 64, 64>}, {pipeline_mode = #tpu.pipeline_mode<synchronous>, transform_indices = @transform_8, window_bounds = array<i64: 64, 32>}, {transform_indices = @transform_9, window_bounds = array<i64: 2048, 32>}, {transform_indices = @transform_10, window_bounds = array<i64: 2048, 32>}]} {
    %get3A = arith.constant 0 : index
    %get3A_0 = arith.constant 0 : index
    %get3A_1 = vector.load %arg1[%get3A, %get3A_0] : memref<2048x3xf32, #tpu.memory_space<vmem>>, vector<2048x3xf32>
    %mul3A = arith.mulf %get3A_1, %get3A_1 : vector<2048x3xf32>
    %reduce_sum3A = arith.constant dense<0.000000e+00> : vector<2048xf32>
    %reduce_sum3A_2 = vector.multi_reduction <add>, %mul3A, %reduce_sum3A [1] : vector<2048x3xf32> to vector<2048xf32>
    %broadcast_in_dim3A = vector.shape_cast %reduce_sum3A_2 : vector<2048xf32> to vector<2048x1xf32>
    %sqrt3A = math.sqrt %broadcast_in_dim3A : vector<2048x1xf32>
    %div3A = arith.constant 1.000000e+00 : f32
    %div3A_3 = vector.broadcast %div3A : f32 to vector<2048x1xf32>
    %div3A_4 = arith.divf %div3A_3, %sqrt3A : vector<2048x1xf32>
    %iota3A = tpu.iota {dimensions = array<i32: 1>} : vector<1x8xi32>
    %convert_element_type3A = arith.sitofp %iota3A : vector<1x8xi32> to vector<1x8xf32>
    %add3A = arith.constant 1.000000e+00 : f32
    %add3A_5 = vector.broadcast %add3A : f32 to vector<1x8xf32>
    %add3A_6 = arith.addf %convert_element_type3A, %add3A_5 : vector<1x8xf32>
    %mul3A_7 = arith.constant 0.628318548 : f32
    %mul3A_8 = vector.broadcast %mul3A_7 : f32 to vector<1x8xf32>
    %mul3A_9 = arith.mulf %mul3A_8, %add3A_6 : vector<1x8xf32>
    %mul3A_10 = vector.broadcast %sqrt3A : vector<2048x1xf32> to vector<2048x8xf32>
    %mul3A_11 = vector.broadcast %mul3A_9 : vector<1x8xf32> to vector<2048x8xf32>
    %mul3A_12 = arith.mulf %mul3A_10, %mul3A_11 : vector<2048x8xf32>
    %sin3A = math.sin %mul3A_12 : vector<2048x8xf32>
    %mul3A_13 = arith.constant 0.632455527 : f32
    %mul3A_14 = vector.broadcast %mul3A_13 : f32 to vector<2048x8xf32>
    %mul3A_15 = arith.mulf %mul3A_14, %sin3A : vector<2048x8xf32>
    %mul3A_16 = vector.broadcast %div3A_4 : vector<2048x1xf32> to vector<2048x8xf32>
    %mul3A_17 = arith.mulf %mul3A_15, %mul3A_16 : vector<2048x8xf32>
    %mul3A_18 = arith.constant 2.000000e-01 : f32
    %mul3A_19 = vector.broadcast %mul3A_18 : f32 to vector<2048x1xf32>
    %mul3A_20 = arith.mulf %sqrt3A, %mul3A_19 : vector<2048x1xf32>
    %integer_pow3A = arith.mulf %mul3A_20, %mul3A_20 : vector<2048x1xf32>
    %integer_pow3A_21 = arith.mulf %integer_pow3A, %integer_pow3A : vector<2048x1xf32>
    %integer_pow3A_22 = arith.mulf %mul3A_20, %integer_pow3A_21 : vector<2048x1xf32>
    %mul3A_23 = arith.constant 2.100000e+01 : f32
    %mul3A_24 = vector.broadcast %mul3A_23 : f32 to vector<2048x1xf32>
    %mul3A_25 = arith.mulf %mul3A_24, %integer_pow3A_22 : vector<2048x1xf32>
    %sub3A = arith.constant 1.000000e+00 : f32
    %sub3A_26 = vector.broadcast %sub3A : f32 to vector<2048x1xf32>
    %sub3A_27 = arith.subf %sub3A_26, %mul3A_25 : vector<2048x1xf32>
    %mul3A_28 = arith.constant 3.500000e+01 : f32
    %mul3A_29 = vector.broadcast %mul3A_28 : f32 to vector<2048x1xf32>
    %mul3A_30 = arith.mulf %mul3A_29, %integer_pow3A_22 : vector<2048x1xf32>
    %mul3A_31 = arith.mulf %mul3A_30, %mul3A_20 : vector<2048x1xf32>
    %add3A_32 = arith.addf %sub3A_27, %mul3A_31 : vector<2048x1xf32>
    %mul3A_33 = arith.constant 1.500000e+01 : f32
    %mul3A_34 = vector.broadcast %mul3A_33 : f32 to vector<2048x1xf32>
    %mul3A_35 = arith.mulf %mul3A_34, %integer_pow3A_22 : vector<2048x1xf32>
    %mul3A_36 = arith.mulf %mul3A_35, %mul3A_20 : vector<2048x1xf32>
    %mul3A_37 = arith.mulf %mul3A_36, %mul3A_20 : vector<2048x1xf32>
    %sub3A_38 = arith.subf %add3A_32, %mul3A_37 : vector<2048x1xf32>
    %lt3A = arith.constant 5.000000e+00 : f32
    %lt3A_39 = vector.broadcast %lt3A : f32 to vector<2048x1xf32>
    %lt3A_40 = arith.cmpf olt, %sqrt3A, %lt3A_39 : vector<2048x1xf32>
    %jit3A = arith.constant 0.000000e+00 : f32
    %broadcast_in_dim3A_41 = vector.broadcast %jit3A : f32 to vector<2048x1xf32>
    %select_n3A = arith.select %lt3A_40, %sub3A_38, %broadcast_in_dim3A_41 : vector<2048x1xi1>, vector<2048x1xf32>
    %mul3A_42 = vector.broadcast %select_n3A : vector<2048x1xf32> to vector<2048x8xf32>
    %mul3A_43 = arith.mulf %mul3A_42, %mul3A_17 : vector<2048x8xf32>
    %get3A_44 = arith.constant 0 : index
    %get3A_45 = arith.constant 0 : index
    %get3A_46 = vector.load %arg2[%get3A_44, %get3A_45] : memref<8x64xf32, #tpu.memory_space<vmem>>, vector<8x64xf32>
    %dot_general3A = arith.constant dense<0.000000e+00> : vector<2048x64xf32>
    %dot_general3A_47 = tpu.matmul %mul3A_43, %get3A_46, %dot_general3A {dimension_numbers = #tpu.dot_dimension_numbers<[1], [0], [0], [1], [0, 0, 1, 1], [], []>, transpose_lhs_hint = false} : vector<2048x8xf32>, vector<8x64xf32>, vector<2048x64xf32> -> vector<2048x64xf32>
    %logistic3A = arith.negf %dot_general3A_47 : vector<2048x64xf32>
    %logistic3A_48 = math.exp %logistic3A : vector<2048x64xf32>
    %logistic3A_49 = arith.constant 1.000000e+00 : f32
    %logistic3A_50 = vector.broadcast %logistic3A_49 : f32 to vector<2048x64xf32>
    %logistic3A_51 = arith.addf %logistic3A_50, %logistic3A_48 : vector<2048x64xf32>
    %logistic3A_52 = arith.divf %logistic3A_50, %logistic3A_51 : vector<2048x64xf32>
    %mul3A_53 = arith.mulf %dot_general3A_47, %logistic3A_52 : vector<2048x64xf32>
    %get3A_54 = arith.constant 0 : index
    %get3A_55 = arith.constant 0 : index
    %get3A_56 = vector.load %arg3[%get3A_54, %get3A_55] : memref<64x64xf32, #tpu.memory_space<vmem>>, vector<64x64xf32>
    %dot_general3A_57 = arith.constant dense<0.000000e+00> : vector<2048x64xf32>
    %dot_general3A_58 = tpu.matmul %mul3A_53, %get3A_56, %dot_general3A_57 {dimension_numbers = #tpu.dot_dimension_numbers<[1], [0], [0], [1], [0, 0, 1, 1], [], []>, transpose_lhs_hint = false} : vector<2048x64xf32>, vector<64x64xf32>, vector<2048x64xf32> -> vector<2048x64xf32>
    %logistic3A_59 = arith.negf %dot_general3A_58 : vector<2048x64xf32>
    %logistic3A_60 = math.exp %logistic3A_59 : vector<2048x64xf32>
    %logistic3A_61 = arith.constant 1.000000e+00 : f32
    %logistic3A_62 = vector.broadcast %logistic3A_61 : f32 to vector<2048x64xf32>
    %logistic3A_63 = arith.addf %logistic3A_62, %logistic3A_60 : vector<2048x64xf32>
    %logistic3A_64 = arith.divf %logistic3A_62, %logistic3A_63 : vector<2048x64xf32>
    %mul3A_65 = arith.mulf %dot_general3A_58, %logistic3A_64 : vector<2048x64xf32>
    %get3A_66 = arith.constant 0 : index
    %get3A_67 = arith.constant 0 : index
    %get3A_68 = vector.load %arg4[%get3A_66, %get3A_67] : memref<64x64xf32, #tpu.memory_space<vmem>>, vector<64x64xf32>
    %dot_general3A_69 = arith.constant dense<0.000000e+00> : vector<2048x64xf32>
    %dot_general3A_70 = tpu.matmul %mul3A_65, %get3A_68, %dot_general3A_69 {dimension_numbers = #tpu.dot_dimension_numbers<[1], [0], [0], [1], [0, 0, 1, 1], [], []>, transpose_lhs_hint = false} : vector<2048x64xf32>, vector<64x64xf32>, vector<2048x64xf32> -> vector<2048x64xf32>
    %logistic3A_71 = arith.negf %dot_general3A_70 : vector<2048x64xf32>
    %logistic3A_72 = math.exp %logistic3A_71 : vector<2048x64xf32>
    %logistic3A_73 = arith.constant 1.000000e+00 : f32
    %logistic3A_74 = vector.broadcast %logistic3A_73 : f32 to vector<2048x64xf32>
    %logistic3A_75 = arith.addf %logistic3A_74, %logistic3A_72 : vector<2048x64xf32>
    %logistic3A_76 = arith.divf %logistic3A_74, %logistic3A_75 : vector<2048x64xf32>
    %mul3A_77 = arith.mulf %dot_general3A_70, %logistic3A_76 : vector<2048x64xf32>
    %get3A_78 = arith.constant 0 : index
    %get3A_79 = arith.constant 0 : index
    %get3A_80 = vector.load %arg5[%get3A_78, %get3A_79] : memref<64x32xf32, #tpu.memory_space<vmem>>, vector<64x32xf32>
    %dot_general3A_81 = arith.constant dense<0.000000e+00> : vector<2048x32xf32>
    %dot_general3A_82 = tpu.matmul %mul3A_77, %get3A_80, %dot_general3A_81 {dimension_numbers = #tpu.dot_dimension_numbers<[1], [0], [0], [1], [0, 0, 1, 1], [], []>, transpose_lhs_hint = false} : vector<2048x64xf32>, vector<64x32xf32>, vector<2048x32xf32> -> vector<2048x32xf32>
    %swap3A = arith.constant 0 : index
    %swap3A_83 = arith.constant 0 : index
    %swap3A_84 = vector.load %arg10[%swap3A, %swap3A_83] : memref<2048x32xf32, #tpu.memory_space<vmem>>, vector<2048x32xf32>
    tpu.vector_store %arg10[%swap3A, %swap3A_83], %dot_general3A_82 {strides = array<i32>} : memref<2048x32xf32, #tpu.memory_space<vmem>>, vector<2048x32xf32>,
    %get3A_85 = arith.constant 0 : index
    %get3A_86 = arith.constant 0 : index
    %get3A_87 = vector.load %arg6[%get3A_85, %get3A_86] : memref<8x64xf32, #tpu.memory_space<vmem>>, vector<8x64xf32>
    %dot_general3A_88 = arith.constant dense<0.000000e+00> : vector<2048x64xf32>
    %dot_general3A_89 = tpu.matmul %mul3A_43, %get3A_87, %dot_general3A_88 {dimension_numbers = #tpu.dot_dimension_numbers<[1], [0], [0], [1], [0, 0, 1, 1], [], []>, transpose_lhs_hint = false} : vector<2048x8xf32>, vector<8x64xf32>, vector<2048x64xf32> -> vector<2048x64xf32>
    %logistic3A_90 = arith.negf %dot_general3A_89 : vector<2048x64xf32>
    %logistic3A_91 = math.exp %logistic3A_90 : vector<2048x64xf32>
    %logistic3A_92 = arith.constant 1.000000e+00 : f32
    %logistic3A_93 = vector.broadcast %logistic3A_92 : f32 to vector<2048x64xf32>
    %logistic3A_94 = arith.addf %logistic3A_93, %logistic3A_91 : vector<2048x64xf32>
    %logistic3A_95 = arith.divf %logistic3A_93, %logistic3A_94 : vector<2048x64xf32>
    %mul3A_96 = arith.mulf %dot_general3A_89, %logistic3A_95 : vector<2048x64xf32>
    %get3A_97 = arith.constant 0 : index
    %get3A_98 = arith.constant 0 : index
    %get3A_99 = vector.load %arg7[%get3A_97, %get3A_98] : memref<64x64xf32, #tpu.memory_space<vmem>>, vector<64x64xf32>
    %dot_general3A_100 = arith.constant dense<0.000000e+00> : vector<2048x64xf32>
    %dot_general3A_101 = tpu.matmul %mul3A_96, %get3A_99, %dot_general3A_100 {dimension_numbers = #tpu.dot_dimension_numbers<[1], [0], [0], [1], [0, 0, 1, 1], [], []>, transpose_lhs_hint = false} : vector<2048x64xf32>, vector<64x64xf32>, vector<2048x64xf32> -> vector<2048x64xf32>
    %logistic3A_102 = arith.negf %dot_general3A_101 : vector<2048x64xf32>
    %logistic3A_103 = math.exp %logistic3A_102 : vector<2048x64xf32>
    %logistic3A_104 = arith.constant 1.000000e+00 : f32
    %logistic3A_105 = vector.broadcast %logistic3A_104 : f32 to vector<2048x64xf32>
    %logistic3A_106 = arith.addf %logistic3A_105, %logistic3A_103 : vector<2048x64xf32>
    %logistic3A_107 = arith.divf %logistic3A_105, %logistic3A_106 : vector<2048x64xf32>
    %mul3A_108 = arith.mulf %dot_general3A_101, %logistic3A_107 : vector<2048x64xf32>
    %get3A_109 = arith.constant 0 : index
    %get3A_110 = arith.constant 0 : index
    %get3A_111 = vector.load %arg8[%get3A_109, %get3A_110] : memref<64x64xf32, #tpu.memory_space<vmem>>, vector<64x64xf32>
    %dot_general3A_112 = arith.constant dense<0.000000e+00> : vector<2048x64xf32>
    %dot_general3A_113 = tpu.matmul %mul3A_108, %get3A_111, %dot_general3A_112 {dimension_numbers = #tpu.dot_dimension_numbers<[1], [0], [0], [1], [0, 0, 1, 1], [], []>, transpose_lhs_hint = false} : vector<2048x64xf32>, vector<64x64xf32>, vector<2048x64xf32> -> vector<2048x64xf32>
    %logistic3A_114 = arith.negf %dot_general3A_113 : vector<2048x64xf32>
    %logistic3A_115 = math.exp %logistic3A_114 : vector<2048x64xf32>
    %logistic3A_116 = arith.constant 1.000000e+00 : f32
    %logistic3A_117 = vector.broadcast %logistic3A_116 : f32 to vector<2048x64xf32>
    %logistic3A_118 = arith.addf %logistic3A_117, %logistic3A_115 : vector<2048x64xf32>
    %logistic3A_119 = arith.divf %logistic3A_117, %logistic3A_118 : vector<2048x64xf32>
    %mul3A_120 = arith.mulf %dot_general3A_113, %logistic3A_119 : vector<2048x64xf32>
    %get3A_121 = arith.constant 0 : index
    %get3A_122 = arith.constant 0 : index
    %get3A_123 = vector.load %arg9[%get3A_121, %get3A_122] : memref<64x32xf32, #tpu.memory_space<vmem>>, vector<64x32xf32>
    %dot_general3A_124 = arith.constant dense<0.000000e+00> : vector<2048x32xf32>
    %dot_general3A_125 = tpu.matmul %mul3A_120, %get3A_123, %dot_general3A_124 {dimension_numbers = #tpu.dot_dimension_numbers<[1], [0], [0], [1], [0, 0, 1, 1], [], []>, transpose_lhs_hint = false} : vector<2048x64xf32>, vector<64x32xf32>, vector<2048x32xf32> -> vector<2048x32xf32>
    %swap3A_126 = arith.constant 0 : index
    %swap3A_127 = arith.constant 0 : index
    %swap3A_128 = vector.load %arg11[%swap3A_126, %swap3A_127] : memref<2048x32xf32, #tpu.memory_space<vmem>>, vector<2048x32xf32>
    tpu.vector_store %arg11[%swap3A_126, %swap3A_127], %dot_general3A_125 {strides = array<i32>} : memref<2048x32xf32, #tpu.memory_space<vmem>>, vector<2048x32xf32>,
    return
  }
  func.func @transform_0(%arg0: i32) -> (i32, i32) {
    %c0_i32 = arith.constant 0 : i32
    %c0_i32_0 = arith.constant 0 : i32
    return %arg0, %c0_i32 : i32, i32
  }
  func.func @transform_1(%arg0: i32) -> (i32, i32) {
    %c0_i32 = arith.constant 0 : i32
    %c0_i32_0 = arith.constant 0 : i32
    %c0_i32_1 = arith.constant 0 : i32
    return %c0_i32, %c0_i32_0 : i32, i32
  }
  func.func @transform_2(%arg0: i32) -> (i32, i32) {
    %c0_i32 = arith.constant 0 : i32
    %c0_i32_0 = arith.constant 0 : i32
    %c0_i32_1 = arith.constant 0 : i32
    return %c0_i32, %c0_i32_0 : i32, i32
  }
  func.func @transform_3(%arg0: i32) -> (i32, i32) {
    %c0_i32 = arith.constant 0 : i32
    %c0_i32_0 = arith.constant 0 : i32
    %c0_i32_1 = arith.constant 0 : i32
    return %c0_i32, %c0_i32_0 : i32, i32
  }
  func.func @transform_4(%arg0: i32) -> (i32, i32) {
    %c0_i32 = arith.constant 0 : i32
    %c0_i32_0 = arith.constant 0 : i32
    %c0_i32_1 = arith.constant 0 : i32
    return %c0_i32, %c0_i32_0 : i32, i32
  }
  func.func @transform_5(%arg0: i32) -> (i32, i32) {
    %c0_i32 = arith.constant 0 : i32
    %c0_i32_0 = arith.constant 0 : i32
    %c0_i32_1 = arith.constant 0 : i32
    return %c0_i32, %c0_i32_0 : i32, i32
  }
  func.func @transform_6(%arg0: i32) -> (i32, i32) {
    %c0_i32 = arith.constant 0 : i32
    %c0_i32_0 = arith.constant 0 : i32
    %c0_i32_1 = arith.constant 0 : i32
    return %c0_i32, %c0_i32_0 : i32, i32
  }
  func.func @transform_7(%arg0: i32) -> (i32, i32) {
    %c0_i32 = arith.constant 0 : i32
    %c0_i32_0 = arith.constant 0 : i32
    %c0_i32_1 = arith.constant 0 : i32
    return %c0_i32, %c0_i32_0 : i32, i32
  }
  func.func @transform_8(%arg0: i32) -> (i32, i32) {
    %c0_i32 = arith.constant 0 : i32
    %c0_i32_0 = arith.constant 0 : i32
    %c0_i32_1 = arith.constant 0 : i32
    return %c0_i32, %c0_i32_0 : i32, i32
  }
  func.func @transform_9(%arg0: i32) -> (i32, i32) {
    %c0_i32 = arith.constant 0 : i32
    %c0_i32_0 = arith.constant 0 : i32
    return %arg0, %c0_i32 : i32, i32
  }
  func.func @transform_10(%arg0: i32) -> (i32, i32) {
    %c0_i32 = arith.constant 0 : i32
    %c0_i32_0 = arith.constant 0 : i32
    return %arg0, %c0_i32 : i32, i32
  }
}

module attributes {stable_mosaic.version = 14 : i64} {
  func.func @_node_a_body(%arg0: i32, %arg1: memref<1000x1xf32, #tpu.memory_space<vmem>>, %arg2: memref<10x32xf32, #tpu.memory_space<vmem>>, %arg3: memref<32x32xf32, #tpu.memory_space<vmem>>, %arg4: memref<1000x32xf32, #tpu.memory_space<vmem>>) attributes {dimension_semantics = [#tpu.dimension_semantics<arbitrary>], iteration_bounds = array<i64: 10>, scalar_prefetch = 0 : i64, scratch_operands = 0 : i64, tpu.core_type = #tpu.core_type<tc>, window_params = [{transform_indices = @transform_0, window_bounds = array<i64: 1000, 1>}, {pipeline_mode = #tpu.pipeline_mode<synchronous>, transform_indices = @transform_1, window_bounds = array<i64: 10, 32>}, {pipeline_mode = #tpu.pipeline_mode<synchronous>, transform_indices = @transform_2, window_bounds = array<i64: 32, 32>}, {transform_indices = @transform_3, window_bounds = array<i64: 1000, 32>}]} {
    %get3A = arith.constant 0 : index
    %get3A_0 = arith.constant 0 : index
    %get3A_1 = vector.load %arg1[%get3A, %get3A_0] : memref<1000x1xf32, #tpu.memory_space<vmem>>, vector<1000x1xf32>
    %iota3A = tpu.iota {dimensions = array<i32: 1>} : vector<1x10xi32>
    %convert_element_type3A = arith.sitofp %iota3A : vector<1x10xi32> to vector<1x10xf32>
    %eq3A = vector.broadcast %get3A_1 : vector<1000x1xf32> to vector<1000x10xf32>
    %eq3A_2 = vector.broadcast %convert_element_type3A : vector<1x10xf32> to vector<1000x10xf32>
    %eq3A_3 = arith.cmpf oeq, %eq3A, %eq3A_2 : vector<1000x10xf32>
    %convert_element_type3A_4 = arith.extui %eq3A_3 : vector<1000x10xi1> to vector<1000x10xi32>
    %convert_element_type3A_5 = arith.sitofp %convert_element_type3A_4 : vector<1000x10xi32> to vector<1000x10xf32>
    %get3A_6 = arith.constant 0 : index
    %get3A_7 = arith.constant 0 : index
    %get3A_8 = vector.load %arg2[%get3A_6, %get3A_7] : memref<10x32xf32, #tpu.memory_space<vmem>>, vector<10x32xf32>
    %dot_general3A = arith.constant dense<0.000000e+00> : vector<1000x32xf32>
    %dot_general3A_9 = tpu.matmul %convert_element_type3A_5, %get3A_8, %dot_general3A {dimension_numbers = #tpu.dot_dimension_numbers<[1], [0], [0], [1], [0, 0, 1, 1], [], []>, transpose_lhs_hint = false} : vector<1000x10xf32>, vector<10x32xf32>, vector<1000x32xf32> -> vector<1000x32xf32>
    %get3A_10 = arith.constant 0 : index
    %get3A_11 = arith.constant 0 : index
    %get3A_12 = vector.load %arg3[%get3A_10, %get3A_11] : memref<32x32xf32, #tpu.memory_space<vmem>>, vector<32x32xf32>
    %dot_general3A_13 = arith.constant dense<0.000000e+00> : vector<1000x32xf32>
    %dot_general3A_14 = tpu.matmul %dot_general3A_9, %get3A_12, %dot_general3A_13 {dimension_numbers = #tpu.dot_dimension_numbers<[1], [0], [0], [1], [0, 0, 1, 1], [], []>, transpose_lhs_hint = false} : vector<1000x32xf32>, vector<32x32xf32>, vector<1000x32xf32> -> vector<1000x32xf32>
    %swap3A = arith.constant 0 : index
    %swap3A_15 = arith.constant 0 : index
    %swap3A_16 = vector.load %arg4[%swap3A, %swap3A_15] : memref<1000x32xf32, #tpu.memory_space<vmem>>, vector<1000x32xf32>
    tpu.vector_store %arg4[%swap3A, %swap3A_15], %dot_general3A_14 {strides = array<i32>} : memref<1000x32xf32, #tpu.memory_space<vmem>>, vector<1000x32xf32>,
    return
  }
  func.func @transform_0(%arg0: i32) -> (i32, i32) {
    %c0_i32 = arith.constant 0 : i32
    %c0_i32_0 = arith.constant 0 : i32
    return %arg0, %c0_i32 : i32, i32
  }
  func.func @transform_1(%arg0: i32) -> (i32, i32) {
    %c0_i32 = arith.constant 0 : i32
    %c0_i32_0 = arith.constant 0 : i32
    %c0_i32_1 = arith.constant 0 : i32
    return %c0_i32, %c0_i32_0 : i32, i32
  }
  func.func @transform_2(%arg0: i32) -> (i32, i32) {
    %c0_i32 = arith.constant 0 : i32
    %c0_i32_0 = arith.constant 0 : i32
    %c0_i32_1 = arith.constant 0 : i32
    return %c0_i32, %c0_i32_0 : i32, i32
  }
  func.func @transform_3(%arg0: i32) -> (i32, i32) {
    %c0_i32 = arith.constant 0 : i32
    %c0_i32_0 = arith.constant 0 : i32
    return %arg0, %c0_i32 : i32, i32
  }
}

module attributes {stable_mosaic.version = 14 : i64} {
  func.func @_node_b_body(%arg0: i32, %arg1: memref<2x1000x32xf32, #tpu.memory_space<vmem>>, %arg2: memref<1000x1xf32, #tpu.memory_space<vmem>>, %arg3: memref<32x32xf32, #tpu.memory_space<vmem>>, %arg4: memref<10x32x32xf32, #tpu.memory_space<vmem>>, %arg5: memref<2x10x32xf32, #tpu.memory_space<vmem>>, %arg6: memref<32x32xf32, #tpu.memory_space<vmem>>, %arg7: memref<10x32x32xf32, #tpu.memory_space<vmem>>, %arg8: memref<32x32xf32, #tpu.memory_space<vmem>>, %arg9: memref<1000x32xf32, #tpu.memory_space<vmem>>, %arg10: memref<1000x32xf32, #tpu.memory_space<vmem>>, %arg11: memref<1000x32xf32, #tpu.memory_space<vmem>>, %arg12: memref<1000x32xf32, #tpu.memory_space<vmem>>) attributes {dimension_semantics = [#tpu.dimension_semantics<arbitrary>], iteration_bounds = array<i64: 10>, scalar_prefetch = 0 : i64, scratch_operands = 0 : i64, tpu.core_type = #tpu.core_type<tc>, window_params = [{transform_indices = @transform_0, window_bounds = array<i64: 2, 1000, 32>}, {transform_indices = @transform_1, window_bounds = array<i64: 1000, 1>}, {pipeline_mode = #tpu.pipeline_mode<synchronous>, transform_indices = @transform_2, window_bounds = array<i64: 32, 32>}, {pipeline_mode = #tpu.pipeline_mode<synchronous>, transform_indices = @transform_3, window_bounds = array<i64: 10, 32, 32>}, {pipeline_mode = #tpu.pipeline_mode<synchronous>, transform_indices = @transform_4, window_bounds = array<i64: 2, 10, 32>}, {pipeline_mode = #tpu.pipeline_mode<synchronous>, transform_indices = @transform_5, window_bounds = array<i64: 32, 32>}, {pipeline_mode = #tpu.pipeline_mode<synchronous>, transform_indices = @transform_6, window_bounds = array<i64: 10, 32, 32>}, {pipeline_mode = #tpu.pipeline_mode<synchronous>, transform_indices = @transform_7, window_bounds = array<i64: 32, 32>}, {transform_indices = @transform_8, window_bounds = array<i64: 1000, 32>}, {transform_indices = @transform_9, window_bounds = array<i64: 1000, 32>}, {transform_indices = @transform_10, window_bounds = array<i64: 1000, 32>}, {transform_indices = @transform_11, window_bounds = array<i64: 1000, 32>}]} {
    %get3A = arith.constant 0 : index
    %get3A_0 = arith.constant 0 : index
    %get3A_1 = vector.load %arg2[%get3A, %get3A_0] : memref<1000x1xf32, #tpu.memory_space<vmem>>, vector<1000x1xf32>
    %iota3A = tpu.iota {dimensions = array<i32: 1>} : vector<1x10xi32>
    %convert_element_type3A = arith.sitofp %iota3A : vector<1x10xi32> to vector<1x10xf32>
    %eq3A = vector.broadcast %get3A_1 : vector<1000x1xf32> to vector<1000x10xf32>
    %eq3A_2 = vector.broadcast %convert_element_type3A : vector<1x10xf32> to vector<1000x10xf32>
    %eq3A_3 = arith.cmpf oeq, %eq3A, %eq3A_2 : vector<1000x10xf32>
    %convert_element_type3A_4 = arith.extui %eq3A_3 : vector<1000x10xi1> to vector<1000x10xi32>
    %convert_element_type3A_5 = arith.sitofp %convert_element_type3A_4 : vector<1000x10xi32> to vector<1000x10xf32>
    %get3A_6 = arith.constant 0 : index
    %get3A_7 = arith.constant 0 : index
    %get3A_8 = arith.constant 0 : index
    %get3A_9 = vector.load %arg1[%get3A_6, %get3A_7, %get3A_8] : memref<2x1000x32xf32, #tpu.memory_space<vmem>>, vector<1x1000x32xf32>
    %get3A_10 = vector.shape_cast %get3A_9 : vector<1x1000x32xf32> to vector<1000x32xf32>
    %get3A_11 = arith.constant 1 : index
    %get3A_12 = arith.constant 0 : index
    %get3A_13 = arith.constant 0 : index
    %get3A_14 = vector.load %arg1[%get3A_11, %get3A_12, %get3A_13] : memref<2x1000x32xf32, #tpu.memory_space<vmem>>, vector<1x1000x32xf32>
    %get3A_15 = vector.shape_cast %get3A_14 : vector<1x1000x32xf32> to vector<1000x32xf32>
    %add3A = arith.addf %get3A_10, %get3A_15 : vector<1000x32xf32>
    %mul3A = arith.constant 1.000000e-01 : f32
    %mul3A_16 = vector.broadcast %mul3A : f32 to vector<1000x32xf32>
    %mul3A_17 = arith.mulf %add3A, %mul3A_16 : vector<1000x32xf32>
    %get3A_18 = arith.constant 0 : index
    %get3A_19 = arith.constant 0 : index
    %get3A_20 = vector.load %arg3[%get3A_18, %get3A_19] : memref<32x32xf32, #tpu.memory_space<vmem>>, vector<32x32xf32>
    %dot_general3A = arith.constant dense<0.000000e+00> : vector<1000x32xf32>
    %dot_general3A_21 = tpu.matmul %mul3A_17, %get3A_20, %dot_general3A {dimension_numbers = #tpu.dot_dimension_numbers<[1], [0], [0], [1], [0, 0, 1, 1], [], []>, transpose_lhs_hint = false} : vector<1000x32xf32>, vector<32x32xf32>, vector<1000x32xf32> -> vector<1000x32xf32>
    %broadcast_in_dim3A = arith.constant 0.000000e+00 : f32
    %broadcast_in_dim3A_22 = vector.broadcast %broadcast_in_dim3A : f32 to vector<1000x32xf32>
    %slice3A = vector.extract_strided_slice %convert_element_type3A_5 {offsets = [0, 0], sizes = [1000, 1], strides = [1, 1]} : vector<1000x10xf32> to vector<1000x1xf32>
    %get3A_23 = arith.constant 0 : index
    %get3A_24 = arith.constant 0 : index
    %get3A_25 = arith.constant 0 : index
    %get3A_26 = vector.load %arg4[%get3A_23, %get3A_24, %get3A_25] : memref<10x32x32xf32, #tpu.memory_space<vmem>>, vector<1x32x32xf32>
    %get3A_27 = vector.shape_cast %get3A_26 : vector<1x32x32xf32> to vector<32x32xf32>
    %dot_general3A_28 = arith.constant dense<0.000000e+00> : vector<1000x32xf32>
    %dot_general3A_29 = tpu.matmul %dot_general3A_21, %get3A_27, %dot_general3A_28 {dimension_numbers = #tpu.dot_dimension_numbers<[1], [0], [0], [1], [0, 0, 1, 1], [], []>, transpose_lhs_hint = false} : vector<1000x32xf32>, vector<32x32xf32>, vector<1000x32xf32> -> vector<1000x32xf32>
    %mul3A_30 = vector.broadcast %slice3A : vector<1000x1xf32> to vector<1000x32xf32>
    %mul3A_31 = arith.mulf %mul3A_30, %dot_general3A_29 : vector<1000x32xf32>
    %add3A_32 = arith.addf %broadcast_in_dim3A_22, %mul3A_31 : vector<1000x32xf32>
    %slice3A_33 = vector.extract_strided_slice %convert_element_type3A_5 {offsets = [0, 1], sizes = [1000, 1], strides = [1, 1]} : vector<1000x10xf32> to vector<1000x1xf32>
    %get3A_34 = arith.constant 1 : index
    %get3A_35 = arith.constant 0 : index
    %get3A_36 = arith.constant 0 : index
    %get3A_37 = vector.load %arg4[%get3A_34, %get3A_35, %get3A_36] : memref<10x32x32xf32, #tpu.memory_space<vmem>>, vector<1x32x32xf32>
    %get3A_38 = vector.shape_cast %get3A_37 : vector<1x32x32xf32> to vector<32x32xf32>
    %dot_general3A_39 = arith.constant dense<0.000000e+00> : vector<1000x32xf32>
    %dot_general3A_40 = tpu.matmul %dot_general3A_21, %get3A_38, %dot_general3A_39 {dimension_numbers = #tpu.dot_dimension_numbers<[1], [0], [0], [1], [0, 0, 1, 1], [], []>, transpose_lhs_hint = false} : vector<1000x32xf32>, vector<32x32xf32>, vector<1000x32xf32> -> vector<1000x32xf32>
    %mul3A_41 = vector.broadcast %slice3A_33 : vector<1000x1xf32> to vector<1000x32xf32>
    %mul3A_42 = arith.mulf %mul3A_41, %dot_general3A_40 : vector<1000x32xf32>
    %add3A_43 = arith.addf %add3A_32, %mul3A_42 : vector<1000x32xf32>
    %slice3A_44 = vector.extract_strided_slice %convert_element_type3A_5 {offsets = [0, 2], sizes = [1000, 1], strides = [1, 1]} : vector<1000x10xf32> to vector<1000x1xf32>
    %get3A_45 = arith.constant 2 : index
    %get3A_46 = arith.constant 0 : index
    %get3A_47 = arith.constant 0 : index
    %get3A_48 = vector.load %arg4[%get3A_45, %get3A_46, %get3A_47] : memref<10x32x32xf32, #tpu.memory_space<vmem>>, vector<1x32x32xf32>
    %get3A_49 = vector.shape_cast %get3A_48 : vector<1x32x32xf32> to vector<32x32xf32>
    %dot_general3A_50 = arith.constant dense<0.000000e+00> : vector<1000x32xf32>
    %dot_general3A_51 = tpu.matmul %dot_general3A_21, %get3A_49, %dot_general3A_50 {dimension_numbers = #tpu.dot_dimension_numbers<[1], [0], [0], [1], [0, 0, 1, 1], [], []>, transpose_lhs_hint = false} : vector<1000x32xf32>, vector<32x32xf32>, vector<1000x32xf32> -> vector<1000x32xf32>
    %mul3A_52 = vector.broadcast %slice3A_44 : vector<1000x1xf32> to vector<1000x32xf32>
    %mul3A_53 = arith.mulf %mul3A_52, %dot_general3A_51 : vector<1000x32xf32>
    %add3A_54 = arith.addf %add3A_43, %mul3A_53 : vector<1000x32xf32>
    %slice3A_55 = vector.extract_strided_slice %convert_element_type3A_5 {offsets = [0, 3], sizes = [1000, 1], strides = [1, 1]} : vector<1000x10xf32> to vector<1000x1xf32>
    %get3A_56 = arith.constant 3 : index
    %get3A_57 = arith.constant 0 : index
    %get3A_58 = arith.constant 0 : index
    %get3A_59 = vector.load %arg4[%get3A_56, %get3A_57, %get3A_58] : memref<10x32x32xf32, #tpu.memory_space<vmem>>, vector<1x32x32xf32>
    %get3A_60 = vector.shape_cast %get3A_59 : vector<1x32x32xf32> to vector<32x32xf32>
    %dot_general3A_61 = arith.constant dense<0.000000e+00> : vector<1000x32xf32>
    %dot_general3A_62 = tpu.matmul %dot_general3A_21, %get3A_60, %dot_general3A_61 {dimension_numbers = #tpu.dot_dimension_numbers<[1], [0], [0], [1], [0, 0, 1, 1], [], []>, transpose_lhs_hint = false} : vector<1000x32xf32>, vector<32x32xf32>, vector<1000x32xf32> -> vector<1000x32xf32>
    %mul3A_63 = vector.broadcast %slice3A_55 : vector<1000x1xf32> to vector<1000x32xf32>
    %mul3A_64 = arith.mulf %mul3A_63, %dot_general3A_62 : vector<1000x32xf32>
    %add3A_65 = arith.addf %add3A_54, %mul3A_64 : vector<1000x32xf32>
    %slice3A_66 = vector.extract_strided_slice %convert_element_type3A_5 {offsets = [0, 4], sizes = [1000, 1], strides = [1, 1]} : vector<1000x10xf32> to vector<1000x1xf32>
    %get3A_67 = arith.constant 4 : index
    %get3A_68 = arith.constant 0 : index
    %get3A_69 = arith.constant 0 : index
    %get3A_70 = vector.load %arg4[%get3A_67, %get3A_68, %get3A_69] : memref<10x32x32xf32, #tpu.memory_space<vmem>>, vector<1x32x32xf32>
    %get3A_71 = vector.shape_cast %get3A_70 : vector<1x32x32xf32> to vector<32x32xf32>
    %dot_general3A_72 = arith.constant dense<0.000000e+00> : vector<1000x32xf32>
    %dot_general3A_73 = tpu.matmul %dot_general3A_21, %get3A_71, %dot_general3A_72 {dimension_numbers = #tpu.dot_dimension_numbers<[1], [0], [0], [1], [0, 0, 1, 1], [], []>, transpose_lhs_hint = false} : vector<1000x32xf32>, vector<32x32xf32>, vector<1000x32xf32> -> vector<1000x32xf32>
    %mul3A_74 = vector.broadcast %slice3A_66 : vector<1000x1xf32> to vector<1000x32xf32>
    %mul3A_75 = arith.mulf %mul3A_74, %dot_general3A_73 : vector<1000x32xf32>
    %add3A_76 = arith.addf %add3A_65, %mul3A_75 : vector<1000x32xf32>
    %slice3A_77 = vector.extract_strided_slice %convert_element_type3A_5 {offsets = [0, 5], sizes = [1000, 1], strides = [1, 1]} : vector<1000x10xf32> to vector<1000x1xf32>
    %get3A_78 = arith.constant 5 : index
    %get3A_79 = arith.constant 0 : index
    %get3A_80 = arith.constant 0 : index
    %get3A_81 = vector.load %arg4[%get3A_78, %get3A_79, %get3A_80] : memref<10x32x32xf32, #tpu.memory_space<vmem>>, vector<1x32x32xf32>
    %get3A_82 = vector.shape_cast %get3A_81 : vector<1x32x32xf32> to vector<32x32xf32>
    %dot_general3A_83 = arith.constant dense<0.000000e+00> : vector<1000x32xf32>
    %dot_general3A_84 = tpu.matmul %dot_general3A_21, %get3A_82, %dot_general3A_83 {dimension_numbers = #tpu.dot_dimension_numbers<[1], [0], [0], [1], [0, 0, 1, 1], [], []>, transpose_lhs_hint = false} : vector<1000x32xf32>, vector<32x32xf32>, vector<1000x32xf32> -> vector<1000x32xf32>
    %mul3A_85 = vector.broadcast %slice3A_77 : vector<1000x1xf32> to vector<1000x32xf32>
    %mul3A_86 = arith.mulf %mul3A_85, %dot_general3A_84 : vector<1000x32xf32>
    %add3A_87 = arith.addf %add3A_76, %mul3A_86 : vector<1000x32xf32>
    %slice3A_88 = vector.extract_strided_slice %convert_element_type3A_5 {offsets = [0, 6], sizes = [1000, 1], strides = [1, 1]} : vector<1000x10xf32> to vector<1000x1xf32>
    %get3A_89 = arith.constant 6 : index
    %get3A_90 = arith.constant 0 : index
    %get3A_91 = arith.constant 0 : index
    %get3A_92 = vector.load %arg4[%get3A_89, %get3A_90, %get3A_91] : memref<10x32x32xf32, #tpu.memory_space<vmem>>, vector<1x32x32xf32>
    %get3A_93 = vector.shape_cast %get3A_92 : vector<1x32x32xf32> to vector<32x32xf32>
    %dot_general3A_94 = arith.constant dense<0.000000e+00> : vector<1000x32xf32>
    %dot_general3A_95 = tpu.matmul %dot_general3A_21, %get3A_93, %dot_general3A_94 {dimension_numbers = #tpu.dot_dimension_numbers<[1], [0], [0], [1], [0, 0, 1, 1], [], []>, transpose_lhs_hint = false} : vector<1000x32xf32>, vector<32x32xf32>, vector<1000x32xf32> -> vector<1000x32xf32>
    %mul3A_96 = vector.broadcast %slice3A_88 : vector<1000x1xf32> to vector<1000x32xf32>
    %mul3A_97 = arith.mulf %mul3A_96, %dot_general3A_95 : vector<1000x32xf32>
    %add3A_98 = arith.addf %add3A_87, %mul3A_97 : vector<1000x32xf32>
    %slice3A_99 = vector.extract_strided_slice %convert_element_type3A_5 {offsets = [0, 7], sizes = [1000, 1], strides = [1, 1]} : vector<1000x10xf32> to vector<1000x1xf32>
    %get3A_100 = arith.constant 7 : index
    %get3A_101 = arith.constant 0 : index
    %get3A_102 = arith.constant 0 : index
    %get3A_103 = vector.load %arg4[%get3A_100, %get3A_101, %get3A_102] : memref<10x32x32xf32, #tpu.memory_space<vmem>>, vector<1x32x32xf32>
    %get3A_104 = vector.shape_cast %get3A_103 : vector<1x32x32xf32> to vector<32x32xf32>
    %dot_general3A_105 = arith.constant dense<0.000000e+00> : vector<1000x32xf32>
    %dot_general3A_106 = tpu.matmul %dot_general3A_21, %get3A_104, %dot_general3A_105 {dimension_numbers = #tpu.dot_dimension_numbers<[1], [0], [0], [1], [0, 0, 1, 1], [], []>, transpose_lhs_hint = false} : vector<1000x32xf32>, vector<32x32xf32>, vector<1000x32xf32> -> vector<1000x32xf32>
    %mul3A_107 = vector.broadcast %slice3A_99 : vector<1000x1xf32> to vector<1000x32xf32>
    %mul3A_108 = arith.mulf %mul3A_107, %dot_general3A_106 : vector<1000x32xf32>
    %add3A_109 = arith.addf %add3A_98, %mul3A_108 : vector<1000x32xf32>
    %slice3A_110 = vector.extract_strided_slice %convert_element_type3A_5 {offsets = [0, 8], sizes = [1000, 1], strides = [1, 1]} : vector<1000x10xf32> to vector<1000x1xf32>
    %get3A_111 = arith.constant 8 : index
    %get3A_112 = arith.constant 0 : index
    %get3A_113 = arith.constant 0 : index
    %get3A_114 = vector.load %arg4[%get3A_111, %get3A_112, %get3A_113] : memref<10x32x32xf32, #tpu.memory_space<vmem>>, vector<1x32x32xf32>
    %get3A_115 = vector.shape_cast %get3A_114 : vector<1x32x32xf32> to vector<32x32xf32>
    %dot_general3A_116 = arith.constant dense<0.000000e+00> : vector<1000x32xf32>
    %dot_general3A_117 = tpu.matmul %dot_general3A_21, %get3A_115, %dot_general3A_116 {dimension_numbers = #tpu.dot_dimension_numbers<[1], [0], [0], [1], [0, 0, 1, 1], [], []>, transpose_lhs_hint = false} : vector<1000x32xf32>, vector<32x32xf32>, vector<1000x32xf32> -> vector<1000x32xf32>
    %mul3A_118 = vector.broadcast %slice3A_110 : vector<1000x1xf32> to vector<1000x32xf32>
    %mul3A_119 = arith.mulf %mul3A_118, %dot_general3A_117 : vector<1000x32xf32>
    %add3A_120 = arith.addf %add3A_109, %mul3A_119 : vector<1000x32xf32>
    %slice3A_121 = vector.extract_strided_slice %convert_element_type3A_5 {offsets = [0, 9], sizes = [1000, 1], strides = [1, 1]} : vector<1000x10xf32> to vector<1000x1xf32>
    %get3A_122 = arith.constant 9 : index
    %get3A_123 = arith.constant 0 : index
    %get3A_124 = arith.constant 0 : index
    %get3A_125 = vector.load %arg4[%get3A_122, %get3A_123, %get3A_124] : memref<10x32x32xf32, #tpu.memory_space<vmem>>, vector<1x32x32xf32>
    %get3A_126 = vector.shape_cast %get3A_125 : vector<1x32x32xf32> to vector<32x32xf32>
    %dot_general3A_127 = arith.constant dense<0.000000e+00> : vector<1000x32xf32>
    %dot_general3A_128 = tpu.matmul %dot_general3A_21, %get3A_126, %dot_general3A_127 {dimension_numbers = #tpu.dot_dimension_numbers<[1], [0], [0], [1], [0, 0, 1, 1], [], []>, transpose_lhs_hint = false} : vector<1000x32xf32>, vector<32x32xf32>, vector<1000x32xf32> -> vector<1000x32xf32>
    %mul3A_129 = vector.broadcast %slice3A_121 : vector<1000x1xf32> to vector<1000x32xf32>
    %mul3A_130 = arith.mulf %mul3A_129, %dot_general3A_128 : vector<1000x32xf32>
    %add3A_131 = arith.addf %add3A_120, %mul3A_130 : vector<1000x32xf32>
    %mul3A_132 = arith.constant 0.316227764 : f32
    %mul3A_133 = vector.broadcast %mul3A_132 : f32 to vector<1000x32xf32>
    %mul3A_134 = arith.mulf %add3A_131, %mul3A_133 : vector<1000x32xf32>
    %get3A_135 = arith.constant 0 : index
    %get3A_136 = arith.constant 0 : index
    %get3A_137 = arith.constant 0 : index
    %get3A_138 = vector.load %arg5[%get3A_135, %get3A_136, %get3A_137] : memref<2x10x32xf32, #tpu.memory_space<vmem>>, vector<1x10x32xf32>
    %get3A_139 = vector.shape_cast %get3A_138 : vector<1x10x32xf32> to vector<10x32xf32>
    %dot_general3A_140 = arith.constant dense<0.000000e+00> : vector<1000x32xf32>
    %dot_general3A_141 = tpu.matmul %convert_element_type3A_5, %get3A_139, %dot_general3A_140 {dimension_numbers = #tpu.dot_dimension_numbers<[1], [0], [0], [1], [0, 0, 1, 1], [], []>, transpose_lhs_hint = false} : vector<1000x10xf32>, vector<10x32xf32>, vector<1000x32xf32> -> vector<1000x32xf32>
    %get3A_142 = arith.constant 1 : index
    %get3A_143 = arith.constant 0 : index
    %get3A_144 = arith.constant 0 : index
    %get3A_145 = vector.load %arg5[%get3A_142, %get3A_143, %get3A_144] : memref<2x10x32xf32, #tpu.memory_space<vmem>>, vector<1x10x32xf32>
    %get3A_146 = vector.shape_cast %get3A_145 : vector<1x10x32xf32> to vector<10x32xf32>
    %dot_general3A_147 = arith.constant dense<0.000000e+00> : vector<1000x32xf32>
    %dot_general3A_148 = tpu.matmul %convert_element_type3A_5, %get3A_146, %dot_general3A_147 {dimension_numbers = #tpu.dot_dimension_numbers<[1], [0], [0], [1], [0, 0, 1, 1], [], []>, transpose_lhs_hint = false} : vector<1000x10xf32>, vector<10x32xf32>, vector<1000x32xf32> -> vector<1000x32xf32>
    %mul3A_149 = arith.mulf %dot_general3A_141, %mul3A_134 : vector<1000x32xf32>
    %mul3A_150 = arith.mulf %dot_general3A_148, %mul3A_134 : vector<1000x32xf32>
    %mul3A_151 = arith.mulf %mul3A_150, %mul3A_134 : vector<1000x32xf32>
    %add3A_152 = arith.addf %mul3A_149, %mul3A_151 : vector<1000x32xf32>
    %get3A_153 = arith.constant 0 : index
    %get3A_154 = arith.constant 0 : index
    %get3A_155 = vector.load %arg6[%get3A_153, %get3A_154] : memref<32x32xf32, #tpu.memory_space<vmem>>, vector<32x32xf32>
    %dot_general3A_156 = arith.constant dense<0.000000e+00> : vector<1000x32xf32>
    %dot_general3A_157 = tpu.matmul %add3A_152, %get3A_155, %dot_general3A_156 {dimension_numbers = #tpu.dot_dimension_numbers<[1], [0], [0], [1], [0, 0, 1, 1], [], []>, transpose_lhs_hint = false} : vector<1000x32xf32>, vector<32x32xf32>, vector<1000x32xf32> -> vector<1000x32xf32>
    %swap3A = arith.constant 0 : index
    %swap3A_158 = arith.constant 0 : index
    %swap3A_159 = vector.load %arg9[%swap3A, %swap3A_158] : memref<1000x32xf32, #tpu.memory_space<vmem>>, vector<1000x32xf32>
    tpu.vector_store %arg9[%swap3A, %swap3A_158], %dot_general3A_157 {strides = array<i32>} : memref<1000x32xf32, #tpu.memory_space<vmem>>, vector<1000x32xf32>,
    %swap3A_160 = arith.constant 0 : index
    %swap3A_161 = arith.constant 0 : index
    %swap3A_162 = vector.load %arg10[%swap3A_160, %swap3A_161] : memref<1000x32xf32, #tpu.memory_space<vmem>>, vector<1000x32xf32>
    tpu.vector_store %arg10[%swap3A_160, %swap3A_161], %mul3A_134 {strides = array<i32>} : memref<1000x32xf32, #tpu.memory_space<vmem>>, vector<1000x32xf32>,
    %broadcast_in_dim3A_163 = arith.constant 0.000000e+00 : f32
    %broadcast_in_dim3A_164 = vector.broadcast %broadcast_in_dim3A_163 : f32 to vector<1000x32xf32>
    %slice3A_165 = vector.extract_strided_slice %convert_element_type3A_5 {offsets = [0, 0], sizes = [1000, 1], strides = [1, 1]} : vector<1000x10xf32> to vector<1000x1xf32>
    %get3A_166 = arith.constant 0 : index
    %get3A_167 = arith.constant 0 : index
    %get3A_168 = arith.constant 0 : index
    %get3A_169 = vector.load %arg7[%get3A_166, %get3A_167, %get3A_168] : memref<10x32x32xf32, #tpu.memory_space<vmem>>, vector<1x32x32xf32>
    %get3A_170 = vector.shape_cast %get3A_169 : vector<1x32x32xf32> to vector<32x32xf32>
    %dot_general3A_171 = arith.constant dense<0.000000e+00> : vector<1000x32xf32>
    %dot_general3A_172 = tpu.matmul %dot_general3A_157, %get3A_170, %dot_general3A_171 {dimension_numbers = #tpu.dot_dimension_numbers<[1], [0], [0], [1], [0, 0, 1, 1], [], []>, transpose_lhs_hint = false} : vector<1000x32xf32>, vector<32x32xf32>, vector<1000x32xf32> -> vector<1000x32xf32>
    %mul3A_173 = vector.broadcast %slice3A_165 : vector<1000x1xf32> to vector<1000x32xf32>
    %mul3A_174 = arith.mulf %mul3A_173, %dot_general3A_172 : vector<1000x32xf32>
    %add3A_175 = arith.addf %broadcast_in_dim3A_164, %mul3A_174 : vector<1000x32xf32>
    %slice3A_176 = vector.extract_strided_slice %convert_element_type3A_5 {offsets = [0, 1], sizes = [1000, 1], strides = [1, 1]} : vector<1000x10xf32> to vector<1000x1xf32>
    %get3A_177 = arith.constant 1 : index
    %get3A_178 = arith.constant 0 : index
    %get3A_179 = arith.constant 0 : index
    %get3A_180 = vector.load %arg7[%get3A_177, %get3A_178, %get3A_179] : memref<10x32x32xf32, #tpu.memory_space<vmem>>, vector<1x32x32xf32>
    %get3A_181 = vector.shape_cast %get3A_180 : vector<1x32x32xf32> to vector<32x32xf32>
    %dot_general3A_182 = arith.constant dense<0.000000e+00> : vector<1000x32xf32>
    %dot_general3A_183 = tpu.matmul %dot_general3A_157, %get3A_181, %dot_general3A_182 {dimension_numbers = #tpu.dot_dimension_numbers<[1], [0], [0], [1], [0, 0, 1, 1], [], []>, transpose_lhs_hint = false} : vector<1000x32xf32>, vector<32x32xf32>, vector<1000x32xf32> -> vector<1000x32xf32>
    %mul3A_184 = vector.broadcast %slice3A_176 : vector<1000x1xf32> to vector<1000x32xf32>
    %mul3A_185 = arith.mulf %mul3A_184, %dot_general3A_183 : vector<1000x32xf32>
    %add3A_186 = arith.addf %add3A_175, %mul3A_185 : vector<1000x32xf32>
    %slice3A_187 = vector.extract_strided_slice %convert_element_type3A_5 {offsets = [0, 2], sizes = [1000, 1], strides = [1, 1]} : vector<1000x10xf32> to vector<1000x1xf32>
    %get3A_188 = arith.constant 2 : index
    %get3A_189 = arith.constant 0 : index
    %get3A_190 = arith.constant 0 : index
    %get3A_191 = vector.load %arg7[%get3A_188, %get3A_189, %get3A_190] : memref<10x32x32xf32, #tpu.memory_space<vmem>>, vector<1x32x32xf32>
    %get3A_192 = vector.shape_cast %get3A_191 : vector<1x32x32xf32> to vector<32x32xf32>
    %dot_general3A_193 = arith.constant dense<0.000000e+00> : vector<1000x32xf32>
    %dot_general3A_194 = tpu.matmul %dot_general3A_157, %get3A_192, %dot_general3A_193 {dimension_numbers = #tpu.dot_dimension_numbers<[1], [0], [0], [1], [0, 0, 1, 1], [], []>, transpose_lhs_hint = false} : vector<1000x32xf32>, vector<32x32xf32>, vector<1000x32xf32> -> vector<1000x32xf32>
    %mul3A_195 = vector.broadcast %slice3A_187 : vector<1000x1xf32> to vector<1000x32xf32>
    %mul3A_196 = arith.mulf %mul3A_195, %dot_general3A_194 : vector<1000x32xf32>
    %add3A_197 = arith.addf %add3A_186, %mul3A_196 : vector<1000x32xf32>
    %slice3A_198 = vector.extract_strided_slice %convert_element_type3A_5 {offsets = [0, 3], sizes = [1000, 1], strides = [1, 1]} : vector<1000x10xf32> to vector<1000x1xf32>
    %get3A_199 = arith.constant 3 : index
    %get3A_200 = arith.constant 0 : index
    %get3A_201 = arith.constant 0 : index
    %get3A_202 = vector.load %arg7[%get3A_199, %get3A_200, %get3A_201] : memref<10x32x32xf32, #tpu.memory_space<vmem>>, vector<1x32x32xf32>
    %get3A_203 = vector.shape_cast %get3A_202 : vector<1x32x32xf32> to vector<32x32xf32>
    %dot_general3A_204 = arith.constant dense<0.000000e+00> : vector<1000x32xf32>
    %dot_general3A_205 = tpu.matmul %dot_general3A_157, %get3A_203, %dot_general3A_204 {dimension_numbers = #tpu.dot_dimension_numbers<[1], [0], [0], [1], [0, 0, 1, 1], [], []>, transpose_lhs_hint = false} : vector<1000x32xf32>, vector<32x32xf32>, vector<1000x32xf32> -> vector<1000x32xf32>
    %mul3A_206 = vector.broadcast %slice3A_198 : vector<1000x1xf32> to vector<1000x32xf32>
    %mul3A_207 = arith.mulf %mul3A_206, %dot_general3A_205 : vector<1000x32xf32>
    %add3A_208 = arith.addf %add3A_197, %mul3A_207 : vector<1000x32xf32>
    %slice3A_209 = vector.extract_strided_slice %convert_element_type3A_5 {offsets = [0, 4], sizes = [1000, 1], strides = [1, 1]} : vector<1000x10xf32> to vector<1000x1xf32>
    %get3A_210 = arith.constant 4 : index
    %get3A_211 = arith.constant 0 : index
    %get3A_212 = arith.constant 0 : index
    %get3A_213 = vector.load %arg7[%get3A_210, %get3A_211, %get3A_212] : memref<10x32x32xf32, #tpu.memory_space<vmem>>, vector<1x32x32xf32>
    %get3A_214 = vector.shape_cast %get3A_213 : vector<1x32x32xf32> to vector<32x32xf32>
    %dot_general3A_215 = arith.constant dense<0.000000e+00> : vector<1000x32xf32>
    %dot_general3A_216 = tpu.matmul %dot_general3A_157, %get3A_214, %dot_general3A_215 {dimension_numbers = #tpu.dot_dimension_numbers<[1], [0], [0], [1], [0, 0, 1, 1], [], []>, transpose_lhs_hint = false} : vector<1000x32xf32>, vector<32x32xf32>, vector<1000x32xf32> -> vector<1000x32xf32>
    %mul3A_217 = vector.broadcast %slice3A_209 : vector<1000x1xf32> to vector<1000x32xf32>
    %mul3A_218 = arith.mulf %mul3A_217, %dot_general3A_216 : vector<1000x32xf32>
    %add3A_219 = arith.addf %add3A_208, %mul3A_218 : vector<1000x32xf32>
    %slice3A_220 = vector.extract_strided_slice %convert_element_type3A_5 {offsets = [0, 5], sizes = [1000, 1], strides = [1, 1]} : vector<1000x10xf32> to vector<1000x1xf32>
    %get3A_221 = arith.constant 5 : index
    %get3A_222 = arith.constant 0 : index
    %get3A_223 = arith.constant 0 : index
    %get3A_224 = vector.load %arg7[%get3A_221, %get3A_222, %get3A_223] : memref<10x32x32xf32, #tpu.memory_space<vmem>>, vector<1x32x32xf32>
    %get3A_225 = vector.shape_cast %get3A_224 : vector<1x32x32xf32> to vector<32x32xf32>
    %dot_general3A_226 = arith.constant dense<0.000000e+00> : vector<1000x32xf32>
    %dot_general3A_227 = tpu.matmul %dot_general3A_157, %get3A_225, %dot_general3A_226 {dimension_numbers = #tpu.dot_dimension_numbers<[1], [0], [0], [1], [0, 0, 1, 1], [], []>, transpose_lhs_hint = false} : vector<1000x32xf32>, vector<32x32xf32>, vector<1000x32xf32> -> vector<1000x32xf32>
    %mul3A_228 = vector.broadcast %slice3A_220 : vector<1000x1xf32> to vector<1000x32xf32>
    %mul3A_229 = arith.mulf %mul3A_228, %dot_general3A_227 : vector<1000x32xf32>
    %add3A_230 = arith.addf %add3A_219, %mul3A_229 : vector<1000x32xf32>
    %slice3A_231 = vector.extract_strided_slice %convert_element_type3A_5 {offsets = [0, 6], sizes = [1000, 1], strides = [1, 1]} : vector<1000x10xf32> to vector<1000x1xf32>
    %get3A_232 = arith.constant 6 : index
    %get3A_233 = arith.constant 0 : index
    %get3A_234 = arith.constant 0 : index
    %get3A_235 = vector.load %arg7[%get3A_232, %get3A_233, %get3A_234] : memref<10x32x32xf32, #tpu.memory_space<vmem>>, vector<1x32x32xf32>
    %get3A_236 = vector.shape_cast %get3A_235 : vector<1x32x32xf32> to vector<32x32xf32>
    %dot_general3A_237 = arith.constant dense<0.000000e+00> : vector<1000x32xf32>
    %dot_general3A_238 = tpu.matmul %dot_general3A_157, %get3A_236, %dot_general3A_237 {dimension_numbers = #tpu.dot_dimension_numbers<[1], [0], [0], [1], [0, 0, 1, 1], [], []>, transpose_lhs_hint = false} : vector<1000x32xf32>, vector<32x32xf32>, vector<1000x32xf32> -> vector<1000x32xf32>
    %mul3A_239 = vector.broadcast %slice3A_231 : vector<1000x1xf32> to vector<1000x32xf32>
    %mul3A_240 = arith.mulf %mul3A_239, %dot_general3A_238 : vector<1000x32xf32>
    %add3A_241 = arith.addf %add3A_230, %mul3A_240 : vector<1000x32xf32>
    %slice3A_242 = vector.extract_strided_slice %convert_element_type3A_5 {offsets = [0, 7], sizes = [1000, 1], strides = [1, 1]} : vector<1000x10xf32> to vector<1000x1xf32>
    %get3A_243 = arith.constant 7 : index
    %get3A_244 = arith.constant 0 : index
    %get3A_245 = arith.constant 0 : index
    %get3A_246 = vector.load %arg7[%get3A_243, %get3A_244, %get3A_245] : memref<10x32x32xf32, #tpu.memory_space<vmem>>, vector<1x32x32xf32>
    %get3A_247 = vector.shape_cast %get3A_246 : vector<1x32x32xf32> to vector<32x32xf32>
    %dot_general3A_248 = arith.constant dense<0.000000e+00> : vector<1000x32xf32>
    %dot_general3A_249 = tpu.matmul %dot_general3A_157, %get3A_247, %dot_general3A_248 {dimension_numbers = #tpu.dot_dimension_numbers<[1], [0], [0], [1], [0, 0, 1, 1], [], []>, transpose_lhs_hint = false} : vector<1000x32xf32>, vector<32x32xf32>, vector<1000x32xf32> -> vector<1000x32xf32>
    %mul3A_250 = vector.broadcast %slice3A_242 : vector<1000x1xf32> to vector<1000x32xf32>
    %mul3A_251 = arith.mulf %mul3A_250, %dot_general3A_249 : vector<1000x32xf32>
    %add3A_252 = arith.addf %add3A_241, %mul3A_251 : vector<1000x32xf32>
    %slice3A_253 = vector.extract_strided_slice %convert_element_type3A_5 {offsets = [0, 8], sizes = [1000, 1], strides = [1, 1]} : vector<1000x10xf32> to vector<1000x1xf32>
    %get3A_254 = arith.constant 8 : index
    %get3A_255 = arith.constant 0 : index
    %get3A_256 = arith.constant 0 : index
    %get3A_257 = vector.load %arg7[%get3A_254, %get3A_255, %get3A_256] : memref<10x32x32xf32, #tpu.memory_space<vmem>>, vector<1x32x32xf32>
    %get3A_258 = vector.shape_cast %get3A_257 : vector<1x32x32xf32> to vector<32x32xf32>
    %dot_general3A_259 = arith.constant dense<0.000000e+00> : vector<1000x32xf32>
    %dot_general3A_260 = tpu.matmul %dot_general3A_157, %get3A_258, %dot_general3A_259 {dimension_numbers = #tpu.dot_dimension_numbers<[1], [0], [0], [1], [0, 0, 1, 1], [], []>, transpose_lhs_hint = false} : vector<1000x32xf32>, vector<32x32xf32>, vector<1000x32xf32> -> vector<1000x32xf32>
    %mul3A_261 = vector.broadcast %slice3A_253 : vector<1000x1xf32> to vector<1000x32xf32>
    %mul3A_262 = arith.mulf %mul3A_261, %dot_general3A_260 : vector<1000x32xf32>
    %add3A_263 = arith.addf %add3A_252, %mul3A_262 : vector<1000x32xf32>
    %slice3A_264 = vector.extract_strided_slice %convert_element_type3A_5 {offsets = [0, 9], sizes = [1000, 1], strides = [1, 1]} : vector<1000x10xf32> to vector<1000x1xf32>
    %get3A_265 = arith.constant 9 : index
    %get3A_266 = arith.constant 0 : index
    %get3A_267 = arith.constant 0 : index
    %get3A_268 = vector.load %arg7[%get3A_265, %get3A_266, %get3A_267] : memref<10x32x32xf32, #tpu.memory_space<vmem>>, vector<1x32x32xf32>
    %get3A_269 = vector.shape_cast %get3A_268 : vector<1x32x32xf32> to vector<32x32xf32>
    %dot_general3A_270 = arith.constant dense<0.000000e+00> : vector<1000x32xf32>
    %dot_general3A_271 = tpu.matmul %dot_general3A_157, %get3A_269, %dot_general3A_270 {dimension_numbers = #tpu.dot_dimension_numbers<[1], [0], [0], [1], [0, 0, 1, 1], [], []>, transpose_lhs_hint = false} : vector<1000x32xf32>, vector<32x32xf32>, vector<1000x32xf32> -> vector<1000x32xf32>
    %mul3A_272 = vector.broadcast %slice3A_264 : vector<1000x1xf32> to vector<1000x32xf32>
    %mul3A_273 = arith.mulf %mul3A_272, %dot_general3A_271 : vector<1000x32xf32>
    %add3A_274 = arith.addf %add3A_263, %mul3A_273 : vector<1000x32xf32>
    %mul3A_275 = arith.constant 0.316227764 : f32
    %mul3A_276 = vector.broadcast %mul3A_275 : f32 to vector<1000x32xf32>
    %mul3A_277 = arith.mulf %add3A_274, %mul3A_276 : vector<1000x32xf32>
    %swap3A_278 = arith.constant 0 : index
    %swap3A_279 = arith.constant 0 : index
    %swap3A_280 = vector.load %arg11[%swap3A_278, %swap3A_279] : memref<1000x32xf32, #tpu.memory_space<vmem>>, vector<1000x32xf32>
    tpu.vector_store %arg11[%swap3A_278, %swap3A_279], %mul3A_277 {strides = array<i32>} : memref<1000x32xf32, #tpu.memory_space<vmem>>, vector<1000x32xf32>,
    %get3A_281 = arith.constant 0 : index
    %get3A_282 = arith.constant 0 : index
    %get3A_283 = vector.load %arg8[%get3A_281, %get3A_282] : memref<32x32xf32, #tpu.memory_space<vmem>>, vector<32x32xf32>
    %dot_general3A_284 = arith.constant dense<0.000000e+00> : vector<1000x32xf32>
    %dot_general3A_285 = tpu.matmul %dot_general3A_157, %get3A_283, %dot_general3A_284 {dimension_numbers = #tpu.dot_dimension_numbers<[1], [0], [0], [1], [0, 0, 1, 1], [], []>, transpose_lhs_hint = false} : vector<1000x32xf32>, vector<32x32xf32>, vector<1000x32xf32> -> vector<1000x32xf32>
    %swap3A_286 = arith.constant 0 : index
    %swap3A_287 = arith.constant 0 : index
    %swap3A_288 = vector.load %arg12[%swap3A_286, %swap3A_287] : memref<1000x32xf32, #tpu.memory_space<vmem>>, vector<1000x32xf32>
    tpu.vector_store %arg12[%swap3A_286, %swap3A_287], %dot_general3A_285 {strides = array<i32>} : memref<1000x32xf32, #tpu.memory_space<vmem>>, vector<1000x32xf32>,
    return
  }
  func.func @transform_0(%arg0: i32) -> (i32, i32, i32) {
    %c0_i32 = arith.constant 0 : i32
    %c0_i32_0 = arith.constant 0 : i32
    %c0_i32_1 = arith.constant 0 : i32
    return %c0_i32, %arg0, %c0_i32_0 : i32, i32, i32
  }
  func.func @transform_1(%arg0: i32) -> (i32, i32) {
    %c0_i32 = arith.constant 0 : i32
    %c0_i32_0 = arith.constant 0 : i32
    return %arg0, %c0_i32 : i32, i32
  }
  func.func @transform_2(%arg0: i32) -> (i32, i32) {
    %c0_i32 = arith.constant 0 : i32
    %c0_i32_0 = arith.constant 0 : i32
    %c0_i32_1 = arith.constant 0 : i32
    return %c0_i32, %c0_i32_0 : i32, i32
  }
  func.func @transform_3(%arg0: i32) -> (i32, i32, i32) {
    %c0_i32 = arith.constant 0 : i32
    %c0_i32_0 = arith.constant 0 : i32
    %c0_i32_1 = arith.constant 0 : i32
    %c0_i32_2 = arith.constant 0 : i32
    return %c0_i32, %c0_i32_0, %c0_i32_1 : i32, i32, i32
  }
  func.func @transform_4(%arg0: i32) -> (i32, i32, i32) {
    %c0_i32 = arith.constant 0 : i32
    %c0_i32_0 = arith.constant 0 : i32
    %c0_i32_1 = arith.constant 0 : i32
    %c0_i32_2 = arith.constant 0 : i32
    return %c0_i32, %c0_i32_0, %c0_i32_1 : i32, i32, i32
  }
  func.func @transform_5(%arg0: i32) -> (i32, i32) {
    %c0_i32 = arith.constant 0 : i32
    %c0_i32_0 = arith.constant 0 : i32
    %c0_i32_1 = arith.constant 0 : i32
    return %c0_i32, %c0_i32_0 : i32, i32
  }
  func.func @transform_6(%arg0: i32) -> (i32, i32, i32) {
    %c0_i32 = arith.constant 0 : i32
    %c0_i32_0 = arith.constant 0 : i32
    %c0_i32_1 = arith.constant 0 : i32
    %c0_i32_2 = arith.constant 0 : i32
    return %c0_i32, %c0_i32_0, %c0_i32_1 : i32, i32, i32
  }
  func.func @transform_7(%arg0: i32) -> (i32, i32) {
    %c0_i32 = arith.constant 0 : i32
    %c0_i32_0 = arith.constant 0 : i32
    %c0_i32_1 = arith.constant 0 : i32
    return %c0_i32, %c0_i32_0 : i32, i32
  }
  func.func @transform_8(%arg0: i32) -> (i32, i32) {
    %c0_i32 = arith.constant 0 : i32
    %c0_i32_0 = arith.constant 0 : i32
    return %arg0, %c0_i32 : i32, i32
  }
  func.func @transform_9(%arg0: i32) -> (i32, i32) {
    %c0_i32 = arith.constant 0 : i32
    %c0_i32_0 = arith.constant 0 : i32
    return %arg0, %c0_i32 : i32, i32
  }
  func.func @transform_10(%arg0: i32) -> (i32, i32) {
    %c0_i32 = arith.constant 0 : i32
    %c0_i32_0 = arith.constant 0 : i32
    return %arg0, %c0_i32 : i32, i32
  }
  func.func @transform_11(%arg0: i32) -> (i32, i32) {
    %c0_i32 = arith.constant 0 : i32
    %c0_i32_0 = arith.constant 0 : i32
    return %arg0, %c0_i32 : i32, i32
  }
}

module attributes {stable_mosaic.version = 14 : i64} {
  func.func @_node_c_body(%arg0: i32, %arg1: memref<2x1000x32xf32, #tpu.memory_space<vmem>>, %arg2: memref<1000x32xf32, #tpu.memory_space<vmem>>, %arg3: memref<1000x32xf32, #tpu.memory_space<vmem>>, %arg4: memref<1000x1xf32, #tpu.memory_space<vmem>>, %arg5: memref<1000x1xf32, #tpu.memory_space<vmem>>, %arg6: memref<32x32xf32, #tpu.memory_space<vmem>>, %arg7: memref<2x10x32xf32, #tpu.memory_space<vmem>>, %arg8: memref<32x32xf32, #tpu.memory_space<vmem>>, %arg9: memref<32x16xf32, #tpu.memory_space<vmem>>, %arg10: memref<1x16xf32, #tpu.memory_space<vmem>>, %arg11: memref<1x32xf32, #tpu.memory_space<vmem>>, %arg12: memref<1x10xf32, #tpu.memory_space<vmem>>, %arg13: memref<32x32xf32, #tpu.memory_space<vmem>>, %arg14: memref<32x32xf32, #tpu.memory_space<vmem>>, %arg15: memref<16x32xf32, #tpu.memory_space<vmem>>, %arg16: memref<8x128xf32, #tpu.memory_space<vmem>>, %arg17: memref<1000x32xf32, #tpu.memory_space<vmem>>, %arg18: memref<1000x32xf32, #tpu.memory_space<vmem>>) attributes {dimension_semantics = [#tpu.dimension_semantics<arbitrary>], iteration_bounds = array<i64: 10>, scalar_prefetch = 0 : i64, scratch_operands = 0 : i64, tpu.core_type = #tpu.core_type<tc>, window_params = [{transform_indices = @transform_0, window_bounds = array<i64: 2, 1000, 32>}, {transform_indices = @transform_1, window_bounds = array<i64: 1000, 32>}, {transform_indices = @transform_2, window_bounds = array<i64: 1000, 32>}, {transform_indices = @transform_3, window_bounds = array<i64: 1000, 1>}, {transform_indices = @transform_4, window_bounds = array<i64: 1000, 1>}, {pipeline_mode = #tpu.pipeline_mode<synchronous>, transform_indices = @transform_5, window_bounds = array<i64: 32, 32>}, {pipeline_mode = #tpu.pipeline_mode<synchronous>, transform_indices = @transform_6, window_bounds = array<i64: 2, 10, 32>}, {pipeline_mode = #tpu.pipeline_mode<synchronous>, transform_indices = @transform_7, window_bounds = array<i64: 32, 32>}, {pipeline_mode = #tpu.pipeline_mode<synchronous>, transform_indices = @transform_8, window_bounds = array<i64: 32, 16>}, {pipeline_mode = #tpu.pipeline_mode<synchronous>, transform_indices = @transform_9, window_bounds = array<i64: 1, 16>}, {pipeline_mode = #tpu.pipeline_mode<synchronous>, transform_indices = @transform_10, window_bounds = array<i64: 1, 32>}, {pipeline_mode = #tpu.pipeline_mode<synchronous>, transform_indices = @transform_11, window_bounds = array<i64: 1, 10>}, {pipeline_mode = #tpu.pipeline_mode<synchronous>, transform_indices = @transform_12, window_bounds = array<i64: 32, 32>}, {pipeline_mode = #tpu.pipeline_mode<synchronous>, transform_indices = @transform_13, window_bounds = array<i64: 32, 32>}, {pipeline_mode = #tpu.pipeline_mode<synchronous>, transform_indices = @transform_14, window_bounds = array<i64: 16, 32>}, {pipeline_mode = #tpu.pipeline_mode<synchronous>, transform_indices = @transform_15, window_bounds = array<i64: 8, 128>}, {transform_indices = @transform_16, window_bounds = array<i64: 1000, 32>}, {transform_indices = @transform_17, window_bounds = array<i64: 1000, 32>}]} {
    %get3A = arith.constant 0 : index
    %get3A_0 = arith.constant 0 : index
    %get3A_1 = vector.load %arg4[%get3A, %get3A_0] : memref<1000x1xf32, #tpu.memory_space<vmem>>, vector<1000x1xf32>
    %iota3A = tpu.iota {dimensions = array<i32: 1>} : vector<1x10xi32>
    %convert_element_type3A = arith.sitofp %iota3A : vector<1x10xi32> to vector<1x10xf32>
    %eq3A = vector.broadcast %get3A_1 : vector<1000x1xf32> to vector<1000x10xf32>
    %eq3A_2 = vector.broadcast %convert_element_type3A : vector<1x10xf32> to vector<1000x10xf32>
    %eq3A_3 = arith.cmpf oeq, %eq3A, %eq3A_2 : vector<1000x10xf32>
    %convert_element_type3A_4 = arith.extui %eq3A_3 : vector<1000x10xi1> to vector<1000x10xi32>
    %convert_element_type3A_5 = arith.sitofp %convert_element_type3A_4 : vector<1000x10xi32> to vector<1000x10xf32>
    %get3A_6 = arith.constant 0 : index
    %get3A_7 = arith.constant 0 : index
    %get3A_8 = arith.constant 0 : index
    %get3A_9 = vector.load %arg1[%get3A_6, %get3A_7, %get3A_8] : memref<2x1000x32xf32, #tpu.memory_space<vmem>>, vector<1x1000x32xf32>
    %get3A_10 = vector.shape_cast %get3A_9 : vector<1x1000x32xf32> to vector<1000x32xf32>
    %get3A_11 = arith.constant 1 : index
    %get3A_12 = arith.constant 0 : index
    %get3A_13 = arith.constant 0 : index
    %get3A_14 = vector.load %arg1[%get3A_11, %get3A_12, %get3A_13] : memref<2x1000x32xf32, #tpu.memory_space<vmem>>, vector<1x1000x32xf32>
    %get3A_15 = vector.shape_cast %get3A_14 : vector<1x1000x32xf32> to vector<1000x32xf32>
    %add3A = arith.addf %get3A_10, %get3A_15 : vector<1000x32xf32>
    %mul3A = arith.constant 1.000000e-01 : f32
    %mul3A_16 = vector.broadcast %mul3A : f32 to vector<1000x32xf32>
    %mul3A_17 = arith.mulf %add3A, %mul3A_16 : vector<1000x32xf32>
    %get3A_18 = arith.constant 0 : index
    %get3A_19 = arith.constant 0 : index
    %get3A_20 = vector.load %arg6[%get3A_18, %get3A_19] : memref<32x32xf32, #tpu.memory_space<vmem>>, vector<32x32xf32>
    %dot_general3A = arith.constant dense<0.000000e+00> : vector<1000x32xf32>
    %dot_general3A_21 = tpu.matmul %mul3A_17, %get3A_20, %dot_general3A {dimension_numbers = #tpu.dot_dimension_numbers<[1], [0], [0], [1], [0, 0, 1, 1], [], []>, transpose_lhs_hint = false} : vector<1000x32xf32>, vector<32x32xf32>, vector<1000x32xf32> -> vector<1000x32xf32>
    %get3A_22 = arith.constant 0 : index
    %get3A_23 = arith.constant 0 : index
    %get3A_24 = arith.constant 0 : index
    %get3A_25 = vector.load %arg7[%get3A_22, %get3A_23, %get3A_24] : memref<2x10x32xf32, #tpu.memory_space<vmem>>, vector<1x10x32xf32>
    %get3A_26 = vector.shape_cast %get3A_25 : vector<1x10x32xf32> to vector<10x32xf32>
    %dot_general3A_27 = arith.constant dense<0.000000e+00> : vector<1000x32xf32>
    %dot_general3A_28 = tpu.matmul %convert_element_type3A_5, %get3A_26, %dot_general3A_27 {dimension_numbers = #tpu.dot_dimension_numbers<[1], [0], [0], [1], [0, 0, 1, 1], [], []>, transpose_lhs_hint = false} : vector<1000x10xf32>, vector<10x32xf32>, vector<1000x32xf32> -> vector<1000x32xf32>
    %get3A_29 = arith.constant 1 : index
    %get3A_30 = arith.constant 0 : index
    %get3A_31 = arith.constant 0 : index
    %get3A_32 = vector.load %arg7[%get3A_29, %get3A_30, %get3A_31] : memref<2x10x32xf32, #tpu.memory_space<vmem>>, vector<1x10x32xf32>
    %get3A_33 = vector.shape_cast %get3A_32 : vector<1x10x32xf32> to vector<10x32xf32>
    %dot_general3A_34 = arith.constant dense<0.000000e+00> : vector<1000x32xf32>
    %dot_general3A_35 = tpu.matmul %convert_element_type3A_5, %get3A_33, %dot_general3A_34 {dimension_numbers = #tpu.dot_dimension_numbers<[1], [0], [0], [1], [0, 0, 1, 1], [], []>, transpose_lhs_hint = false} : vector<1000x10xf32>, vector<10x32xf32>, vector<1000x32xf32> -> vector<1000x32xf32>
    %mul3A_36 = arith.mulf %dot_general3A_28, %dot_general3A_21 : vector<1000x32xf32>
    %mul3A_37 = arith.mulf %dot_general3A_35, %dot_general3A_21 : vector<1000x32xf32>
    %mul3A_38 = arith.mulf %mul3A_37, %dot_general3A_21 : vector<1000x32xf32>
    %add3A_39 = arith.addf %mul3A_36, %mul3A_38 : vector<1000x32xf32>
    %get3A_40 = arith.constant 0 : index
    %get3A_41 = arith.constant 0 : index
    %get3A_42 = vector.load %arg8[%get3A_40, %get3A_41] : memref<32x32xf32, #tpu.memory_space<vmem>>, vector<32x32xf32>
    %dot_general3A_43 = arith.constant dense<0.000000e+00> : vector<1000x32xf32>
    %dot_general3A_44 = tpu.matmul %add3A_39, %get3A_42, %dot_general3A_43 {dimension_numbers = #tpu.dot_dimension_numbers<[1], [0], [0], [1], [0, 0, 1, 1], [], []>, transpose_lhs_hint = false} : vector<1000x32xf32>, vector<32x32xf32>, vector<1000x32xf32> -> vector<1000x32xf32>
    %get3A_45 = arith.constant 0 : index
    %get3A_46 = arith.constant 0 : index
    %get3A_47 = vector.load %arg2[%get3A_45, %get3A_46] : memref<1000x32xf32, #tpu.memory_space<vmem>>, vector<1000x32xf32>
    %add3A_48 = arith.addf %dot_general3A_44, %get3A_47 : vector<1000x32xf32>
    %get3A_49 = arith.constant 0 : index
    %get3A_50 = arith.constant 0 : index
    %get3A_51 = vector.load %arg9[%get3A_49, %get3A_50] : memref<32x16xf32, #tpu.memory_space<vmem>>, vector<32x16xf32>
    %dot_general3A_52 = arith.constant dense<0.000000e+00> : vector<1000x16xf32>
    %dot_general3A_53 = tpu.matmul %add3A_48, %get3A_51, %dot_general3A_52 {dimension_numbers = #tpu.dot_dimension_numbers<[1], [0], [0], [1], [0, 0, 1, 1], [], []>, transpose_lhs_hint = false} : vector<1000x32xf32>, vector<32x16xf32>, vector<1000x16xf32> -> vector<1000x16xf32>
    %logistic3A = arith.negf %dot_general3A_53 : vector<1000x16xf32>
    %logistic3A_54 = math.exp %logistic3A : vector<1000x16xf32>
    %logistic3A_55 = arith.constant 1.000000e+00 : f32
    %logistic3A_56 = vector.broadcast %logistic3A_55 : f32 to vector<1000x16xf32>
    %logistic3A_57 = arith.addf %logistic3A_56, %logistic3A_54 : vector<1000x16xf32>
    %logistic3A_58 = arith.divf %logistic3A_56, %logistic3A_57 : vector<1000x16xf32>
    %mul3A_59 = arith.mulf %dot_general3A_53, %logistic3A_58 : vector<1000x16xf32>
    %get3A_60 = arith.constant 0 : index
    %get3A_61 = arith.constant 0 : index
    %get3A_62 = vector.load %arg10[%get3A_60, %get3A_61] : memref<1x16xf32, #tpu.memory_space<vmem>>, vector<1x16xf32>
    %mul3A_63 = vector.broadcast %get3A_62 : vector<1x16xf32> to vector<1000x16xf32>
    %mul3A_64 = arith.mulf %mul3A_59, %mul3A_63 : vector<1000x16xf32>
    %reduce_sum3A = arith.constant dense<0.000000e+00> : vector<1000xf32>
    %reduce_sum3A_65 = vector.multi_reduction <add>, %mul3A_64, %reduce_sum3A [1] : vector<1000x16xf32> to vector<1000xf32>
    %get3A_66 = arith.constant 0 : index
    %get3A_67 = arith.constant 0 : index
    %get3A_68 = vector.load %arg3[%get3A_66, %get3A_67] : memref<1000x32xf32, #tpu.memory_space<vmem>>, vector<1000x32xf32>
    %get3A_69 = arith.constant 0 : index
    %get3A_70 = arith.constant 0 : index
    %get3A_71 = vector.load %arg11[%get3A_69, %get3A_70] : memref<1x32xf32, #tpu.memory_space<vmem>>, vector<1x32xf32>
    %mul3A_72 = vector.broadcast %get3A_71 : vector<1x32xf32> to vector<1000x32xf32>
    %mul3A_73 = arith.mulf %get3A_68, %mul3A_72 : vector<1000x32xf32>
    %reduce_sum3A_74 = arith.constant dense<0.000000e+00> : vector<1000xf32>
    %reduce_sum3A_75 = vector.multi_reduction <add>, %mul3A_73, %reduce_sum3A_74 [1] : vector<1000x32xf32> to vector<1000xf32>
    %add3A_76 = arith.addf %reduce_sum3A_75, %reduce_sum3A_65 : vector<1000xf32>
    %get3A_77 = arith.constant 0 : index
    %get3A_78 = arith.constant 0 : index
    %get3A_79 = vector.load %arg12[%get3A_77, %get3A_78] : memref<1x10xf32, #tpu.memory_space<vmem>>, vector<1x10xf32>
    %mul3A_80 = vector.broadcast %get3A_79 : vector<1x10xf32> to vector<1000x10xf32>
    %mul3A_81 = arith.mulf %convert_element_type3A_5, %mul3A_80 : vector<1000x10xf32>
    %reduce_sum3A_82 = arith.constant dense<0.000000e+00> : vector<1000xf32>
    %reduce_sum3A_83 = vector.multi_reduction <add>, %mul3A_81, %reduce_sum3A_82 [1] : vector<1000x10xf32> to vector<1000xf32>
    %add3A_84 = arith.addf %add3A_76, %reduce_sum3A_83 : vector<1000xf32>
    %iota3A_85 = tpu.iota {dimensions = array<i32: 1>} : vector<1x128xi32>
    %convert_element_type3A_86 = arith.sitofp %iota3A_85 : vector<1x128xi32> to vector<1x128xf32>
    %get3A_87 = arith.constant 0 : index
    %get3A_88 = arith.constant 0 : index
    %get3A_89 = vector.load %arg5[%get3A_87, %get3A_88] : memref<1000x1xf32, #tpu.memory_space<vmem>>, vector<1000x1xf32>
    %eq3A_90 = vector.broadcast %get3A_89 : vector<1000x1xf32> to vector<1000x128xf32>
    %eq3A_91 = vector.broadcast %convert_element_type3A_86 : vector<1x128xf32> to vector<1000x128xf32>
    %eq3A_92 = arith.cmpf oeq, %eq3A_90, %eq3A_91 : vector<1000x128xf32>
    %convert_element_type3A_93 = arith.extui %eq3A_92 : vector<1000x128xi1> to vector<1000x128xi32>
    %convert_element_type3A_94 = arith.sitofp %convert_element_type3A_93 : vector<1000x128xi32> to vector<1000x128xf32>
    %broadcast_in_dim3A = vector.shape_cast %add3A_84 : vector<1000xf32> to vector<1x1000xf32>
    %dot_general3A_95 = arith.constant dense<0.000000e+00> : vector<1x128xf32>
    %dot_general3A_96 = tpu.matmul %broadcast_in_dim3A, %convert_element_type3A_94, %dot_general3A_95 {dimension_numbers = #tpu.dot_dimension_numbers<[1], [0], [0], [1], [0, 0, 1, 1], [], []>, transpose_lhs_hint = false} : vector<1x1000xf32>, vector<1000x128xf32>, vector<1x128xf32> -> vector<1x128xf32>
    %broadcast_in_dim3A_97 = arith.constant 0.000000e+00 : f32
    %broadcast_in_dim3A_98 = vector.broadcast %broadcast_in_dim3A_97 : f32 to vector<7x128xf32>
    %concatenate3A = tpu.concatenate %dot_general3A_96, %broadcast_in_dim3A_98 in 0 : vector<1x128xf32>, vector<7x128xf32> -> vector<8x128xf32>
    %eq3A_99 = arith.constant 0 : i32
    %eq3A_100 = arith.cmpi eq, %arg0, %eq3A_99 : i32
    %convert_element_type3A_101 = arith.extui %eq3A_100 : i1 to i32
    %cond3A = arith.constant 0 : i32
    %cond3A_102 = arith.cmpi ne, %convert_element_type3A_101, %cond3A : i32
    scf.if %cond3A_102 {
      %broadcast_in_dim3A_157 = arith.constant 0.000000e+00 : f32
      %broadcast_in_dim3A_158 = vector.broadcast %broadcast_in_dim3A_157 : f32 to vector<8x128xf32>
      %swap3A_159 = arith.constant 0 : index
      %swap3A_160 = arith.constant 0 : index
      %swap3A_161 = vector.load %arg16[%swap3A_159, %swap3A_160] : memref<8x128xf32, #tpu.memory_space<vmem>>, vector<8x128xf32>
      tpu.vector_store %arg16[%swap3A_159, %swap3A_160], %broadcast_in_dim3A_158 {strides = array<i32>} : memref<8x128xf32, #tpu.memory_space<vmem>>, vector<8x128xf32>,
    } else {
    }
    %get3A_103 = arith.constant 0 : index
    %get3A_104 = arith.constant 0 : index
    %get3A_105 = vector.load %arg16[%get3A_103, %get3A_104] : memref<8x128xf32, #tpu.memory_space<vmem>>, vector<8x128xf32>
    %add3A_106 = arith.addf %get3A_105, %concatenate3A : vector<8x128xf32>
    %swap3A = arith.constant 0 : index
    %swap3A_107 = arith.constant 0 : index
    %swap3A_108 = vector.load %arg16[%swap3A, %swap3A_107] : memref<8x128xf32, #tpu.memory_space<vmem>>, vector<8x128xf32>
    tpu.vector_store %arg16[%swap3A, %swap3A_107], %add3A_106 {strides = array<i32>} : memref<8x128xf32, #tpu.memory_space<vmem>>, vector<8x128xf32>,
    %logistic3A_109 = arith.negf %dot_general3A_53 : vector<1000x16xf32>
    %logistic3A_110 = math.exp %logistic3A_109 : vector<1000x16xf32>
    %logistic3A_111 = arith.constant 1.000000e+00 : f32
    %logistic3A_112 = vector.broadcast %logistic3A_111 : f32 to vector<1000x16xf32>
    %logistic3A_113 = arith.addf %logistic3A_112, %logistic3A_110 : vector<1000x16xf32>
    %logistic3A_114 = arith.divf %logistic3A_112, %logistic3A_113 : vector<1000x16xf32>
    %sub3A = arith.constant 1.000000e+00 : f32
    %sub3A_115 = vector.broadcast %sub3A : f32 to vector<1000x16xf32>
    %sub3A_116 = arith.subf %sub3A_115, %logistic3A_114 : vector<1000x16xf32>
    %mul3A_117 = arith.mulf %dot_general3A_53, %sub3A_116 : vector<1000x16xf32>
    %add3A_118 = arith.constant 1.000000e+00 : f32
    %add3A_119 = vector.broadcast %add3A_118 : f32 to vector<1000x16xf32>
    %add3A_120 = arith.addf %add3A_119, %mul3A_117 : vector<1000x16xf32>
    %mul3A_121 = arith.mulf %logistic3A_114, %add3A_120 : vector<1000x16xf32>
    %get3A_122 = arith.constant 0 : index
    %get3A_123 = arith.constant 0 : index
    %get3A_124 = vector.load %arg10[%get3A_122, %get3A_123] : memref<1x16xf32, #tpu.memory_space<vmem>>, vector<1x16xf32>
    %mul3A_125 = vector.broadcast %get3A_124 : vector<1x16xf32> to vector<1000x16xf32>
    %mul3A_126 = arith.mulf %mul3A_121, %mul3A_125 : vector<1000x16xf32>
    %get3A_127 = arith.constant 0 : index
    %get3A_128 = arith.constant 0 : index
    %get3A_129 = vector.load %arg15[%get3A_127, %get3A_128] : memref<16x32xf32, #tpu.memory_space<vmem>>, vector<16x32xf32>
    %dot_general3A_130 = arith.constant dense<0.000000e+00> : vector<1000x32xf32>
    %dot_general3A_131 = tpu.matmul %mul3A_126, %get3A_129, %dot_general3A_130 {dimension_numbers = #tpu.dot_dimension_numbers<[1], [0], [0], [1], [0, 0, 1, 1], [], []>, transpose_lhs_hint = false} : vector<1000x16xf32>, vector<16x32xf32>, vector<1000x32xf32> -> vector<1000x32xf32>
    %get3A_132 = arith.constant 0 : index
    %get3A_133 = arith.constant 0 : index
    %get3A_134 = vector.load %arg13[%get3A_132, %get3A_133] : memref<32x32xf32, #tpu.memory_space<vmem>>, vector<32x32xf32>
    %dot_general3A_135 = arith.constant dense<0.000000e+00> : vector<1000x32xf32>
    %dot_general3A_136 = tpu.matmul %dot_general3A_131, %get3A_134, %dot_general3A_135 {dimension_numbers = #tpu.dot_dimension_numbers<[1], [0], [0], [1], [0, 0, 1, 1], [], []>, transpose_lhs_hint = false} : vector<1000x32xf32>, vector<32x32xf32>, vector<1000x32xf32> -> vector<1000x32xf32>
    %mul3A_137 = arith.constant 2.000000e+00 : f32
    %mul3A_138 = vector.broadcast %mul3A_137 : f32 to vector<1000x32xf32>
    %mul3A_139 = arith.mulf %mul3A_138, %dot_general3A_35 : vector<1000x32xf32>
    %mul3A_140 = arith.mulf %mul3A_139, %dot_general3A_21 : vector<1000x32xf32>
    %add3A_141 = arith.addf %dot_general3A_28, %mul3A_140 : vector<1000x32xf32>
    %mul3A_142 = arith.mulf %add3A_141, %dot_general3A_136 : vector<1000x32xf32>
    %get3A_143 = arith.constant 0 : index
    %get3A_144 = arith.constant 0 : index
    %get3A_145 = vector.load %arg14[%get3A_143, %get3A_144] : memref<32x32xf32, #tpu.memory_space<vmem>>, vector<32x32xf32>
    %dot_general3A_146 = arith.constant dense<0.000000e+00> : vector<1000x32xf32>
    %dot_general3A_147 = tpu.matmul %mul3A_142, %get3A_145, %dot_general3A_146 {dimension_numbers = #tpu.dot_dimension_numbers<[1], [0], [0], [1], [0, 0, 1, 1], [], []>, transpose_lhs_hint = false} : vector<1000x32xf32>, vector<32x32xf32>, vector<1000x32xf32> -> vector<1000x32xf32>
    %mul3A_148 = arith.constant 1.000000e-01 : f32
    %mul3A_149 = vector.broadcast %mul3A_148 : f32 to vector<1000x32xf32>
    %mul3A_150 = arith.mulf %mul3A_149, %dot_general3A_147 : vector<1000x32xf32>
    %swap3A_151 = arith.constant 0 : index
    %swap3A_152 = arith.constant 0 : index
    %swap3A_153 = vector.load %arg17[%swap3A_151, %swap3A_152] : memref<1000x32xf32, #tpu.memory_space<vmem>>, vector<1000x32xf32>
    tpu.vector_store %arg17[%swap3A_151, %swap3A_152], %mul3A_150 {strides = array<i32>} : memref<1000x32xf32, #tpu.memory_space<vmem>>, vector<1000x32xf32>,
    %swap3A_154 = arith.constant 0 : index
    %swap3A_155 = arith.constant 0 : index
    %swap3A_156 = vector.load %arg18[%swap3A_154, %swap3A_155] : memref<1000x32xf32, #tpu.memory_space<vmem>>, vector<1000x32xf32>
    tpu.vector_store %arg18[%swap3A_154, %swap3A_155], %dot_general3A_131 {strides = array<i32>} : memref<1000x32xf32, #tpu.memory_space<vmem>>, vector<1000x32xf32>,
    return
  }
  func.func @transform_0(%arg0: i32) -> (i32, i32, i32) {
    %c0_i32 = arith.constant 0 : i32
    %c0_i32_0 = arith.constant 0 : i32
    %c0_i32_1 = arith.constant 0 : i32
    return %c0_i32, %arg0, %c0_i32_0 : i32, i32, i32
  }
  func.func @transform_1(%arg0: i32) -> (i32, i32) {
    %c0_i32 = arith.constant 0 : i32
    %c0_i32_0 = arith.constant 0 : i32
    return %arg0, %c0_i32 : i32, i32
  }
  func.func @transform_2(%arg0: i32) -> (i32, i32) {
    %c0_i32 = arith.constant 0 : i32
    %c0_i32_0 = arith.constant 0 : i32
    return %arg0, %c0_i32 : i32, i32
  }
  func.func @transform_3(%arg0: i32) -> (i32, i32) {
    %c0_i32 = arith.constant 0 : i32
    %c0_i32_0 = arith.constant 0 : i32
    return %arg0, %c0_i32 : i32, i32
  }
  func.func @transform_4(%arg0: i32) -> (i32, i32) {
    %c0_i32 = arith.constant 0 : i32
    %c0_i32_0 = arith.constant 0 : i32
    return %arg0, %c0_i32 : i32, i32
  }
  func.func @transform_5(%arg0: i32) -> (i32, i32) {
    %c0_i32 = arith.constant 0 : i32
    %c0_i32_0 = arith.constant 0 : i32
    %c0_i32_1 = arith.constant 0 : i32
    return %c0_i32, %c0_i32_0 : i32, i32
  }
  func.func @transform_6(%arg0: i32) -> (i32, i32, i32) {
    %c0_i32 = arith.constant 0 : i32
    %c0_i32_0 = arith.constant 0 : i32
    %c0_i32_1 = arith.constant 0 : i32
    %c0_i32_2 = arith.constant 0 : i32
    return %c0_i32, %c0_i32_0, %c0_i32_1 : i32, i32, i32
  }
  func.func @transform_7(%arg0: i32) -> (i32, i32) {
    %c0_i32 = arith.constant 0 : i32
    %c0_i32_0 = arith.constant 0 : i32
    %c0_i32_1 = arith.constant 0 : i32
    return %c0_i32, %c0_i32_0 : i32, i32
  }
  func.func @transform_8(%arg0: i32) -> (i32, i32) {
    %c0_i32 = arith.constant 0 : i32
    %c0_i32_0 = arith.constant 0 : i32
    %c0_i32_1 = arith.constant 0 : i32
    return %c0_i32, %c0_i32_0 : i32, i32
  }
  func.func @transform_9(%arg0: i32) -> (i32, i32) {
    %c0_i32 = arith.constant 0 : i32
    %c0_i32_0 = arith.constant 0 : i32
    %c0_i32_1 = arith.constant 0 : i32
    return %c0_i32, %c0_i32_0 : i32, i32
  }
  func.func @transform_10(%arg0: i32) -> (i32, i32) {
    %c0_i32 = arith.constant 0 : i32
    %c0_i32_0 = arith.constant 0 : i32
    %c0_i32_1 = arith.constant 0 : i32
    return %c0_i32, %c0_i32_0 : i32, i32
  }
  func.func @transform_11(%arg0: i32) -> (i32, i32) {
    %c0_i32 = arith.constant 0 : i32
    %c0_i32_0 = arith.constant 0 : i32
    %c0_i32_1 = arith.constant 0 : i32
    return %c0_i32, %c0_i32_0 : i32, i32
  }
  func.func @transform_12(%arg0: i32) -> (i32, i32) {
    %c0_i32 = arith.constant 0 : i32
    %c0_i32_0 = arith.constant 0 : i32
    %c0_i32_1 = arith.constant 0 : i32
    return %c0_i32, %c0_i32_0 : i32, i32
  }
  func.func @transform_13(%arg0: i32) -> (i32, i32) {
    %c0_i32 = arith.constant 0 : i32
    %c0_i32_0 = arith.constant 0 : i32
    %c0_i32_1 = arith.constant 0 : i32
    return %c0_i32, %c0_i32_0 : i32, i32
  }
  func.func @transform_14(%arg0: i32) -> (i32, i32) {
    %c0_i32 = arith.constant 0 : i32
    %c0_i32_0 = arith.constant 0 : i32
    %c0_i32_1 = arith.constant 0 : i32
    return %c0_i32, %c0_i32_0 : i32, i32
  }
  func.func @transform_15(%arg0: i32) -> (i32, i32) {
    %c0_i32 = arith.constant 0 : i32
    %c0_i32_0 = arith.constant 0 : i32
    %c0_i32_1 = arith.constant 0 : i32
    return %c0_i32, %c0_i32_0 : i32, i32
  }
  func.func @transform_16(%arg0: i32) -> (i32, i32) {
    %c0_i32 = arith.constant 0 : i32
    %c0_i32_0 = arith.constant 0 : i32
    return %arg0, %c0_i32 : i32, i32
  }
  func.func @transform_17(%arg0: i32) -> (i32, i32) {
    %c0_i32 = arith.constant 0 : i32
    %c0_i32_0 = arith.constant 0 : i32
    return %arg0, %c0_i32 : i32, i32
  }
}

module attributes {stable_mosaic.version = 14 : i64} {
  func.func @_node_d_body(%arg0: i32, %arg1: memref<2x1000x32xf32, #tpu.memory_space<vmem>>, %arg2: memref<1000x32xf32, #tpu.memory_space<vmem>>, %arg3: memref<1000x32xf32, #tpu.memory_space<vmem>>, %arg4: memref<1000x1xf32, #tpu.memory_space<vmem>>, %arg5: memref<1x32xf32, #tpu.memory_space<vmem>>, %arg6: memref<32x32xf32, #tpu.memory_space<vmem>>, %arg7: memref<10x32x32xf32, #tpu.memory_space<vmem>>, %arg8: memref<32x32xf32, #tpu.memory_space<vmem>>, %arg9: memref<2x10x32xf32, #tpu.memory_space<vmem>>, %arg10: memref<10x32x32xf32, #tpu.memory_space<vmem>>, %arg11: memref<32x32xf32, #tpu.memory_space<vmem>>, %arg12: memref<1000x32xf32, #tpu.memory_space<vmem>>) attributes {dimension_semantics = [#tpu.dimension_semantics<arbitrary>], iteration_bounds = array<i64: 10>, scalar_prefetch = 0 : i64, scratch_operands = 0 : i64, tpu.core_type = #tpu.core_type<tc>, window_params = [{transform_indices = @transform_0, window_bounds = array<i64: 2, 1000, 32>}, {transform_indices = @transform_1, window_bounds = array<i64: 1000, 32>}, {transform_indices = @transform_2, window_bounds = array<i64: 1000, 32>}, {transform_indices = @transform_3, window_bounds = array<i64: 1000, 1>}, {pipeline_mode = #tpu.pipeline_mode<synchronous>, transform_indices = @transform_4, window_bounds = array<i64: 1, 32>}, {pipeline_mode = #tpu.pipeline_mode<synchronous>, transform_indices = @transform_5, window_bounds = array<i64: 32, 32>}, {pipeline_mode = #tpu.pipeline_mode<synchronous>, transform_indices = @transform_6, window_bounds = array<i64: 10, 32, 32>}, {pipeline_mode = #tpu.pipeline_mode<synchronous>, transform_indices = @transform_7, window_bounds = array<i64: 32, 32>}, {pipeline_mode = #tpu.pipeline_mode<synchronous>, transform_indices = @transform_8, window_bounds = array<i64: 2, 10, 32>}, {pipeline_mode = #tpu.pipeline_mode<synchronous>, transform_indices = @transform_9, window_bounds = array<i64: 10, 32, 32>}, {pipeline_mode = #tpu.pipeline_mode<synchronous>, transform_indices = @transform_10, window_bounds = array<i64: 32, 32>}, {transform_indices = @transform_11, window_bounds = array<i64: 1000, 32>}]} {
    %get3A = arith.constant 0 : index
    %get3A_0 = arith.constant 0 : index
    %get3A_1 = vector.load %arg4[%get3A, %get3A_0] : memref<1000x1xf32, #tpu.memory_space<vmem>>, vector<1000x1xf32>
    %iota3A = tpu.iota {dimensions = array<i32: 1>} : vector<1x10xi32>
    %convert_element_type3A = arith.sitofp %iota3A : vector<1x10xi32> to vector<1x10xf32>
    %eq3A = vector.broadcast %get3A_1 : vector<1000x1xf32> to vector<1000x10xf32>
    %eq3A_2 = vector.broadcast %convert_element_type3A : vector<1x10xf32> to vector<1000x10xf32>
    %eq3A_3 = arith.cmpf oeq, %eq3A, %eq3A_2 : vector<1000x10xf32>
    %convert_element_type3A_4 = arith.extui %eq3A_3 : vector<1000x10xi1> to vector<1000x10xi32>
    %convert_element_type3A_5 = arith.sitofp %convert_element_type3A_4 : vector<1000x10xi32> to vector<1000x10xf32>
    %get3A_6 = arith.constant 0 : index
    %get3A_7 = arith.constant 0 : index
    %get3A_8 = arith.constant 0 : index
    %get3A_9 = vector.load %arg1[%get3A_6, %get3A_7, %get3A_8] : memref<2x1000x32xf32, #tpu.memory_space<vmem>>, vector<1x1000x32xf32>
    %get3A_10 = vector.shape_cast %get3A_9 : vector<1x1000x32xf32> to vector<1000x32xf32>
    %get3A_11 = arith.constant 1 : index
    %get3A_12 = arith.constant 0 : index
    %get3A_13 = arith.constant 0 : index
    %get3A_14 = vector.load %arg1[%get3A_11, %get3A_12, %get3A_13] : memref<2x1000x32xf32, #tpu.memory_space<vmem>>, vector<1x1000x32xf32>
    %get3A_15 = vector.shape_cast %get3A_14 : vector<1x1000x32xf32> to vector<1000x32xf32>
    %add3A = arith.addf %get3A_10, %get3A_15 : vector<1000x32xf32>
    %get3A_16 = arith.constant 0 : index
    %get3A_17 = arith.constant 0 : index
    %get3A_18 = vector.load %arg5[%get3A_16, %get3A_17] : memref<1x32xf32, #tpu.memory_space<vmem>>, vector<1x32xf32>
    %get3A_19 = arith.constant 0 : index
    %get3A_20 = arith.constant 0 : index
    %get3A_21 = vector.load %arg6[%get3A_19, %get3A_20] : memref<32x32xf32, #tpu.memory_space<vmem>>, vector<32x32xf32>
    %dot_general3A = arith.constant dense<0.000000e+00> : vector<1000x32xf32>
    %dot_general3A_22 = tpu.matmul %add3A, %get3A_21, %dot_general3A {dimension_numbers = #tpu.dot_dimension_numbers<[1], [0], [0], [1], [0, 0, 1, 1], [], []>, transpose_lhs_hint = false} : vector<1000x32xf32>, vector<32x32xf32>, vector<1000x32xf32> -> vector<1000x32xf32>
    %add3A_23 = vector.broadcast %get3A_18 : vector<1x32xf32> to vector<1000x32xf32>
    %add3A_24 = arith.addf %add3A_23, %dot_general3A_22 : vector<1000x32xf32>
    %get3A_25 = arith.constant 0 : index
    %get3A_26 = arith.constant 0 : index
    %get3A_27 = vector.load %arg2[%get3A_25, %get3A_26] : memref<1000x32xf32, #tpu.memory_space<vmem>>, vector<1000x32xf32>
    %broadcast_in_dim3A = arith.constant 0.000000e+00 : f32
    %broadcast_in_dim3A_28 = vector.broadcast %broadcast_in_dim3A : f32 to vector<1000x32xf32>
    %slice3A = vector.extract_strided_slice %convert_element_type3A_5 {offsets = [0, 0], sizes = [1000, 1], strides = [1, 1]} : vector<1000x10xf32> to vector<1000x1xf32>
    %get3A_29 = arith.constant 0 : index
    %get3A_30 = arith.constant 0 : index
    %get3A_31 = arith.constant 0 : index
    %get3A_32 = vector.load %arg7[%get3A_29, %get3A_30, %get3A_31] : memref<10x32x32xf32, #tpu.memory_space<vmem>>, vector<1x32x32xf32>
    %get3A_33 = vector.shape_cast %get3A_32 : vector<1x32x32xf32> to vector<32x32xf32>
    %dot_general3A_34 = arith.constant dense<0.000000e+00> : vector<1000x32xf32>
    %dot_general3A_35 = tpu.matmul %get3A_27, %get3A_33, %dot_general3A_34 {dimension_numbers = #tpu.dot_dimension_numbers<[1], [0], [0], [1], [0, 0, 1, 1], [], []>, transpose_lhs_hint = false} : vector<1000x32xf32>, vector<32x32xf32>, vector<1000x32xf32> -> vector<1000x32xf32>
    %mul3A = vector.broadcast %slice3A : vector<1000x1xf32> to vector<1000x32xf32>
    %mul3A_36 = arith.mulf %mul3A, %dot_general3A_35 : vector<1000x32xf32>
    %add3A_37 = arith.addf %broadcast_in_dim3A_28, %mul3A_36 : vector<1000x32xf32>
    %slice3A_38 = vector.extract_strided_slice %convert_element_type3A_5 {offsets = [0, 1], sizes = [1000, 1], strides = [1, 1]} : vector<1000x10xf32> to vector<1000x1xf32>
    %get3A_39 = arith.constant 1 : index
    %get3A_40 = arith.constant 0 : index
    %get3A_41 = arith.constant 0 : index
    %get3A_42 = vector.load %arg7[%get3A_39, %get3A_40, %get3A_41] : memref<10x32x32xf32, #tpu.memory_space<vmem>>, vector<1x32x32xf32>
    %get3A_43 = vector.shape_cast %get3A_42 : vector<1x32x32xf32> to vector<32x32xf32>
    %dot_general3A_44 = arith.constant dense<0.000000e+00> : vector<1000x32xf32>
    %dot_general3A_45 = tpu.matmul %get3A_27, %get3A_43, %dot_general3A_44 {dimension_numbers = #tpu.dot_dimension_numbers<[1], [0], [0], [1], [0, 0, 1, 1], [], []>, transpose_lhs_hint = false} : vector<1000x32xf32>, vector<32x32xf32>, vector<1000x32xf32> -> vector<1000x32xf32>
    %mul3A_46 = vector.broadcast %slice3A_38 : vector<1000x1xf32> to vector<1000x32xf32>
    %mul3A_47 = arith.mulf %mul3A_46, %dot_general3A_45 : vector<1000x32xf32>
    %add3A_48 = arith.addf %add3A_37, %mul3A_47 : vector<1000x32xf32>
    %slice3A_49 = vector.extract_strided_slice %convert_element_type3A_5 {offsets = [0, 2], sizes = [1000, 1], strides = [1, 1]} : vector<1000x10xf32> to vector<1000x1xf32>
    %get3A_50 = arith.constant 2 : index
    %get3A_51 = arith.constant 0 : index
    %get3A_52 = arith.constant 0 : index
    %get3A_53 = vector.load %arg7[%get3A_50, %get3A_51, %get3A_52] : memref<10x32x32xf32, #tpu.memory_space<vmem>>, vector<1x32x32xf32>
    %get3A_54 = vector.shape_cast %get3A_53 : vector<1x32x32xf32> to vector<32x32xf32>
    %dot_general3A_55 = arith.constant dense<0.000000e+00> : vector<1000x32xf32>
    %dot_general3A_56 = tpu.matmul %get3A_27, %get3A_54, %dot_general3A_55 {dimension_numbers = #tpu.dot_dimension_numbers<[1], [0], [0], [1], [0, 0, 1, 1], [], []>, transpose_lhs_hint = false} : vector<1000x32xf32>, vector<32x32xf32>, vector<1000x32xf32> -> vector<1000x32xf32>
    %mul3A_57 = vector.broadcast %slice3A_49 : vector<1000x1xf32> to vector<1000x32xf32>
    %mul3A_58 = arith.mulf %mul3A_57, %dot_general3A_56 : vector<1000x32xf32>
    %add3A_59 = arith.addf %add3A_48, %mul3A_58 : vector<1000x32xf32>
    %slice3A_60 = vector.extract_strided_slice %convert_element_type3A_5 {offsets = [0, 3], sizes = [1000, 1], strides = [1, 1]} : vector<1000x10xf32> to vector<1000x1xf32>
    %get3A_61 = arith.constant 3 : index
    %get3A_62 = arith.constant 0 : index
    %get3A_63 = arith.constant 0 : index
    %get3A_64 = vector.load %arg7[%get3A_61, %get3A_62, %get3A_63] : memref<10x32x32xf32, #tpu.memory_space<vmem>>, vector<1x32x32xf32>
    %get3A_65 = vector.shape_cast %get3A_64 : vector<1x32x32xf32> to vector<32x32xf32>
    %dot_general3A_66 = arith.constant dense<0.000000e+00> : vector<1000x32xf32>
    %dot_general3A_67 = tpu.matmul %get3A_27, %get3A_65, %dot_general3A_66 {dimension_numbers = #tpu.dot_dimension_numbers<[1], [0], [0], [1], [0, 0, 1, 1], [], []>, transpose_lhs_hint = false} : vector<1000x32xf32>, vector<32x32xf32>, vector<1000x32xf32> -> vector<1000x32xf32>
    %mul3A_68 = vector.broadcast %slice3A_60 : vector<1000x1xf32> to vector<1000x32xf32>
    %mul3A_69 = arith.mulf %mul3A_68, %dot_general3A_67 : vector<1000x32xf32>
    %add3A_70 = arith.addf %add3A_59, %mul3A_69 : vector<1000x32xf32>
    %slice3A_71 = vector.extract_strided_slice %convert_element_type3A_5 {offsets = [0, 4], sizes = [1000, 1], strides = [1, 1]} : vector<1000x10xf32> to vector<1000x1xf32>
    %get3A_72 = arith.constant 4 : index
    %get3A_73 = arith.constant 0 : index
    %get3A_74 = arith.constant 0 : index
    %get3A_75 = vector.load %arg7[%get3A_72, %get3A_73, %get3A_74] : memref<10x32x32xf32, #tpu.memory_space<vmem>>, vector<1x32x32xf32>
    %get3A_76 = vector.shape_cast %get3A_75 : vector<1x32x32xf32> to vector<32x32xf32>
    %dot_general3A_77 = arith.constant dense<0.000000e+00> : vector<1000x32xf32>
    %dot_general3A_78 = tpu.matmul %get3A_27, %get3A_76, %dot_general3A_77 {dimension_numbers = #tpu.dot_dimension_numbers<[1], [0], [0], [1], [0, 0, 1, 1], [], []>, transpose_lhs_hint = false} : vector<1000x32xf32>, vector<32x32xf32>, vector<1000x32xf32> -> vector<1000x32xf32>
    %mul3A_79 = vector.broadcast %slice3A_71 : vector<1000x1xf32> to vector<1000x32xf32>
    %mul3A_80 = arith.mulf %mul3A_79, %dot_general3A_78 : vector<1000x32xf32>
    %add3A_81 = arith.addf %add3A_70, %mul3A_80 : vector<1000x32xf32>
    %slice3A_82 = vector.extract_strided_slice %convert_element_type3A_5 {offsets = [0, 5], sizes = [1000, 1], strides = [1, 1]} : vector<1000x10xf32> to vector<1000x1xf32>
    %get3A_83 = arith.constant 5 : index
    %get3A_84 = arith.constant 0 : index
    %get3A_85 = arith.constant 0 : index
    %get3A_86 = vector.load %arg7[%get3A_83, %get3A_84, %get3A_85] : memref<10x32x32xf32, #tpu.memory_space<vmem>>, vector<1x32x32xf32>
    %get3A_87 = vector.shape_cast %get3A_86 : vector<1x32x32xf32> to vector<32x32xf32>
    %dot_general3A_88 = arith.constant dense<0.000000e+00> : vector<1000x32xf32>
    %dot_general3A_89 = tpu.matmul %get3A_27, %get3A_87, %dot_general3A_88 {dimension_numbers = #tpu.dot_dimension_numbers<[1], [0], [0], [1], [0, 0, 1, 1], [], []>, transpose_lhs_hint = false} : vector<1000x32xf32>, vector<32x32xf32>, vector<1000x32xf32> -> vector<1000x32xf32>
    %mul3A_90 = vector.broadcast %slice3A_82 : vector<1000x1xf32> to vector<1000x32xf32>
    %mul3A_91 = arith.mulf %mul3A_90, %dot_general3A_89 : vector<1000x32xf32>
    %add3A_92 = arith.addf %add3A_81, %mul3A_91 : vector<1000x32xf32>
    %slice3A_93 = vector.extract_strided_slice %convert_element_type3A_5 {offsets = [0, 6], sizes = [1000, 1], strides = [1, 1]} : vector<1000x10xf32> to vector<1000x1xf32>
    %get3A_94 = arith.constant 6 : index
    %get3A_95 = arith.constant 0 : index
    %get3A_96 = arith.constant 0 : index
    %get3A_97 = vector.load %arg7[%get3A_94, %get3A_95, %get3A_96] : memref<10x32x32xf32, #tpu.memory_space<vmem>>, vector<1x32x32xf32>
    %get3A_98 = vector.shape_cast %get3A_97 : vector<1x32x32xf32> to vector<32x32xf32>
    %dot_general3A_99 = arith.constant dense<0.000000e+00> : vector<1000x32xf32>
    %dot_general3A_100 = tpu.matmul %get3A_27, %get3A_98, %dot_general3A_99 {dimension_numbers = #tpu.dot_dimension_numbers<[1], [0], [0], [1], [0, 0, 1, 1], [], []>, transpose_lhs_hint = false} : vector<1000x32xf32>, vector<32x32xf32>, vector<1000x32xf32> -> vector<1000x32xf32>
    %mul3A_101 = vector.broadcast %slice3A_93 : vector<1000x1xf32> to vector<1000x32xf32>
    %mul3A_102 = arith.mulf %mul3A_101, %dot_general3A_100 : vector<1000x32xf32>
    %add3A_103 = arith.addf %add3A_92, %mul3A_102 : vector<1000x32xf32>
    %slice3A_104 = vector.extract_strided_slice %convert_element_type3A_5 {offsets = [0, 7], sizes = [1000, 1], strides = [1, 1]} : vector<1000x10xf32> to vector<1000x1xf32>
    %get3A_105 = arith.constant 7 : index
    %get3A_106 = arith.constant 0 : index
    %get3A_107 = arith.constant 0 : index
    %get3A_108 = vector.load %arg7[%get3A_105, %get3A_106, %get3A_107] : memref<10x32x32xf32, #tpu.memory_space<vmem>>, vector<1x32x32xf32>
    %get3A_109 = vector.shape_cast %get3A_108 : vector<1x32x32xf32> to vector<32x32xf32>
    %dot_general3A_110 = arith.constant dense<0.000000e+00> : vector<1000x32xf32>
    %dot_general3A_111 = tpu.matmul %get3A_27, %get3A_109, %dot_general3A_110 {dimension_numbers = #tpu.dot_dimension_numbers<[1], [0], [0], [1], [0, 0, 1, 1], [], []>, transpose_lhs_hint = false} : vector<1000x32xf32>, vector<32x32xf32>, vector<1000x32xf32> -> vector<1000x32xf32>
    %mul3A_112 = vector.broadcast %slice3A_104 : vector<1000x1xf32> to vector<1000x32xf32>
    %mul3A_113 = arith.mulf %mul3A_112, %dot_general3A_111 : vector<1000x32xf32>
    %add3A_114 = arith.addf %add3A_103, %mul3A_113 : vector<1000x32xf32>
    %slice3A_115 = vector.extract_strided_slice %convert_element_type3A_5 {offsets = [0, 8], sizes = [1000, 1], strides = [1, 1]} : vector<1000x10xf32> to vector<1000x1xf32>
    %get3A_116 = arith.constant 8 : index
    %get3A_117 = arith.constant 0 : index
    %get3A_118 = arith.constant 0 : index
    %get3A_119 = vector.load %arg7[%get3A_116, %get3A_117, %get3A_118] : memref<10x32x32xf32, #tpu.memory_space<vmem>>, vector<1x32x32xf32>
    %get3A_120 = vector.shape_cast %get3A_119 : vector<1x32x32xf32> to vector<32x32xf32>
    %dot_general3A_121 = arith.constant dense<0.000000e+00> : vector<1000x32xf32>
    %dot_general3A_122 = tpu.matmul %get3A_27, %get3A_120, %dot_general3A_121 {dimension_numbers = #tpu.dot_dimension_numbers<[1], [0], [0], [1], [0, 0, 1, 1], [], []>, transpose_lhs_hint = false} : vector<1000x32xf32>, vector<32x32xf32>, vector<1000x32xf32> -> vector<1000x32xf32>
    %mul3A_123 = vector.broadcast %slice3A_115 : vector<1000x1xf32> to vector<1000x32xf32>
    %mul3A_124 = arith.mulf %mul3A_123, %dot_general3A_122 : vector<1000x32xf32>
    %add3A_125 = arith.addf %add3A_114, %mul3A_124 : vector<1000x32xf32>
    %slice3A_126 = vector.extract_strided_slice %convert_element_type3A_5 {offsets = [0, 9], sizes = [1000, 1], strides = [1, 1]} : vector<1000x10xf32> to vector<1000x1xf32>
    %get3A_127 = arith.constant 9 : index
    %get3A_128 = arith.constant 0 : index
    %get3A_129 = arith.constant 0 : index
    %get3A_130 = vector.load %arg7[%get3A_127, %get3A_128, %get3A_129] : memref<10x32x32xf32, #tpu.memory_space<vmem>>, vector<1x32x32xf32>
    %get3A_131 = vector.shape_cast %get3A_130 : vector<1x32x32xf32> to vector<32x32xf32>
    %dot_general3A_132 = arith.constant dense<0.000000e+00> : vector<1000x32xf32>
    %dot_general3A_133 = tpu.matmul %get3A_27, %get3A_131, %dot_general3A_132 {dimension_numbers = #tpu.dot_dimension_numbers<[1], [0], [0], [1], [0, 0, 1, 1], [], []>, transpose_lhs_hint = false} : vector<1000x32xf32>, vector<32x32xf32>, vector<1000x32xf32> -> vector<1000x32xf32>
    %mul3A_134 = vector.broadcast %slice3A_126 : vector<1000x1xf32> to vector<1000x32xf32>
    %mul3A_135 = arith.mulf %mul3A_134, %dot_general3A_133 : vector<1000x32xf32>
    %add3A_136 = arith.addf %add3A_125, %mul3A_135 : vector<1000x32xf32>
    %mul3A_137 = arith.constant 0.316227764 : f32
    %mul3A_138 = vector.broadcast %mul3A_137 : f32 to vector<1000x32xf32>
    %mul3A_139 = arith.mulf %add3A_136, %mul3A_138 : vector<1000x32xf32>
    %add3A_140 = arith.addf %add3A_24, %mul3A_139 : vector<1000x32xf32>
    %get3A_141 = arith.constant 0 : index
    %get3A_142 = arith.constant 0 : index
    %get3A_143 = vector.load %arg8[%get3A_141, %get3A_142] : memref<32x32xf32, #tpu.memory_space<vmem>>, vector<32x32xf32>
    %dot_general3A_144 = arith.constant dense<0.000000e+00> : vector<1000x32xf32>
    %dot_general3A_145 = tpu.matmul %add3A_140, %get3A_143, %dot_general3A_144 {dimension_numbers = #tpu.dot_dimension_numbers<[1], [0], [0], [1], [0, 0, 1, 1], [], []>, transpose_lhs_hint = false} : vector<1000x32xf32>, vector<32x32xf32>, vector<1000x32xf32> -> vector<1000x32xf32>
    %get3A_146 = arith.constant 0 : index
    %get3A_147 = arith.constant 0 : index
    %get3A_148 = arith.constant 0 : index
    %get3A_149 = vector.load %arg9[%get3A_146, %get3A_147, %get3A_148] : memref<2x10x32xf32, #tpu.memory_space<vmem>>, vector<1x10x32xf32>
    %get3A_150 = vector.shape_cast %get3A_149 : vector<1x10x32xf32> to vector<10x32xf32>
    %dot_general3A_151 = arith.constant dense<0.000000e+00> : vector<1000x32xf32>
    %dot_general3A_152 = tpu.matmul %convert_element_type3A_5, %get3A_150, %dot_general3A_151 {dimension_numbers = #tpu.dot_dimension_numbers<[1], [0], [0], [1], [0, 0, 1, 1], [], []>, transpose_lhs_hint = false} : vector<1000x10xf32>, vector<10x32xf32>, vector<1000x32xf32> -> vector<1000x32xf32>
    %get3A_153 = arith.constant 1 : index
    %get3A_154 = arith.constant 0 : index
    %get3A_155 = arith.constant 0 : index
    %get3A_156 = vector.load %arg9[%get3A_153, %get3A_154, %get3A_155] : memref<2x10x32xf32, #tpu.memory_space<vmem>>, vector<1x10x32xf32>
    %get3A_157 = vector.shape_cast %get3A_156 : vector<1x10x32xf32> to vector<10x32xf32>
    %dot_general3A_158 = arith.constant dense<0.000000e+00> : vector<1000x32xf32>
    %dot_general3A_159 = tpu.matmul %convert_element_type3A_5, %get3A_157, %dot_general3A_158 {dimension_numbers = #tpu.dot_dimension_numbers<[1], [0], [0], [1], [0, 0, 1, 1], [], []>, transpose_lhs_hint = false} : vector<1000x10xf32>, vector<10x32xf32>, vector<1000x32xf32> -> vector<1000x32xf32>
    %mul3A_160 = arith.constant 2.000000e+00 : f32
    %mul3A_161 = vector.broadcast %mul3A_160 : f32 to vector<1000x32xf32>
    %mul3A_162 = arith.mulf %mul3A_161, %dot_general3A_159 : vector<1000x32xf32>
    %get3A_163 = arith.constant 0 : index
    %get3A_164 = arith.constant 0 : index
    %get3A_165 = vector.load %arg3[%get3A_163, %get3A_164] : memref<1000x32xf32, #tpu.memory_space<vmem>>, vector<1000x32xf32>
    %mul3A_166 = arith.mulf %mul3A_162, %get3A_165 : vector<1000x32xf32>
    %add3A_167 = arith.addf %dot_general3A_152, %mul3A_166 : vector<1000x32xf32>
    %mul3A_168 = arith.mulf %add3A_167, %dot_general3A_145 : vector<1000x32xf32>
    %broadcast_in_dim3A_169 = arith.constant 0.000000e+00 : f32
    %broadcast_in_dim3A_170 = vector.broadcast %broadcast_in_dim3A_169 : f32 to vector<1000x32xf32>
    %slice3A_171 = vector.extract_strided_slice %convert_element_type3A_5 {offsets = [0, 0], sizes = [1000, 1], strides = [1, 1]} : vector<1000x10xf32> to vector<1000x1xf32>
    %get3A_172 = arith.constant 0 : index
    %get3A_173 = arith.constant 0 : index
    %get3A_174 = arith.constant 0 : index
    %get3A_175 = vector.load %arg10[%get3A_172, %get3A_173, %get3A_174] : memref<10x32x32xf32, #tpu.memory_space<vmem>>, vector<1x32x32xf32>
    %get3A_176 = vector.shape_cast %get3A_175 : vector<1x32x32xf32> to vector<32x32xf32>
    %dot_general3A_177 = arith.constant dense<0.000000e+00> : vector<1000x32xf32>
    %dot_general3A_178 = tpu.matmul %mul3A_168, %get3A_176, %dot_general3A_177 {dimension_numbers = #tpu.dot_dimension_numbers<[1], [0], [0], [1], [0, 0, 1, 1], [], []>, transpose_lhs_hint = false} : vector<1000x32xf32>, vector<32x32xf32>, vector<1000x32xf32> -> vector<1000x32xf32>
    %mul3A_179 = vector.broadcast %slice3A_171 : vector<1000x1xf32> to vector<1000x32xf32>
    %mul3A_180 = arith.mulf %mul3A_179, %dot_general3A_178 : vector<1000x32xf32>
    %add3A_181 = arith.addf %broadcast_in_dim3A_170, %mul3A_180 : vector<1000x32xf32>
    %slice3A_182 = vector.extract_strided_slice %convert_element_type3A_5 {offsets = [0, 1], sizes = [1000, 1], strides = [1, 1]} : vector<1000x10xf32> to vector<1000x1xf32>
    %get3A_183 = arith.constant 1 : index
    %get3A_184 = arith.constant 0 : index
    %get3A_185 = arith.constant 0 : index
    %get3A_186 = vector.load %arg10[%get3A_183, %get3A_184, %get3A_185] : memref<10x32x32xf32, #tpu.memory_space<vmem>>, vector<1x32x32xf32>
    %get3A_187 = vector.shape_cast %get3A_186 : vector<1x32x32xf32> to vector<32x32xf32>
    %dot_general3A_188 = arith.constant dense<0.000000e+00> : vector<1000x32xf32>
    %dot_general3A_189 = tpu.matmul %mul3A_168, %get3A_187, %dot_general3A_188 {dimension_numbers = #tpu.dot_dimension_numbers<[1], [0], [0], [1], [0, 0, 1, 1], [], []>, transpose_lhs_hint = false} : vector<1000x32xf32>, vector<32x32xf32>, vector<1000x32xf32> -> vector<1000x32xf32>
    %mul3A_190 = vector.broadcast %slice3A_182 : vector<1000x1xf32> to vector<1000x32xf32>
    %mul3A_191 = arith.mulf %mul3A_190, %dot_general3A_189 : vector<1000x32xf32>
    %add3A_192 = arith.addf %add3A_181, %mul3A_191 : vector<1000x32xf32>
    %slice3A_193 = vector.extract_strided_slice %convert_element_type3A_5 {offsets = [0, 2], sizes = [1000, 1], strides = [1, 1]} : vector<1000x10xf32> to vector<1000x1xf32>
    %get3A_194 = arith.constant 2 : index
    %get3A_195 = arith.constant 0 : index
    %get3A_196 = arith.constant 0 : index
    %get3A_197 = vector.load %arg10[%get3A_194, %get3A_195, %get3A_196] : memref<10x32x32xf32, #tpu.memory_space<vmem>>, vector<1x32x32xf32>
    %get3A_198 = vector.shape_cast %get3A_197 : vector<1x32x32xf32> to vector<32x32xf32>
    %dot_general3A_199 = arith.constant dense<0.000000e+00> : vector<1000x32xf32>
    %dot_general3A_200 = tpu.matmul %mul3A_168, %get3A_198, %dot_general3A_199 {dimension_numbers = #tpu.dot_dimension_numbers<[1], [0], [0], [1], [0, 0, 1, 1], [], []>, transpose_lhs_hint = false} : vector<1000x32xf32>, vector<32x32xf32>, vector<1000x32xf32> -> vector<1000x32xf32>
    %mul3A_201 = vector.broadcast %slice3A_193 : vector<1000x1xf32> to vector<1000x32xf32>
    %mul3A_202 = arith.mulf %mul3A_201, %dot_general3A_200 : vector<1000x32xf32>
    %add3A_203 = arith.addf %add3A_192, %mul3A_202 : vector<1000x32xf32>
    %slice3A_204 = vector.extract_strided_slice %convert_element_type3A_5 {offsets = [0, 3], sizes = [1000, 1], strides = [1, 1]} : vector<1000x10xf32> to vector<1000x1xf32>
    %get3A_205 = arith.constant 3 : index
    %get3A_206 = arith.constant 0 : index
    %get3A_207 = arith.constant 0 : index
    %get3A_208 = vector.load %arg10[%get3A_205, %get3A_206, %get3A_207] : memref<10x32x32xf32, #tpu.memory_space<vmem>>, vector<1x32x32xf32>
    %get3A_209 = vector.shape_cast %get3A_208 : vector<1x32x32xf32> to vector<32x32xf32>
    %dot_general3A_210 = arith.constant dense<0.000000e+00> : vector<1000x32xf32>
    %dot_general3A_211 = tpu.matmul %mul3A_168, %get3A_209, %dot_general3A_210 {dimension_numbers = #tpu.dot_dimension_numbers<[1], [0], [0], [1], [0, 0, 1, 1], [], []>, transpose_lhs_hint = false} : vector<1000x32xf32>, vector<32x32xf32>, vector<1000x32xf32> -> vector<1000x32xf32>
    %mul3A_212 = vector.broadcast %slice3A_204 : vector<1000x1xf32> to vector<1000x32xf32>
    %mul3A_213 = arith.mulf %mul3A_212, %dot_general3A_211 : vector<1000x32xf32>
    %add3A_214 = arith.addf %add3A_203, %mul3A_213 : vector<1000x32xf32>
    %slice3A_215 = vector.extract_strided_slice %convert_element_type3A_5 {offsets = [0, 4], sizes = [1000, 1], strides = [1, 1]} : vector<1000x10xf32> to vector<1000x1xf32>
    %get3A_216 = arith.constant 4 : index
    %get3A_217 = arith.constant 0 : index
    %get3A_218 = arith.constant 0 : index
    %get3A_219 = vector.load %arg10[%get3A_216, %get3A_217, %get3A_218] : memref<10x32x32xf32, #tpu.memory_space<vmem>>, vector<1x32x32xf32>
    %get3A_220 = vector.shape_cast %get3A_219 : vector<1x32x32xf32> to vector<32x32xf32>
    %dot_general3A_221 = arith.constant dense<0.000000e+00> : vector<1000x32xf32>
    %dot_general3A_222 = tpu.matmul %mul3A_168, %get3A_220, %dot_general3A_221 {dimension_numbers = #tpu.dot_dimension_numbers<[1], [0], [0], [1], [0, 0, 1, 1], [], []>, transpose_lhs_hint = false} : vector<1000x32xf32>, vector<32x32xf32>, vector<1000x32xf32> -> vector<1000x32xf32>
    %mul3A_223 = vector.broadcast %slice3A_215 : vector<1000x1xf32> to vector<1000x32xf32>
    %mul3A_224 = arith.mulf %mul3A_223, %dot_general3A_222 : vector<1000x32xf32>
    %add3A_225 = arith.addf %add3A_214, %mul3A_224 : vector<1000x32xf32>
    %slice3A_226 = vector.extract_strided_slice %convert_element_type3A_5 {offsets = [0, 5], sizes = [1000, 1], strides = [1, 1]} : vector<1000x10xf32> to vector<1000x1xf32>
    %get3A_227 = arith.constant 5 : index
    %get3A_228 = arith.constant 0 : index
    %get3A_229 = arith.constant 0 : index
    %get3A_230 = vector.load %arg10[%get3A_227, %get3A_228, %get3A_229] : memref<10x32x32xf32, #tpu.memory_space<vmem>>, vector<1x32x32xf32>
    %get3A_231 = vector.shape_cast %get3A_230 : vector<1x32x32xf32> to vector<32x32xf32>
    %dot_general3A_232 = arith.constant dense<0.000000e+00> : vector<1000x32xf32>
    %dot_general3A_233 = tpu.matmul %mul3A_168, %get3A_231, %dot_general3A_232 {dimension_numbers = #tpu.dot_dimension_numbers<[1], [0], [0], [1], [0, 0, 1, 1], [], []>, transpose_lhs_hint = false} : vector<1000x32xf32>, vector<32x32xf32>, vector<1000x32xf32> -> vector<1000x32xf32>
    %mul3A_234 = vector.broadcast %slice3A_226 : vector<1000x1xf32> to vector<1000x32xf32>
    %mul3A_235 = arith.mulf %mul3A_234, %dot_general3A_233 : vector<1000x32xf32>
    %add3A_236 = arith.addf %add3A_225, %mul3A_235 : vector<1000x32xf32>
    %slice3A_237 = vector.extract_strided_slice %convert_element_type3A_5 {offsets = [0, 6], sizes = [1000, 1], strides = [1, 1]} : vector<1000x10xf32> to vector<1000x1xf32>
    %get3A_238 = arith.constant 6 : index
    %get3A_239 = arith.constant 0 : index
    %get3A_240 = arith.constant 0 : index
    %get3A_241 = vector.load %arg10[%get3A_238, %get3A_239, %get3A_240] : memref<10x32x32xf32, #tpu.memory_space<vmem>>, vector<1x32x32xf32>
    %get3A_242 = vector.shape_cast %get3A_241 : vector<1x32x32xf32> to vector<32x32xf32>
    %dot_general3A_243 = arith.constant dense<0.000000e+00> : vector<1000x32xf32>
    %dot_general3A_244 = tpu.matmul %mul3A_168, %get3A_242, %dot_general3A_243 {dimension_numbers = #tpu.dot_dimension_numbers<[1], [0], [0], [1], [0, 0, 1, 1], [], []>, transpose_lhs_hint = false} : vector<1000x32xf32>, vector<32x32xf32>, vector<1000x32xf32> -> vector<1000x32xf32>
    %mul3A_245 = vector.broadcast %slice3A_237 : vector<1000x1xf32> to vector<1000x32xf32>
    %mul3A_246 = arith.mulf %mul3A_245, %dot_general3A_244 : vector<1000x32xf32>
    %add3A_247 = arith.addf %add3A_236, %mul3A_246 : vector<1000x32xf32>
    %slice3A_248 = vector.extract_strided_slice %convert_element_type3A_5 {offsets = [0, 7], sizes = [1000, 1], strides = [1, 1]} : vector<1000x10xf32> to vector<1000x1xf32>
    %get3A_249 = arith.constant 7 : index
    %get3A_250 = arith.constant 0 : index
    %get3A_251 = arith.constant 0 : index
    %get3A_252 = vector.load %arg10[%get3A_249, %get3A_250, %get3A_251] : memref<10x32x32xf32, #tpu.memory_space<vmem>>, vector<1x32x32xf32>
    %get3A_253 = vector.shape_cast %get3A_252 : vector<1x32x32xf32> to vector<32x32xf32>
    %dot_general3A_254 = arith.constant dense<0.000000e+00> : vector<1000x32xf32>
    %dot_general3A_255 = tpu.matmul %mul3A_168, %get3A_253, %dot_general3A_254 {dimension_numbers = #tpu.dot_dimension_numbers<[1], [0], [0], [1], [0, 0, 1, 1], [], []>, transpose_lhs_hint = false} : vector<1000x32xf32>, vector<32x32xf32>, vector<1000x32xf32> -> vector<1000x32xf32>
    %mul3A_256 = vector.broadcast %slice3A_248 : vector<1000x1xf32> to vector<1000x32xf32>
    %mul3A_257 = arith.mulf %mul3A_256, %dot_general3A_255 : vector<1000x32xf32>
    %add3A_258 = arith.addf %add3A_247, %mul3A_257 : vector<1000x32xf32>
    %slice3A_259 = vector.extract_strided_slice %convert_element_type3A_5 {offsets = [0, 8], sizes = [1000, 1], strides = [1, 1]} : vector<1000x10xf32> to vector<1000x1xf32>
    %get3A_260 = arith.constant 8 : index
    %get3A_261 = arith.constant 0 : index
    %get3A_262 = arith.constant 0 : index
    %get3A_263 = vector.load %arg10[%get3A_260, %get3A_261, %get3A_262] : memref<10x32x32xf32, #tpu.memory_space<vmem>>, vector<1x32x32xf32>
    %get3A_264 = vector.shape_cast %get3A_263 : vector<1x32x32xf32> to vector<32x32xf32>
    %dot_general3A_265 = arith.constant dense<0.000000e+00> : vector<1000x32xf32>
    %dot_general3A_266 = tpu.matmul %mul3A_168, %get3A_264, %dot_general3A_265 {dimension_numbers = #tpu.dot_dimension_numbers<[1], [0], [0], [1], [0, 0, 1, 1], [], []>, transpose_lhs_hint = false} : vector<1000x32xf32>, vector<32x32xf32>, vector<1000x32xf32> -> vector<1000x32xf32>
    %mul3A_267 = vector.broadcast %slice3A_259 : vector<1000x1xf32> to vector<1000x32xf32>
    %mul3A_268 = arith.mulf %mul3A_267, %dot_general3A_266 : vector<1000x32xf32>
    %add3A_269 = arith.addf %add3A_258, %mul3A_268 : vector<1000x32xf32>
    %slice3A_270 = vector.extract_strided_slice %convert_element_type3A_5 {offsets = [0, 9], sizes = [1000, 1], strides = [1, 1]} : vector<1000x10xf32> to vector<1000x1xf32>
    %get3A_271 = arith.constant 9 : index
    %get3A_272 = arith.constant 0 : index
    %get3A_273 = arith.constant 0 : index
    %get3A_274 = vector.load %arg10[%get3A_271, %get3A_272, %get3A_273] : memref<10x32x32xf32, #tpu.memory_space<vmem>>, vector<1x32x32xf32>
    %get3A_275 = vector.shape_cast %get3A_274 : vector<1x32x32xf32> to vector<32x32xf32>
    %dot_general3A_276 = arith.constant dense<0.000000e+00> : vector<1000x32xf32>
    %dot_general3A_277 = tpu.matmul %mul3A_168, %get3A_275, %dot_general3A_276 {dimension_numbers = #tpu.dot_dimension_numbers<[1], [0], [0], [1], [0, 0, 1, 1], [], []>, transpose_lhs_hint = false} : vector<1000x32xf32>, vector<32x32xf32>, vector<1000x32xf32> -> vector<1000x32xf32>
    %mul3A_278 = vector.broadcast %slice3A_270 : vector<1000x1xf32> to vector<1000x32xf32>
    %mul3A_279 = arith.mulf %mul3A_278, %dot_general3A_277 : vector<1000x32xf32>
    %add3A_280 = arith.addf %add3A_269, %mul3A_279 : vector<1000x32xf32>
    %mul3A_281 = arith.constant 0.316227764 : f32
    %mul3A_282 = vector.broadcast %mul3A_281 : f32 to vector<1000x32xf32>
    %mul3A_283 = arith.mulf %add3A_280, %mul3A_282 : vector<1000x32xf32>
    %get3A_284 = arith.constant 0 : index
    %get3A_285 = arith.constant 0 : index
    %get3A_286 = vector.load %arg11[%get3A_284, %get3A_285] : memref<32x32xf32, #tpu.memory_space<vmem>>, vector<32x32xf32>
    %dot_general3A_287 = arith.constant dense<0.000000e+00> : vector<1000x32xf32>
    %dot_general3A_288 = tpu.matmul %mul3A_283, %get3A_286, %dot_general3A_287 {dimension_numbers = #tpu.dot_dimension_numbers<[1], [0], [0], [1], [0, 0, 1, 1], [], []>, transpose_lhs_hint = false} : vector<1000x32xf32>, vector<32x32xf32>, vector<1000x32xf32> -> vector<1000x32xf32>
    %mul3A_289 = arith.constant 1.000000e-01 : f32
    %mul3A_290 = vector.broadcast %mul3A_289 : f32 to vector<1000x32xf32>
    %mul3A_291 = arith.mulf %mul3A_290, %dot_general3A_288 : vector<1000x32xf32>
    %swap3A = arith.constant 0 : index
    %swap3A_292 = arith.constant 0 : index
    %swap3A_293 = vector.load %arg12[%swap3A, %swap3A_292] : memref<1000x32xf32, #tpu.memory_space<vmem>>, vector<1000x32xf32>
    tpu.vector_store %arg12[%swap3A, %swap3A_292], %mul3A_291 {strides = array<i32>} : memref<1000x32xf32, #tpu.memory_space<vmem>>, vector<1000x32xf32>,
    return
  }
  func.func @transform_0(%arg0: i32) -> (i32, i32, i32) {
    %c0_i32 = arith.constant 0 : i32
    %c0_i32_0 = arith.constant 0 : i32
    %c0_i32_1 = arith.constant 0 : i32
    return %c0_i32, %arg0, %c0_i32_0 : i32, i32, i32
  }
  func.func @transform_1(%arg0: i32) -> (i32, i32) {
    %c0_i32 = arith.constant 0 : i32
    %c0_i32_0 = arith.constant 0 : i32
    return %arg0, %c0_i32 : i32, i32
  }
  func.func @transform_2(%arg0: i32) -> (i32, i32) {
    %c0_i32 = arith.constant 0 : i32
    %c0_i32_0 = arith.constant 0 : i32
    return %arg0, %c0_i32 : i32, i32
  }
  func.func @transform_3(%arg0: i32) -> (i32, i32) {
    %c0_i32 = arith.constant 0 : i32
    %c0_i32_0 = arith.constant 0 : i32
    return %arg0, %c0_i32 : i32, i32
  }
  func.func @transform_4(%arg0: i32) -> (i32, i32) {
    %c0_i32 = arith.constant 0 : i32
    %c0_i32_0 = arith.constant 0 : i32
    %c0_i32_1 = arith.constant 0 : i32
    return %c0_i32, %c0_i32_0 : i32, i32
  }
  func.func @transform_5(%arg0: i32) -> (i32, i32) {
    %c0_i32 = arith.constant 0 : i32
    %c0_i32_0 = arith.constant 0 : i32
    %c0_i32_1 = arith.constant 0 : i32
    return %c0_i32, %c0_i32_0 : i32, i32
  }
  func.func @transform_6(%arg0: i32) -> (i32, i32, i32) {
    %c0_i32 = arith.constant 0 : i32
    %c0_i32_0 = arith.constant 0 : i32
    %c0_i32_1 = arith.constant 0 : i32
    %c0_i32_2 = arith.constant 0 : i32
    return %c0_i32, %c0_i32_0, %c0_i32_1 : i32, i32, i32
  }
  func.func @transform_7(%arg0: i32) -> (i32, i32) {
    %c0_i32 = arith.constant 0 : i32
    %c0_i32_0 = arith.constant 0 : i32
    %c0_i32_1 = arith.constant 0 : i32
    return %c0_i32, %c0_i32_0 : i32, i32
  }
  func.func @transform_8(%arg0: i32) -> (i32, i32, i32) {
    %c0_i32 = arith.constant 0 : i32
    %c0_i32_0 = arith.constant 0 : i32
    %c0_i32_1 = arith.constant 0 : i32
    %c0_i32_2 = arith.constant 0 : i32
    return %c0_i32, %c0_i32_0, %c0_i32_1 : i32, i32, i32
  }
  func.func @transform_9(%arg0: i32) -> (i32, i32, i32) {
    %c0_i32 = arith.constant 0 : i32
    %c0_i32_0 = arith.constant 0 : i32
    %c0_i32_1 = arith.constant 0 : i32
    %c0_i32_2 = arith.constant 0 : i32
    return %c0_i32, %c0_i32_0, %c0_i32_1 : i32, i32, i32
  }
  func.func @transform_10(%arg0: i32) -> (i32, i32) {
    %c0_i32 = arith.constant 0 : i32
    %c0_i32_0 = arith.constant 0 : i32
    %c0_i32_1 = arith.constant 0 : i32
    return %c0_i32, %c0_i32_0 : i32, i32
  }
  func.func @transform_11(%arg0: i32) -> (i32, i32) {
    %c0_i32 = arith.constant 0 : i32
    %c0_i32_0 = arith.constant 0 : i32
    return %arg0, %c0_i32 : i32, i32
  }
}

module attributes {stable_mosaic.version = 14 : i64} {
  func.func @_edge_bwd_body(%arg0: i32, %arg1: memref<2048x3xf32, #tpu.memory_space<vmem>>, %arg2: memref<2048x32xf32, #tpu.memory_space<vmem>>, %arg3: memref<2048x32xf32, #tpu.memory_space<vmem>>, %arg4: memref<8x64xf32, #tpu.memory_space<vmem>>, %arg5: memref<64x64xf32, #tpu.memory_space<vmem>>, %arg6: memref<64x64xf32, #tpu.memory_space<vmem>>, %arg7: memref<32x64xf32, #tpu.memory_space<vmem>>, %arg8: memref<64x64xf32, #tpu.memory_space<vmem>>, %arg9: memref<64x64xf32, #tpu.memory_space<vmem>>, %arg10: memref<64x8xf32, #tpu.memory_space<vmem>>, %arg11: memref<8x64xf32, #tpu.memory_space<vmem>>, %arg12: memref<64x64xf32, #tpu.memory_space<vmem>>, %arg13: memref<64x64xf32, #tpu.memory_space<vmem>>, %arg14: memref<32x64xf32, #tpu.memory_space<vmem>>, %arg15: memref<64x64xf32, #tpu.memory_space<vmem>>, %arg16: memref<64x64xf32, #tpu.memory_space<vmem>>, %arg17: memref<64x8xf32, #tpu.memory_space<vmem>>, %arg18: memref<2048x8xf32, #tpu.memory_space<vmem>>, %arg19: memref<2048x8xf32, #tpu.memory_space<vmem>>) attributes {dimension_semantics = [#tpu.dimension_semantics<arbitrary>], iteration_bounds = array<i64: 80>, scalar_prefetch = 0 : i64, scratch_operands = 0 : i64, tpu.core_type = #tpu.core_type<tc>, window_params = [{transform_indices = @transform_0, window_bounds = array<i64: 2048, 3>}, {transform_indices = @transform_1, window_bounds = array<i64: 2048, 32>}, {transform_indices = @transform_2, window_bounds = array<i64: 2048, 32>}, {pipeline_mode = #tpu.pipeline_mode<synchronous>, transform_indices = @transform_3, window_bounds = array<i64: 8, 64>}, {pipeline_mode = #tpu.pipeline_mode<synchronous>, transform_indices = @transform_4, window_bounds = array<i64: 64, 64>}, {pipeline_mode = #tpu.pipeline_mode<synchronous>, transform_indices = @transform_5, window_bounds = array<i64: 64, 64>}, {pipeline_mode = #tpu.pipeline_mode<synchronous>, transform_indices = @transform_6, window_bounds = array<i64: 32, 64>}, {pipeline_mode = #tpu.pipeline_mode<synchronous>, transform_indices = @transform_7, window_bounds = array<i64: 64, 64>}, {pipeline_mode = #tpu.pipeline_mode<synchronous>, transform_indices = @transform_8, window_bounds = array<i64: 64, 64>}, {pipeline_mode = #tpu.pipeline_mode<synchronous>, transform_indices = @transform_9, window_bounds = array<i64: 64, 8>}, {pipeline_mode = #tpu.pipeline_mode<synchronous>, transform_indices = @transform_10, window_bounds = array<i64: 8, 64>}, {pipeline_mode = #tpu.pipeline_mode<synchronous>, transform_indices = @transform_11, window_bounds = array<i64: 64, 64>}, {pipeline_mode = #tpu.pipeline_mode<synchronous>, transform_indices = @transform_12, window_bounds = array<i64: 64, 64>}, {pipeline_mode = #tpu.pipeline_mode<synchronous>, transform_indices = @transform_13, window_bounds = array<i64: 32, 64>}, {pipeline_mode = #tpu.pipeline_mode<synchronous>, transform_indices = @transform_14, window_bounds = array<i64: 64, 64>}, {pipeline_mode = #tpu.pipeline_mode<synchronous>, transform_indices = @transform_15, window_bounds = array<i64: 64, 64>}, {pipeline_mode = #tpu.pipeline_mode<synchronous>, transform_indices = @transform_16, window_bounds = array<i64: 64, 8>}, {transform_indices = @transform_17, window_bounds = array<i64: 2048, 8>}, {transform_indices = @transform_18, window_bounds = array<i64: 2048, 8>}]} {
    %get3A = arith.constant 0 : index
    %get3A_0 = arith.constant 0 : index
    %get3A_1 = vector.load %arg1[%get3A, %get3A_0] : memref<2048x3xf32, #tpu.memory_space<vmem>>, vector<2048x3xf32>
    %mul3A = arith.mulf %get3A_1, %get3A_1 : vector<2048x3xf32>
    %reduce_sum3A = arith.constant dense<0.000000e+00> : vector<2048xf32>
    %reduce_sum3A_2 = vector.multi_reduction <add>, %mul3A, %reduce_sum3A [1] : vector<2048x3xf32> to vector<2048xf32>
    %broadcast_in_dim3A = vector.shape_cast %reduce_sum3A_2 : vector<2048xf32> to vector<2048x1xf32>
    %sqrt3A = math.sqrt %broadcast_in_dim3A : vector<2048x1xf32>
    %div3A = arith.constant 1.000000e+00 : f32
    %div3A_3 = vector.broadcast %div3A : f32 to vector<2048x1xf32>
    %div3A_4 = arith.divf %div3A_3, %sqrt3A : vector<2048x1xf32>
    %iota3A = tpu.iota {dimensions = array<i32: 1>} : vector<1x8xi32>
    %convert_element_type3A = arith.sitofp %iota3A : vector<1x8xi32> to vector<1x8xf32>
    %add3A = arith.constant 1.000000e+00 : f32
    %add3A_5 = vector.broadcast %add3A : f32 to vector<1x8xf32>
    %add3A_6 = arith.addf %convert_element_type3A, %add3A_5 : vector<1x8xf32>
    %mul3A_7 = arith.constant 0.628318548 : f32
    %mul3A_8 = vector.broadcast %mul3A_7 : f32 to vector<1x8xf32>
    %mul3A_9 = arith.mulf %mul3A_8, %add3A_6 : vector<1x8xf32>
    %mul3A_10 = vector.broadcast %sqrt3A : vector<2048x1xf32> to vector<2048x8xf32>
    %mul3A_11 = vector.broadcast %mul3A_9 : vector<1x8xf32> to vector<2048x8xf32>
    %mul3A_12 = arith.mulf %mul3A_10, %mul3A_11 : vector<2048x8xf32>
    %sin3A = math.sin %mul3A_12 : vector<2048x8xf32>
    %mul3A_13 = arith.constant 0.632455527 : f32
    %mul3A_14 = vector.broadcast %mul3A_13 : f32 to vector<2048x8xf32>
    %mul3A_15 = arith.mulf %mul3A_14, %sin3A : vector<2048x8xf32>
    %mul3A_16 = vector.broadcast %div3A_4 : vector<2048x1xf32> to vector<2048x8xf32>
    %mul3A_17 = arith.mulf %mul3A_15, %mul3A_16 : vector<2048x8xf32>
    %mul3A_18 = arith.constant 2.000000e-01 : f32
    %mul3A_19 = vector.broadcast %mul3A_18 : f32 to vector<2048x1xf32>
    %mul3A_20 = arith.mulf %sqrt3A, %mul3A_19 : vector<2048x1xf32>
    %integer_pow3A = arith.mulf %mul3A_20, %mul3A_20 : vector<2048x1xf32>
    %integer_pow3A_21 = arith.mulf %integer_pow3A, %integer_pow3A : vector<2048x1xf32>
    %integer_pow3A_22 = arith.mulf %mul3A_20, %integer_pow3A_21 : vector<2048x1xf32>
    %mul3A_23 = arith.constant 2.100000e+01 : f32
    %mul3A_24 = vector.broadcast %mul3A_23 : f32 to vector<2048x1xf32>
    %mul3A_25 = arith.mulf %mul3A_24, %integer_pow3A_22 : vector<2048x1xf32>
    %sub3A = arith.constant 1.000000e+00 : f32
    %sub3A_26 = vector.broadcast %sub3A : f32 to vector<2048x1xf32>
    %sub3A_27 = arith.subf %sub3A_26, %mul3A_25 : vector<2048x1xf32>
    %mul3A_28 = arith.constant 3.500000e+01 : f32
    %mul3A_29 = vector.broadcast %mul3A_28 : f32 to vector<2048x1xf32>
    %mul3A_30 = arith.mulf %mul3A_29, %integer_pow3A_22 : vector<2048x1xf32>
    %mul3A_31 = arith.mulf %mul3A_30, %mul3A_20 : vector<2048x1xf32>
    %add3A_32 = arith.addf %sub3A_27, %mul3A_31 : vector<2048x1xf32>
    %mul3A_33 = arith.constant 1.500000e+01 : f32
    %mul3A_34 = vector.broadcast %mul3A_33 : f32 to vector<2048x1xf32>
    %mul3A_35 = arith.mulf %mul3A_34, %integer_pow3A_22 : vector<2048x1xf32>
    %mul3A_36 = arith.mulf %mul3A_35, %mul3A_20 : vector<2048x1xf32>
    %mul3A_37 = arith.mulf %mul3A_36, %mul3A_20 : vector<2048x1xf32>
    %sub3A_38 = arith.subf %add3A_32, %mul3A_37 : vector<2048x1xf32>
    %lt3A = arith.constant 5.000000e+00 : f32
    %lt3A_39 = vector.broadcast %lt3A : f32 to vector<2048x1xf32>
    %lt3A_40 = arith.cmpf olt, %sqrt3A, %lt3A_39 : vector<2048x1xf32>
    %jit3A = arith.constant 0.000000e+00 : f32
    %broadcast_in_dim3A_41 = vector.broadcast %jit3A : f32 to vector<2048x1xf32>
    %select_n3A = arith.select %lt3A_40, %sub3A_38, %broadcast_in_dim3A_41 : vector<2048x1xi1>, vector<2048x1xf32>
    %mul3A_42 = vector.broadcast %select_n3A : vector<2048x1xf32> to vector<2048x8xf32>
    %mul3A_43 = arith.mulf %mul3A_42, %mul3A_17 : vector<2048x8xf32>
    %get3A_44 = arith.constant 0 : index
    %get3A_45 = arith.constant 0 : index
    %get3A_46 = vector.load %arg2[%get3A_44, %get3A_45] : memref<2048x32xf32, #tpu.memory_space<vmem>>, vector<2048x32xf32>
    %get3A_47 = arith.constant 0 : index
    %get3A_48 = arith.constant 0 : index
    %get3A_49 = vector.load %arg4[%get3A_47, %get3A_48] : memref<8x64xf32, #tpu.memory_space<vmem>>, vector<8x64xf32>
    %dot_general3A = arith.constant dense<0.000000e+00> : vector<2048x64xf32>
    %dot_general3A_50 = tpu.matmul %mul3A_43, %get3A_49, %dot_general3A {dimension_numbers = #tpu.dot_dimension_numbers<[1], [0], [0], [1], [0, 0, 1, 1], [], []>, transpose_lhs_hint = false} : vector<2048x8xf32>, vector<8x64xf32>, vector<2048x64xf32> -> vector<2048x64xf32>
    %logistic3A = arith.negf %dot_general3A_50 : vector<2048x64xf32>
    %logistic3A_51 = math.exp %logistic3A : vector<2048x64xf32>
    %logistic3A_52 = arith.constant 1.000000e+00 : f32
    %logistic3A_53 = vector.broadcast %logistic3A_52 : f32 to vector<2048x64xf32>
    %logistic3A_54 = arith.addf %logistic3A_53, %logistic3A_51 : vector<2048x64xf32>
    %logistic3A_55 = arith.divf %logistic3A_53, %logistic3A_54 : vector<2048x64xf32>
    %mul3A_56 = arith.mulf %dot_general3A_50, %logistic3A_55 : vector<2048x64xf32>
    %get3A_57 = arith.constant 0 : index
    %get3A_58 = arith.constant 0 : index
    %get3A_59 = vector.load %arg5[%get3A_57, %get3A_58] : memref<64x64xf32, #tpu.memory_space<vmem>>, vector<64x64xf32>
    %dot_general3A_60 = arith.constant dense<0.000000e+00> : vector<2048x64xf32>
    %dot_general3A_61 = tpu.matmul %mul3A_56, %get3A_59, %dot_general3A_60 {dimension_numbers = #tpu.dot_dimension_numbers<[1], [0], [0], [1], [0, 0, 1, 1], [], []>, transpose_lhs_hint = false} : vector<2048x64xf32>, vector<64x64xf32>, vector<2048x64xf32> -> vector<2048x64xf32>
    %logistic3A_62 = arith.negf %dot_general3A_61 : vector<2048x64xf32>
    %logistic3A_63 = math.exp %logistic3A_62 : vector<2048x64xf32>
    %logistic3A_64 = arith.constant 1.000000e+00 : f32
    %logistic3A_65 = vector.broadcast %logistic3A_64 : f32 to vector<2048x64xf32>
    %logistic3A_66 = arith.addf %logistic3A_65, %logistic3A_63 : vector<2048x64xf32>
    %logistic3A_67 = arith.divf %logistic3A_65, %logistic3A_66 : vector<2048x64xf32>
    %mul3A_68 = arith.mulf %dot_general3A_61, %logistic3A_67 : vector<2048x64xf32>
    %get3A_69 = arith.constant 0 : index
    %get3A_70 = arith.constant 0 : index
    %get3A_71 = vector.load %arg6[%get3A_69, %get3A_70] : memref<64x64xf32, #tpu.memory_space<vmem>>, vector<64x64xf32>
    %dot_general3A_72 = arith.constant dense<0.000000e+00> : vector<2048x64xf32>
    %dot_general3A_73 = tpu.matmul %mul3A_68, %get3A_71, %dot_general3A_72 {dimension_numbers = #tpu.dot_dimension_numbers<[1], [0], [0], [1], [0, 0, 1, 1], [], []>, transpose_lhs_hint = false} : vector<2048x64xf32>, vector<64x64xf32>, vector<2048x64xf32> -> vector<2048x64xf32>
    %get3A_74 = arith.constant 0 : index
    %get3A_75 = arith.constant 0 : index
    %get3A_76 = vector.load %arg7[%get3A_74, %get3A_75] : memref<32x64xf32, #tpu.memory_space<vmem>>, vector<32x64xf32>
    %dot_general3A_77 = arith.constant dense<0.000000e+00> : vector<2048x64xf32>
    %dot_general3A_78 = tpu.matmul %get3A_46, %get3A_76, %dot_general3A_77 {dimension_numbers = #tpu.dot_dimension_numbers<[1], [0], [0], [1], [0, 0, 1, 1], [], []>, transpose_lhs_hint = false} : vector<2048x32xf32>, vector<32x64xf32>, vector<2048x64xf32> -> vector<2048x64xf32>
    %logistic3A_79 = arith.negf %dot_general3A_73 : vector<2048x64xf32>
    %logistic3A_80 = math.exp %logistic3A_79 : vector<2048x64xf32>
    %logistic3A_81 = arith.constant 1.000000e+00 : f32
    %logistic3A_82 = vector.broadcast %logistic3A_81 : f32 to vector<2048x64xf32>
    %logistic3A_83 = arith.addf %logistic3A_82, %logistic3A_80 : vector<2048x64xf32>
    %logistic3A_84 = arith.divf %logistic3A_82, %logistic3A_83 : vector<2048x64xf32>
    %sub3A_85 = arith.constant 1.000000e+00 : f32
    %sub3A_86 = vector.broadcast %sub3A_85 : f32 to vector<2048x64xf32>
    %sub3A_87 = arith.subf %sub3A_86, %logistic3A_84 : vector<2048x64xf32>
    %mul3A_88 = arith.mulf %dot_general3A_73, %sub3A_87 : vector<2048x64xf32>
    %add3A_89 = arith.constant 1.000000e+00 : f32
    %add3A_90 = vector.broadcast %add3A_89 : f32 to vector<2048x64xf32>
    %add3A_91 = arith.addf %add3A_90, %mul3A_88 : vector<2048x64xf32>
    %mul3A_92 = arith.mulf %logistic3A_84, %add3A_91 : vector<2048x64xf32>
    %mul3A_93 = arith.mulf %dot_general3A_78, %mul3A_92 : vector<2048x64xf32>
    %get3A_94 = arith.constant 0 : index
    %get3A_95 = arith.constant 0 : index
    %get3A_96 = vector.load %arg8[%get3A_94, %get3A_95] : memref<64x64xf32, #tpu.memory_space<vmem>>, vector<64x64xf32>
    %dot_general3A_97 = arith.constant dense<0.000000e+00> : vector<2048x64xf32>
    %dot_general3A_98 = tpu.matmul %mul3A_93, %get3A_96, %dot_general3A_97 {dimension_numbers = #tpu.dot_dimension_numbers<[1], [0], [0], [1], [0, 0, 1, 1], [], []>, transpose_lhs_hint = false} : vector<2048x64xf32>, vector<64x64xf32>, vector<2048x64xf32> -> vector<2048x64xf32>
    %logistic3A_99 = arith.negf %dot_general3A_61 : vector<2048x64xf32>
    %logistic3A_100 = math.exp %logistic3A_99 : vector<2048x64xf32>
    %logistic3A_101 = arith.constant 1.000000e+00 : f32
    %logistic3A_102 = vector.broadcast %logistic3A_101 : f32 to vector<2048x64xf32>
    %logistic3A_103 = arith.addf %logistic3A_102, %logistic3A_100 : vector<2048x64xf32>
    %logistic3A_104 = arith.divf %logistic3A_102, %logistic3A_103 : vector<2048x64xf32>
    %sub3A_105 = arith.constant 1.000000e+00 : f32
    %sub3A_106 = vector.broadcast %sub3A_105 : f32 to vector<2048x64xf32>
    %sub3A_107 = arith.subf %sub3A_106, %logistic3A_104 : vector<2048x64xf32>
    %mul3A_108 = arith.mulf %dot_general3A_61, %sub3A_107 : vector<2048x64xf32>
    %add3A_109 = arith.constant 1.000000e+00 : f32
    %add3A_110 = vector.broadcast %add3A_109 : f32 to vector<2048x64xf32>
    %add3A_111 = arith.addf %add3A_110, %mul3A_108 : vector<2048x64xf32>
    %mul3A_112 = arith.mulf %logistic3A_104, %add3A_111 : vector<2048x64xf32>
    %mul3A_113 = arith.mulf %dot_general3A_98, %mul3A_112 : vector<2048x64xf32>
    %get3A_114 = arith.constant 0 : index
    %get3A_115 = arith.constant 0 : index
    %get3A_116 = vector.load %arg9[%get3A_114, %get3A_115] : memref<64x64xf32, #tpu.memory_space<vmem>>, vector<64x64xf32>
    %dot_general3A_117 = arith.constant dense<0.000000e+00> : vector<2048x64xf32>
    %dot_general3A_118 = tpu.matmul %mul3A_113, %get3A_116, %dot_general3A_117 {dimension_numbers = #tpu.dot_dimension_numbers<[1], [0], [0], [1], [0, 0, 1, 1], [], []>, transpose_lhs_hint = false} : vector<2048x64xf32>, vector<64x64xf32>, vector<2048x64xf32> -> vector<2048x64xf32>
    %logistic3A_119 = arith.negf %dot_general3A_50 : vector<2048x64xf32>
    %logistic3A_120 = math.exp %logistic3A_119 : vector<2048x64xf32>
    %logistic3A_121 = arith.constant 1.000000e+00 : f32
    %logistic3A_122 = vector.broadcast %logistic3A_121 : f32 to vector<2048x64xf32>
    %logistic3A_123 = arith.addf %logistic3A_122, %logistic3A_120 : vector<2048x64xf32>
    %logistic3A_124 = arith.divf %logistic3A_122, %logistic3A_123 : vector<2048x64xf32>
    %sub3A_125 = arith.constant 1.000000e+00 : f32
    %sub3A_126 = vector.broadcast %sub3A_125 : f32 to vector<2048x64xf32>
    %sub3A_127 = arith.subf %sub3A_126, %logistic3A_124 : vector<2048x64xf32>
    %mul3A_128 = arith.mulf %dot_general3A_50, %sub3A_127 : vector<2048x64xf32>
    %add3A_129 = arith.constant 1.000000e+00 : f32
    %add3A_130 = vector.broadcast %add3A_129 : f32 to vector<2048x64xf32>
    %add3A_131 = arith.addf %add3A_130, %mul3A_128 : vector<2048x64xf32>
    %mul3A_132 = arith.mulf %logistic3A_124, %add3A_131 : vector<2048x64xf32>
    %mul3A_133 = arith.mulf %dot_general3A_118, %mul3A_132 : vector<2048x64xf32>
    %get3A_134 = arith.constant 0 : index
    %get3A_135 = arith.constant 0 : index
    %get3A_136 = vector.load %arg10[%get3A_134, %get3A_135] : memref<64x8xf32, #tpu.memory_space<vmem>>, vector<64x8xf32>
    %dot_general3A_137 = arith.constant dense<0.000000e+00> : vector<2048x8xf32>
    %dot_general3A_138 = tpu.matmul %mul3A_133, %get3A_136, %dot_general3A_137 {dimension_numbers = #tpu.dot_dimension_numbers<[1], [0], [0], [1], [0, 0, 1, 1], [], []>, transpose_lhs_hint = false} : vector<2048x64xf32>, vector<64x8xf32>, vector<2048x8xf32> -> vector<2048x8xf32>
    %get3A_139 = arith.constant 0 : index
    %get3A_140 = arith.constant 0 : index
    %get3A_141 = vector.load %arg3[%get3A_139, %get3A_140] : memref<2048x32xf32, #tpu.memory_space<vmem>>, vector<2048x32xf32>
    %get3A_142 = arith.constant 0 : index
    %get3A_143 = arith.constant 0 : index
    %get3A_144 = vector.load %arg11[%get3A_142, %get3A_143] : memref<8x64xf32, #tpu.memory_space<vmem>>, vector<8x64xf32>
    %dot_general3A_145 = arith.constant dense<0.000000e+00> : vector<2048x64xf32>
    %dot_general3A_146 = tpu.matmul %mul3A_43, %get3A_144, %dot_general3A_145 {dimension_numbers = #tpu.dot_dimension_numbers<[1], [0], [0], [1], [0, 0, 1, 1], [], []>, transpose_lhs_hint = false} : vector<2048x8xf32>, vector<8x64xf32>, vector<2048x64xf32> -> vector<2048x64xf32>
    %logistic3A_147 = arith.negf %dot_general3A_146 : vector<2048x64xf32>
    %logistic3A_148 = math.exp %logistic3A_147 : vector<2048x64xf32>
    %logistic3A_149 = arith.constant 1.000000e+00 : f32
    %logistic3A_150 = vector.broadcast %logistic3A_149 : f32 to vector<2048x64xf32>
    %logistic3A_151 = arith.addf %logistic3A_150, %logistic3A_148 : vector<2048x64xf32>
    %logistic3A_152 = arith.divf %logistic3A_150, %logistic3A_151 : vector<2048x64xf32>
    %mul3A_153 = arith.mulf %dot_general3A_146, %logistic3A_152 : vector<2048x64xf32>
    %get3A_154 = arith.constant 0 : index
    %get3A_155 = arith.constant 0 : index
    %get3A_156 = vector.load %arg12[%get3A_154, %get3A_155] : memref<64x64xf32, #tpu.memory_space<vmem>>, vector<64x64xf32>
    %dot_general3A_157 = arith.constant dense<0.000000e+00> : vector<2048x64xf32>
    %dot_general3A_158 = tpu.matmul %mul3A_153, %get3A_156, %dot_general3A_157 {dimension_numbers = #tpu.dot_dimension_numbers<[1], [0], [0], [1], [0, 0, 1, 1], [], []>, transpose_lhs_hint = false} : vector<2048x64xf32>, vector<64x64xf32>, vector<2048x64xf32> -> vector<2048x64xf32>
    %logistic3A_159 = arith.negf %dot_general3A_158 : vector<2048x64xf32>
    %logistic3A_160 = math.exp %logistic3A_159 : vector<2048x64xf32>
    %logistic3A_161 = arith.constant 1.000000e+00 : f32
    %logistic3A_162 = vector.broadcast %logistic3A_161 : f32 to vector<2048x64xf32>
    %logistic3A_163 = arith.addf %logistic3A_162, %logistic3A_160 : vector<2048x64xf32>
    %logistic3A_164 = arith.divf %logistic3A_162, %logistic3A_163 : vector<2048x64xf32>
    %mul3A_165 = arith.mulf %dot_general3A_158, %logistic3A_164 : vector<2048x64xf32>
    %get3A_166 = arith.constant 0 : index
    %get3A_167 = arith.constant 0 : index
    %get3A_168 = vector.load %arg13[%get3A_166, %get3A_167] : memref<64x64xf32, #tpu.memory_space<vmem>>, vector<64x64xf32>
    %dot_general3A_169 = arith.constant dense<0.000000e+00> : vector<2048x64xf32>
    %dot_general3A_170 = tpu.matmul %mul3A_165, %get3A_168, %dot_general3A_169 {dimension_numbers = #tpu.dot_dimension_numbers<[1], [0], [0], [1], [0, 0, 1, 1], [], []>, transpose_lhs_hint = false} : vector<2048x64xf32>, vector<64x64xf32>, vector<2048x64xf32> -> vector<2048x64xf32>
    %get3A_171 = arith.constant 0 : index
    %get3A_172 = arith.constant 0 : index
    %get3A_173 = vector.load %arg14[%get3A_171, %get3A_172] : memref<32x64xf32, #tpu.memory_space<vmem>>, vector<32x64xf32>
    %dot_general3A_174 = arith.constant dense<0.000000e+00> : vector<2048x64xf32>
    %dot_general3A_175 = tpu.matmul %get3A_141, %get3A_173, %dot_general3A_174 {dimension_numbers = #tpu.dot_dimension_numbers<[1], [0], [0], [1], [0, 0, 1, 1], [], []>, transpose_lhs_hint = false} : vector<2048x32xf32>, vector<32x64xf32>, vector<2048x64xf32> -> vector<2048x64xf32>
    %logistic3A_176 = arith.negf %dot_general3A_170 : vector<2048x64xf32>
    %logistic3A_177 = math.exp %logistic3A_176 : vector<2048x64xf32>
    %logistic3A_178 = arith.constant 1.000000e+00 : f32
    %logistic3A_179 = vector.broadcast %logistic3A_178 : f32 to vector<2048x64xf32>
    %logistic3A_180 = arith.addf %logistic3A_179, %logistic3A_177 : vector<2048x64xf32>
    %logistic3A_181 = arith.divf %logistic3A_179, %logistic3A_180 : vector<2048x64xf32>
    %sub3A_182 = arith.constant 1.000000e+00 : f32
    %sub3A_183 = vector.broadcast %sub3A_182 : f32 to vector<2048x64xf32>
    %sub3A_184 = arith.subf %sub3A_183, %logistic3A_181 : vector<2048x64xf32>
    %mul3A_185 = arith.mulf %dot_general3A_170, %sub3A_184 : vector<2048x64xf32>
    %add3A_186 = arith.constant 1.000000e+00 : f32
    %add3A_187 = vector.broadcast %add3A_186 : f32 to vector<2048x64xf32>
    %add3A_188 = arith.addf %add3A_187, %mul3A_185 : vector<2048x64xf32>
    %mul3A_189 = arith.mulf %logistic3A_181, %add3A_188 : vector<2048x64xf32>
    %mul3A_190 = arith.mulf %dot_general3A_175, %mul3A_189 : vector<2048x64xf32>
    %get3A_191 = arith.constant 0 : index
    %get3A_192 = arith.constant 0 : index
    %get3A_193 = vector.load %arg15[%get3A_191, %get3A_192] : memref<64x64xf32, #tpu.memory_space<vmem>>, vector<64x64xf32>
    %dot_general3A_194 = arith.constant dense<0.000000e+00> : vector<2048x64xf32>
    %dot_general3A_195 = tpu.matmul %mul3A_190, %get3A_193, %dot_general3A_194 {dimension_numbers = #tpu.dot_dimension_numbers<[1], [0], [0], [1], [0, 0, 1, 1], [], []>, transpose_lhs_hint = false} : vector<2048x64xf32>, vector<64x64xf32>, vector<2048x64xf32> -> vector<2048x64xf32>
    %logistic3A_196 = arith.negf %dot_general3A_158 : vector<2048x64xf32>
    %logistic3A_197 = math.exp %logistic3A_196 : vector<2048x64xf32>
    %logistic3A_198 = arith.constant 1.000000e+00 : f32
    %logistic3A_199 = vector.broadcast %logistic3A_198 : f32 to vector<2048x64xf32>
    %logistic3A_200 = arith.addf %logistic3A_199, %logistic3A_197 : vector<2048x64xf32>
    %logistic3A_201 = arith.divf %logistic3A_199, %logistic3A_200 : vector<2048x64xf32>
    %sub3A_202 = arith.constant 1.000000e+00 : f32
    %sub3A_203 = vector.broadcast %sub3A_202 : f32 to vector<2048x64xf32>
    %sub3A_204 = arith.subf %sub3A_203, %logistic3A_201 : vector<2048x64xf32>
    %mul3A_205 = arith.mulf %dot_general3A_158, %sub3A_204 : vector<2048x64xf32>
    %add3A_206 = arith.constant 1.000000e+00 : f32
    %add3A_207 = vector.broadcast %add3A_206 : f32 to vector<2048x64xf32>
    %add3A_208 = arith.addf %add3A_207, %mul3A_205 : vector<2048x64xf32>
    %mul3A_209 = arith.mulf %logistic3A_201, %add3A_208 : vector<2048x64xf32>
    %mul3A_210 = arith.mulf %dot_general3A_195, %mul3A_209 : vector<2048x64xf32>
    %get3A_211 = arith.constant 0 : index
    %get3A_212 = arith.constant 0 : index
    %get3A_213 = vector.load %arg16[%get3A_211, %get3A_212] : memref<64x64xf32, #tpu.memory_space<vmem>>, vector<64x64xf32>
    %dot_general3A_214 = arith.constant dense<0.000000e+00> : vector<2048x64xf32>
    %dot_general3A_215 = tpu.matmul %mul3A_210, %get3A_213, %dot_general3A_214 {dimension_numbers = #tpu.dot_dimension_numbers<[1], [0], [0], [1], [0, 0, 1, 1], [], []>, transpose_lhs_hint = false} : vector<2048x64xf32>, vector<64x64xf32>, vector<2048x64xf32> -> vector<2048x64xf32>
    %logistic3A_216 = arith.negf %dot_general3A_146 : vector<2048x64xf32>
    %logistic3A_217 = math.exp %logistic3A_216 : vector<2048x64xf32>
    %logistic3A_218 = arith.constant 1.000000e+00 : f32
    %logistic3A_219 = vector.broadcast %logistic3A_218 : f32 to vector<2048x64xf32>
    %logistic3A_220 = arith.addf %logistic3A_219, %logistic3A_217 : vector<2048x64xf32>
    %logistic3A_221 = arith.divf %logistic3A_219, %logistic3A_220 : vector<2048x64xf32>
    %sub3A_222 = arith.constant 1.000000e+00 : f32
    %sub3A_223 = vector.broadcast %sub3A_222 : f32 to vector<2048x64xf32>
    %sub3A_224 = arith.subf %sub3A_223, %logistic3A_221 : vector<2048x64xf32>
    %mul3A_225 = arith.mulf %dot_general3A_146, %sub3A_224 : vector<2048x64xf32>
    %add3A_226 = arith.constant 1.000000e+00 : f32
    %add3A_227 = vector.broadcast %add3A_226 : f32 to vector<2048x64xf32>
    %add3A_228 = arith.addf %add3A_227, %mul3A_225 : vector<2048x64xf32>
    %mul3A_229 = arith.mulf %logistic3A_221, %add3A_228 : vector<2048x64xf32>
    %mul3A_230 = arith.mulf %dot_general3A_215, %mul3A_229 : vector<2048x64xf32>
    %get3A_231 = arith.constant 0 : index
    %get3A_232 = arith.constant 0 : index
    %get3A_233 = vector.load %arg17[%get3A_231, %get3A_232] : memref<64x8xf32, #tpu.memory_space<vmem>>, vector<64x8xf32>
    %dot_general3A_234 = arith.constant dense<0.000000e+00> : vector<2048x8xf32>
    %dot_general3A_235 = tpu.matmul %mul3A_230, %get3A_233, %dot_general3A_234 {dimension_numbers = #tpu.dot_dimension_numbers<[1], [0], [0], [1], [0, 0, 1, 1], [], []>, transpose_lhs_hint = false} : vector<2048x64xf32>, vector<64x8xf32>, vector<2048x8xf32> -> vector<2048x8xf32>
    %add3A_236 = arith.addf %dot_general3A_138, %dot_general3A_235 : vector<2048x8xf32>
    %iota3A_237 = tpu.iota {dimensions = array<i32: 1>} : vector<1x8xi32>
    %convert_element_type3A_238 = arith.sitofp %iota3A_237 : vector<1x8xi32> to vector<1x8xf32>
    %add3A_239 = arith.constant 1.000000e+00 : f32
    %add3A_240 = vector.broadcast %add3A_239 : f32 to vector<1x8xf32>
    %add3A_241 = arith.addf %convert_element_type3A_238, %add3A_240 : vector<1x8xf32>
    %mul3A_242 = arith.constant 0.628318548 : f32
    %mul3A_243 = vector.broadcast %mul3A_242 : f32 to vector<1x8xf32>
    %mul3A_244 = arith.mulf %mul3A_243, %add3A_241 : vector<1x8xf32>
    %mul3A_245 = arith.constant 0.632455527 : f32
    %mul3A_246 = vector.broadcast %mul3A_245 : f32 to vector<2048x1xf32>
    %mul3A_247 = arith.mulf %mul3A_246, %div3A_4 : vector<2048x1xf32>
    %mul3A_248 = vector.broadcast %sqrt3A : vector<2048x1xf32> to vector<2048x8xf32>
    %mul3A_249 = vector.broadcast %mul3A_244 : vector<1x8xf32> to vector<2048x8xf32>
    %mul3A_250 = arith.mulf %mul3A_248, %mul3A_249 : vector<2048x8xf32>
    %cos3A = math.cos %mul3A_250 : vector<2048x8xf32>
    %mul3A_251 = vector.broadcast %mul3A_244 : vector<1x8xf32> to vector<2048x8xf32>
    %mul3A_252 = arith.mulf %mul3A_251, %cos3A : vector<2048x8xf32>
    %mul3A_253 = vector.broadcast %sqrt3A : vector<2048x1xf32> to vector<2048x8xf32>
    %mul3A_254 = vector.broadcast %mul3A_244 : vector<1x8xf32> to vector<2048x8xf32>
    %mul3A_255 = arith.mulf %mul3A_253, %mul3A_254 : vector<2048x8xf32>
    %sin3A_256 = math.sin %mul3A_255 : vector<2048x8xf32>
    %mul3A_257 = vector.broadcast %div3A_4 : vector<2048x1xf32> to vector<2048x8xf32>
    %mul3A_258 = arith.mulf %sin3A_256, %mul3A_257 : vector<2048x8xf32>
    %sub3A_259 = arith.subf %mul3A_252, %mul3A_258 : vector<2048x8xf32>
    %mul3A_260 = vector.broadcast %mul3A_247 : vector<2048x1xf32> to vector<2048x8xf32>
    %mul3A_261 = arith.mulf %mul3A_260, %sub3A_259 : vector<2048x8xf32>
    %mul3A_262 = arith.constant 2.000000e-01 : f32
    %mul3A_263 = vector.broadcast %mul3A_262 : f32 to vector<2048x1xf32>
    %mul3A_264 = arith.mulf %sqrt3A, %mul3A_263 : vector<2048x1xf32>
    %integer_pow3A_265 = arith.mulf %mul3A_264, %mul3A_264 : vector<2048x1xf32>
    %integer_pow3A_266 = arith.mulf %integer_pow3A_265, %integer_pow3A_265 : vector<2048x1xf32>
    %mul3A_267 = arith.constant -1.050000e+02 : f32
    %mul3A_268 = vector.broadcast %mul3A_267 : f32 to vector<2048x1xf32>
    %mul3A_269 = arith.mulf %mul3A_268, %integer_pow3A_266 : vector<2048x1xf32>
    %integer_pow3A_270 = arith.mulf %mul3A_264, %mul3A_264 : vector<2048x1xf32>
    %integer_pow3A_271 = arith.mulf %integer_pow3A_270, %integer_pow3A_270 : vector<2048x1xf32>
    %integer_pow3A_272 = arith.mulf %mul3A_264, %integer_pow3A_271 : vector<2048x1xf32>
    %mul3A_273 = arith.constant 2.100000e+02 : f32
    %mul3A_274 = vector.broadcast %mul3A_273 : f32 to vector<2048x1xf32>
    %mul3A_275 = arith.mulf %mul3A_274, %integer_pow3A_272 : vector<2048x1xf32>
    %add3A_276 = arith.addf %mul3A_269, %mul3A_275 : vector<2048x1xf32>
    %integer_pow3A_277 = arith.mulf %mul3A_264, %mul3A_264 : vector<2048x1xf32>
    %integer_pow3A_278 = arith.mulf %integer_pow3A_277, %integer_pow3A_277 : vector<2048x1xf32>
    %integer_pow3A_279 = arith.mulf %integer_pow3A_277, %integer_pow3A_278 : vector<2048x1xf32>
    %mul3A_280 = arith.constant 1.050000e+02 : f32
    %mul3A_281 = vector.broadcast %mul3A_280 : f32 to vector<2048x1xf32>
    %mul3A_282 = arith.mulf %mul3A_281, %integer_pow3A_279 : vector<2048x1xf32>
    %sub3A_283 = arith.subf %add3A_276, %mul3A_282 : vector<2048x1xf32>
    %mul3A_284 = arith.constant 2.000000e-01 : f32
    %mul3A_285 = vector.broadcast %mul3A_284 : f32 to vector<2048x1xf32>
    %mul3A_286 = arith.mulf %sub3A_283, %mul3A_285 : vector<2048x1xf32>
    %lt3A_287 = arith.constant 5.000000e+00 : f32
    %lt3A_288 = vector.broadcast %lt3A_287 : f32 to vector<2048x1xf32>
    %lt3A_289 = arith.cmpf olt, %sqrt3A, %lt3A_288 : vector<2048x1xf32>
    %jit3A_290 = arith.constant 0.000000e+00 : f32
    %broadcast_in_dim3A_291 = vector.broadcast %jit3A_290 : f32 to vector<2048x1xf32>
    %select_n3A_292 = arith.select %lt3A_289, %mul3A_286, %broadcast_in_dim3A_291 : vector<2048x1xi1>, vector<2048x1xf32>
    %mul3A_293 = vector.broadcast %select_n3A_292 : vector<2048x1xf32> to vector<2048x8xf32>
    %mul3A_294 = arith.mulf %mul3A_293, %mul3A_17 : vector<2048x8xf32>
    %mul3A_295 = vector.broadcast %select_n3A : vector<2048x1xf32> to vector<2048x8xf32>
    %mul3A_296 = arith.mulf %mul3A_295, %mul3A_261 : vector<2048x8xf32>
    %add3A_297 = arith.addf %mul3A_294, %mul3A_296 : vector<2048x8xf32>
    %mul3A_298 = arith.mulf %add3A_236, %add3A_297 : vector<2048x8xf32>
    %reduce_sum3A_299 = arith.constant dense<0.000000e+00> : vector<2048xf32>
    %reduce_sum3A_300 = vector.multi_reduction <add>, %mul3A_298, %reduce_sum3A_299 [1] : vector<2048x8xf32> to vector<2048xf32>
    %broadcast_in_dim3A_301 = vector.shape_cast %reduce_sum3A_300 : vector<2048xf32> to vector<2048x1xf32>
    %mul3A_302 = arith.mulf %broadcast_in_dim3A_301, %div3A_4 : vector<2048x1xf32>
    %mul3A_303 = vector.broadcast %mul3A_302 : vector<2048x1xf32> to vector<2048x3xf32>
    %mul3A_304 = arith.mulf %mul3A_303, %get3A_1 : vector<2048x3xf32>
    %broadcast_in_dim3A_305 = arith.constant 0.000000e+00 : f32
    %broadcast_in_dim3A_306 = vector.broadcast %broadcast_in_dim3A_305 : f32 to vector<2048x5xf32>
    %concatenate3A = tpu.concatenate %mul3A_304, %broadcast_in_dim3A_306 in 1 : vector<2048x3xf32>, vector<2048x5xf32> -> vector<2048x8xf32>
    %swap3A = arith.constant 0 : index
    %swap3A_307 = arith.constant 0 : index
    %swap3A_308 = vector.load %arg18[%swap3A, %swap3A_307] : memref<2048x8xf32, #tpu.memory_space<vmem>>, vector<2048x8xf32>
    tpu.vector_store %arg18[%swap3A, %swap3A_307], %concatenate3A {strides = array<i32>} : memref<2048x8xf32, #tpu.memory_space<vmem>>, vector<2048x8xf32>,
    %neg3A = arith.constant 0.000000e+00 : f32
    %neg3A_309 = vector.broadcast %neg3A : f32 to vector<2048x3xf32>
    %neg3A_310 = arith.subf %neg3A_309, %mul3A_304 : vector<2048x3xf32>
    %concatenate3A_311 = tpu.concatenate %neg3A_310, %broadcast_in_dim3A_306 in 1 : vector<2048x3xf32>, vector<2048x5xf32> -> vector<2048x8xf32>
    %swap3A_312 = arith.constant 0 : index
    %swap3A_313 = arith.constant 0 : index
    %swap3A_314 = vector.load %arg19[%swap3A_312, %swap3A_313] : memref<2048x8xf32, #tpu.memory_space<vmem>>, vector<2048x8xf32>
    tpu.vector_store %arg19[%swap3A_312, %swap3A_313], %concatenate3A_311 {strides = array<i32>} : memref<2048x8xf32, #tpu.memory_space<vmem>>, vector<2048x8xf32>,
    return
  }
  func.func @transform_0(%arg0: i32) -> (i32, i32) {
    %c0_i32 = arith.constant 0 : i32
    %c0_i32_0 = arith.constant 0 : i32
    return %arg0, %c0_i32 : i32, i32
  }
  func.func @transform_1(%arg0: i32) -> (i32, i32) {
    %c0_i32 = arith.constant 0 : i32
    %c0_i32_0 = arith.constant 0 : i32
    return %arg0, %c0_i32 : i32, i32
  }
  func.func @transform_2(%arg0: i32) -> (i32, i32) {
    %c0_i32 = arith.constant 0 : i32
    %c0_i32_0 = arith.constant 0 : i32
    return %arg0, %c0_i32 : i32, i32
  }
  func.func @transform_3(%arg0: i32) -> (i32, i32) {
    %c0_i32 = arith.constant 0 : i32
    %c0_i32_0 = arith.constant 0 : i32
    %c0_i32_1 = arith.constant 0 : i32
    return %c0_i32, %c0_i32_0 : i32, i32
  }
  func.func @transform_4(%arg0: i32) -> (i32, i32) {
    %c0_i32 = arith.constant 0 : i32
    %c0_i32_0 = arith.constant 0 : i32
    %c0_i32_1 = arith.constant 0 : i32
    return %c0_i32, %c0_i32_0 : i32, i32
  }
  func.func @transform_5(%arg0: i32) -> (i32, i32) {
    %c0_i32 = arith.constant 0 : i32
    %c0_i32_0 = arith.constant 0 : i32
    %c0_i32_1 = arith.constant 0 : i32
    return %c0_i32, %c0_i32_0 : i32, i32
  }
  func.func @transform_6(%arg0: i32) -> (i32, i32) {
    %c0_i32 = arith.constant 0 : i32
    %c0_i32_0 = arith.constant 0 : i32
    %c0_i32_1 = arith.constant 0 : i32
    return %c0_i32, %c0_i32_0 : i32, i32
  }
  func.func @transform_7(%arg0: i32) -> (i32, i32) {
    %c0_i32 = arith.constant 0 : i32
    %c0_i32_0 = arith.constant 0 : i32
    %c0_i32_1 = arith.constant 0 : i32
    return %c0_i32, %c0_i32_0 : i32, i32
  }
  func.func @transform_8(%arg0: i32) -> (i32, i32) {
    %c0_i32 = arith.constant 0 : i32
    %c0_i32_0 = arith.constant 0 : i32
    %c0_i32_1 = arith.constant 0 : i32
    return %c0_i32, %c0_i32_0 : i32, i32
  }
  func.func @transform_9(%arg0: i32) -> (i32, i32) {
    %c0_i32 = arith.constant 0 : i32
    %c0_i32_0 = arith.constant 0 : i32
    %c0_i32_1 = arith.constant 0 : i32
    return %c0_i32, %c0_i32_0 : i32, i32
  }
  func.func @transform_10(%arg0: i32) -> (i32, i32) {
    %c0_i32 = arith.constant 0 : i32
    %c0_i32_0 = arith.constant 0 : i32
    %c0_i32_1 = arith.constant 0 : i32
    return %c0_i32, %c0_i32_0 : i32, i32
  }
  func.func @transform_11(%arg0: i32) -> (i32, i32) {
    %c0_i32 = arith.constant 0 : i32
    %c0_i32_0 = arith.constant 0 : i32
    %c0_i32_1 = arith.constant 0 : i32
    return %c0_i32, %c0_i32_0 : i32, i32
  }
  func.func @transform_12(%arg0: i32) -> (i32, i32) {
    %c0_i32 = arith.constant 0 : i32
    %c0_i32_0 = arith.constant 0 : i32
    %c0_i32_1 = arith.constant 0 : i32
    return %c0_i32, %c0_i32_0 : i32, i32
  }
  func.func @transform_13(%arg0: i32) -> (i32, i32) {
    %c0_i32 = arith.constant 0 : i32
    %c0_i32_0 = arith.constant 0 : i32
    %c0_i32_1 = arith.constant 0 : i32
    return %c0_i32, %c0_i32_0 : i32, i32
  }
  func.func @transform_14(%arg0: i32) -> (i32, i32) {
    %c0_i32 = arith.constant 0 : i32
    %c0_i32_0 = arith.constant 0 : i32
    %c0_i32_1 = arith.constant 0 : i32
    return %c0_i32, %c0_i32_0 : i32, i32
  }
  func.func @transform_15(%arg0: i32) -> (i32, i32) {
    %c0_i32 = arith.constant 0 : i32
    %c0_i32_0 = arith.constant 0 : i32
    %c0_i32_1 = arith.constant 0 : i32
    return %c0_i32, %c0_i32_0 : i32, i32
  }
  func.func @transform_16(%arg0: i32) -> (i32, i32) {
    %c0_i32 = arith.constant 0 : i32
    %c0_i32_0 = arith.constant 0 : i32
    %c0_i32_1 = arith.constant 0 : i32
    return %c0_i32, %c0_i32_0 : i32, i32
  }
  func.func @transform_17(%arg0: i32) -> (i32, i32) {
    %c0_i32 = arith.constant 0 : i32
    %c0_i32_0 = arith.constant 0 : i32
    return %arg0, %c0_i32 : i32, i32
  }
  func.func @transform_18(%arg0: i32) -> (i32, i32) {
    %c0_i32 = arith.constant 0 : i32
    %c0_i32_0 = arith.constant 0 : i32
    return %arg0, %c0_i32 : i32, i32
  }
}

</mosaic_0001>

<sc_bundles>
// kernel: kernel.13.cloned.1.call-start
scs
__scs_entry_jumppad:
0x0: {  	(pc) =	sbr.rel $0x88, $3  }
0x1: {  	(tag) =	ssettag $0x0;
	lr =	simm.s32 $0x1  }
0x2: {  	[smem:$0x3F85] =	sst lr;
	_ =	strace $0xD0000000  }
0x3: {  	_ = 	snop  }
0x4: {  	_ = 	snop  }
0x5: {  	_ = 	snop  }
0x6: {  	_ = 	snop  }
0x7: {  	_ = 	snop  }
__scs_overlays_trampoline_lowered:
0x8: {  	[smem:$0x3F94] =	sst s0  }
0x9: {  	[smem:$0x3F95] =	sst s1  }
0xa: {  	[smem:$0x3F96] =	sst s2  }
0xb: {  	[smem:$0x3F97] =	sst s3  }
0xc: {  	[smem:$0x3F98] =	sst s4  }
0xd: {  	[smem:$0x3F99] =	sst s5  }
0xe: {  	[smem:$0x3F9A] =	sst s6  }
0xf: {  	[smem:$0x3F9B] =	sst s7  }
0x10: {  	[smem:$0x3F9C] =	sst s8  }
0x11: {  	[smem:$0x3F9D] =	sst s9;
	s0 =	simm.s32 @!p0 $0x0  }
0x12: {  	s1 =	sld [smem:$0x3F83];
	s0 =	simm.s32 @p0 $0x1  }
0x13: {  	[smem:$0x3F9E] =	sst s0;
	s0 =	simm.s32 @!p1 $0x0  }
0x14: {  	s2 =	sld [smem:$0x3F82];
	s0 =	simm.s32 @p1 $0x1  }
0x15: {  	[smem:$0x3F9F] =	sst s0;
	s0 =	simm.s32 @!p2 $0x0  }
0x16: {  	s3 =	sld [smem:$0x3FDB];
	s0 =	simm.s32 @p2 $0x1  }
0x17: {  	s4 =	simm.s32 $0x1BF5;
	[smem:$0x3FA1] =	sst s0  }
0x18: {  	s0 =	sld [smem:$0x3F84];
	_ =	swait.ge [sflag:s4], $0x0  }
0x19: {  	s7 =	sld [smem:$0x3F85]  }
0x1a: {  	s8 =	sadd.s32 $0xFFFFE003, lr  }
0x1b: {  	s9 =	sadd.s32 $0xFFFFFEF7, lr;
	s5 =	simm.s32 $0xFFFFFFFF;
	p2 =	slt.u32 s8, $0xFFFFF086  }
0x1c: {  	p1 =	slt.u32 s9, $0xF7A;
	s5 =	simm.s32 @!p2 $0x0  }
0x1d: {  	s5 =	simm.s32 @p1 $0x1;
	p0 =	seq.s32 s7, s2  }
0x1e: {  	s7 =	smul.u32 @!p0 $0xF7A, s2;
	p2 =	seq.s32 @!p0 s5, $0x0  }
0x1f: {  	s9 =	smul.u32 $0xF7A, s1;
	s8 =	simm.s32 @!p0 $0x1BF5;
	p2 =	por !p2, p0  }
0x20: {  	[sflag:s8] =	ssyncset.s32 @!p0 $0xFFFFF086;
	s6 =	sadd.s32 @!p0 s3, s7;
	s7 =	simm.s32 @!p0 $0x108  }
0x21: {  	s3 =	sadd.s32 s3, s9;
	s6 =	sadd.s32 @!p0 $0x88, s6;
	s7 =	simm.s32 @p2 $0x1082  }
0x22: {  	[simem:s7], [sflag:s8] =	dma.local @!p0 [hbm:s6], $0xF7A  }
0x23: {  	s9 =	sor.u32 $0xD0000000, s2;
	s6 =	simm.s32 $0x108;
	_ =	swait.ge @!p0 [sflag:s8], $0x0  }
0x24: {  	s3 =	sadd.s32 $0x88, s3;
	s6 =	simm.s32 @!p1 $0x1082;
	[sflag:s4] =	ssyncset.s32 $0xFFFFF086  }
0x25: {  	[simem:s6], [sflag:s4] =	dma.local [hbm:s3], $0xF7A  }
0x26: {  	[smem:$0x3F85] =	sst s1;
	(tag) =	ssettag s2;
	_ =	strace s9  }
0x27: {  	s1 =	sld [smem:$0x3F95]  }
0x28: {  	s2 =	sld [smem:$0x3F96]  }
0x29: {  	s4 =	sld [smem:$0x3F98]  }
0x2a: {  	p0 =	seq.s32 s5, $0x0;
	s5 =	sld [smem:$0x3F99]  }
0x2b: {  	s6 =	sld [smem:$0x3F9A]  }
0x2c: {  	s7 =	sld [smem:$0x3F9B]  }
0x2d: {  	s3 =	simm.s32 $0x108;
	s8 =	sld [smem:$0x3F9C]  }
0x2e: {  	s3 =	simm.s32 @!p0 $0x1082;
	s9 =	sld [smem:$0x3F9D]  }
0x2f: {  	lr =	sadd.s32 s0, s3;
	s0 =	sld [smem:$0x3F94]  }
0x30: {  	s3 =	sld [smem:$0x3F97]  }
0x31: {  	[smem:$0x3FA0] =	sst s10  }
0x32: {  	s10 =	sld [smem:$0x3F9E];
	_ =	sdelay $0x3  }
0x33: {  	p0 =	seq.s32 s10, $0x1;
	s10 =	sld [smem:$0x3FA0];
	_ =	sdelay $0x3  }
0x34: {  	[smem:$0x3FA0] =	sst s10  }
0x35: {  	s10 =	sld [smem:$0x3F9F];
	_ =	sdelay $0x3  }
0x36: {  	p1 =	seq.s32 s10, $0x1;
	s10 =	sld [smem:$0x3FA0];
	_ =	sdelay $0x3  }
0x37: {  	[smem:$0x3FA0] =	sst s10  }
0x38: {  	s10 =	sld [smem:$0x3FA1]  }
0x39: {  	_ = 	snop;
	(pc) =	sbr.ind lr, $3  }
0x3a: {  	_ = 	snop  }
0x3b: {  	_ = 	snop  }
0x3c: {  	p2 =	seq.s32 s10, $0x1;
	s10 =	sld [smem:$0x3FA0]  }
0x3d: {  	_ =	shalt  }
0x3e: {  	_ =	shalt  }
0x3f: {  	_ =	shalt  }
0x40: {  	_ =	shalt  }
0x41: {  	_ =	shalt  }
0x42: {  	_ =	shalt  }
0x43: {  	_ =	shalt  }
0x44: {  	_ =	shalt  }
0x45: {  	_ =	shalt  }
0x46: {  	_ =	shalt  }
0x47: {  	_ =	shalt  }
0x48: {  	_ =	shalt  }
0x49: {  	_ =	shalt  }
0x4a: {  	_ =	shalt  }
0x4b: {  	_ =	shalt  }
0x4c: {  	_ =	shalt  }
0x4d: {  	_ =	shalt  }
0x4e: {  	_ =	shalt  }
0x4f: {  	_ =	shalt  }
0x50: {  	_ =	shalt  }
0x51: {  	_ =	shalt  }
0x52: {  	_ =	shalt  }
0x53: {  	_ =	shalt  }
0x54: {  	_ =	shalt  }
0x55: {  	_ =	shalt  }
0x56: {  	_ =	shalt  }
0x57: {  	_ =	shalt  }
0x58: {  	_ =	shalt  }
0x59: {  	_ =	shalt  }
0x5a: {  	_ =	shalt  }
0x5b: {  	_ =	shalt  }
0x5c: {  	_ =	shalt  }
0x5d: {  	_ =	shalt  }
0x5e: {  	_ =	shalt  }
0x5f: {  	_ =	shalt  }
0x60: {  	_ =	shalt  }
0x61: {  	_ =	shalt  }
0x62: {  	_ =	shalt  }
0x63: {  	_ =	shalt  }
0x64: {  	_ =	shalt  }
0x65: {  	_ =	shalt  }
0x66: {  	_ =	shalt  }
0x67: {  	_ =	shalt  }
0x68: {  	_ =	shalt  }
0x69: {  	_ =	shalt  }
0x6a: {  	_ =	shalt  }
0x6b: {  	_ =	shalt  }
0x6c: {  	_ =	shalt  }
0x6d: {  	_ =	shalt  }
0x6e: {  	_ =	shalt  }
0x6f: {  	_ =	shalt  }
0x70: {  	_ =	shalt  }
0x71: {  	_ =	shalt  }
0x72: {  	_ =	shalt  }
0x73: {  	_ =	shalt  }
0x74: {  	_ =	shalt  }
0x75: {  	_ =	shalt  }
0x76: {  	_ =	shalt  }
0x77: {  	_ =	shalt  }
0x78: {  	_ =	shalt  }
0x79: {  	_ =	shalt  }
0x7a: {  	_ =	shalt  }
0x7b: {  	_ =	shalt  }
0x7c: {  	_ =	shalt  }
0x7d: {  	_ =	shalt  }
0x7e: {  	_ =	shalt  }
0x7f: {  	_ =	shalt  }
0x80: {  	_ =	shalt  }
0x81: {  	_ =	shalt  }
0x82: {  	_ =	shalt  }
0x83: {  	_ =	shalt  }
0x84: {  	_ =	shalt  }
0x85: {  	_ =	shalt  }
0x86: {  	_ =	shalt  }
0x87: {  	_ =	shalt  }
.Lfunc_end0:
.L_simem_size_0:
called_computation_lowered:
.L_overlay_start_0:
0x88: {  	s2 =	sld [smem:$0x3FD9]  }
0x89: {  	s3 =	sld [smem:$0x3FFE];
	_ =	sdelay $0x1  }
0x8a: {  	s1 =	srdreg.scid  }
0x8b: {  	s0 =	sand.u32 $0x1, s1  }
0x8c: {  	s16 =	sshll.u32 s0, $0xA;
	s2 =	sadd.s32 s3, s2  }
0x8d: {  	s2 =	sadd.s32 s2, s16  }
0x8e: {  	[smem:$0x3FAC] =	sst s2  }
0x8f: {  	_ = 	snop  }
0x90: {  	(tm) =	ssettm $0x1  }
0x91: {  	s17 =	sld [smem:$0x3FFB];
	_ =	sdelay $0x3  }
0x92: {  	_ =	strace s17  }
0x93: {  	s2 =	sld [smem:$0x3FFC];
	_ =	sdelay $0x3  }
0x94: {  	_ =	strace s2  }
0x95: {  	s2 =	sld [smem:$0x3FFD];
	_ =	sdelay $0x3  }
0x96: {  	_ =	strace s2  }
0x97: {  	_ =	strace $0x8FFFFFFF  }
0x98: {  	s18 =	sld [smem:$0x3FDB];
	_ =	sdelay $0x1  }
0x99: {  	s19 =	simm.s32 $_scs_section_size  }
0x9a: {  	s4 =	simm.s32 $_size__tile_overlayer_lowered;
	s5 =	simm.s32 $_tile_overlayer_lowered  }
0x9b: {  	s22 =	simm.s32 $0x1BFF;
	s21 =	sshll.u32 s5, $0x1;
	s2 =	sadd.s32 s19, s18  }
0x9c: {  	s6 =	simm.s32 $0x0;
	s20 =	sshll.u32 s4, $0x1;
	s4 =	sadd.s32 s21, s2  }
0x9d: {  	[timem:s6], [sflag:s22] =	dma.local [hbm:s4], s20  }
0x9e: {  	_ =	swait.ge [sflag:s22], s20  }
0x9f: {  	s3 =	ssub.s32 $0x0, s20;
	[sflag:s22] =	ssyncset.done $0x0  }
0xa0: {  	[sflag:s22] =	ssyncadd.s32 s3;
	_ =	sdelay $0x1  }
0xa1: {  	s23 =	simm.s32 $0x1B8B  }
0xa2: {  	_ =	swait.ge [sflag:s23], $0x1  }
0xa3: {  	[sflag:s23] =	ssyncset.done $0x0  }
0xa4: {  	s25 =	simm.s32 $0x1B8E;
	s24 =	sld [smem:$0x3FFE];
	[sflag:s23] =	ssyncadd.s32 $0xFFFFFFFF  }
0xa5: {  	s26 =	simm.s32 $execute0_lowered;
	[smem:$0x3FD2] =	sst s25  }
0xa6: {  	s4 =	sshll.u32 s26, $0x1;
	_ =	strace $0x80000046;
	[dreg:$0x1] =	wrdreg $0xFFFFFFFF  }
0xa7: {  	s28 =	simm.s32 $_size_execute0_lowered;
	s2 =	sadd.s32 s2, s4;
	[dreg:$0x0] =	wrdreg $0x0  }
0xa8: {  	s4 =	sshll.u32 s28, $0x1;
	[dreg:$0x2] =	wrdreg s2  }
0xa9: {  	[dreg:$0x3] =	wrdreg s4  }
0xaa: {  	[dreg:$0x4] =	wrdreg $0xC0  }
0xab: {  	_ =	task [dreg:s6], $0x5FFFF  }
0xac: {  	[dreg:$0x1] =	wrdreg $0xFFFFFFFF  }
0xad: {  	[dreg:$0x0] =	wrdreg $0x60  }
0xae: {  	[dreg:$0x2] =	wrdreg s24  }
0xaf: {  	[dreg:$0x3] =	wrdreg $0xC6000  }
0xb0: {  	[dreg:$0x4] =	wrdreg $0x9  }
0xb1: {  	_ =	task.clear_ibuf [dreg:s6], $0x5FFFF;
	_ =	strace $0x90000046  }
0xb2: {  	s29 =	simm.s32 $0x9;
	_ =	strace $0x80000048  }
0xb3: {  	_ =	swait.ge [sflag:s29], $0x1  }
0xb4: {  	[sflag:s29] =	ssyncadd.s32 $0xFFFFFFFF  }
0xb5: {  	_ =	strace $0x90000048  }
0xb6: {  	_ =	sfence  }
0xb7: {  	s30 =	sld [smem:$0x0];
	_ =	sdelay $0x2  }
0xb8: {  	s31 =	sshll.u32 s1, $0xD;
	s1 =	sshrl.u32 s1, $0x2  }
0xb9: {  	s3 =	sand.u32 $0x4000, s31;
	s1 =	sadd.s32 s1, s30  }
0xba: {  	s0 =	sor.u32 s3, s0;
	s1 =	sshll.u32 s1, $0x11  }
0xbb: {  	s0 =	sor.u32 s1, s0  }
0xbc: {  	s0 =	sadd.s32 $0x8F2B, s0  }
0xbd: {  	[sflag:s0] =	ssyncadd.remote.s32 $0x1  }
0xbe: {  	_ =	sfence.sel $0xFFFF  }
0xbf: {  	[dreg:$0x0] =	wrdreg $0xFFFFFFFF;
	(pc) =	sbr.abs _section_cstart, $3  }
0xc0: {  	[dreg:$0x1] =	wrdreg $0xFFFFFFFF  }
0xc1: {  	_ =	task.clear_ibuf [dreg:s6], $0x2FFFF;
	_ =	strace $0x9FFFFFFF  }
0xc2: {  	(tm) =	ssettm $0x7FFFFFFF  }
0xc3: {  	_ =	shalt  }
tec
execute0_lowered:
.L_overlay_start_1:
0x0: {  	(tag) =	ssettag $0x1  }
0x1: {  	s0 =	rddreg [dreg:$0x0]  }
0x2: {  	s1 =	rddreg [dreg:$0x1]  }
0x3: {  	s3 =	srdreg.scid;
	s6 =	stileid.u32  }
0x4: {  	s2 =	simm.s32 $0x0;
	s16 =	simm.s32 $0x5;
	s18 =	simm.s32 $0x7800  }
0x5: {  	s19 =	simm.s32 $0x80;
	s20 =	simm.s32 $0x3800;
	s21 =	simm.s32 $0x2800  }
0x6: {  	s22 =	simm.s32 $0x5800;
	s28 =	simm.s32 $0x3;
	s29 =	simm.s32 $0x4  }
0x7: {  	s30 =	simm.s32 $0x0;
	s7 =	sand.u32 $0x1, s3;
	s23 =	sshll.u32 s6, $0x1  }
0x8: {  	[smem:$0x7FF] =	sst s2;
	s10 =	smul.u32 $0x4E00, s6;
	s3 =	sadd.s32 $0x789000, s0  }
0x9: {  	s4 =	sadd.s32 $0x2B0200, s0;
	s13 =	sadd.s32 $0x2CDE00, s0;
	p0 =	sne.s32 s6, $0x0  }
0xa: {  	s8 =	sor.u32 s7, s23;
	_ =	strace $0x80000047;
	s11 =	ssub.s32 $0x2, s7  }
0xb: {  	s7 =	smul.u32 $0x4E200, s7;
	s23 =	simm.s32 $0x4800;
	s9 =	sshrl.u32 s10, $0x3  }
0xc: {  	s5 =	smul.u32 $0x280, s8;
	s24 =	sshrl.u32 s11, $0x1;
	s9 =	sadd.s32 s9, s0  }
0xd: {  	s15 =	ssub.s32 s11, s24;
	s11 =	sadd.s32 $0x4E000, s1;
	s31 =	sadd.s32 s10, s7  }
0xe: {  	s7 =	sshrl.u32 s7, $0x3;
	s24 =	simm.s32 $0x1;
	s12 =	sadd.s32 s5, s0  }
0xf: {  	s5 =	smul.u32 $0x1400, s8;
	s9 =	sadd.s32 $0x2C4000, s9;
	s0 =	sadd.s32 $0x2CDC00, s0  }
0x10: {  	s7 =	sadd.s32 s13, s7;
	s15 =	smax.u32 s15, $0x1;
	[dreg:$0x5] =	wrdreg s9  }
0x11: {  	s25 =	sadd.s32 $0x2BA000, s12;
	s26 =	sadd.s32 $0x2BF000, s12;
	[dreg:$0x6] =	wrdreg s0  }
0x12: {  	s9 =	sadd.s32 s10, s1;
	s12 =	smul.u32 $0x28000, s8;
	[dreg:$0x3] =	wrdreg s25  }
0x13: {  	s0 =	sshrl.u32 s31, $0x3;
	s14 =	sadd.s32 $0x9C00, s7;
	[dreg:$0x4] =	wrdreg s26  }
0x14: {  	s13 =	sadd.s32 s13, s0;
	s25 =	simm.s32 $0x2;
	s26 =	simm.s32 $0x6800  }
.LBB2_1:
0x15: {  	s0 =	rddreg [dreg:$0x3]  }
0x16: {  	[tilespmem:s2], [sflag:$0x5] =	stream.linear.gather [hbm4b:s0+s2], $0x1400, $0x38;
	[tilespmem:$0x11420] =	vst v63  }
0x17: {  	_ =	swait.ge [sflag:s16], $0x1400  }
0x18: {  	[sflag:s16] =	ssyncset.done $0x0  }
0x19: {  	s6 =	simm.s32 $0x1400;
	s10 =	rddreg [dreg:$0x4];
	[sflag:s16] =	ssyncadd.s32 $0xFFFFEC00  }
0x1a: {  	[tilespmem:s6], [sflag:$0x5] =	stream.linear.gather [hbm4b:s10+s2], $0x1400, $0x38;
	[tilespmem:$0x11420] =	vst v63  }
0x1b: {  	_ =	swait.ge [sflag:s16], $0x1400  }
0x1c: {  	[sflag:s16] =	ssyncset.done $0x0  }
0x1d: {  	s17 =	rddreg [dreg:$0x5];
	[sflag:s16] =	ssyncadd.s32 $0xFFFFEC00  }
0x1e: {  	[tilespmem:s18], [sflag:$0x5] =	stream.linear.gather [hbm4b:s17+s2], $0x4E00, $0x38;
	[tilespmem:$0x11420] =	vst v63  }
0x1f: {  	_ =	swait.ge [sflag:s16], $0x4E00  }
0x20: {  	[sflag:s16] =	ssyncset.done $0x0  }
0x21: {  	[sflag:s16] =	ssyncadd.s32 $0xFFFFB200  }
0x22: {  	[spmem:s9] =	stream.linear.scatter [tilespmem:s18], [sflag:$0x5], $0x4E00, $0x38;
	[tilespmem:$0x11420] =	vst v63  }
0x23: {  	_ =	swait.ge [sflag:s16], $0x4E00  }
0x24: {  	s0 =	simm.s32 @!p0 $0x0;
	[sflag:s16] =	ssyncset.done $0x0  }
0x25: {  	s6 =	simm.s32 @!p0 $0x7800;
	s7 =	rddreg [dreg:$0x6];
	[sflag:s16] =	ssyncadd.s32 $0xFFFFB200  }
0x26: {  	[tilespmem:s6], [sflag:$0x5] =	stream.linear.gather @!p0 [hbm4b:s7+s0], $0x200, $0x38;
	[tilespmem:$0x11420] =	vst v63  }
0x27: {  	s0 =	simm.s32 @!p0 $0x5  }
0x28: {  	_ =	swait.ge @!p0 [sflag:s0], $0x200  }
0x29: {  	[sflag:s0] =	ssyncset.done @!p0 $0x0  }
0x2a: {  	[sflag:s0] =	ssyncadd.s32 @!p0 $0xFFFFFE00  }
0x2b: {  	[spmem:s11] =	stream.linear.scatter @!p0 [tilespmem:s6], [sflag:$0x5], $0x200, $0x38;
	[tilespmem:$0x11420] =	vst v63  }
0x2c: {  	_ =	swait.ge @!p0 [sflag:s0], $0x200  }
0x2d: {  	[sflag:s0] =	ssyncset.done @!p0 $0x0  }
0x2e: {  	[sflag:s0] =	ssyncadd.s32 @!p0 $0xFFFFFE00  }
0x2f: {  	s31 =	simm.s32 $0x0;
	[bflag:$0x0] =	sbarrier.arrive $0xFFFF  }
.LBB2_2:
0x30: {  	s17 =	sshll.u32 s31, $0x8;
	s0 =	sshll.u32 s31, $0xD  }
0x31: {  	[tilespmem:s20], [sflag:$0x1] =	stream.indirect.gather [hbm4b:s4+s19], $0x20, s17, s19, $0xb8;
	[tilespmem:$0x11420] =	vst v63  }
0x32: {  	s0 =	sadd.s32 s12, s0  }
0x33: {  	s0 =	sshrl.u32 s0, $0x3  }
0x34: {  	s0 =	sadd.s32 s3, s0  }
0x35: {  	[tilespmem:s21], [sflag:$0x2] =	stream.linear.gather [hbm4b:s0+s2], $0x1000, $0x38;
	[tilespmem:$0x11420] =	vst v63  }
0x36: {  	s0 =	sor.u32 $0x80, s17  }
0x37: {  	s6 =	sadd.s32 s5, s0  }
0x38: {  	[tilespmem:s22], [sflag:$0x3] =	stream.indirect.gather [hbm4b:s4+s19], $0x20, s0, s19, $0xb8;
	[tilespmem:$0x11420] =	vst v63  }
0x39: {  	s6 =	sshll.u32 s6, $0x2  }
0x3a: {  	s6 =	sand.u32 $0x1FFFFE00, s6  }
0x3b: {  	s6 =	sadd.s32 s3, s6  }
0x3c: {  	[tilespmem:s23], [sflag:$0x4] =	stream.linear.gather [hbm4b:s6+s2], $0x1000, $0x38;
	[tilespmem:$0x11420] =	vst v63  }
0x3d: {  	_ =	swait.ge [sflag:s24], $0x1000  }
0x3e: {  	[sflag:s24] =	ssyncset.done $0x0  }
0x3f: {  	[sflag:s24] =	ssyncadd.s32 $0xFFFFF000  }
0x40: {  	_ =	swait.ge [sflag:s25], $0x1000  }
0x41: {  	[sflag:s25] =	ssyncset.done $0x0  }
0x42: {  	s10 =	simm.s32 $0x2840;
	[sflag:s25] =	ssyncadd.s32 $0xFFFFF000  }
0x43: {  	s6 =	simm.s32 $0x3840;
	v1 =	vld [tilespmem:s10+$0x30]  }
0x44: {  	v2 =	vld [tilespmem:s6+$0x30]  }
0x45: {  	v0 =	vld [tilespmem:s6+$0xFFFFFFC0]  }
0x46: {  	v3 =	vld [tilespmem:s10+$0xFFFFFFD0]  }
0x47: {  	v4 =	vld [tilespmem:s6+$0xFFFFFFD0]  }
0x48: {  	v5 =	vld [tilespmem:s10+$0xFFFFFFE0]  }
0x49: {  	v6 =	vld [tilespmem:s6+$0xFFFFFFE0]  }
0x4a: {  	v7 =	vld [tilespmem:s10+$0xFFFFFFF0]  }
0x4b: {  	v8 =	vld [tilespmem:s6+$0xFFFFFFF0]  }
0x4c: {  	v9 =	vld [tilespmem:s10+$0x0]  }
0x4d: {  	v10 =	vld [tilespmem:s6+$0x0];
	v2 =	vmul.f32 v2, v1  }
0x4e: {  	s7 =	simm.s32 $0x6840;
	v4 =	vmul.f32 v4, v3;
	v1 =	vld [tilespmem:s10+$0x10]  }
0x4f: {  	v5 =	vmul.f32 v6, v5;
	v3 =	vld [tilespmem:s6+$0x10];
	[tilespmem:s7+$0x30] =	vst v2  }
0x50: {  	v6 =	vmul.f32 v8, v7;
	[tilespmem:s7+$0xFFFFFFD0] =	vst v4;
	v2 =	vld [tilespmem:s10+$0x20]  }
0x51: {  	[tilespmem:s7+$0xFFFFFFE0] =	vst v5;
	v5 =	vld [tilespmem:s6+$0x20]  }
0x52: {  	s8 =	simm.s32 $0x0;
	v4 =	vld [tilespmem:s10+$0xFFFFFFC0];
	[tilespmem:s7+$0xFFFFFFF0] =	vst v6;
	v6 =	vmul.f32 v10, v9;
	s10 =	simm.s32 $0x28C0  }
.LBB2_3:
0x53: {  	v7 =	vld [tilespmem:s10+$0x30];
	s6 =	sadd.s32 $0x80, s6  }
0x54: {  	s8 =	sadd.s32 $0x8, s8;
	v8 =	vld [tilespmem:s6+$0x30];
	[tilespmem:s7+$0x0] =	vst v6;
	v1 =	vmul.f32 v3, v1  }
0x55: {  	p1 =	slt.u32 s8, $0xF8;
	v3 =	vld [tilespmem:s6+$0xFFFFFFC0]  }
0x56: {  	v6 =	vld [tilespmem:s10+$0xFFFFFFD0];
	[tilespmem:s7+$0x10] =	vst v1;
	v1 =	vmul.f32 v5, v2  }
0x57: {  	v2 =	vld [tilespmem:s6+$0xFFFFFFD0];
	v9 =	vmul.f32 v0, v4  }
0x58: {  	v4 =	vld [tilespmem:s10+$0xFFFFFFE0];
	[tilespmem:s7+$0x20] =	vst v1  }
0x59: {  	v1 =	vld [tilespmem:s6+$0xFFFFFFE0];
	v5 =	vmul.f32 v8, v7;
	[tilespmem:s7+$0xFFFFFFC0] =	vst v9  }
0x5a: {  	s7 =	sadd.s32 $0x80, s7;
	v7 =	vld [tilespmem:s10+$0xFFFFFFF0];
	v0 =	vmov v3  }
0x5b: {  	v8 =	vld [tilespmem:s6+$0xFFFFFFF0];
	[tilespmem:s7+$0x30] =	vst v5  }
0x5c: {  	v2 =	vmul.f32 v2, v6;
	v6 =	vld [tilespmem:s10+$0x0]  }
0x5d: {  	v9 =	vld [tilespmem:s6+$0x0]  }
.Ltmp0:
0x5e: {  	[tilespmem:s7+$0xFFFFFFD0] =	vst v2;
	v2 =	vmul.f32 v1, v4;
	v1 =	vld [tilespmem:s10+$0x10];
	(pc) =	sbr.rel @p1 .LBB2_3-.Ltmp0, $4  }
0x5f: {  	v3 =	vld [tilespmem:s6+$0x10]  }
0x60: {  	[tilespmem:s7+$0xFFFFFFE0] =	vst v2;
	v7 =	vmul.f32 v8, v7;
	v2 =	vld [tilespmem:s10+$0x20]  }
0x61: {  	v5 =	vld [tilespmem:s6+$0x20]  }
0x62: {  	v4 =	vld [tilespmem:s10+$0xFFFFFFC0];
	[tilespmem:s7+$0xFFFFFFF0] =	vst v7;
	v6 =	vmul.f32 v9, v6;
	s10 =	sadd.s32 $0x80, s10  }
0x63: {  	_ =	sdelay $0x1  }
0x64: {  	v1 =	vmul.f32 v3, v1  }
0x65: {  	[tilespmem:s7+$0x0] =	vst v6;
	v2 =	vmul.f32 v5, v2  }
0x66: {  	[tilespmem:s7+$0x10] =	vst v1;
	v0 =	vmul.f32 v0, v4  }
0x67: {  	[tilespmem:s7+$0x20] =	vst v2  }
0x68: {  	s6 =	sadd.s32 $0x1400, s17;
	[tilespmem:s7+$0xFFFFFFC0] =	vst v0  }
0x69: {  	[spmem:s1] =	stream.indirect.scatter.add.f32 [tilespmem:s26], [sflag:$0x5], $0x20, s6, s19, $0xb8;
	[tilespmem:$0x11420] =	vst v63  }
0x6a: {  	_ =	swait.ge [sflag:s16], $0x1000  }
0x6b: {  	[sflag:s16] =	ssyncset.done $0x0  }
0x6c: {  	[sflag:s16] =	ssyncadd.s32 $0xFFFFF000  }
0x6d: {  	_ =	swait.ge [sflag:s28], $0x1000  }
0x6e: {  	[sflag:s28] =	ssyncset.done $0x0  }
0x6f: {  	[sflag:s28] =	ssyncadd.s32 $0xFFFFF000  }
0x70: {  	_ =	swait.ge [sflag:s29], $0x1000  }
0x71: {  	[sflag:s29] =	ssyncset.done $0x0  }
0x72: {  	s10 =	simm.s32 $0x4840;
	[sflag:s29] =	ssyncadd.s32 $0xFFFFF000  }
0x73: {  	s6 =	simm.s32 $0x5840;
	v1 =	vld [tilespmem:s10+$0x30]  }
0x74: {  	v2 =	vld [tilespmem:s6+$0x30]  }
0x75: {  	v0 =	vld [tilespmem:s6+$0xFFFFFFC0]  }
0x76: {  	v3 =	vld [tilespmem:s10+$0xFFFFFFD0]  }
0x77: {  	v4 =	vld [tilespmem:s6+$0xFFFFFFD0]  }
0x78: {  	v5 =	vld [tilespmem:s10+$0xFFFFFFE0]  }
0x79: {  	v6 =	vld [tilespmem:s6+$0xFFFFFFE0]  }
0x7a: {  	v7 =	vld [tilespmem:s10+$0xFFFFFFF0]  }
0x7b: {  	v8 =	vld [tilespmem:s6+$0xFFFFFFF0]  }
0x7c: {  	v9 =	vld [tilespmem:s10+$0x0]  }
0x7d: {  	v10 =	vld [tilespmem:s6+$0x0];
	v2 =	vmul.f32 v2, v1  }
0x7e: {  	s7 =	simm.s32 $0x6840;
	v4 =	vmul.f32 v4, v3;
	v1 =	vld [tilespmem:s10+$0x10]  }
0x7f: {  	v5 =	vmul.f32 v6, v5;
	v3 =	vld [tilespmem:s6+$0x10];
	[tilespmem:s7+$0x30] =	vst v2  }
0x80: {  	v6 =	vmul.f32 v8, v7;
	[tilespmem:s7+$0xFFFFFFD0] =	vst v4;
	v2 =	vld [tilespmem:s10+$0x20]  }
0x81: {  	[tilespmem:s7+$0xFFFFFFE0] =	vst v5;
	v5 =	vld [tilespmem:s6+$0x20]  }
0x82: {  	s8 =	simm.s32 $0x0;
	v4 =	vld [tilespmem:s10+$0xFFFFFFC0];
	[tilespmem:s7+$0xFFFFFFF0] =	vst v6;
	v6 =	vmul.f32 v10, v9;
	s10 =	simm.s32 $0x48C0  }
.LBB2_5:
0x83: {  	v7 =	vld [tilespmem:s10+$0x30];
	s6 =	sadd.s32 $0x80, s6  }
0x84: {  	s8 =	sadd.s32 $0x8, s8;
	v8 =	vld [tilespmem:s6+$0x30];
	[tilespmem:s7+$0x0] =	vst v6;
	v1 =	vmul.f32 v3, v1  }
0x85: {  	p1 =	slt.u32 s8, $0xF8;
	v3 =	vld [tilespmem:s6+$0xFFFFFFC0]  }
0x86: {  	v6 =	vld [tilespmem:s10+$0xFFFFFFD0];
	[tilespmem:s7+$0x10] =	vst v1;
	v1 =	vmul.f32 v5, v2  }
0x87: {  	v2 =	vld [tilespmem:s6+$0xFFFFFFD0];
	v9 =	vmul.f32 v0, v4  }
0x88: {  	v4 =	vld [tilespmem:s10+$0xFFFFFFE0];
	[tilespmem:s7+$0x20] =	vst v1  }
0x89: {  	v1 =	vld [tilespmem:s6+$0xFFFFFFE0];
	v5 =	vmul.f32 v8, v7;
	[tilespmem:s7+$0xFFFFFFC0] =	vst v9  }
0x8a: {  	s7 =	sadd.s32 $0x80, s7;
	v7 =	vld [tilespmem:s10+$0xFFFFFFF0];
	v0 =	vmov v3  }
0x8b: {  	v8 =	vld [tilespmem:s6+$0xFFFFFFF0];
	[tilespmem:s7+$0x30] =	vst v5  }
0x8c: {  	v2 =	vmul.f32 v2, v6;
	v6 =	vld [tilespmem:s10+$0x0]  }
0x8d: {  	v9 =	vld [tilespmem:s6+$0x0]  }
.Ltmp1:
0x8e: {  	[tilespmem:s7+$0xFFFFFFD0] =	vst v2;
	v2 =	vmul.f32 v1, v4;
	v1 =	vld [tilespmem:s10+$0x10];
	(pc) =	sbr.rel @p1 .LBB2_5-.Ltmp1, $4  }
0x8f: {  	v3 =	vld [tilespmem:s6+$0x10]  }
0x90: {  	[tilespmem:s7+$0xFFFFFFE0] =	vst v2;
	v7 =	vmul.f32 v8, v7;
	v2 =	vld [tilespmem:s10+$0x20]  }
0x91: {  	v5 =	vld [tilespmem:s6+$0x20]  }
0x92: {  	v4 =	vld [tilespmem:s10+$0xFFFFFFC0];
	[tilespmem:s7+$0xFFFFFFF0] =	vst v7;
	v6 =	vmul.f32 v9, v6;
	s10 =	sadd.s32 $0x80, s10  }
0x93: {  	_ =	sdelay $0x1  }
0x94: {  	v1 =	vmul.f32 v3, v1  }
0x95: {  	[tilespmem:s7+$0x0] =	vst v6;
	v2 =	vmul.f32 v5, v2  }
0x96: {  	s31 =	sadd.s32 $0x1, s31;
	[tilespmem:s7+$0x10] =	vst v1;
	v0 =	vmul.f32 v0, v4  }
0x97: {  	p1 =	sne.s32 s31, $0x14;
	[tilespmem:s7+$0x20] =	vst v2  }
.Ltmp2:
0x98: {  	s0 =	sadd.s32 $0x1400, s0;
	[tilespmem:s7+$0xFFFFFFC0] =	vst v0;
	(pc) =	sbr.rel @p1 .LBB2_2-.Ltmp2, $4  }
0x99: {  	[spmem:s1] =	stream.indirect.scatter.add.f32 [tilespmem:s26], [sflag:$0x5], $0x20, s0, s19, $0xb8;
	[tilespmem:$0x11420] =	vst v63  }
0x9a: {  	_ =	swait.ge [sflag:s16], $0x1000  }
0x9b: {  	[sflag:s16] =	ssyncset.done $0x0  }
0x9c: {  	[sflag:s16] =	ssyncadd.s32 $0xFFFFF000  }
0x9d: {  	[bflag:$0x0] =	sbarrier.arrive $0xFFFF  }
0x9e: {  	[tilespmem:s18], [sflag:$0x5] =	stream.linear.gather [spmem:s9], $0x4E00, $0x38;
	[tilespmem:$0x11420] =	vst v63  }
0x9f: {  	_ =	swait.ge [sflag:s16], $0x4E00  }
0xa0: {  	[sflag:s16] =	ssyncset.done $0x0  }
0xa1: {  	[sflag:s16] =	ssyncadd.s32 $0xFFFFB200  }
0xa2: {  	[hbm4b:s13+s2] =	stream.linear.scatter [tilespmem:s18], [sflag:$0x5], $0x4E00, $0x38;
	[tilespmem:$0x11420] =	vst v63  }
0xa3: {  	_ =	swait.ge [sflag:s16], $0x4E00  }
0xa4: {  	[sflag:s16] =	ssyncset.done $0x0  }
0xa5: {  	s0 =	simm.s32 @!p0 $0x7800;
	s6 =	simm.s32 @!p0 $0x5;
	[sflag:s16] =	ssyncadd.s32 $0xFFFFB200  }
0xa6: {  	[tilespmem:s0], [sflag:$0x5] =	stream.linear.gather @!p0 [spmem:s11], $0x200, $0x38;
	[tilespmem:$0x11420] =	vst v63  }
0xa7: {  	s30 =	sadd.s32 $0x1, s30;
	_ =	swait.ge @!p0 [sflag:s6], $0x200  }
0xa8: {  	p1 =	sne.s32 s30, s15;
	[sflag:s6] =	ssyncset.done @!p0 $0x0  }
.Ltmp3:
0xa9: {  	s7 =	simm.s32 @!p0 $0x0;
	[sflag:s6] =	ssyncadd.s32 @!p0 $0xFFFFFE00;
	(pc) =	sbr.rel @p1 .LBB2_1-.Ltmp3, $4  }
0xaa: {  	[hbm4b:s14+s7] =	stream.linear.scatter @!p0 [tilespmem:s0], [sflag:$0x5], $0x200, $0x38;
	[tilespmem:$0x11420] =	vst v63  }
0xab: {  	_ =	swait.ge @!p0 [sflag:s6], $0x200  }
0xac: {  	[sflag:s6] =	ssyncset.done @!p0 $0x0  }
0xad: {  	[sflag:s6] =	ssyncadd.s32 @!p0 $0xFFFFFE00  }
0xae: {  	_ =	sfence.sel $0x180000  }
0xaf: {  	[bflag:$0x0] =	sbarrier.arrive $0xFFFF  }
0xb0: {  	_ =	strace $0x90000047  }
0xb1: {  	[bflag:$0x2] =	sbarrier.arrive $0xFFFF  }
0xb2: {  	s0 =	rddreg [dreg:$0x2]  }
0xb3: {  	s0 =	sadd.s32 @!p0 $0x100000, s0  }
0xb4: {  	[sflag:s0] =	ssyncadd.tile.s32 @!p0 $0x1;
	_ =	shalt  }
.Lfunc_end2:
_tile_overlayer_lowered:
.L_overlay_start_2:
0xb5: {  	(tag) =	ssettag $0x2  }
0xb6: {  	s0 =	rddreg [dreg:$0x0];
	s2 =	stileid.u32  }
0xb7: {  	s1 =	rddreg [dreg:$0x1];
	p0 =	sne.s32 s2, $0x0  }
0xb8: {  	s3 =	rddreg [dreg:$0x2];
	[bflag:$0x3] =	sbarrier.arrive $0xFFFF;
	s2 =	simm.s32 @!p0 $0x1C05  }
0xb9: {  	[timem:s3], [sflag:s2] =	dma.local @!p0 [hbm:s0], s1  }
0xba: {  	s0 =	simm.s32 @!p0 $0x5  }
0xbb: {  	_ =	swait.ge @!p0 [sflag:s0], s1  }
0xbc: {  	s1 =	ssub.s32 @!p0 $0x0, s1;
	[sflag:s0] =	ssyncset.done @!p0 $0x0  }
0xbd: {  	[sflag:s0] =	ssyncadd.s32 @!p0 s1  }
0xbe: {  	[bflag:$0x3] =	sbarrier.arrive $0xFFFF  }
0xbf: {  	_ =	shalt  }

// kernel: kernel.16.cloned.1.call-start
scs
__scs_entry_jumppad:
0x0: {  	(pc) =	sbr.rel $0x88, $3  }
0x1: {  	(tag) =	ssettag $0x0;
	lr =	simm.s32 $0x1  }
0x2: {  	[smem:$0x3F85] =	sst lr;
	_ =	strace $0xD0000000  }
0x3: {  	_ = 	snop  }
0x4: {  	_ = 	snop  }
0x5: {  	_ = 	snop  }
0x6: {  	_ = 	snop  }
0x7: {  	_ = 	snop  }
__scs_overlays_trampoline_lowered:
0x8: {  	[smem:$0x3F94] =	sst s0  }
0x9: {  	[smem:$0x3F95] =	sst s1  }
0xa: {  	[smem:$0x3F96] =	sst s2  }
0xb: {  	[smem:$0x3F97] =	sst s3  }
0xc: {  	[smem:$0x3F98] =	sst s4  }
0xd: {  	[smem:$0x3F99] =	sst s5  }
0xe: {  	[smem:$0x3F9A] =	sst s6  }
0xf: {  	[smem:$0x3F9B] =	sst s7  }
0x10: {  	[smem:$0x3F9C] =	sst s8  }
0x11: {  	[smem:$0x3F9D] =	sst s9;
	s0 =	simm.s32 @!p0 $0x0  }
0x12: {  	s1 =	sld [smem:$0x3F83];
	s0 =	simm.s32 @p0 $0x1  }
0x13: {  	[smem:$0x3F9E] =	sst s0;
	s0 =	simm.s32 @!p1 $0x0  }
0x14: {  	s2 =	sld [smem:$0x3F82];
	s0 =	simm.s32 @p1 $0x1  }
0x15: {  	[smem:$0x3F9F] =	sst s0;
	s0 =	simm.s32 @!p2 $0x0  }
0x16: {  	s3 =	sld [smem:$0x3FDB];
	s0 =	simm.s32 @p2 $0x1  }
0x17: {  	s4 =	simm.s32 $0x1BF5;
	[smem:$0x3FA1] =	sst s0  }
0x18: {  	s0 =	sld [smem:$0x3F84];
	_ =	swait.ge [sflag:s4], $0x0  }
0x19: {  	s7 =	sld [smem:$0x3F85]  }
0x1a: {  	s8 =	sadd.s32 $0xFFFFE003, lr  }
0x1b: {  	s9 =	sadd.s32 $0xFFFFFEF7, lr;
	s5 =	simm.s32 $0xFFFFFFFF;
	p2 =	slt.u32 s8, $0xFFFFF086  }
0x1c: {  	p1 =	slt.u32 s9, $0xF7A;
	s5 =	simm.s32 @!p2 $0x0  }
0x1d: {  	s5 =	simm.s32 @p1 $0x1;
	p0 =	seq.s32 s7, s2  }
0x1e: {  	s7 =	smul.u32 @!p0 $0xF7A, s2;
	p2 =	seq.s32 @!p0 s5, $0x0  }
0x1f: {  	s9 =	smul.u32 $0xF7A, s1;
	s8 =	simm.s32 @!p0 $0x1BF5;
	p2 =	por !p2, p0  }
0x20: {  	[sflag:s8] =	ssyncset.s32 @!p0 $0xFFFFF086;
	s6 =	sadd.s32 @!p0 s3, s7;
	s7 =	simm.s32 @!p0 $0x108  }
0x21: {  	s3 =	sadd.s32 s3, s9;
	s6 =	sadd.s32 @!p0 $0x88, s6;
	s7 =	simm.s32 @p2 $0x1082  }
0x22: {  	[simem:s7], [sflag:s8] =	dma.local @!p0 [hbm:s6], $0xF7A  }
0x23: {  	s9 =	sor.u32 $0xD0000000, s2;
	s6 =	simm.s32 $0x108;
	_ =	swait.ge @!p0 [sflag:s8], $0x0  }
0x24: {  	s3 =	sadd.s32 $0x88, s3;
	s6 =	simm.s32 @!p1 $0x1082;
	[sflag:s4] =	ssyncset.s32 $0xFFFFF086  }
0x25: {  	[simem:s6], [sflag:s4] =	dma.local [hbm:s3], $0xF7A  }
0x26: {  	[smem:$0x3F85] =	sst s1;
	(tag) =	ssettag s2;
	_ =	strace s9  }
0x27: {  	s1 =	sld [smem:$0x3F95]  }
0x28: {  	s2 =	sld [smem:$0x3F96]  }
0x29: {  	s4 =	sld [smem:$0x3F98]  }
0x2a: {  	p0 =	seq.s32 s5, $0x0;
	s5 =	sld [smem:$0x3F99]  }
0x2b: {  	s6 =	sld [smem:$0x3F9A]  }
0x2c: {  	s7 =	sld [smem:$0x3F9B]  }
0x2d: {  	s3 =	simm.s32 $0x108;
	s8 =	sld [smem:$0x3F9C]  }
0x2e: {  	s3 =	simm.s32 @!p0 $0x1082;
	s9 =	sld [smem:$0x3F9D]  }
0x2f: {  	lr =	sadd.s32 s0, s3;
	s0 =	sld [smem:$0x3F94]  }
0x30: {  	s3 =	sld [smem:$0x3F97]  }
0x31: {  	[smem:$0x3FA0] =	sst s10  }
0x32: {  	s10 =	sld [smem:$0x3F9E];
	_ =	sdelay $0x3  }
0x33: {  	p0 =	seq.s32 s10, $0x1;
	s10 =	sld [smem:$0x3FA0];
	_ =	sdelay $0x3  }
0x34: {  	[smem:$0x3FA0] =	sst s10  }
0x35: {  	s10 =	sld [smem:$0x3F9F];
	_ =	sdelay $0x3  }
0x36: {  	p1 =	seq.s32 s10, $0x1;
	s10 =	sld [smem:$0x3FA0];
	_ =	sdelay $0x3  }
0x37: {  	[smem:$0x3FA0] =	sst s10  }
0x38: {  	s10 =	sld [smem:$0x3FA1]  }
0x39: {  	_ = 	snop;
	(pc) =	sbr.ind lr, $3  }
0x3a: {  	_ = 	snop  }
0x3b: {  	_ = 	snop  }
0x3c: {  	p2 =	seq.s32 s10, $0x1;
	s10 =	sld [smem:$0x3FA0]  }
0x3d: {  	_ =	shalt  }
0x3e: {  	_ =	shalt  }
0x3f: {  	_ =	shalt  }
0x40: {  	_ =	shalt  }
0x41: {  	_ =	shalt  }
0x42: {  	_ =	shalt  }
0x43: {  	_ =	shalt  }
0x44: {  	_ =	shalt  }
0x45: {  	_ =	shalt  }
0x46: {  	_ =	shalt  }
0x47: {  	_ =	shalt  }
0x48: {  	_ =	shalt  }
0x49: {  	_ =	shalt  }
0x4a: {  	_ =	shalt  }
0x4b: {  	_ =	shalt  }
0x4c: {  	_ =	shalt  }
0x4d: {  	_ =	shalt  }
0x4e: {  	_ =	shalt  }
0x4f: {  	_ =	shalt  }
0x50: {  	_ =	shalt  }
0x51: {  	_ =	shalt  }
0x52: {  	_ =	shalt  }
0x53: {  	_ =	shalt  }
0x54: {  	_ =	shalt  }
0x55: {  	_ =	shalt  }
0x56: {  	_ =	shalt  }
0x57: {  	_ =	shalt  }
0x58: {  	_ =	shalt  }
0x59: {  	_ =	shalt  }
0x5a: {  	_ =	shalt  }
0x5b: {  	_ =	shalt  }
0x5c: {  	_ =	shalt  }
0x5d: {  	_ =	shalt  }
0x5e: {  	_ =	shalt  }
0x5f: {  	_ =	shalt  }
0x60: {  	_ =	shalt  }
0x61: {  	_ =	shalt  }
0x62: {  	_ =	shalt  }
0x63: {  	_ =	shalt  }
0x64: {  	_ =	shalt  }
0x65: {  	_ =	shalt  }
0x66: {  	_ =	shalt  }
0x67: {  	_ =	shalt  }
0x68: {  	_ =	shalt  }
0x69: {  	_ =	shalt  }
0x6a: {  	_ =	shalt  }
0x6b: {  	_ =	shalt  }
0x6c: {  	_ =	shalt  }
0x6d: {  	_ =	shalt  }
0x6e: {  	_ =	shalt  }
0x6f: {  	_ =	shalt  }
0x70: {  	_ =	shalt  }
0x71: {  	_ =	shalt  }
0x72: {  	_ =	shalt  }
0x73: {  	_ =	shalt  }
0x74: {  	_ =	shalt  }
0x75: {  	_ =	shalt  }
0x76: {  	_ =	shalt  }
0x77: {  	_ =	shalt  }
0x78: {  	_ =	shalt  }
0x79: {  	_ =	shalt  }
0x7a: {  	_ =	shalt  }
0x7b: {  	_ =	shalt  }
0x7c: {  	_ =	shalt  }
0x7d: {  	_ =	shalt  }
0x7e: {  	_ =	shalt  }
0x7f: {  	_ =	shalt  }
0x80: {  	_ =	shalt  }
0x81: {  	_ =	shalt  }
0x82: {  	_ =	shalt  }
0x83: {  	_ =	shalt  }
0x84: {  	_ =	shalt  }
0x85: {  	_ =	shalt  }
0x86: {  	_ =	shalt  }
0x87: {  	_ =	shalt  }
.Lfunc_end0:
.L_simem_size_0:
called_computation.1_lowered:
.L_overlay_start_0:
0x88: {  	s2 =	sld [smem:$0x3FD9]  }
0x89: {  	s3 =	sld [smem:$0x3FFE];
	_ =	sdelay $0x1  }
0x8a: {  	s1 =	srdreg.scid  }
0x8b: {  	s0 =	sand.u32 $0x1, s1  }
0x8c: {  	s16 =	sshll.u32 s0, $0xA;
	s2 =	sadd.s32 s3, s2  }
0x8d: {  	s2 =	sadd.s32 s2, s16  }
0x8e: {  	[smem:$0x3FAC] =	sst s2  }
0x8f: {  	_ = 	snop  }
0x90: {  	(tm) =	ssettm $0x1  }
0x91: {  	s17 =	sld [smem:$0x3FFB];
	_ =	sdelay $0x3  }
0x92: {  	_ =	strace s17  }
0x93: {  	s2 =	sld [smem:$0x3FFC];
	_ =	sdelay $0x3  }
0x94: {  	_ =	strace s2  }
0x95: {  	s2 =	sld [smem:$0x3FFD];
	_ =	sdelay $0x3  }
0x96: {  	_ =	strace s2  }
0x97: {  	_ =	strace $0x8FFFFFFF  }
0x98: {  	s18 =	sld [smem:$0x3FDB];
	_ =	sdelay $0x1  }
0x99: {  	s19 =	simm.s32 $_scs_section_size  }
0x9a: {  	s4 =	simm.s32 $_size__tile_overlayer_lowered;
	s5 =	simm.s32 $_tile_overlayer_lowered  }
0x9b: {  	s22 =	simm.s32 $0x1BFF;
	s21 =	sshll.u32 s5, $0x1;
	s2 =	sadd.s32 s19, s18  }
0x9c: {  	s6 =	simm.s32 $0x0;
	s20 =	sshll.u32 s4, $0x1;
	s4 =	sadd.s32 s21, s2  }
0x9d: {  	[timem:s6], [sflag:s22] =	dma.local [hbm:s4], s20  }
0x9e: {  	_ =	swait.ge [sflag:s22], s20  }
0x9f: {  	s3 =	ssub.s32 $0x0, s20;
	[sflag:s22] =	ssyncset.done $0x0  }
0xa0: {  	[sflag:s22] =	ssyncadd.s32 s3;
	_ =	sdelay $0x1  }
0xa1: {  	s23 =	simm.s32 $0x1B8B  }
0xa2: {  	_ =	swait.ge [sflag:s23], $0x1  }
0xa3: {  	[sflag:s23] =	ssyncset.done $0x0  }
0xa4: {  	s25 =	simm.s32 $0x1B8E;
	s24 =	sld [smem:$0x3FFE];
	[sflag:s23] =	ssyncadd.s32 $0xFFFFFFFF  }
0xa5: {  	s26 =	simm.s32 $execute0_lowered;
	[smem:$0x3FD2] =	sst s25  }
0xa6: {  	s4 =	sshll.u32 s26, $0x1;
	_ =	strace $0x80000049;
	[dreg:$0x1] =	wrdreg $0xFFFFFFFF  }
0xa7: {  	s28 =	simm.s32 $_size_execute0_lowered;
	s2 =	sadd.s32 s2, s4;
	[dreg:$0x0] =	wrdreg $0x0  }
0xa8: {  	s4 =	sshll.u32 s28, $0x1;
	[dreg:$0x2] =	wrdreg s2  }
0xa9: {  	[dreg:$0x3] =	wrdreg s4  }
0xaa: {  	[dreg:$0x4] =	wrdreg $0xC0  }
0xab: {  	_ =	task [dreg:s6], $0x5FFFF  }
0xac: {  	[dreg:$0x1] =	wrdreg $0xFFFFFFFF  }
0xad: {  	[dreg:$0x0] =	wrdreg $0x60  }
0xae: {  	[dreg:$0x2] =	wrdreg s24  }
0xaf: {  	[dreg:$0x3] =	wrdreg $0xC6000  }
0xb0: {  	[dreg:$0x4] =	wrdreg $0x9  }
0xb1: {  	_ =	task.clear_ibuf [dreg:s6], $0x5FFFF;
	_ =	strace $0x90000049  }
0xb2: {  	s29 =	simm.s32 $0x9;
	_ =	strace $0x8000004B  }
0xb3: {  	_ =	swait.ge [sflag:s29], $0x1  }
0xb4: {  	[sflag:s29] =	ssyncadd.s32 $0xFFFFFFFF  }
0xb5: {  	_ =	strace $0x9000004B  }
0xb6: {  	_ =	sfence  }
0xb7: {  	s30 =	sld [smem:$0x0];
	_ =	sdelay $0x2  }
0xb8: {  	s31 =	sshll.u32 s1, $0xD;
	s1 =	sshrl.u32 s1, $0x2  }
0xb9: {  	s3 =	sand.u32 $0x4000, s31;
	s1 =	sadd.s32 s1, s30  }
0xba: {  	s0 =	sor.u32 s3, s0;
	s1 =	sshll.u32 s1, $0x11  }
0xbb: {  	s0 =	sor.u32 s1, s0  }
0xbc: {  	s0 =	sadd.s32 $0x8F2B, s0  }
0xbd: {  	[sflag:s0] =	ssyncadd.remote.s32 $0x1  }
0xbe: {  	_ =	sfence.sel $0xFFFF  }
0xbf: {  	[dreg:$0x0] =	wrdreg $0xFFFFFFFF;
	(pc) =	sbr.abs _section_cstart, $3  }
0xc0: {  	[dreg:$0x1] =	wrdreg $0xFFFFFFFF  }
0xc1: {  	_ =	task.clear_ibuf [dreg:s6], $0x2FFFF;
	_ =	strace $0x9FFFFFFF  }
0xc2: {  	(tm) =	ssettm $0x7FFFFFFF  }
0xc3: {  	_ =	shalt  }
tec
execute0_lowered:
.L_overlay_start_1:
0x0: {  	(tag) =	ssettag $0x1  }
0x1: {  	s0 =	rddreg [dreg:$0x0]  }
0x2: {  	s1 =	rddreg [dreg:$0x1];
	s2 =	simm.s32 $0x0;
	s3 =	srdreg.scid  }
0x3: {  	s6 =	stileid.u32;
	s16 =	simm.s32 $0x5;
	s18 =	simm.s32 $0x7800  }
0x4: {  	s19 =	simm.s32 $0x80;
	s20 =	simm.s32 $0x3800;
	s21 =	simm.s32 $0x2800  }
0x5: {  	s22 =	simm.s32 $0x5800;
	s28 =	simm.s32 $0x3;
	s29 =	simm.s32 $0x4  }
0x6: {  	s30 =	simm.s32 $0x0;
	[smem:$0x7FF] =	sst s2;
	s7 =	sand.u32 $0x1, s3  }
0x7: {  	s23 =	sshll.u32 s6, $0x1;
	s10 =	smul.u32 $0x4E00, s6;
	s3 =	sadd.s32 $0x2E1800, s0  }
0x8: {  	s4 =	sadd.s32 $0x2CDE00, s0;
	s13 =	sadd.s32 $0x3CFC00, s0;
	p0 =	sne.s32 s6, $0x0  }
0x9: {  	_ =	strace $0x8000004A;
	s8 =	sor.u32 s7, s23;
	s11 =	ssub.s32 $0x2, s7  }
0xa: {  	s7 =	smul.u32 $0x4E200, s7;
	s23 =	simm.s32 $0x4800;
	s9 =	sshrl.u32 s10, $0x3  }
0xb: {  	s5 =	smul.u32 $0x280, s8;
	s24 =	sshrl.u32 s11, $0x1;
	s9 =	sadd.s32 s9, s0  }
0xc: {  	s15 =	ssub.s32 s11, s24;
	s11 =	sadd.s32 $0x4E000, s1;
	s31 =	sadd.s32 s10, s7  }
0xd: {  	s7 =	sshrl.u32 s7, $0x3;
	s24 =	simm.s32 $0x1;
	s12 =	sadd.s32 s5, s0  }
0xe: {  	s5 =	smul.u32 $0x1400, s8;
	s9 =	sadd.s32 $0x2C4000, s9;
	s0 =	sadd.s32 $0x2CDC00, s0  }
0xf: {  	s7 =	sadd.s32 s13, s7;
	s15 =	smax.u32 s15, $0x1;
	[dreg:$0x5] =	wrdreg s9  }
0x10: {  	s25 =	sadd.s32 $0x2BA000, s12;
	s26 =	sadd.s32 $0x2BF000, s12;
	[dreg:$0x6] =	wrdreg s0  }
0x11: {  	s9 =	sadd.s32 s10, s1;
	s12 =	smul.u32 $0x28000, s8;
	[dreg:$0x3] =	wrdreg s25  }
0x12: {  	s0 =	sshrl.u32 s31, $0x3;
	s14 =	sadd.s32 $0x9C00, s7;
	[dreg:$0x4] =	wrdreg s26  }
0x13: {  	s13 =	sadd.s32 s13, s0;
	s25 =	simm.s32 $0x2;
	s26 =	simm.s32 $0x6800  }
.LBB2_1:
0x14: {  	s0 =	rddreg [dreg:$0x3]  }
0x15: {  	[tilespmem:s2], [sflag:$0x5] =	stream.linear.gather [hbm4b:s0+s2], $0x1400, $0x38;
	[tilespmem:$0x11420] =	vst v63  }
0x16: {  	_ =	swait.ge [sflag:s16], $0x1400  }
0x17: {  	[sflag:s16] =	ssyncset.done $0x0  }
0x18: {  	s6 =	simm.s32 $0x1400;
	s10 =	rddreg [dreg:$0x4];
	[sflag:s16] =	ssyncadd.s32 $0xFFFFEC00  }
0x19: {  	[tilespmem:s6], [sflag:$0x5] =	stream.linear.gather [hbm4b:s10+s2], $0x1400, $0x38;
	[tilespmem:$0x11420] =	vst v63  }
0x1a: {  	_ =	swait.ge [sflag:s16], $0x1400  }
0x1b: {  	[sflag:s16] =	ssyncset.done $0x0  }
0x1c: {  	s17 =	rddreg [dreg:$0x5];
	[sflag:s16] =	ssyncadd.s32 $0xFFFFEC00  }
0x1d: {  	[tilespmem:s18], [sflag:$0x5] =	stream.linear.gather [hbm4b:s17+s2], $0x4E00, $0x38;
	[tilespmem:$0x11420] =	vst v63  }
0x1e: {  	_ =	swait.ge [sflag:s16], $0x4E00  }
0x1f: {  	[sflag:s16] =	ssyncset.done $0x0  }
0x20: {  	[sflag:s16] =	ssyncadd.s32 $0xFFFFB200  }
0x21: {  	[spmem:s9] =	stream.linear.scatter [tilespmem:s18], [sflag:$0x5], $0x4E00, $0x38;
	[tilespmem:$0x11420] =	vst v63  }
0x22: {  	_ =	swait.ge [sflag:s16], $0x4E00  }
0x23: {  	s0 =	simm.s32 @!p0 $0x0;
	[sflag:s16] =	ssyncset.done $0x0  }
0x24: {  	s6 =	simm.s32 @!p0 $0x7800;
	s7 =	rddreg [dreg:$0x6];
	[sflag:s16] =	ssyncadd.s32 $0xFFFFB200  }
0x25: {  	[tilespmem:s6], [sflag:$0x5] =	stream.linear.gather @!p0 [hbm4b:s7+s0], $0x200, $0x38;
	[tilespmem:$0x11420] =	vst v63  }
0x26: {  	s0 =	simm.s32 @!p0 $0x5  }
0x27: {  	_ =	swait.ge @!p0 [sflag:s0], $0x200  }
0x28: {  	[sflag:s0] =	ssyncset.done @!p0 $0x0  }
0x29: {  	[sflag:s0] =	ssyncadd.s32 @!p0 $0xFFFFFE00  }
0x2a: {  	[spmem:s11] =	stream.linear.scatter @!p0 [tilespmem:s6], [sflag:$0x5], $0x200, $0x38;
	[tilespmem:$0x11420] =	vst v63  }
0x2b: {  	_ =	swait.ge @!p0 [sflag:s0], $0x200  }
0x2c: {  	[sflag:s0] =	ssyncset.done @!p0 $0x0  }
0x2d: {  	[sflag:s0] =	ssyncadd.s32 @!p0 $0xFFFFFE00  }
0x2e: {  	s31 =	simm.s32 $0x0;
	[bflag:$0x0] =	sbarrier.arrive $0xFFFF  }
.LBB2_2:
0x2f: {  	s17 =	sshll.u32 s31, $0x8;
	s0 =	sshll.u32 s31, $0xD  }
0x30: {  	[tilespmem:s20], [sflag:$0x1] =	stream.indirect.gather [hbm4b:s4+s19], $0x20, s17, s19, $0xb8;
	[tilespmem:$0x11420] =	vst v63  }
0x31: {  	s0 =	sadd.s32 s12, s0  }
0x32: {  	s0 =	sshrl.u32 s0, $0x3  }
0x33: {  	s0 =	sadd.s32 s3, s0  }
0x34: {  	[tilespmem:s21], [sflag:$0x2] =	stream.linear.gather [hbm4b:s0+s2], $0x1000, $0x38;
	[tilespmem:$0x11420] =	vst v63  }
0x35: {  	s0 =	sor.u32 $0x80, s17  }
0x36: {  	s6 =	sadd.s32 s5, s0  }
0x37: {  	[tilespmem:s22], [sflag:$0x3] =	stream.indirect.gather [hbm4b:s4+s19], $0x20, s0, s19, $0xb8;
	[tilespmem:$0x11420] =	vst v63  }
0x38: {  	s6 =	sshll.u32 s6, $0x2  }
0x39: {  	s6 =	sand.u32 $0x1FFFFE00, s6  }
0x3a: {  	s6 =	sadd.s32 s3, s6  }
0x3b: {  	[tilespmem:s23], [sflag:$0x4] =	stream.linear.gather [hbm4b:s6+s2], $0x1000, $0x38;
	[tilespmem:$0x11420] =	vst v63  }
0x3c: {  	_ =	swait.ge [sflag:s24], $0x1000  }
0x3d: {  	[sflag:s24] =	ssyncset.done $0x0  }
0x3e: {  	[sflag:s24] =	ssyncadd.s32 $0xFFFFF000  }
0x3f: {  	_ =	swait.ge [sflag:s25], $0x1000  }
0x40: {  	[sflag:s25] =	ssyncset.done $0x0  }
0x41: {  	s10 =	simm.s32 $0x2840;
	[sflag:s25] =	ssyncadd.s32 $0xFFFFF000  }
0x42: {  	s6 =	simm.s32 $0x3840;
	v1 =	vld [tilespmem:s10+$0x30]  }
0x43: {  	v2 =	vld [tilespmem:s6+$0x30]  }
0x44: {  	v0 =	vld [tilespmem:s6+$0xFFFFFFC0]  }
0x45: {  	v3 =	vld [tilespmem:s10+$0xFFFFFFD0]  }
0x46: {  	v4 =	vld [tilespmem:s6+$0xFFFFFFD0]  }
0x47: {  	v5 =	vld [tilespmem:s10+$0xFFFFFFE0]  }
0x48: {  	v6 =	vld [tilespmem:s6+$0xFFFFFFE0]  }
0x49: {  	v7 =	vld [tilespmem:s10+$0xFFFFFFF0]  }
0x4a: {  	v8 =	vld [tilespmem:s6+$0xFFFFFFF0]  }
0x4b: {  	v9 =	vld [tilespmem:s10+$0x0]  }
0x4c: {  	v10 =	vld [tilespmem:s6+$0x0];
	v2 =	vmul.f32 v2, v1  }
0x4d: {  	s7 =	simm.s32 $0x6840;
	v4 =	vmul.f32 v4, v3;
	v1 =	vld [tilespmem:s10+$0x10]  }
0x4e: {  	v5 =	vmul.f32 v6, v5;
	v3 =	vld [tilespmem:s6+$0x10];
	[tilespmem:s7+$0x30] =	vst v2  }
0x4f: {  	v6 =	vmul.f32 v8, v7;
	[tilespmem:s7+$0xFFFFFFD0] =	vst v4;
	v2 =	vld [tilespmem:s10+$0x20]  }
0x50: {  	[tilespmem:s7+$0xFFFFFFE0] =	vst v5;
	v5 =	vld [tilespmem:s6+$0x20]  }
0x51: {  	s8 =	simm.s32 $0x0;
	v4 =	vld [tilespmem:s10+$0xFFFFFFC0];
	[tilespmem:s7+$0xFFFFFFF0] =	vst v6;
	v6 =	vmul.f32 v10, v9;
	s10 =	simm.s32 $0x28C0  }
.LBB2_3:
0x52: {  	v7 =	vld [tilespmem:s10+$0x30];
	s6 =	sadd.s32 $0x80, s6  }
0x53: {  	s8 =	sadd.s32 $0x8, s8;
	v8 =	vld [tilespmem:s6+$0x30];
	[tilespmem:s7+$0x0] =	vst v6;
	v1 =	vmul.f32 v3, v1  }
0x54: {  	p1 =	slt.u32 s8, $0xF8;
	v3 =	vld [tilespmem:s6+$0xFFFFFFC0]  }
0x55: {  	v6 =	vld [tilespmem:s10+$0xFFFFFFD0];
	[tilespmem:s7+$0x10] =	vst v1;
	v1 =	vmul.f32 v5, v2  }
0x56: {  	v2 =	vld [tilespmem:s6+$0xFFFFFFD0];
	v9 =	vmul.f32 v0, v4  }
0x57: {  	v4 =	vld [tilespmem:s10+$0xFFFFFFE0];
	[tilespmem:s7+$0x20] =	vst v1  }
0x58: {  	v1 =	vld [tilespmem:s6+$0xFFFFFFE0];
	v5 =	vmul.f32 v8, v7;
	[tilespmem:s7+$0xFFFFFFC0] =	vst v9  }
0x59: {  	s7 =	sadd.s32 $0x80, s7;
	v7 =	vld [tilespmem:s10+$0xFFFFFFF0];
	v0 =	vmov v3  }
0x5a: {  	v8 =	vld [tilespmem:s6+$0xFFFFFFF0];
	[tilespmem:s7+$0x30] =	vst v5  }
0x5b: {  	v2 =	vmul.f32 v2, v6;
	v6 =	vld [tilespmem:s10+$0x0]  }
0x5c: {  	v9 =	vld [tilespmem:s6+$0x0]  }
.Ltmp0:
0x5d: {  	[tilespmem:s7+$0xFFFFFFD0] =	vst v2;
	v2 =	vmul.f32 v1, v4;
	v1 =	vld [tilespmem:s10+$0x10];
	(pc) =	sbr.rel @p1 .LBB2_3-.Ltmp0, $4  }
0x5e: {  	v3 =	vld [tilespmem:s6+$0x10]  }
0x5f: {  	[tilespmem:s7+$0xFFFFFFE0] =	vst v2;
	v7 =	vmul.f32 v8, v7;
	v2 =	vld [tilespmem:s10+$0x20]  }
0x60: {  	v5 =	vld [tilespmem:s6+$0x20]  }
0x61: {  	v4 =	vld [tilespmem:s10+$0xFFFFFFC0];
	[tilespmem:s7+$0xFFFFFFF0] =	vst v7;
	v6 =	vmul.f32 v9, v6;
	s10 =	sadd.s32 $0x80, s10  }
0x62: {  	_ =	sdelay $0x1  }
0x63: {  	v1 =	vmul.f32 v3, v1  }
0x64: {  	[tilespmem:s7+$0x0] =	vst v6;
	v2 =	vmul.f32 v5, v2  }
0x65: {  	[tilespmem:s7+$0x10] =	vst v1;
	v0 =	vmul.f32 v0, v4  }
0x66: {  	[tilespmem:s7+$0x20] =	vst v2  }
0x67: {  	s6 =	sadd.s32 $0x1400, s17;
	[tilespmem:s7+$0xFFFFFFC0] =	vst v0  }
0x68: {  	[spmem:s1] =	stream.indirect.scatter.add.f32 [tilespmem:s26], [sflag:$0x5], $0x20, s6, s19, $0xb8;
	[tilespmem:$0x11420] =	vst v63  }
0x69: {  	_ =	swait.ge [sflag:s16], $0x1000  }
0x6a: {  	[sflag:s16] =	ssyncset.done $0x0  }
0x6b: {  	[sflag:s16] =	ssyncadd.s32 $0xFFFFF000  }
0x6c: {  	_ =	swait.ge [sflag:s28], $0x1000  }
0x6d: {  	[sflag:s28] =	ssyncset.done $0x0  }
0x6e: {  	[sflag:s28] =	ssyncadd.s32 $0xFFFFF000  }
0x6f: {  	_ =	swait.ge [sflag:s29], $0x1000  }
0x70: {  	[sflag:s29] =	ssyncset.done $0x0  }
0x71: {  	s10 =	simm.s32 $0x4840;
	[sflag:s29] =	ssyncadd.s32 $0xFFFFF000  }
0x72: {  	s6 =	simm.s32 $0x5840;
	v1 =	vld [tilespmem:s10+$0x30]  }
0x73: {  	v2 =	vld [tilespmem:s6+$0x30]  }
0x74: {  	v0 =	vld [tilespmem:s6+$0xFFFFFFC0]  }
0x75: {  	v3 =	vld [tilespmem:s10+$0xFFFFFFD0]  }
0x76: {  	v4 =	vld [tilespmem:s6+$0xFFFFFFD0]  }
0x77: {  	v5 =	vld [tilespmem:s10+$0xFFFFFFE0]  }
0x78: {  	v6 =	vld [tilespmem:s6+$0xFFFFFFE0]  }
0x79: {  	v7 =	vld [tilespmem:s10+$0xFFFFFFF0]  }
0x7a: {  	v8 =	vld [tilespmem:s6+$0xFFFFFFF0]  }
0x7b: {  	v9 =	vld [tilespmem:s10+$0x0]  }
0x7c: {  	v10 =	vld [tilespmem:s6+$0x0];
	v2 =	vmul.f32 v2, v1  }
0x7d: {  	s7 =	simm.s32 $0x6840;
	v4 =	vmul.f32 v4, v3;
	v1 =	vld [tilespmem:s10+$0x10]  }
0x7e: {  	v5 =	vmul.f32 v6, v5;
	v3 =	vld [tilespmem:s6+$0x10];
	[tilespmem:s7+$0x30] =	vst v2  }
0x7f: {  	v6 =	vmul.f32 v8, v7;
	[tilespmem:s7+$0xFFFFFFD0] =	vst v4;
	v2 =	vld [tilespmem:s10+$0x20]  }
0x80: {  	[tilespmem:s7+$0xFFFFFFE0] =	vst v5;
	v5 =	vld [tilespmem:s6+$0x20]  }
0x81: {  	s8 =	simm.s32 $0x0;
	v4 =	vld [tilespmem:s10+$0xFFFFFFC0];
	[tilespmem:s7+$0xFFFFFFF0] =	vst v6;
	v6 =	vmul.f32 v10, v9;
	s10 =	simm.s32 $0x48C0  }
.LBB2_5:
0x82: {  	v7 =	vld [tilespmem:s10+$0x30];
	s6 =	sadd.s32 $0x80, s6  }
0x83: {  	s8 =	sadd.s32 $0x8, s8;
	v8 =	vld [tilespmem:s6+$0x30];
	[tilespmem:s7+$0x0] =	vst v6;
	v1 =	vmul.f32 v3, v1  }
0x84: {  	p1 =	slt.u32 s8, $0xF8;
	v3 =	vld [tilespmem:s6+$0xFFFFFFC0]  }
0x85: {  	v6 =	vld [tilespmem:s10+$0xFFFFFFD0];
	[tilespmem:s7+$0x10] =	vst v1;
	v1 =	vmul.f32 v5, v2  }
0x86: {  	v2 =	vld [tilespmem:s6+$0xFFFFFFD0];
	v9 =	vmul.f32 v0, v4  }
0x87: {  	v4 =	vld [tilespmem:s10+$0xFFFFFFE0];
	[tilespmem:s7+$0x20] =	vst v1  }
0x88: {  	v1 =	vld [tilespmem:s6+$0xFFFFFFE0];
	v5 =	vmul.f32 v8, v7;
	[tilespmem:s7+$0xFFFFFFC0] =	vst v9  }
0x89: {  	s7 =	sadd.s32 $0x80, s7;
	v7 =	vld [tilespmem:s10+$0xFFFFFFF0];
	v0 =	vmov v3  }
0x8a: {  	v8 =	vld [tilespmem:s6+$0xFFFFFFF0];
	[tilespmem:s7+$0x30] =	vst v5  }
0x8b: {  	v2 =	vmul.f32 v2, v6;
	v6 =	vld [tilespmem:s10+$0x0]  }
0x8c: {  	v9 =	vld [tilespmem:s6+$0x0]  }
.Ltmp1:
0x8d: {  	[tilespmem:s7+$0xFFFFFFD0] =	vst v2;
	v2 =	vmul.f32 v1, v4;
	v1 =	vld [tilespmem:s10+$0x10];
	(pc) =	sbr.rel @p1 .LBB2_5-.Ltmp1, $4  }
0x8e: {  	v3 =	vld [tilespmem:s6+$0x10]  }
0x8f: {  	[tilespmem:s7+$0xFFFFFFE0] =	vst v2;
	v7 =	vmul.f32 v8, v7;
	v2 =	vld [tilespmem:s10+$0x20]  }
0x90: {  	v5 =	vld [tilespmem:s6+$0x20]  }
0x91: {  	v4 =	vld [tilespmem:s10+$0xFFFFFFC0];
	[tilespmem:s7+$0xFFFFFFF0] =	vst v7;
	v6 =	vmul.f32 v9, v6;
	s10 =	sadd.s32 $0x80, s10  }
0x92: {  	_ =	sdelay $0x1  }
0x93: {  	v1 =	vmul.f32 v3, v1  }
0x94: {  	[tilespmem:s7+$0x0] =	vst v6;
	v2 =	vmul.f32 v5, v2  }
0x95: {  	s31 =	sadd.s32 $0x1, s31;
	[tilespmem:s7+$0x10] =	vst v1;
	v0 =	vmul.f32 v0, v4  }
0x96: {  	p1 =	sne.s32 s31, $0x14;
	[tilespmem:s7+$0x20] =	vst v2  }
.Ltmp2:
0x97: {  	s0 =	sadd.s32 $0x1400, s0;
	[tilespmem:s7+$0xFFFFFFC0] =	vst v0;
	(pc) =	sbr.rel @p1 .LBB2_2-.Ltmp2, $4  }
0x98: {  	[spmem:s1] =	stream.indirect.scatter.add.f32 [tilespmem:s26], [sflag:$0x5], $0x20, s0, s19, $0xb8;
	[tilespmem:$0x11420] =	vst v63  }
0x99: {  	_ =	swait.ge [sflag:s16], $0x1000  }
0x9a: {  	[sflag:s16] =	ssyncset.done $0x0  }
0x9b: {  	[sflag:s16] =	ssyncadd.s32 $0xFFFFF000  }
0x9c: {  	[bflag:$0x0] =	sbarrier.arrive $0xFFFF  }
0x9d: {  	[tilespmem:s18], [sflag:$0x5] =	stream.linear.gather [spmem:s9], $0x4E00, $0x38;
	[tilespmem:$0x11420] =	vst v63  }
0x9e: {  	_ =	swait.ge [sflag:s16], $0x4E00  }
0x9f: {  	[sflag:s16] =	ssyncset.done $0x0  }
0xa0: {  	[sflag:s16] =	ssyncadd.s32 $0xFFFFB200  }
0xa1: {  	[hbm4b:s13+s2] =	stream.linear.scatter [tilespmem:s18], [sflag:$0x5], $0x4E00, $0x38;
	[tilespmem:$0x11420] =	vst v63  }
0xa2: {  	_ =	swait.ge [sflag:s16], $0x4E00  }
0xa3: {  	[sflag:s16] =	ssyncset.done $0x0  }
0xa4: {  	s0 =	simm.s32 @!p0 $0x7800;
	s6 =	simm.s32 @!p0 $0x5;
	[sflag:s16] =	ssyncadd.s32 $0xFFFFB200  }
0xa5: {  	[tilespmem:s0], [sflag:$0x5] =	stream.linear.gather @!p0 [spmem:s11], $0x200, $0x38;
	[tilespmem:$0x11420] =	vst v63  }
0xa6: {  	s30 =	sadd.s32 $0x1, s30;
	_ =	swait.ge @!p0 [sflag:s6], $0x200  }
0xa7: {  	p1 =	sne.s32 s30, s15;
	[sflag:s6] =	ssyncset.done @!p0 $0x0  }
.Ltmp3:
0xa8: {  	s7 =	simm.s32 @!p0 $0x0;
	[sflag:s6] =	ssyncadd.s32 @!p0 $0xFFFFFE00;
	(pc) =	sbr.rel @p1 .LBB2_1-.Ltmp3, $4  }
0xa9: {  	[hbm4b:s14+s7] =	stream.linear.scatter @!p0 [tilespmem:s0], [sflag:$0x5], $0x200, $0x38;
	[tilespmem:$0x11420] =	vst v63  }
0xaa: {  	_ =	swait.ge @!p0 [sflag:s6], $0x200  }
0xab: {  	[sflag:s6] =	ssyncset.done @!p0 $0x0  }
0xac: {  	[sflag:s6] =	ssyncadd.s32 @!p0 $0xFFFFFE00  }
0xad: {  	_ =	sfence.sel $0x180000  }
0xae: {  	[bflag:$0x0] =	sbarrier.arrive $0xFFFF  }
0xaf: {  	_ =	strace $0x9000004A  }
0xb0: {  	[bflag:$0x2] =	sbarrier.arrive $0xFFFF  }
0xb1: {  	s0 =	rddreg [dreg:$0x2]  }
0xb2: {  	s0 =	sadd.s32 @!p0 $0x100000, s0  }
0xb3: {  	[sflag:s0] =	ssyncadd.tile.s32 @!p0 $0x1;
	_ =	shalt  }
.Lfunc_end2:
_tile_overlayer_lowered:
.L_overlay_start_2:
0xb4: {  	(tag) =	ssettag $0x2  }
0xb5: {  	s0 =	rddreg [dreg:$0x0];
	s2 =	stileid.u32  }
0xb6: {  	s1 =	rddreg [dreg:$0x1];
	p0 =	sne.s32 s2, $0x0  }
0xb7: {  	s3 =	rddreg [dreg:$0x2];
	[bflag:$0x3] =	sbarrier.arrive $0xFFFF;
	s2 =	simm.s32 @!p0 $0x1C05  }
0xb8: {  	[timem:s3], [sflag:s2] =	dma.local @!p0 [hbm:s0], s1  }
0xb9: {  	s0 =	simm.s32 @!p0 $0x5  }
0xba: {  	_ =	swait.ge @!p0 [sflag:s0], s1  }
0xbb: {  	s1 =	ssub.s32 @!p0 $0x0, s1;
	[sflag:s0] =	ssyncset.done @!p0 $0x0  }
0xbc: {  	[sflag:s0] =	ssyncadd.s32 @!p0 s1  }
0xbd: {  	[bflag:$0x3] =	sbarrier.arrive $0xFFFF  }
0xbe: {  	_ =	shalt  }

// kernel: kernel.19.cloned.1.call-start
scs
__scs_entry_jumppad:
0x0: {  	(pc) =	sbr.rel $0x88, $3  }
0x1: {  	(tag) =	ssettag $0x0;
	lr =	simm.s32 $0x1  }
0x2: {  	[smem:$0x3F85] =	sst lr;
	_ =	strace $0xD0000000  }
0x3: {  	_ = 	snop  }
0x4: {  	_ = 	snop  }
0x5: {  	_ = 	snop  }
0x6: {  	_ = 	snop  }
0x7: {  	_ = 	snop  }
__scs_overlays_trampoline_lowered:
0x8: {  	[smem:$0x3F94] =	sst s0  }
0x9: {  	[smem:$0x3F95] =	sst s1  }
0xa: {  	[smem:$0x3F96] =	sst s2  }
0xb: {  	[smem:$0x3F97] =	sst s3  }
0xc: {  	[smem:$0x3F98] =	sst s4  }
0xd: {  	[smem:$0x3F99] =	sst s5  }
0xe: {  	[smem:$0x3F9A] =	sst s6  }
0xf: {  	[smem:$0x3F9B] =	sst s7  }
0x10: {  	[smem:$0x3F9C] =	sst s8  }
0x11: {  	[smem:$0x3F9D] =	sst s9;
	s0 =	simm.s32 @!p0 $0x0  }
0x12: {  	s1 =	sld [smem:$0x3F83];
	s0 =	simm.s32 @p0 $0x1  }
0x13: {  	[smem:$0x3F9E] =	sst s0;
	s0 =	simm.s32 @!p1 $0x0  }
0x14: {  	s2 =	sld [smem:$0x3F82];
	s0 =	simm.s32 @p1 $0x1  }
0x15: {  	[smem:$0x3F9F] =	sst s0;
	s0 =	simm.s32 @!p2 $0x0  }
0x16: {  	s3 =	sld [smem:$0x3FDB];
	s0 =	simm.s32 @p2 $0x1  }
0x17: {  	s4 =	simm.s32 $0x1BF5;
	[smem:$0x3FA1] =	sst s0  }
0x18: {  	s0 =	sld [smem:$0x3F84];
	_ =	swait.ge [sflag:s4], $0x0  }
0x19: {  	s7 =	sld [smem:$0x3F85]  }
0x1a: {  	s8 =	sadd.s32 $0xFFFFE003, lr  }
0x1b: {  	s9 =	sadd.s32 $0xFFFFFEF7, lr;
	s5 =	simm.s32 $0xFFFFFFFF;
	p2 =	slt.u32 s8, $0xFFFFF086  }
0x1c: {  	p1 =	slt.u32 s9, $0xF7A;
	s5 =	simm.s32 @!p2 $0x0  }
0x1d: {  	s5 =	simm.s32 @p1 $0x1;
	p0 =	seq.s32 s7, s2  }
0x1e: {  	s7 =	smul.u32 @!p0 $0xF7A, s2;
	p2 =	seq.s32 @!p0 s5, $0x0  }
0x1f: {  	s9 =	smul.u32 $0xF7A, s1;
	s8 =	simm.s32 @!p0 $0x1BF5;
	p2 =	por !p2, p0  }
0x20: {  	[sflag:s8] =	ssyncset.s32 @!p0 $0xFFFFF086;
	s6 =	sadd.s32 @!p0 s3, s7;
	s7 =	simm.s32 @!p0 $0x108  }
0x21: {  	s3 =	sadd.s32 s3, s9;
	s6 =	sadd.s32 @!p0 $0x88, s6;
	s7 =	simm.s32 @p2 $0x1082  }
0x22: {  	[simem:s7], [sflag:s8] =	dma.local @!p0 [hbm:s6], $0xF7A  }
0x23: {  	s9 =	sor.u32 $0xD0000000, s2;
	s6 =	simm.s32 $0x108;
	_ =	swait.ge @!p0 [sflag:s8], $0x0  }
0x24: {  	s3 =	sadd.s32 $0x88, s3;
	s6 =	simm.s32 @!p1 $0x1082;
	[sflag:s4] =	ssyncset.s32 $0xFFFFF086  }
0x25: {  	[simem:s6], [sflag:s4] =	dma.local [hbm:s3], $0xF7A  }
0x26: {  	[smem:$0x3F85] =	sst s1;
	(tag) =	ssettag s2;
	_ =	strace s9  }
0x27: {  	s1 =	sld [smem:$0x3F95]  }
0x28: {  	s2 =	sld [smem:$0x3F96]  }
0x29: {  	s4 =	sld [smem:$0x3F98]  }
0x2a: {  	p0 =	seq.s32 s5, $0x0;
	s5 =	sld [smem:$0x3F99]  }
0x2b: {  	s6 =	sld [smem:$0x3F9A]  }
0x2c: {  	s7 =	sld [smem:$0x3F9B]  }
0x2d: {  	s3 =	simm.s32 $0x108;
	s8 =	sld [smem:$0x3F9C]  }
0x2e: {  	s3 =	simm.s32 @!p0 $0x1082;
	s9 =	sld [smem:$0x3F9D]  }
0x2f: {  	lr =	sadd.s32 s0, s3;
	s0 =	sld [smem:$0x3F94]  }
0x30: {  	s3 =	sld [smem:$0x3F97]  }
0x31: {  	[smem:$0x3FA0] =	sst s10  }
0x32: {  	s10 =	sld [smem:$0x3F9E];
	_ =	sdelay $0x3  }
0x33: {  	p0 =	seq.s32 s10, $0x1;
	s10 =	sld [smem:$0x3FA0];
	_ =	sdelay $0x3  }
0x34: {  	[smem:$0x3FA0] =	sst s10  }
0x35: {  	s10 =	sld [smem:$0x3F9F];
	_ =	sdelay $0x3  }
0x36: {  	p1 =	seq.s32 s10, $0x1;
	s10 =	sld [smem:$0x3FA0];
	_ =	sdelay $0x3  }
0x37: {  	[smem:$0x3FA0] =	sst s10  }
0x38: {  	s10 =	sld [smem:$0x3FA1]  }
0x39: {  	_ = 	snop;
	(pc) =	sbr.ind lr, $3  }
0x3a: {  	_ = 	snop  }
0x3b: {  	_ = 	snop  }
0x3c: {  	p2 =	seq.s32 s10, $0x1;
	s10 =	sld [smem:$0x3FA0]  }
0x3d: {  	_ =	shalt  }
0x3e: {  	_ =	shalt  }
0x3f: {  	_ =	shalt  }
0x40: {  	_ =	shalt  }
0x41: {  	_ =	shalt  }
0x42: {  	_ =	shalt  }
0x43: {  	_ =	shalt  }
0x44: {  	_ =	shalt  }
0x45: {  	_ =	shalt  }
0x46: {  	_ =	shalt  }
0x47: {  	_ =	shalt  }
0x48: {  	_ =	shalt  }
0x49: {  	_ =	shalt  }
0x4a: {  	_ =	shalt  }
0x4b: {  	_ =	shalt  }
0x4c: {  	_ =	shalt  }
0x4d: {  	_ =	shalt  }
0x4e: {  	_ =	shalt  }
0x4f: {  	_ =	shalt  }
0x50: {  	_ =	shalt  }
0x51: {  	_ =	shalt  }
0x52: {  	_ =	shalt  }
0x53: {  	_ =	shalt  }
0x54: {  	_ =	shalt  }
0x55: {  	_ =	shalt  }
0x56: {  	_ =	shalt  }
0x57: {  	_ =	shalt  }
0x58: {  	_ =	shalt  }
0x59: {  	_ =	shalt  }
0x5a: {  	_ =	shalt  }
0x5b: {  	_ =	shalt  }
0x5c: {  	_ =	shalt  }
0x5d: {  	_ =	shalt  }
0x5e: {  	_ =	shalt  }
0x5f: {  	_ =	shalt  }
0x60: {  	_ =	shalt  }
0x61: {  	_ =	shalt  }
0x62: {  	_ =	shalt  }
0x63: {  	_ =	shalt  }
0x64: {  	_ =	shalt  }
0x65: {  	_ =	shalt  }
0x66: {  	_ =	shalt  }
0x67: {  	_ =	shalt  }
0x68: {  	_ =	shalt  }
0x69: {  	_ =	shalt  }
0x6a: {  	_ =	shalt  }
0x6b: {  	_ =	shalt  }
0x6c: {  	_ =	shalt  }
0x6d: {  	_ =	shalt  }
0x6e: {  	_ =	shalt  }
0x6f: {  	_ =	shalt  }
0x70: {  	_ =	shalt  }
0x71: {  	_ =	shalt  }
0x72: {  	_ =	shalt  }
0x73: {  	_ =	shalt  }
0x74: {  	_ =	shalt  }
0x75: {  	_ =	shalt  }
0x76: {  	_ =	shalt  }
0x77: {  	_ =	shalt  }
0x78: {  	_ =	shalt  }
0x79: {  	_ =	shalt  }
0x7a: {  	_ =	shalt  }
0x7b: {  	_ =	shalt  }
0x7c: {  	_ =	shalt  }
0x7d: {  	_ =	shalt  }
0x7e: {  	_ =	shalt  }
0x7f: {  	_ =	shalt  }
0x80: {  	_ =	shalt  }
0x81: {  	_ =	shalt  }
0x82: {  	_ =	shalt  }
0x83: {  	_ =	shalt  }
0x84: {  	_ =	shalt  }
0x85: {  	_ =	shalt  }
0x86: {  	_ =	shalt  }
0x87: {  	_ =	shalt  }
.Lfunc_end0:
.L_simem_size_0:
called_computation.2_lowered:
.L_overlay_start_0:
0x88: {  	s2 =	sld [smem:$0x3FD9]  }
0x89: {  	s3 =	sld [smem:$0x3FFE];
	_ =	sdelay $0x1  }
0x8a: {  	s1 =	srdreg.scid  }
0x8b: {  	s0 =	sand.u32 $0x1, s1  }
0x8c: {  	s16 =	sshll.u32 s0, $0xA;
	s2 =	sadd.s32 s3, s2  }
0x8d: {  	s2 =	sadd.s32 s2, s16  }
0x8e: {  	[smem:$0x3FAC] =	sst s2  }
0x8f: {  	_ = 	snop  }
0x90: {  	(tm) =	ssettm $0x1  }
0x91: {  	s17 =	sld [smem:$0x3FFB];
	_ =	sdelay $0x3  }
0x92: {  	_ =	strace s17  }
0x93: {  	s2 =	sld [smem:$0x3FFC];
	_ =	sdelay $0x3  }
0x94: {  	_ =	strace s2  }
0x95: {  	s2 =	sld [smem:$0x3FFD];
	_ =	sdelay $0x3  }
0x96: {  	_ =	strace s2  }
0x97: {  	_ =	strace $0x8FFFFFFF  }
0x98: {  	s18 =	sld [smem:$0x3FDB];
	_ =	sdelay $0x1  }
0x99: {  	s19 =	simm.s32 $_scs_section_size  }
0x9a: {  	s4 =	simm.s32 $_size__tile_overlayer_lowered;
	s5 =	simm.s32 $_tile_overlayer_lowered  }
0x9b: {  	s22 =	simm.s32 $0x1BFF;
	s21 =	sshll.u32 s5, $0x1;
	s2 =	sadd.s32 s19, s18  }
0x9c: {  	s6 =	simm.s32 $0x0;
	s20 =	sshll.u32 s4, $0x1;
	s4 =	sadd.s32 s21, s2  }
0x9d: {  	[timem:s6], [sflag:s22] =	dma.local [hbm:s4], s20  }
0x9e: {  	_ =	swait.ge [sflag:s22], s20  }
0x9f: {  	s3 =	ssub.s32 $0x0, s20;
	[sflag:s22] =	ssyncset.done $0x0  }
0xa0: {  	[sflag:s22] =	ssyncadd.s32 s3;
	_ =	sdelay $0x1  }
0xa1: {  	s23 =	simm.s32 $0x1B8B  }
0xa2: {  	_ =	swait.ge [sflag:s23], $0x1  }
0xa3: {  	[sflag:s23] =	ssyncset.done $0x0  }
0xa4: {  	s25 =	simm.s32 $0x1B8E;
	s24 =	sld [smem:$0x3FFE];
	[sflag:s23] =	ssyncadd.s32 $0xFFFFFFFF  }
0xa5: {  	s26 =	simm.s32 $execute0_lowered;
	[smem:$0x3FD2] =	sst s25  }
0xa6: {  	s4 =	sshll.u32 s26, $0x1;
	_ =	strace $0x8000004C;
	[dreg:$0x1] =	wrdreg $0xFFFFFFFF  }
0xa7: {  	s28 =	simm.s32 $_size_execute0_lowered;
	s2 =	sadd.s32 s2, s4;
	[dreg:$0x0] =	wrdreg $0x0  }
0xa8: {  	s4 =	sshll.u32 s28, $0x1;
	[dreg:$0x2] =	wrdreg s2  }
0xa9: {  	[dreg:$0x3] =	wrdreg s4  }
0xaa: {  	[dreg:$0x4] =	wrdreg $0xC0  }
0xab: {  	_ =	task [dreg:s6], $0x5FFFF  }
0xac: {  	[dreg:$0x1] =	wrdreg $0xFFFFFFFF  }
0xad: {  	[dreg:$0x0] =	wrdreg $0x60  }
0xae: {  	[dreg:$0x2] =	wrdreg s24  }
0xaf: {  	[dreg:$0x3] =	wrdreg $0xF6000  }
0xb0: {  	[dreg:$0x4] =	wrdreg $0x9  }
0xb1: {  	_ =	task.clear_ibuf [dreg:s6], $0x5FFFF;
	_ =	strace $0x9000004C  }
0xb2: {  	s29 =	simm.s32 $0x9;
	_ =	strace $0x8000004E  }
0xb3: {  	_ =	swait.ge [sflag:s29], $0x1  }
0xb4: {  	[sflag:s29] =	ssyncadd.s32 $0xFFFFFFFF  }
0xb5: {  	_ =	strace $0x9000004E  }
0xb6: {  	_ =	sfence  }
0xb7: {  	s30 =	sld [smem:$0x0];
	_ =	sdelay $0x2  }
0xb8: {  	s31 =	sshll.u32 s1, $0xD;
	s1 =	sshrl.u32 s1, $0x2  }
0xb9: {  	s3 =	sand.u32 $0x4000, s31;
	s1 =	sadd.s32 s1, s30  }
0xba: {  	s0 =	sor.u32 s3, s0;
	s1 =	sshll.u32 s1, $0x11  }
0xbb: {  	s0 =	sor.u32 s1, s0  }
0xbc: {  	s0 =	sadd.s32 $0x8F2B, s0  }
0xbd: {  	[sflag:s0] =	ssyncadd.remote.s32 $0x1  }
0xbe: {  	_ =	sfence.sel $0xFFFF  }
0xbf: {  	[dreg:$0x0] =	wrdreg $0xFFFFFFFF;
	(pc) =	sbr.abs _section_cstart, $3  }
0xc0: {  	[dreg:$0x1] =	wrdreg $0xFFFFFFFF  }
0xc1: {  	_ =	task.clear_ibuf [dreg:s6], $0x2FFFF;
	_ =	strace $0x9FFFFFFF  }
0xc2: {  	(tm) =	ssettm $0x7FFFFFFF  }
0xc3: {  	_ =	shalt  }
tec
execute0_lowered:
.L_overlay_start_1:
0x0: {  	(tag) =	ssettag $0x1  }
0x1: {  	s0 =	rddreg [dreg:$0x0];
	s2 =	srdreg.scid  }
0x2: {  	s8 =	stileid.u32;
	s1 =	rddreg [dreg:$0x1];
	s18 =	simm.s32 $0x7  }
0x3: {  	s28 =	simm.s32 $0x5800;
	s29 =	simm.s32 $0x1;
	s30 =	simm.s32 $0x2  }
0x4: {  	s31 =	simm.s32 $0x3;
	s19 =	simm.s32 $0x9800;
	s9 =	sand.u32 $0x1, s2  }
0x5: {  	s3 =	sshll.u32 s8, $0x1;
	s11 =	smul.u32 $0x4E00, s8;
	s4 =	sadd.s32 $0x2CDE00, s0  }
0x6: {  	s2 =	simm.s32 $0x0;
	s5 =	sadd.s32 $0x2E1800, s0;
	s15 =	sadd.s32 $0x38B600, s0  }
0x7: {  	s20 =	sadd.s32 $0x4E000, s1;
	p0 =	sne.s32 s8, $0x0;
	s8 =	simm.s32 $0x4  }
0x8: {  	s10 =	sor.u32 s9, s3;
	s14 =	ssub.s32 $0x2, s9;
	s9 =	smul.u32 $0x4E200, s9  }
0x9: {  	[smem:$0x7FF] =	sst s2;
	s3 =	sadd.s32 $0x381800, s0;
	s6 =	smul.u32 $0x280, s10  }
0xa: {  	_ =	strace $0x8000004D;
	s21 =	sshrl.u32 s11, $0x3;
	s16 =	sshrl.u32 s14, $0x1  }
0xb: {  	s7 =	smul.u32 $0x1400, s10;
	s17 =	sadd.s32 s11, s1;
	[dreg:$0x8] =	wrdreg s20  }
0xc: {  	s13 =	sadd.s32 s21, s0;
	s16 =	ssub.s32 s14, s16;
	s24 =	sadd.s32 s11, s9  }
0xd: {  	s9 =	sshrl.u32 s9, $0x3;
	s14 =	smul.u32 $0x28000, s10;
	s21 =	simm.s32 $0x80  }
0xe: {  	s10 =	simm.s32 $0x6;
	[dreg:$0x6] =	wrdreg s17;
	s12 =	sadd.s32 s6, s0  }
0xf: {  	s6 =	sadd.s32 $0x39F000, s0;
	s23 =	sadd.s32 $0x2C4000, s13;
	s0 =	sadd.s32 $0x2CDC00, s0  }
0x10: {  	s9 =	sadd.s32 s15, s9;
	s26 =	smax.u32 s16, $0x1;
	[dreg:$0x5] =	wrdreg s23  }
0x11: {  	s16 =	simm.s32 $0xA800;
	s13 =	simm.s32 $0x0;
	[dreg:$0x7] =	wrdreg s0  }
0x12: {  	s22 =	sadd.s32 $0x2BA000, s12;
	s12 =	sadd.s32 $0x2BF000, s12;
	[dreg:$0xb] =	wrdreg s26  }
0x13: {  	s0 =	sshrl.u32 s24, $0x3;
	s25 =	sadd.s32 $0x9C00, s9;
	[dreg:$0x3] =	wrdreg s22  }
0x14: {  	s24 =	simm.s32 $0x2800;
	s26 =	simm.s32 $0x7800;
	[dreg:$0x4] =	wrdreg s12  }
0x15: {  	s9 =	simm.s32 $0x5;
	s0 =	sadd.s32 s15, s0;
	[dreg:$0xa] =	wrdreg s25  }
0x16: {  	s25 =	simm.s32 $0x6800;
	[dreg:$0x9] =	wrdreg s0;
	s0 =	simm.s32 $0x8800  }
.LBB2_1:
0x17: {  	[dreg:$0xc] =	wrdreg s13  }
0x18: {  	s11 =	rddreg [dreg:$0x3]  }
0x19: {  	[tilespmem:s2], [sflag:$0x7] =	stream.linear.gather [hbm4b:s11+s2], $0x1400, $0x38;
	[tilespmem:$0x14420] =	vst v63  }
0x1a: {  	_ =	swait.ge [sflag:s18], $0x1400  }
0x1b: {  	[sflag:s18] =	ssyncset.done $0x0  }
0x1c: {  	s12 =	simm.s32 $0x1400;
	s22 =	rddreg [dreg:$0x4];
	[sflag:s18] =	ssyncadd.s32 $0xFFFFEC00  }
0x1d: {  	[tilespmem:s12], [sflag:$0x7] =	stream.linear.gather [hbm4b:s22+s2], $0x1400, $0x38;
	[tilespmem:$0x14420] =	vst v63  }
0x1e: {  	_ =	swait.ge [sflag:s18], $0x1400  }
0x1f: {  	[sflag:s18] =	ssyncset.done $0x0  }
0x20: {  	s23 =	rddreg [dreg:$0x5];
	[sflag:s18] =	ssyncadd.s32 $0xFFFFEC00  }
0x21: {  	[tilespmem:s16], [sflag:$0x7] =	stream.linear.gather [hbm4b:s23+s2], $0x4E00, $0x38;
	[tilespmem:$0x14420] =	vst v63  }
0x22: {  	_ =	swait.ge [sflag:s18], $0x4E00  }
0x23: {  	[sflag:s18] =	ssyncset.done $0x0  }
0x24: {  	[sflag:s18] =	ssyncadd.s32 $0xFFFFB200  }
0x25: {  	[spmem:s17] =	stream.linear.scatter [tilespmem:s16], [sflag:$0x7], $0x4E00, $0x38;
	[tilespmem:$0x14420] =	vst v63  }
0x26: {  	_ =	swait.ge [sflag:s18], $0x4E00  }
0x27: {  	s11 =	simm.s32 @!p0 $0x0;
	[sflag:s18] =	ssyncset.done $0x0  }
0x28: {  	s12 =	simm.s32 @!p0 $0xA800;
	s13 =	rddreg [dreg:$0x7];
	[sflag:s18] =	ssyncadd.s32 $0xFFFFB200  }
0x29: {  	[tilespmem:s12], [sflag:$0x7] =	stream.linear.gather @!p0 [hbm4b:s13+s11], $0x200, $0x38;
	[tilespmem:$0x14420] =	vst v63  }
0x2a: {  	s11 =	simm.s32 @!p0 $0x7  }
0x2b: {  	_ =	swait.ge @!p0 [sflag:s11], $0x200  }
0x2c: {  	[sflag:s11] =	ssyncset.done @!p0 $0x0  }
0x2d: {  	[sflag:s11] =	ssyncadd.s32 @!p0 $0xFFFFFE00  }
0x2e: {  	[spmem:s20] =	stream.linear.scatter @!p0 [tilespmem:s12], [sflag:$0x7], $0x200, $0x38;
	[tilespmem:$0x14420] =	vst v63  }
0x2f: {  	_ =	swait.ge @!p0 [sflag:s11], $0x200  }
0x30: {  	[sflag:s11] =	ssyncset.done @!p0 $0x0  }
0x31: {  	[sflag:s11] =	ssyncadd.s32 @!p0 $0xFFFFFE00  }
0x32: {  	s15 =	simm.s32 $0x0;
	[bflag:$0x0] =	sbarrier.arrive $0xFFFF  }
.LBB2_2:
0x33: {  	s11 =	sshll.u32 s15, $0x8  }
0x34: {  	s13 =	simm.s32 $0x3800;
	s20 =	sshll.u32 s15, $0xD;
	s12 =	sadd.s32 $0x1400, s11  }
0x35: {  	[tilespmem:s13], [sflag:$0x1] =	stream.indirect.gather [hbm4b:s3+s21], $0x20, s12, s21, $0xb8;
	[tilespmem:$0x14420] =	vst v63  }
0x36: {  	s12 =	sadd.s32 s14, s20  }
0x37: {  	s17 =	simm.s32 $0x4800;
	s16 =	sor.u32 $0x80, s11;
	s13 =	sshrl.u32 s12, $0x3  }
0x38: {  	[tilespmem:s17], [sflag:$0x2] =	stream.indirect.gather [hbm4b:s4+s21], $0x20, s11, s21, $0xb8;
	[tilespmem:$0x14420] =	vst v63  }
0x39: {  	s23 =	sadd.s32 s7, s16;
	s12 =	sadd.s32 s5, s13  }
0x3a: {  	[tilespmem:s24], [sflag:$0x3] =	stream.linear.gather [hbm4b:s12+s2], $0x1000, $0x38;
	[tilespmem:$0x14420] =	vst v63  }
0x3b: {  	s22 =	sadd.s32 $0x1480, s11;
	s12 =	sshll.u32 s23, $0x2  }
0x3c: {  	[tilespmem:s25], [sflag:$0x4] =	stream.indirect.gather [hbm4b:s3+s21], $0x20, s22, s21, $0xb8;
	[tilespmem:$0x14420] =	vst v63  }
0x3d: {  	s17 =	sand.u32 $0x1FFFFE00, s12  }
0x3e: {  	[tilespmem:s26], [sflag:$0x5] =	stream.indirect.gather [hbm4b:s4+s21], $0x20, s16, s21, $0xb8;
	[tilespmem:$0x14420] =	vst v63  }
0x3f: {  	s12 =	sadd.s32 s5, s17  }
0x40: {  	[tilespmem:s28], [sflag:$0x6] =	stream.linear.gather [hbm4b:s12+s2], $0x1000, $0x38;
	[tilespmem:$0x14420] =	vst v63  }
0x41: {  	_ =	swait.ge [sflag:s29], $0x1000  }
0x42: {  	[sflag:s29] =	ssyncset.done $0x0  }
0x43: {  	[sflag:s29] =	ssyncadd.s32 $0xFFFFF000  }
0x44: {  	_ =	swait.ge [sflag:s30], $0x1000  }
0x45: {  	[sflag:s30] =	ssyncset.done $0x0  }
0x46: {  	[sflag:s30] =	ssyncadd.s32 $0xFFFFF000  }
0x47: {  	_ =	swait.ge [sflag:s31], $0x1000  }
0x48: {  	[sflag:s31] =	ssyncset.done $0x0  }
0x49: {  	s23 =	simm.s32 $0x3840;
	[sflag:s31] =	ssyncadd.s32 $0xFFFFF000  }
0x4a: {  	s20 =	simm.s32 $0x4840;
	v1 =	vld [tilespmem:s23+$0x30]  }
0x4b: {  	v2 =	vld [tilespmem:s20+$0x30]  }
0x4c: {  	v0 =	vld [tilespmem:s20+$0xFFFFFFC0]  }
0x4d: {  	v3 =	vld [tilespmem:s23+$0xFFFFFFD0]  }
0x4e: {  	v4 =	vld [tilespmem:s20+$0xFFFFFFD0]  }
0x4f: {  	v5 =	vld [tilespmem:s23+$0xFFFFFFE0]  }
0x50: {  	v6 =	vld [tilespmem:s20+$0xFFFFFFE0]  }
0x51: {  	v7 =	vld [tilespmem:s23+$0xFFFFFFF0]  }
0x52: {  	v8 =	vld [tilespmem:s20+$0xFFFFFFF0]  }
0x53: {  	v9 =	vld [tilespmem:s23+$0x0]  }
0x54: {  	v10 =	vld [tilespmem:s20+$0x0];
	v2 =	vmul.f32 v2, v1  }
0x55: {  	s12 =	simm.s32 $0x8840;
	v4 =	vmul.f32 v4, v3;
	v1 =	vld [tilespmem:s23+$0x10]  }
0x56: {  	v5 =	vmul.f32 v6, v5;
	v3 =	vld [tilespmem:s20+$0x10];
	[tilespmem:s12+$0x30] =	vst v2  }
0x57: {  	v6 =	vmul.f32 v8, v7;
	[tilespmem:s12+$0xFFFFFFD0] =	vst v4;
	v2 =	vld [tilespmem:s23+$0x20]  }
0x58: {  	[tilespmem:s12+$0xFFFFFFE0] =	vst v5;
	v5 =	vld [tilespmem:s20+$0x20]  }
0x59: {  	s22 =	simm.s32 $0x0;
	v4 =	vld [tilespmem:s23+$0xFFFFFFC0];
	[tilespmem:s12+$0xFFFFFFF0] =	vst v6;
	v6 =	vmul.f32 v10, v9;
	s23 =	simm.s32 $0x38C0  }
.LBB2_3:
0x5a: {  	v7 =	vld [tilespmem:s23+$0x30];
	s20 =	sadd.s32 $0x80, s20  }
0x5b: {  	s22 =	sadd.s32 $0x8, s22;
	v8 =	vld [tilespmem:s20+$0x30];
	[tilespmem:s12+$0x0] =	vst v6;
	v1 =	vmul.f32 v3, v1  }
0x5c: {  	p1 =	slt.u32 s22, $0xF8;
	v3 =	vld [tilespmem:s20+$0xFFFFFFC0]  }
0x5d: {  	v6 =	vld [tilespmem:s23+$0xFFFFFFD0];
	[tilespmem:s12+$0x10] =	vst v1;
	v1 =	vmul.f32 v5, v2  }
0x5e: {  	v2 =	vld [tilespmem:s20+$0xFFFFFFD0];
	v9 =	vmul.f32 v0, v4  }
0x5f: {  	v4 =	vld [tilespmem:s23+$0xFFFFFFE0];
	[tilespmem:s12+$0x20] =	vst v1  }
0x60: {  	v1 =	vld [tilespmem:s20+$0xFFFFFFE0];
	v5 =	vmul.f32 v8, v7;
	[tilespmem:s12+$0xFFFFFFC0] =	vst v9  }
0x61: {  	s12 =	sadd.s32 $0x80, s12;
	v7 =	vld [tilespmem:s23+$0xFFFFFFF0];
	v0 =	vmov v3  }
0x62: {  	v8 =	vld [tilespmem:s20+$0xFFFFFFF0];
	[tilespmem:s12+$0x30] =	vst v5  }
0x63: {  	v2 =	vmul.f32 v2, v6;
	v6 =	vld [tilespmem:s23+$0x0]  }
0x64: {  	v9 =	vld [tilespmem:s20+$0x0]  }
.Ltmp0:
0x65: {  	[tilespmem:s12+$0xFFFFFFD0] =	vst v2;
	v2 =	vmul.f32 v1, v4;
	v1 =	vld [tilespmem:s23+$0x10];
	(pc) =	sbr.rel @p1 .LBB2_3-.Ltmp0, $4  }
0x66: {  	v3 =	vld [tilespmem:s20+$0x10]  }
0x67: {  	[tilespmem:s12+$0xFFFFFFE0] =	vst v2;
	v7 =	vmul.f32 v8, v7;
	v2 =	vld [tilespmem:s23+$0x20]  }
0x68: {  	v5 =	vld [tilespmem:s20+$0x20]  }
0x69: {  	v4 =	vld [tilespmem:s23+$0xFFFFFFC0];
	[tilespmem:s12+$0xFFFFFFF0] =	vst v7;
	v6 =	vmul.f32 v9, v6;
	s23 =	sadd.s32 $0x80, s23  }
0x6a: {  	_ =	sdelay $0x1  }
0x6b: {  	v1 =	vmul.f32 v3, v1  }
0x6c: {  	[tilespmem:s12+$0x0] =	vst v6;
	v2 =	vmul.f32 v5, v2  }
0x6d: {  	[tilespmem:s12+$0x10] =	vst v1;
	v0 =	vmul.f32 v0, v4  }
0x6e: {  	[tilespmem:s12+$0x20] =	vst v2  }
0x6f: {  	s23 =	sadd.s32 s6, s13;
	[tilespmem:s12+$0xFFFFFFC0] =	vst v0  }
0x70: {  	[hbm4b:s23+s2] =	stream.linear.scatter [tilespmem:s0], [sflag:$0x7], $0x1000, $0x38;
	[tilespmem:$0x14420] =	vst v63  }
0x71: {  	_ =	swait.ge [sflag:s18], $0x1000  }
0x72: {  	[sflag:s18] =	ssyncset.done $0x0  }
0x73: {  	s22 =	simm.s32 $0x3840;
	[sflag:s18] =	ssyncadd.s32 $0xFFFFF000  }
0x74: {  	s13 =	simm.s32 $0x2840;
	v1 =	vld [tilespmem:s22+$0x30]  }
0x75: {  	v2 =	vld [tilespmem:s13+$0x30]  }
0x76: {  	v0 =	vld [tilespmem:s13+$0xFFFFFFC0]  }
0x77: {  	v3 =	vld [tilespmem:s22+$0xFFFFFFD0]  }
0x78: {  	v4 =	vld [tilespmem:s13+$0xFFFFFFD0]  }
0x79: {  	v5 =	vld [tilespmem:s22+$0xFFFFFFE0]  }
0x7a: {  	v6 =	vld [tilespmem:s13+$0xFFFFFFE0]  }
0x7b: {  	v7 =	vld [tilespmem:s22+$0xFFFFFFF0]  }
0x7c: {  	v8 =	vld [tilespmem:s13+$0xFFFFFFF0]  }
0x7d: {  	v9 =	vld [tilespmem:s22+$0x0]  }
0x7e: {  	v10 =	vld [tilespmem:s13+$0x0];
	v2 =	vmul.f32 v2, v1  }
0x7f: {  	s12 =	simm.s32 $0x9840;
	v4 =	vmul.f32 v4, v3;
	v1 =	vld [tilespmem:s22+$0x10]  }
0x80: {  	v5 =	vmul.f32 v6, v5;
	v3 =	vld [tilespmem:s13+$0x10];
	[tilespmem:s12+$0x30] =	vst v2  }
0x81: {  	v6 =	vmul.f32 v8, v7;
	[tilespmem:s12+$0xFFFFFFD0] =	vst v4;
	v2 =	vld [tilespmem:s22+$0x20]  }
0x82: {  	[tilespmem:s12+$0xFFFFFFE0] =	vst v5;
	v5 =	vld [tilespmem:s13+$0x20]  }
0x83: {  	s20 =	simm.s32 $0x0;
	v4 =	vld [tilespmem:s22+$0xFFFFFFC0];
	[tilespmem:s12+$0xFFFFFFF0] =	vst v6;
	v6 =	vmul.f32 v10, v9;
	s22 =	simm.s32 $0x38C0  }
.LBB2_5:
0x84: {  	v7 =	vld [tilespmem:s22+$0x30];
	s13 =	sadd.s32 $0x80, s13  }
0x85: {  	s20 =	sadd.s32 $0x8, s20;
	v8 =	vld [tilespmem:s13+$0x30];
	[tilespmem:s12+$0x0] =	vst v6;
	v1 =	vmul.f32 v3, v1  }
0x86: {  	p1 =	slt.u32 s20, $0xF8;
	v3 =	vld [tilespmem:s13+$0xFFFFFFC0]  }
0x87: {  	v6 =	vld [tilespmem:s22+$0xFFFFFFD0];
	[tilespmem:s12+$0x10] =	vst v1;
	v1 =	vmul.f32 v5, v2  }
0x88: {  	v2 =	vld [tilespmem:s13+$0xFFFFFFD0];
	v9 =	vmul.f32 v0, v4  }
0x89: {  	v4 =	vld [tilespmem:s22+$0xFFFFFFE0];
	[tilespmem:s12+$0x20] =	vst v1  }
0x8a: {  	v1 =	vld [tilespmem:s13+$0xFFFFFFE0];
	v5 =	vmul.f32 v8, v7;
	[tilespmem:s12+$0xFFFFFFC0] =	vst v9  }
0x8b: {  	s12 =	sadd.s32 $0x80, s12;
	v7 =	vld [tilespmem:s22+$0xFFFFFFF0];
	v0 =	vmov v3  }
0x8c: {  	v8 =	vld [tilespmem:s13+$0xFFFFFFF0];
	[tilespmem:s12+$0x30] =	vst v5  }
0x8d: {  	v2 =	vmul.f32 v2, v6;
	v6 =	vld [tilespmem:s22+$0x0]  }
0x8e: {  	v9 =	vld [tilespmem:s13+$0x0]  }
.Ltmp1:
0x8f: {  	[tilespmem:s12+$0xFFFFFFD0] =	vst v2;
	v2 =	vmul.f32 v1, v4;
	v1 =	vld [tilespmem:s22+$0x10];
	(pc) =	sbr.rel @p1 .LBB2_5-.Ltmp1, $4  }
0x90: {  	v3 =	vld [tilespmem:s13+$0x10]  }
0x91: {  	[tilespmem:s12+$0xFFFFFFE0] =	vst v2;
	v7 =	vmul.f32 v8, v7;
	v2 =	vld [tilespmem:s22+$0x20]  }
0x92: {  	v5 =	vld [tilespmem:s13+$0x20]  }
0x93: {  	v4 =	vld [tilespmem:s22+$0xFFFFFFC0];
	[tilespmem:s12+$0xFFFFFFF0] =	vst v7;
	v6 =	vmul.f32 v9, v6;
	s22 =	sadd.s32 $0x80, s22  }
0x94: {  	_ =	sdelay $0x1  }
0x95: {  	v1 =	vmul.f32 v3, v1  }
0x96: {  	[tilespmem:s12+$0x0] =	vst v6;
	v2 =	vmul.f32 v5, v2  }
0x97: {  	[tilespmem:s12+$0x10] =	vst v1;
	v0 =	vmul.f32 v0, v4  }
0x98: {  	[tilespmem:s12+$0x20] =	vst v2  }
0x99: {  	[tilespmem:s12+$0xFFFFFFC0] =	vst v0  }
0x9a: {  	[spmem:s1] =	stream.indirect.scatter.add.f32 [tilespmem:s19], [sflag:$0x7], $0x20, s11, s21, $0xb8;
	[tilespmem:$0x14420] =	vst v63  }
0x9b: {  	_ =	swait.ge [sflag:s18], $0x1000  }
0x9c: {  	[sflag:s18] =	ssyncset.done $0x0  }
0x9d: {  	[sflag:s18] =	ssyncadd.s32 $0xFFFFF000  }
0x9e: {  	_ =	swait.ge [sflag:s8], $0x1000  }
0x9f: {  	[sflag:s8] =	ssyncset.done $0x0  }
0xa0: {  	[sflag:s8] =	ssyncadd.s32 $0xFFFFF000  }
0xa1: {  	_ =	swait.ge [sflag:s9], $0x1000  }
0xa2: {  	[sflag:s9] =	ssyncset.done $0x0  }
0xa3: {  	[sflag:s9] =	ssyncadd.s32 $0xFFFFF000  }
0xa4: {  	_ =	swait.ge [sflag:s10], $0x1000  }
0xa5: {  	[sflag:s10] =	ssyncset.done $0x0  }
0xa6: {  	s20 =	simm.s32 $0x6840;
	[sflag:s10] =	ssyncadd.s32 $0xFFFFF000  }
0xa7: {  	s11 =	simm.s32 $0x7840;
	v1 =	vld [tilespmem:s20+$0x30]  }
0xa8: {  	v2 =	vld [tilespmem:s11+$0x30]  }
0xa9: {  	v0 =	vld [tilespmem:s11+$0xFFFFFFC0]  }
0xaa: {  	v3 =	vld [tilespmem:s20+$0xFFFFFFD0]  }
0xab: {  	v4 =	vld [tilespmem:s11+$0xFFFFFFD0]  }
0xac: {  	v5 =	vld [tilespmem:s20+$0xFFFFFFE0]  }
0xad: {  	v6 =	vld [tilespmem:s11+$0xFFFFFFE0]  }
0xae: {  	v7 =	vld [tilespmem:s20+$0xFFFFFFF0]  }
0xaf: {  	v8 =	vld [tilespmem:s11+$0xFFFFFFF0]  }
0xb0: {  	v9 =	vld [tilespmem:s20+$0x0]  }
0xb1: {  	v10 =	vld [tilespmem:s11+$0x0];
	v2 =	vmul.f32 v2, v1  }
0xb2: {  	s12 =	simm.s32 $0x8840;
	v4 =	vmul.f32 v4, v3;
	v1 =	vld [tilespmem:s20+$0x10]  }
0xb3: {  	v5 =	vmul.f32 v6, v5;
	v3 =	vld [tilespmem:s11+$0x10];
	[tilespmem:s12+$0x30] =	vst v2  }
0xb4: {  	v6 =	vmul.f32 v8, v7;
	[tilespmem:s12+$0xFFFFFFD0] =	vst v4;
	v2 =	vld [tilespmem:s20+$0x20]  }
0xb5: {  	[tilespmem:s12+$0xFFFFFFE0] =	vst v5;
	v5 =	vld [tilespmem:s11+$0x20]  }
0xb6: {  	s13 =	simm.s32 $0x0;
	v4 =	vld [tilespmem:s20+$0xFFFFFFC0];
	[tilespmem:s12+$0xFFFFFFF0] =	vst v6;
	v6 =	vmul.f32 v10, v9;
	s20 =	simm.s32 $0x68C0  }
.LBB2_7:
0xb7: {  	v7 =	vld [tilespmem:s20+$0x30];
	s11 =	sadd.s32 $0x80, s11  }
0xb8: {  	s13 =	sadd.s32 $0x8, s13;
	v8 =	vld [tilespmem:s11+$0x30];
	[tilespmem:s12+$0x0] =	vst v6;
	v1 =	vmul.f32 v3, v1  }
0xb9: {  	p1 =	slt.u32 s13, $0xF8;
	v3 =	vld [tilespmem:s11+$0xFFFFFFC0]  }
0xba: {  	v6 =	vld [tilespmem:s20+$0xFFFFFFD0];
	[tilespmem:s12+$0x10] =	vst v1;
	v1 =	vmul.f32 v5, v2  }
0xbb: {  	v2 =	vld [tilespmem:s11+$0xFFFFFFD0];
	v9 =	vmul.f32 v0, v4  }
0xbc: {  	v4 =	vld [tilespmem:s20+$0xFFFFFFE0];
	[tilespmem:s12+$0x20] =	vst v1  }
0xbd: {  	v1 =	vld [tilespmem:s11+$0xFFFFFFE0];
	v5 =	vmul.f32 v8, v7;
	[tilespmem:s12+$0xFFFFFFC0] =	vst v9  }
0xbe: {  	s12 =	sadd.s32 $0x80, s12;
	v7 =	vld [tilespmem:s20+$0xFFFFFFF0];
	v0 =	vmov v3  }
0xbf: {  	v8 =	vld [tilespmem:s11+$0xFFFFFFF0];
	[tilespmem:s12+$0x30] =	vst v5  }
0xc0: {  	v2 =	vmul.f32 v2, v6;
	v6 =	vld [tilespmem:s20+$0x0]  }
0xc1: {  	v9 =	vld [tilespmem:s11+$0x0]  }
.Ltmp2:
0xc2: {  	[tilespmem:s12+$0xFFFFFFD0] =	vst v2;
	v2 =	vmul.f32 v1, v4;
	v1 =	vld [tilespmem:s20+$0x10];
	(pc) =	sbr.rel @p1 .LBB2_7-.Ltmp2, $4  }
0xc3: {  	v3 =	vld [tilespmem:s11+$0x10]  }
0xc4: {  	[tilespmem:s12+$0xFFFFFFE0] =	vst v2;
	v7 =	vmul.f32 v8, v7;
	v2 =	vld [tilespmem:s20+$0x20]  }
0xc5: {  	v5 =	vld [tilespmem:s11+$0x20]  }
0xc6: {  	v4 =	vld [tilespmem:s20+$0xFFFFFFC0];
	[tilespmem:s12+$0xFFFFFFF0] =	vst v7;
	v6 =	vmul.f32 v9, v6;
	s20 =	sadd.s32 $0x80, s20  }
0xc7: {  	_ =	sdelay $0x1  }
0xc8: {  	v1 =	vmul.f32 v3, v1  }
0xc9: {  	[tilespmem:s12+$0x0] =	vst v6;
	v2 =	vmul.f32 v5, v2  }
0xca: {  	[tilespmem:s12+$0x10] =	vst v1;
	v0 =	vmul.f32 v0, v4  }
0xcb: {  	[tilespmem:s12+$0x20] =	vst v2  }
0xcc: {  	s11 =	sadd.s32 s6, s17;
	[tilespmem:s12+$0xFFFFFFC0] =	vst v0  }
0xcd: {  	[hbm4b:s11+s2] =	stream.linear.scatter [tilespmem:s0], [sflag:$0x7], $0x1000, $0x38;
	[tilespmem:$0x14420] =	vst v63  }
0xce: {  	_ =	swait.ge [sflag:s18], $0x1000  }
0xcf: {  	[sflag:s18] =	ssyncset.done $0x0  }
0xd0: {  	s23 =	simm.s32 $0x6840;
	[sflag:s18] =	ssyncadd.s32 $0xFFFFF000  }
0xd1: {  	s11 =	simm.s32 $0x5840;
	v1 =	vld [tilespmem:s23+$0x30]  }
0xd2: {  	v2 =	vld [tilespmem:s11+$0x30]  }
0xd3: {  	v0 =	vld [tilespmem:s11+$0xFFFFFFC0]  }
0xd4: {  	v3 =	vld [tilespmem:s23+$0xFFFFFFD0]  }
0xd5: {  	v4 =	vld [tilespmem:s11+$0xFFFFFFD0]  }
0xd6: {  	v5 =	vld [tilespmem:s23+$0xFFFFFFE0]  }
0xd7: {  	v6 =	vld [tilespmem:s11+$0xFFFFFFE0]  }
0xd8: {  	v7 =	vld [tilespmem:s23+$0xFFFFFFF0]  }
0xd9: {  	v8 =	vld [tilespmem:s11+$0xFFFFFFF0]  }
0xda: {  	v9 =	vld [tilespmem:s23+$0x0]  }
0xdb: {  	v10 =	vld [tilespmem:s11+$0x0];
	v2 =	vmul.f32 v2, v1  }
0xdc: {  	s12 =	simm.s32 $0x9840;
	v4 =	vmul.f32 v4, v3;
	v1 =	vld [tilespmem:s23+$0x10]  }
0xdd: {  	v5 =	vmul.f32 v6, v5;
	v3 =	vld [tilespmem:s11+$0x10];
	[tilespmem:s12+$0x30] =	vst v2  }
0xde: {  	v6 =	vmul.f32 v8, v7;
	[tilespmem:s12+$0xFFFFFFD0] =	vst v4;
	v2 =	vld [tilespmem:s23+$0x20]  }
0xdf: {  	[tilespmem:s12+$0xFFFFFFE0] =	vst v5;
	v5 =	vld [tilespmem:s11+$0x20]  }
0xe0: {  	s13 =	simm.s32 $0x0;
	s17 =	simm.s32 $0x68C0;
	v4 =	vld [tilespmem:s23+$0xFFFFFFC0];
	[tilespmem:s12+$0xFFFFFFF0] =	vst v6;
	v6 =	vmul.f32 v10, v9  }
.LBB2_9:
0xe1: {  	v7 =	vld [tilespmem:s17+$0x30];
	s11 =	sadd.s32 $0x80, s11  }
0xe2: {  	s13 =	sadd.s32 $0x8, s13;
	v8 =	vld [tilespmem:s11+$0x30];
	[tilespmem:s12+$0x0] =	vst v6;
	v1 =	vmul.f32 v3, v1  }
0xe3: {  	p1 =	slt.u32 s13, $0xF8;
	v3 =	vld [tilespmem:s11+$0xFFFFFFC0]  }
0xe4: {  	v6 =	vld [tilespmem:s17+$0xFFFFFFD0];
	[tilespmem:s12+$0x10] =	vst v1;
	v1 =	vmul.f32 v5, v2  }
0xe5: {  	v2 =	vld [tilespmem:s11+$0xFFFFFFD0];
	v9 =	vmul.f32 v0, v4  }
0xe6: {  	v4 =	vld [tilespmem:s17+$0xFFFFFFE0];
	[tilespmem:s12+$0x20] =	vst v1  }
0xe7: {  	v1 =	vld [tilespmem:s11+$0xFFFFFFE0];
	v5 =	vmul.f32 v8, v7;
	[tilespmem:s12+$0xFFFFFFC0] =	vst v9  }
0xe8: {  	s12 =	sadd.s32 $0x80, s12;
	v7 =	vld [tilespmem:s17+$0xFFFFFFF0];
	v0 =	vmov v3  }
0xe9: {  	v8 =	vld [tilespmem:s11+$0xFFFFFFF0];
	[tilespmem:s12+$0x30] =	vst v5  }
0xea: {  	v2 =	vmul.f32 v2, v6;
	v6 =	vld [tilespmem:s17+$0x0]  }
0xeb: {  	v9 =	vld [tilespmem:s11+$0x0]  }
.Ltmp3:
0xec: {  	[tilespmem:s12+$0xFFFFFFD0] =	vst v2;
	v2 =	vmul.f32 v1, v4;
	v1 =	vld [tilespmem:s17+$0x10];
	(pc) =	sbr.rel @p1 .LBB2_9-.Ltmp3, $4  }
0xed: {  	v3 =	vld [tilespmem:s11+$0x10]  }
0xee: {  	[tilespmem:s12+$0xFFFFFFE0] =	vst v2;
	v7 =	vmul.f32 v8, v7;
	v2 =	vld [tilespmem:s17+$0x20]  }
0xef: {  	v5 =	vld [tilespmem:s11+$0x20]  }
0xf0: {  	v4 =	vld [tilespmem:s17+$0xFFFFFFC0];
	[tilespmem:s12+$0xFFFFFFF0] =	vst v7;
	v6 =	vmul.f32 v9, v6;
	s17 =	sadd.s32 $0x80, s17  }
0xf1: {  	_ =	sdelay $0x1  }
0xf2: {  	v1 =	vmul.f32 v3, v1  }
0xf3: {  	[tilespmem:s12+$0x0] =	vst v6;
	v2 =	vmul.f32 v5, v2  }
0xf4: {  	s15 =	sadd.s32 $0x1, s15;
	[tilespmem:s12+$0x10] =	vst v1;
	v0 =	vmul.f32 v0, v4  }
0xf5: {  	p1 =	sne.s32 s15, $0x14;
	[tilespmem:s12+$0x20] =	vst v2  }
.Ltmp4:
0xf6: {  	[tilespmem:s12+$0xFFFFFFC0] =	vst v0;
	(pc) =	sbr.rel @p1 .LBB2_2-.Ltmp4, $4  }
0xf7: {  	[spmem:s1] =	stream.indirect.scatter.add.f32 [tilespmem:s19], [sflag:$0x7], $0x20, s16, s21, $0xb8;
	[tilespmem:$0x14420] =	vst v63  }
0xf8: {  	_ =	swait.ge [sflag:s18], $0x1000  }
0xf9: {  	[sflag:s18] =	ssyncset.done $0x0  }
0xfa: {  	[sflag:s18] =	ssyncadd.s32 $0xFFFFF000  }
0xfb: {  	[bflag:$0x0] =	sbarrier.arrive $0xFFFF  }
0xfc: {  	s16 =	simm.s32 $0xA800;
	s17 =	rddreg [dreg:$0x6]  }
0xfd: {  	[tilespmem:s16], [sflag:$0x7] =	stream.linear.gather [spmem:s17], $0x4E00, $0x38;
	[tilespmem:$0x14420] =	vst v63  }
0xfe: {  	_ =	swait.ge [sflag:s18], $0x4E00  }
0xff: {  	[sflag:s18] =	ssyncset.done $0x0  }
0x100: {  	s11 =	rddreg [dreg:$0x9];
	[sflag:s18] =	ssyncadd.s32 $0xFFFFB200  }
0x101: {  	[hbm4b:s11+s2] =	stream.linear.scatter [tilespmem:s16], [sflag:$0x7], $0x4E00, $0x38;
	[tilespmem:$0x14420] =	vst v63  }
0x102: {  	_ =	swait.ge [sflag:s18], $0x4E00  }
0x103: {  	s12 =	simm.s32 @!p0 $0x7;
	[sflag:s18] =	ssyncset.done $0x0  }
0x104: {  	s11 =	simm.s32 @!p0 $0xA800;
	s20 =	rddreg [dreg:$0x8];
	[sflag:s18] =	ssyncadd.s32 $0xFFFFB200  }
0x105: {  	[tilespmem:s11], [sflag:$0x7] =	stream.linear.gather @!p0 [spmem:s20], $0x200, $0x38;
	[tilespmem:$0x14420] =	vst v63  }
0x106: {  	_ =	swait.ge @!p0 [sflag:s12], $0x200  }
0x107: {  	[sflag:s12] =	ssyncset.done @!p0 $0x0  }
0x108: {  	s13 =	simm.s32 @!p0 $0x0;
	s15 =	rddreg [dreg:$0xa];
	[sflag:s12] =	ssyncadd.s32 @!p0 $0xFFFFFE00  }
0x109: {  	[hbm4b:s15+s13] =	stream.linear.scatter @!p0 [tilespmem:s11], [sflag:$0x7], $0x200, $0x38;
	[tilespmem:$0x14420] =	vst v63  }
0x10a: {  	_ =	swait.ge @!p0 [sflag:s12], $0x200  }
0x10b: {  	s22 =	rddreg [dreg:$0xc]  }
0x10c: {  	s23 =	rddreg [dreg:$0xb];
	s13 =	sadd.s32 $0x1, s22  }
0x10d: {  	p1 =	sne.s32 s13, s23  }
.Ltmp5:
0x10e: {  	_ = 	snop;
	(pc) =	sbr.rel @p1 .LBB2_1-.Ltmp5, $3  }
0x10f: {  	_ =	sdelay $0x1  }
0x110: {  	[sflag:s12] =	ssyncset.done @!p0 $0x0  }
0x111: {  	[sflag:s12] =	ssyncadd.s32 @!p0 $0xFFFFFE00  }
0x112: {  	_ =	sfence.sel $0x180000  }
0x113: {  	[bflag:$0x0] =	sbarrier.arrive $0xFFFF  }
0x114: {  	_ =	strace $0x9000004D  }
0x115: {  	[bflag:$0x2] =	sbarrier.arrive $0xFFFF  }
0x116: {  	s0 =	rddreg [dreg:$0x2]  }
0x117: {  	s0 =	sadd.s32 @!p0 $0x100000, s0  }
0x118: {  	[sflag:s0] =	ssyncadd.tile.s32 @!p0 $0x1;
	_ =	shalt  }
.Lfunc_end2:
_tile_overlayer_lowered:
.L_overlay_start_2:
0x119: {  	(tag) =	ssettag $0x2  }
0x11a: {  	s0 =	rddreg [dreg:$0x0];
	s2 =	stileid.u32  }
0x11b: {  	s1 =	rddreg [dreg:$0x1];
	p0 =	sne.s32 s2, $0x0  }
0x11c: {  	s3 =	rddreg [dreg:$0x2];
	[bflag:$0x3] =	sbarrier.arrive $0xFFFF;
	s2 =	simm.s32 @!p0 $0x1C07  }
0x11d: {  	[timem:s3], [sflag:s2] =	dma.local @!p0 [hbm:s0], s1  }
0x11e: {  	s0 =	simm.s32 @!p0 $0x7  }
0x11f: {  	_ =	swait.ge @!p0 [sflag:s0], s1  }
0x120: {  	s1 =	ssub.s32 @!p0 $0x0, s1;
	[sflag:s0] =	ssyncset.done @!p0 $0x0  }
0x121: {  	[sflag:s0] =	ssyncadd.s32 @!p0 s1  }
0x122: {  	[bflag:$0x3] =	sbarrier.arrive $0xFFFF  }
0x123: {  	_ =	shalt  }

// kernel: kernel.22.cloned.1.call-start
scs
__scs_entry_jumppad:
0x0: {  	(pc) =	sbr.rel $0x88, $3  }
0x1: {  	(tag) =	ssettag $0x0;
	lr =	simm.s32 $0x1  }
0x2: {  	[smem:$0x3F85] =	sst lr;
	_ =	strace $0xD0000000  }
0x3: {  	_ = 	snop  }
0x4: {  	_ = 	snop  }
0x5: {  	_ = 	snop  }
0x6: {  	_ = 	snop  }
0x7: {  	_ = 	snop  }
__scs_overlays_trampoline_lowered:
0x8: {  	[smem:$0x3F94] =	sst s0  }
0x9: {  	[smem:$0x3F95] =	sst s1  }
0xa: {  	[smem:$0x3F96] =	sst s2  }
0xb: {  	[smem:$0x3F97] =	sst s3  }
0xc: {  	[smem:$0x3F98] =	sst s4  }
0xd: {  	[smem:$0x3F99] =	sst s5  }
0xe: {  	[smem:$0x3F9A] =	sst s6  }
0xf: {  	[smem:$0x3F9B] =	sst s7  }
0x10: {  	[smem:$0x3F9C] =	sst s8  }
0x11: {  	[smem:$0x3F9D] =	sst s9;
	s0 =	simm.s32 @!p0 $0x0  }
0x12: {  	s1 =	sld [smem:$0x3F83];
	s0 =	simm.s32 @p0 $0x1  }
0x13: {  	[smem:$0x3F9E] =	sst s0;
	s0 =	simm.s32 @!p1 $0x0  }
0x14: {  	s2 =	sld [smem:$0x3F82];
	s0 =	simm.s32 @p1 $0x1  }
0x15: {  	[smem:$0x3F9F] =	sst s0;
	s0 =	simm.s32 @!p2 $0x0  }
0x16: {  	s3 =	sld [smem:$0x3FDB];
	s0 =	simm.s32 @p2 $0x1  }
0x17: {  	s4 =	simm.s32 $0x1BF5;
	[smem:$0x3FA1] =	sst s0  }
0x18: {  	s0 =	sld [smem:$0x3F84];
	_ =	swait.ge [sflag:s4], $0x0  }
0x19: {  	s7 =	sld [smem:$0x3F85]  }
0x1a: {  	s8 =	sadd.s32 $0xFFFFE003, lr  }
0x1b: {  	s9 =	sadd.s32 $0xFFFFFEF7, lr;
	s5 =	simm.s32 $0xFFFFFFFF;
	p2 =	slt.u32 s8, $0xFFFFF086  }
0x1c: {  	p1 =	slt.u32 s9, $0xF7A;
	s5 =	simm.s32 @!p2 $0x0  }
0x1d: {  	s5 =	simm.s32 @p1 $0x1;
	p0 =	seq.s32 s7, s2  }
0x1e: {  	s7 =	smul.u32 @!p0 $0xF7A, s2;
	p2 =	seq.s32 @!p0 s5, $0x0  }
0x1f: {  	s9 =	smul.u32 $0xF7A, s1;
	s8 =	simm.s32 @!p0 $0x1BF5;
	p2 =	por !p2, p0  }
0x20: {  	[sflag:s8] =	ssyncset.s32 @!p0 $0xFFFFF086;
	s6 =	sadd.s32 @!p0 s3, s7;
	s7 =	simm.s32 @!p0 $0x108  }
0x21: {  	s3 =	sadd.s32 s3, s9;
	s6 =	sadd.s32 @!p0 $0x88, s6;
	s7 =	simm.s32 @p2 $0x1082  }
0x22: {  	[simem:s7], [sflag:s8] =	dma.local @!p0 [hbm:s6], $0xF7A  }
0x23: {  	s9 =	sor.u32 $0xD0000000, s2;
	s6 =	simm.s32 $0x108;
	_ =	swait.ge @!p0 [sflag:s8], $0x0  }
0x24: {  	s3 =	sadd.s32 $0x88, s3;
	s6 =	simm.s32 @!p1 $0x1082;
	[sflag:s4] =	ssyncset.s32 $0xFFFFF086  }
0x25: {  	[simem:s6], [sflag:s4] =	dma.local [hbm:s3], $0xF7A  }
0x26: {  	[smem:$0x3F85] =	sst s1;
	(tag) =	ssettag s2;
	_ =	strace s9  }
0x27: {  	s1 =	sld [smem:$0x3F95]  }
0x28: {  	s2 =	sld [smem:$0x3F96]  }
0x29: {  	s4 =	sld [smem:$0x3F98]  }
0x2a: {  	p0 =	seq.s32 s5, $0x0;
	s5 =	sld [smem:$0x3F99]  }
0x2b: {  	s6 =	sld [smem:$0x3F9A]  }
0x2c: {  	s7 =	sld [smem:$0x3F9B]  }
0x2d: {  	s3 =	simm.s32 $0x108;
	s8 =	sld [smem:$0x3F9C]  }
0x2e: {  	s3 =	simm.s32 @!p0 $0x1082;
	s9 =	sld [smem:$0x3F9D]  }
0x2f: {  	lr =	sadd.s32 s0, s3;
	s0 =	sld [smem:$0x3F94]  }
0x30: {  	s3 =	sld [smem:$0x3F97]  }
0x31: {  	[smem:$0x3FA0] =	sst s10  }
0x32: {  	s10 =	sld [smem:$0x3F9E];
	_ =	sdelay $0x3  }
0x33: {  	p0 =	seq.s32 s10, $0x1;
	s10 =	sld [smem:$0x3FA0];
	_ =	sdelay $0x3  }
0x34: {  	[smem:$0x3FA0] =	sst s10  }
0x35: {  	s10 =	sld [smem:$0x3F9F];
	_ =	sdelay $0x3  }
0x36: {  	p1 =	seq.s32 s10, $0x1;
	s10 =	sld [smem:$0x3FA0];
	_ =	sdelay $0x3  }
0x37: {  	[smem:$0x3FA0] =	sst s10  }
0x38: {  	s10 =	sld [smem:$0x3FA1]  }
0x39: {  	_ = 	snop;
	(pc) =	sbr.ind lr, $3  }
0x3a: {  	_ = 	snop  }
0x3b: {  	_ = 	snop  }
0x3c: {  	p2 =	seq.s32 s10, $0x1;
	s10 =	sld [smem:$0x3FA0]  }
0x3d: {  	_ =	shalt  }
0x3e: {  	_ =	shalt  }
0x3f: {  	_ =	shalt  }
0x40: {  	_ =	shalt  }
0x41: {  	_ =	shalt  }
0x42: {  	_ =	shalt  }
0x43: {  	_ =	shalt  }
0x44: {  	_ =	shalt  }
0x45: {  	_ =	shalt  }
0x46: {  	_ =	shalt  }
0x47: {  	_ =	shalt  }
0x48: {  	_ =	shalt  }
0x49: {  	_ =	shalt  }
0x4a: {  	_ =	shalt  }
0x4b: {  	_ =	shalt  }
0x4c: {  	_ =	shalt  }
0x4d: {  	_ =	shalt  }
0x4e: {  	_ =	shalt  }
0x4f: {  	_ =	shalt  }
0x50: {  	_ =	shalt  }
0x51: {  	_ =	shalt  }
0x52: {  	_ =	shalt  }
0x53: {  	_ =	shalt  }
0x54: {  	_ =	shalt  }
0x55: {  	_ =	shalt  }
0x56: {  	_ =	shalt  }
0x57: {  	_ =	shalt  }
0x58: {  	_ =	shalt  }
0x59: {  	_ =	shalt  }
0x5a: {  	_ =	shalt  }
0x5b: {  	_ =	shalt  }
0x5c: {  	_ =	shalt  }
0x5d: {  	_ =	shalt  }
0x5e: {  	_ =	shalt  }
0x5f: {  	_ =	shalt  }
0x60: {  	_ =	shalt  }
0x61: {  	_ =	shalt  }
0x62: {  	_ =	shalt  }
0x63: {  	_ =	shalt  }
0x64: {  	_ =	shalt  }
0x65: {  	_ =	shalt  }
0x66: {  	_ =	shalt  }
0x67: {  	_ =	shalt  }
0x68: {  	_ =	shalt  }
0x69: {  	_ =	shalt  }
0x6a: {  	_ =	shalt  }
0x6b: {  	_ =	shalt  }
0x6c: {  	_ =	shalt  }
0x6d: {  	_ =	shalt  }
0x6e: {  	_ =	shalt  }
0x6f: {  	_ =	shalt  }
0x70: {  	_ =	shalt  }
0x71: {  	_ =	shalt  }
0x72: {  	_ =	shalt  }
0x73: {  	_ =	shalt  }
0x74: {  	_ =	shalt  }
0x75: {  	_ =	shalt  }
0x76: {  	_ =	shalt  }
0x77: {  	_ =	shalt  }
0x78: {  	_ =	shalt  }
0x79: {  	_ =	shalt  }
0x7a: {  	_ =	shalt  }
0x7b: {  	_ =	shalt  }
0x7c: {  	_ =	shalt  }
0x7d: {  	_ =	shalt  }
0x7e: {  	_ =	shalt  }
0x7f: {  	_ =	shalt  }
0x80: {  	_ =	shalt  }
0x81: {  	_ =	shalt  }
0x82: {  	_ =	shalt  }
0x83: {  	_ =	shalt  }
0x84: {  	_ =	shalt  }
0x85: {  	_ =	shalt  }
0x86: {  	_ =	shalt  }
0x87: {  	_ =	shalt  }
.Lfunc_end0:
.L_simem_size_0:
called_computation.3_lowered:
.L_overlay_start_0:
0x88: {  	s2 =	sld [smem:$0x3FD9]  }
0x89: {  	s3 =	sld [smem:$0x3FFE];
	_ =	sdelay $0x1  }
0x8a: {  	s1 =	srdreg.scid  }
0x8b: {  	s0 =	sand.u32 $0x1, s1  }
0x8c: {  	s16 =	sshll.u32 s0, $0xA;
	s2 =	sadd.s32 s3, s2  }
0x8d: {  	s2 =	sadd.s32 s2, s16  }
0x8e: {  	[smem:$0x3FAC] =	sst s2  }
0x8f: {  	_ = 	snop  }
0x90: {  	(tm) =	ssettm $0x1  }
0x91: {  	s17 =	sld [smem:$0x3FFB];
	_ =	sdelay $0x3  }
0x92: {  	_ =	strace s17  }
0x93: {  	s2 =	sld [smem:$0x3FFC];
	_ =	sdelay $0x3  }
0x94: {  	_ =	strace s2  }
0x95: {  	s2 =	sld [smem:$0x3FFD];
	_ =	sdelay $0x3  }
0x96: {  	_ =	strace s2  }
0x97: {  	_ =	strace $0x8FFFFFFF  }
0x98: {  	s18 =	sld [smem:$0x3FDB];
	_ =	sdelay $0x1  }
0x99: {  	s19 =	simm.s32 $_scs_section_size  }
0x9a: {  	s4 =	simm.s32 $_size__tile_overlayer_lowered;
	s5 =	simm.s32 $_tile_overlayer_lowered  }
0x9b: {  	s22 =	simm.s32 $0x1BFF;
	s21 =	sshll.u32 s5, $0x1;
	s2 =	sadd.s32 s19, s18  }
0x9c: {  	s6 =	simm.s32 $0x0;
	s20 =	sshll.u32 s4, $0x1;
	s4 =	sadd.s32 s21, s2  }
0x9d: {  	[timem:s6], [sflag:s22] =	dma.local [hbm:s4], s20  }
0x9e: {  	_ =	swait.ge [sflag:s22], s20  }
0x9f: {  	s3 =	ssub.s32 $0x0, s20;
	[sflag:s22] =	ssyncset.done $0x0  }
0xa0: {  	[sflag:s22] =	ssyncadd.s32 s3;
	_ =	sdelay $0x1  }
0xa1: {  	s23 =	simm.s32 $0x1B8B  }
0xa2: {  	_ =	swait.ge [sflag:s23], $0x1  }
0xa3: {  	[sflag:s23] =	ssyncset.done $0x0  }
0xa4: {  	s25 =	simm.s32 $0x1B8E;
	s24 =	sld [smem:$0x3FFE];
	[sflag:s23] =	ssyncadd.s32 $0xFFFFFFFF  }
0xa5: {  	s26 =	simm.s32 $execute0_lowered;
	[smem:$0x3FD2] =	sst s25  }
0xa6: {  	s4 =	sshll.u32 s26, $0x1;
	_ =	strace $0x8000004F;
	[dreg:$0x1] =	wrdreg $0xFFFFFFFF  }
0xa7: {  	s28 =	simm.s32 $_size_execute0_lowered;
	s2 =	sadd.s32 s2, s4;
	[dreg:$0x0] =	wrdreg $0x0  }
0xa8: {  	s4 =	sshll.u32 s28, $0x1;
	[dreg:$0x2] =	wrdreg s2  }
0xa9: {  	[dreg:$0x3] =	wrdreg s4  }
0xaa: {  	[dreg:$0x4] =	wrdreg $0xC0  }
0xab: {  	_ =	task [dreg:s6], $0x5FFFF  }
0xac: {  	[dreg:$0x1] =	wrdreg $0xFFFFFFFF  }
0xad: {  	[dreg:$0x0] =	wrdreg $0x60  }
0xae: {  	[dreg:$0x2] =	wrdreg s24  }
0xaf: {  	[dreg:$0x3] =	wrdreg $0x9  }
0xb0: {  	_ =	task.clear_ibuf [dreg:s6], $0x4FFFF;
	_ =	strace $0x9000004F  }
0xb1: {  	s29 =	simm.s32 $0x9;
	_ =	strace $0x80000051  }
0xb2: {  	_ =	swait.ge [sflag:s29], $0x1  }
0xb3: {  	[sflag:s29] =	ssyncadd.s32 $0xFFFFFFFF  }
0xb4: {  	_ =	strace $0x90000051  }
0xb5: {  	_ =	sfence  }
0xb6: {  	s30 =	sld [smem:$0x0];
	_ =	sdelay $0x2  }
0xb7: {  	s31 =	sshll.u32 s1, $0xD;
	s1 =	sshrl.u32 s1, $0x2  }
0xb8: {  	s3 =	sand.u32 $0x4000, s31;
	s1 =	sadd.s32 s1, s30  }
0xb9: {  	s0 =	sor.u32 s3, s0;
	s1 =	sshll.u32 s1, $0x11  }
0xba: {  	s0 =	sor.u32 s1, s0  }
0xbb: {  	s0 =	sadd.s32 $0x8F2B, s0  }
0xbc: {  	[sflag:s0] =	ssyncadd.remote.s32 $0x1  }
0xbd: {  	_ =	sfence.sel $0xFFFF  }
0xbe: {  	[dreg:$0x0] =	wrdreg $0xFFFFFFFF;
	(pc) =	sbr.abs _section_cstart, $3  }
0xbf: {  	[dreg:$0x1] =	wrdreg $0xFFFFFFFF  }
0xc0: {  	_ =	task.clear_ibuf [dreg:s6], $0x2FFFF;
	_ =	strace $0x9FFFFFFF  }
0xc1: {  	(tm) =	ssettm $0x7FFFFFFF  }
tec
execute0_lowered:
.L_overlay_start_1:
0x0: {  	(tag) =	ssettag $0x1  }
0x1: {  	s5 =	rddreg [dreg:$0x0]  }
0x2: {  	s0 =	rddreg [dreg:$0x1];
	s3 =	srdreg.scid  }
0x3: {  	s1 =	stileid.u32;
	s2 =	simm.s32 $0x0;
	s12 =	simm.s32 $0x1400  }
0x4: {  	s13 =	simm.s32 $0x80;
	s14 =	simm.s32 $0x2800;
	s15 =	simm.s32 $0x3800  }
0x5: {  	s16 =	simm.s32 $0x4800;
	s17 =	simm.s32 $0x5800;
	s18 =	simm.s32 $0x1  }
0x6: {  	s19 =	simm.s32 $0x2;
	s20 =	simm.s32 $0x6800;
	s21 =	simm.s32 $0x3  }
0x7: {  	s22 =	simm.s32 $0x4;
	s3 =	sand.u32 $0x1, s3;
	s4 =	sshll.u32 s1, $0x1  }
0x8: {  	s23 =	simm.s32 $0x0;
	[smem:$0x7FF] =	sst s2;
	s9 =	sor.u32 s3, s4  }
0x9: {  	_ =	strace $0x80000050;
	s7 =	ssub.s32 $0x2, s3;
	s6 =	smul.u32 $0x280, s9  }
0xa: {  	s3 =	sadd.s32 $0x2C4000, s5;
	s4 =	sadd.s32 $0x2B0200, s5;
	s8 =	sshrl.u32 s7, $0x1  }
0xb: {  	s11 =	ssub.s32 s7, s8;
	s10 =	sadd.s32 s6, s5;
	s6 =	smul.u32 $0x1400, s9  }
0xc: {  	s5 =	sadd.s32 $0x2D7E00, s5;
	s9 =	smul.u32 $0x28000, s9;
	s7 =	sadd.s32 $0x2BA000, s10  }
0xd: {  	s8 =	sadd.s32 $0x2BF000, s10;
	s10 =	smax.u32 s11, $0x1;
	s11 =	simm.s32 $0x5  }
.LBB2_1:
0xe: {  	[tilespmem:s2], [sflag:$0x5] =	stream.linear.gather [hbm4b:s7+s2], $0x1400, $0x38;
	[tilespmem:$0x7800] =	vst v63  }
0xf: {  	_ =	swait.ge [sflag:s11], $0x1400  }
0x10: {  	[sflag:s11] =	ssyncset.done $0x0  }
0x11: {  	[sflag:s11] =	ssyncadd.s32 $0xFFFFEC00  }
0x12: {  	[tilespmem:s12], [sflag:$0x5] =	stream.linear.gather [hbm4b:s8+s2], $0x1400, $0x38;
	[tilespmem:$0x7800] =	vst v63  }
0x13: {  	_ =	swait.ge [sflag:s11], $0x1400  }
0x14: {  	[sflag:s11] =	ssyncset.done $0x0  }
0x15: {  	s24 =	simm.s32 $0x0;
	[sflag:s11] =	ssyncadd.s32 $0xFFFFEC00  }
.LBB2_2:
0x16: {  	s25 =	sshll.u32 s24, $0x8  }
0x17: {  	s26 =	sadd.s32 $0x1400, s25  }
0x18: {  	[tilespmem:s14], [sflag:$0x1] =	stream.indirect.gather [hbm4b:s3+s13], $0x20, s26, s13, $0xb8;
	[tilespmem:$0x7800] =	vst v63  }
0x19: {  	_ = 	snop  }
0x1a: {  	[tilespmem:s15], [sflag:$0x2] =	stream.indirect.gather [hbm4b:s4+s13], $0x20, s25, s13, $0xb8;
	[tilespmem:$0x7800] =	vst v63  }
0x1b: {  	s31 =	sadd.s32 $0x1480, s25  }
0x1c: {  	[tilespmem:s16], [sflag:$0x3] =	stream.indirect.gather [hbm4b:s3+s13], $0x20, s31, s13, $0xb8;
	[tilespmem:$0x7800] =	vst v63  }
0x1d: {  	s25 =	sor.u32 $0x80, s25  }
0x1e: {  	[tilespmem:s17], [sflag:$0x4] =	stream.indirect.gather [hbm4b:s4+s13], $0x20, s25, s13, $0xb8;
	[tilespmem:$0x7800] =	vst v63  }
0x1f: {  	_ =	swait.ge [sflag:s18], $0x1000  }
0x20: {  	[sflag:s18] =	ssyncset.done $0x0  }
0x21: {  	[sflag:s18] =	ssyncadd.s32 $0xFFFFF000  }
0x22: {  	_ =	swait.ge [sflag:s19], $0x1000  }
0x23: {  	[sflag:s19] =	ssyncset.done $0x0  }
0x24: {  	s30 =	simm.s32 $0x2840;
	[sflag:s19] =	ssyncadd.s32 $0xFFFFF000  }
0x25: {  	s26 =	simm.s32 $0x3840;
	v1 =	vld [tilespmem:s30+$0x30]  }
0x26: {  	v2 =	vld [tilespmem:s26+$0x30]  }
0x27: {  	v0 =	vld [tilespmem:s26+$0xFFFFFFC0]  }
0x28: {  	v3 =	vld [tilespmem:s30+$0xFFFFFFD0]  }
0x29: {  	v4 =	vld [tilespmem:s26+$0xFFFFFFD0]  }
0x2a: {  	v5 =	vld [tilespmem:s30+$0xFFFFFFE0]  }
0x2b: {  	v6 =	vld [tilespmem:s26+$0xFFFFFFE0]  }
0x2c: {  	v7 =	vld [tilespmem:s30+$0xFFFFFFF0]  }
0x2d: {  	v8 =	vld [tilespmem:s26+$0xFFFFFFF0]  }
0x2e: {  	v9 =	vld [tilespmem:s30+$0x0]  }
0x2f: {  	v10 =	vld [tilespmem:s26+$0x0];
	v2 =	vmul.f32 v2, v1  }
0x30: {  	s28 =	simm.s32 $0x6840;
	v4 =	vmul.f32 v4, v3;
	v1 =	vld [tilespmem:s30+$0x10]  }
0x31: {  	v5 =	vmul.f32 v6, v5;
	v3 =	vld [tilespmem:s26+$0x10];
	[tilespmem:s28+$0x30] =	vst v2  }
0x32: {  	v6 =	vmul.f32 v8, v7;
	[tilespmem:s28+$0xFFFFFFD0] =	vst v4;
	v2 =	vld [tilespmem:s30+$0x20]  }
0x33: {  	[tilespmem:s28+$0xFFFFFFE0] =	vst v5;
	v5 =	vld [tilespmem:s26+$0x20]  }
0x34: {  	s29 =	simm.s32 $0x0;
	v4 =	vld [tilespmem:s30+$0xFFFFFFC0];
	[tilespmem:s28+$0xFFFFFFF0] =	vst v6;
	v6 =	vmul.f32 v10, v9;
	s30 =	simm.s32 $0x28C0  }
.LBB2_3:
0x35: {  	v7 =	vld [tilespmem:s30+$0x30];
	s26 =	sadd.s32 $0x80, s26  }
0x36: {  	s29 =	sadd.s32 $0x8, s29;
	v8 =	vld [tilespmem:s26+$0x30];
	[tilespmem:s28+$0x0] =	vst v6;
	v1 =	vmul.f32 v3, v1  }
0x37: {  	p0 =	slt.u32 s29, $0xF8;
	v3 =	vld [tilespmem:s26+$0xFFFFFFC0]  }
0x38: {  	v6 =	vld [tilespmem:s30+$0xFFFFFFD0];
	[tilespmem:s28+$0x10] =	vst v1;
	v1 =	vmul.f32 v5, v2  }
0x39: {  	v2 =	vld [tilespmem:s26+$0xFFFFFFD0];
	v9 =	vmul.f32 v0, v4  }
0x3a: {  	v4 =	vld [tilespmem:s30+$0xFFFFFFE0];
	[tilespmem:s28+$0x20] =	vst v1  }
0x3b: {  	v1 =	vld [tilespmem:s26+$0xFFFFFFE0];
	v5 =	vmul.f32 v8, v7;
	[tilespmem:s28+$0xFFFFFFC0] =	vst v9  }
0x3c: {  	s28 =	sadd.s32 $0x80, s28;
	v7 =	vld [tilespmem:s30+$0xFFFFFFF0];
	v0 =	vmov v3  }
0x3d: {  	v8 =	vld [tilespmem:s26+$0xFFFFFFF0];
	[tilespmem:s28+$0x30] =	vst v5  }
0x3e: {  	v2 =	vmul.f32 v2, v6;
	v6 =	vld [tilespmem:s30+$0x0]  }
0x3f: {  	v9 =	vld [tilespmem:s26+$0x0]  }
.Ltmp0:
0x40: {  	[tilespmem:s28+$0xFFFFFFD0] =	vst v2;
	v2 =	vmul.f32 v1, v4;
	v1 =	vld [tilespmem:s30+$0x10];
	(pc) =	sbr.rel @p0 .LBB2_3-.Ltmp0, $4  }
0x41: {  	v3 =	vld [tilespmem:s26+$0x10]  }
0x42: {  	[tilespmem:s28+$0xFFFFFFE0] =	vst v2;
	v7 =	vmul.f32 v8, v7;
	v2 =	vld [tilespmem:s30+$0x20]  }
0x43: {  	v5 =	vld [tilespmem:s26+$0x20]  }
0x44: {  	v4 =	vld [tilespmem:s30+$0xFFFFFFC0];
	[tilespmem:s28+$0xFFFFFFF0] =	vst v7;
	v6 =	vmul.f32 v9, v6;
	s30 =	sadd.s32 $0x80, s30  }
0x45: {  	_ =	sdelay $0x1  }
0x46: {  	v1 =	vmul.f32 v3, v1  }
0x47: {  	s26 =	sshll.u32 s24, $0xD;
	[tilespmem:s28+$0x0] =	vst v6;
	v2 =	vmul.f32 v5, v2  }
0x48: {  	s26 =	sadd.s32 s9, s26;
	[tilespmem:s28+$0x10] =	vst v1;
	v0 =	vmul.f32 v0, v4  }
0x49: {  	s26 =	sshrl.u32 s26, $0x3;
	[tilespmem:s28+$0x20] =	vst v2  }
0x4a: {  	s26 =	sadd.s32 s5, s26;
	[tilespmem:s28+$0xFFFFFFC0] =	vst v0  }
0x4b: {  	[hbm4b:s26+s2] =	stream.linear.scatter [tilespmem:s20], [sflag:$0x5], $0x1000, $0x38;
	[tilespmem:$0x7800] =	vst v63  }
0x4c: {  	_ =	swait.ge [sflag:s11], $0x1000  }
0x4d: {  	[sflag:s11] =	ssyncset.done $0x0  }
0x4e: {  	[sflag:s11] =	ssyncadd.s32 $0xFFFFF000  }
0x4f: {  	_ =	swait.ge [sflag:s21], $0x1000  }
0x50: {  	[sflag:s21] =	ssyncset.done $0x0  }
0x51: {  	[sflag:s21] =	ssyncadd.s32 $0xFFFFF000  }
0x52: {  	_ =	swait.ge [sflag:s22], $0x1000  }
0x53: {  	[sflag:s22] =	ssyncset.done $0x0  }
0x54: {  	s30 =	simm.s32 $0x4840;
	[sflag:s22] =	ssyncadd.s32 $0xFFFFF000  }
0x55: {  	s26 =	simm.s32 $0x5840;
	v1 =	vld [tilespmem:s30+$0x30]  }
0x56: {  	v2 =	vld [tilespmem:s26+$0x30]  }
0x57: {  	v0 =	vld [tilespmem:s26+$0xFFFFFFC0]  }
0x58: {  	v3 =	vld [tilespmem:s30+$0xFFFFFFD0]  }
0x59: {  	v4 =	vld [tilespmem:s26+$0xFFFFFFD0]  }
0x5a: {  	v5 =	vld [tilespmem:s30+$0xFFFFFFE0]  }
0x5b: {  	v6 =	vld [tilespmem:s26+$0xFFFFFFE0]  }
0x5c: {  	v7 =	vld [tilespmem:s30+$0xFFFFFFF0]  }
0x5d: {  	v8 =	vld [tilespmem:s26+$0xFFFFFFF0]  }
0x5e: {  	v9 =	vld [tilespmem:s30+$0x0]  }
0x5f: {  	v10 =	vld [tilespmem:s26+$0x0];
	v2 =	vmul.f32 v2, v1  }
0x60: {  	s28 =	simm.s32 $0x6840;
	v4 =	vmul.f32 v4, v3;
	v1 =	vld [tilespmem:s30+$0x10]  }
0x61: {  	v5 =	vmul.f32 v6, v5;
	v3 =	vld [tilespmem:s26+$0x10];
	[tilespmem:s28+$0x30] =	vst v2  }
0x62: {  	v6 =	vmul.f32 v8, v7;
	[tilespmem:s28+$0xFFFFFFD0] =	vst v4;
	v2 =	vld [tilespmem:s30+$0x20]  }
0x63: {  	[tilespmem:s28+$0xFFFFFFE0] =	vst v5;
	v5 =	vld [tilespmem:s26+$0x20]  }
0x64: {  	s29 =	simm.s32 $0x0;
	v4 =	vld [tilespmem:s30+$0xFFFFFFC0];
	[tilespmem:s28+$0xFFFFFFF0] =	vst v6;
	v6 =	vmul.f32 v10, v9;
	s30 =	simm.s32 $0x48C0  }
.LBB2_5:
0x65: {  	v7 =	vld [tilespmem:s30+$0x30];
	s26 =	sadd.s32 $0x80, s26  }
0x66: {  	s29 =	sadd.s32 $0x8, s29;
	v8 =	vld [tilespmem:s26+$0x30];
	[tilespmem:s28+$0x0] =	vst v6;
	v1 =	vmul.f32 v3, v1  }
0x67: {  	p0 =	slt.u32 s29, $0xF8;
	v3 =	vld [tilespmem:s26+$0xFFFFFFC0]  }
0x68: {  	v6 =	vld [tilespmem:s30+$0xFFFFFFD0];
	[tilespmem:s28+$0x10] =	vst v1;
	v1 =	vmul.f32 v5, v2  }
0x69: {  	v2 =	vld [tilespmem:s26+$0xFFFFFFD0];
	v9 =	vmul.f32 v0, v4  }
0x6a: {  	v4 =	vld [tilespmem:s30+$0xFFFFFFE0];
	[tilespmem:s28+$0x20] =	vst v1  }
0x6b: {  	v1 =	vld [tilespmem:s26+$0xFFFFFFE0];
	v5 =	vmul.f32 v8, v7;
	[tilespmem:s28+$0xFFFFFFC0] =	vst v9  }
0x6c: {  	s28 =	sadd.s32 $0x80, s28;
	v7 =	vld [tilespmem:s30+$0xFFFFFFF0];
	v0 =	vmov v3  }
0x6d: {  	v8 =	vld [tilespmem:s26+$0xFFFFFFF0];
	[tilespmem:s28+$0x30] =	vst v5  }
0x6e: {  	v2 =	vmul.f32 v2, v6;
	v6 =	vld [tilespmem:s30+$0x0]  }
0x6f: {  	v9 =	vld [tilespmem:s26+$0x0]  }
.Ltmp1:
0x70: {  	[tilespmem:s28+$0xFFFFFFD0] =	vst v2;
	v2 =	vmul.f32 v1, v4;
	v1 =	vld [tilespmem:s30+$0x10];
	(pc) =	sbr.rel @p0 .LBB2_5-.Ltmp1, $4  }
0x71: {  	v3 =	vld [tilespmem:s26+$0x10]  }
0x72: {  	[tilespmem:s28+$0xFFFFFFE0] =	vst v2;
	v7 =	vmul.f32 v8, v7;
	v2 =	vld [tilespmem:s30+$0x20]  }
0x73: {  	v5 =	vld [tilespmem:s26+$0x20]  }
0x74: {  	v4 =	vld [tilespmem:s30+$0xFFFFFFC0];
	[tilespmem:s28+$0xFFFFFFF0] =	vst v7;
	v6 =	vmul.f32 v9, v6;
	s30 =	sadd.s32 $0x80, s30  }
0x75: {  	_ =	sdelay $0x1  }
0x76: {  	v1 =	vmul.f32 v3, v1  }
0x77: {  	s25 =	sadd.s32 s6, s25;
	[tilespmem:s28+$0x0] =	vst v6;
	v2 =	vmul.f32 v5, v2  }
0x78: {  	s24 =	sadd.s32 $0x1, s24;
	s25 =	sshll.u32 s25, $0x2;
	[tilespmem:s28+$0x10] =	vst v1;
	v0 =	vmul.f32 v0, v4  }
0x79: {  	p0 =	sne.s32 s24, $0x14;
	s25 =	sand.u32 $0x1FFFFE00, s25;
	[tilespmem:s28+$0x20] =	vst v2  }
.Ltmp2:
0x7a: {  	s25 =	sadd.s32 s5, s25;
	[tilespmem:s28+$0xFFFFFFC0] =	vst v0;
	(pc) =	sbr.rel @p0 .LBB2_2-.Ltmp2, $4  }
0x7b: {  	[hbm4b:s25+s2] =	stream.linear.scatter [tilespmem:s20], [sflag:$0x5], $0x1000, $0x38;
	[tilespmem:$0x7800] =	vst v63  }
0x7c: {  	_ =	swait.ge [sflag:s11], $0x1000  }
0x7d: {  	[sflag:s11] =	ssyncset.done $0x0  }
0x7e: {  	[sflag:s11] =	ssyncadd.s32 $0xFFFFF000  }
0x7f: {  	s23 =	sadd.s32 $0x1, s23  }
0x80: {  	p0 =	sne.s32 s23, s10  }
.Ltmp3:
0x81: {  	_ = 	snop;
	(pc) =	sbr.rel @p0 .LBB2_1-.Ltmp3, $1  }
0x82: {  	_ =	sdelay $0x3  }
0x83: {  	_ =	sfence.sel $0x180000  }
0x84: {  	[bflag:$0x0] =	sbarrier.arrive $0xFFFF  }
0x85: {  	p0 =	sne.s32 s1, $0x0;
	_ =	strace $0x90000050  }
0x86: {  	s0 =	sadd.s32 @!p0 $0x100000, s0;
	[bflag:$0x2] =	sbarrier.arrive $0xFFFF  }
0x87: {  	[sflag:s0] =	ssyncadd.tile.s32 @!p0 $0x1;
	_ =	shalt  }
.Lfunc_end2:
_tile_overlayer_lowered:
.L_overlay_start_2:
0x88: {  	(tag) =	ssettag $0x2  }
0x89: {  	s0 =	rddreg [dreg:$0x0];
	s2 =	stileid.u32  }
0x8a: {  	s1 =	rddreg [dreg:$0x1];
	p0 =	sne.s32 s2, $0x0  }
0x8b: {  	s3 =	rddreg [dreg:$0x2];
	[bflag:$0x3] =	sbarrier.arrive $0xFFFF;
	s2 =	simm.s32 @!p0 $0x1C05  }
0x8c: {  	[timem:s3], [sflag:s2] =	dma.local @!p0 [hbm:s0], s1  }
0x8d: {  	s0 =	simm.s32 @!p0 $0x5  }
0x8e: {  	_ =	swait.ge @!p0 [sflag:s0], s1  }
0x8f: {  	s1 =	ssub.s32 @!p0 $0x0, s1;
	[sflag:s0] =	ssyncset.done @!p0 $0x0  }
0x90: {  	[sflag:s0] =	ssyncadd.s32 @!p0 s1  }
0x91: {  	[bflag:$0x3] =	sbarrier.arrive $0xFFFF  }
0x92: {  	_ =	shalt  }

// kernel: kernel.25.cloned.1.call-start
scs
__scs_entry_jumppad:
0x0: {  	(pc) =	sbr.rel $0x88, $3  }
0x1: {  	(tag) =	ssettag $0x0;
	lr =	simm.s32 $0x1  }
0x2: {  	[smem:$0x3F85] =	sst lr;
	_ =	strace $0xD0000000  }
0x3: {  	_ = 	snop  }
0x4: {  	_ = 	snop  }
0x5: {  	_ = 	snop  }
0x6: {  	_ = 	snop  }
0x7: {  	_ = 	snop  }
__scs_overlays_trampoline_lowered:
0x8: {  	[smem:$0x3F94] =	sst s0  }
0x9: {  	[smem:$0x3F95] =	sst s1  }
0xa: {  	[smem:$0x3F96] =	sst s2  }
0xb: {  	[smem:$0x3F97] =	sst s3  }
0xc: {  	[smem:$0x3F98] =	sst s4  }
0xd: {  	[smem:$0x3F99] =	sst s5  }
0xe: {  	[smem:$0x3F9A] =	sst s6  }
0xf: {  	[smem:$0x3F9B] =	sst s7  }
0x10: {  	[smem:$0x3F9C] =	sst s8  }
0x11: {  	[smem:$0x3F9D] =	sst s9;
	s0 =	simm.s32 @!p0 $0x0  }
0x12: {  	s1 =	sld [smem:$0x3F83];
	s0 =	simm.s32 @p0 $0x1  }
0x13: {  	[smem:$0x3F9E] =	sst s0;
	s0 =	simm.s32 @!p1 $0x0  }
0x14: {  	s2 =	sld [smem:$0x3F82];
	s0 =	simm.s32 @p1 $0x1  }
0x15: {  	[smem:$0x3F9F] =	sst s0;
	s0 =	simm.s32 @!p2 $0x0  }
0x16: {  	s3 =	sld [smem:$0x3FDB];
	s0 =	simm.s32 @p2 $0x1  }
0x17: {  	s4 =	simm.s32 $0x1BF5;
	[smem:$0x3FA1] =	sst s0  }
0x18: {  	s0 =	sld [smem:$0x3F84];
	_ =	swait.ge [sflag:s4], $0x0  }
0x19: {  	s7 =	sld [smem:$0x3F85]  }
0x1a: {  	s8 =	sadd.s32 $0xFFFFE003, lr  }
0x1b: {  	s9 =	sadd.s32 $0xFFFFFEF7, lr;
	s5 =	simm.s32 $0xFFFFFFFF;
	p2 =	slt.u32 s8, $0xFFFFF086  }
0x1c: {  	p1 =	slt.u32 s9, $0xF7A;
	s5 =	simm.s32 @!p2 $0x0  }
0x1d: {  	s5 =	simm.s32 @p1 $0x1;
	p0 =	seq.s32 s7, s2  }
0x1e: {  	s7 =	smul.u32 @!p0 $0xF7A, s2;
	p2 =	seq.s32 @!p0 s5, $0x0  }
0x1f: {  	s9 =	smul.u32 $0xF7A, s1;
	s8 =	simm.s32 @!p0 $0x1BF5;
	p2 =	por !p2, p0  }
0x20: {  	[sflag:s8] =	ssyncset.s32 @!p0 $0xFFFFF086;
	s6 =	sadd.s32 @!p0 s3, s7;
	s7 =	simm.s32 @!p0 $0x108  }
0x21: {  	s3 =	sadd.s32 s3, s9;
	s6 =	sadd.s32 @!p0 $0x88, s6;
	s7 =	simm.s32 @p2 $0x1082  }
0x22: {  	[simem:s7], [sflag:s8] =	dma.local @!p0 [hbm:s6], $0xF7A  }
0x23: {  	s9 =	sor.u32 $0xD0000000, s2;
	s6 =	simm.s32 $0x108;
	_ =	swait.ge @!p0 [sflag:s8], $0x0  }
0x24: {  	s3 =	sadd.s32 $0x88, s3;
	s6 =	simm.s32 @!p1 $0x1082;
	[sflag:s4] =	ssyncset.s32 $0xFFFFF086  }
0x25: {  	[simem:s6], [sflag:s4] =	dma.local [hbm:s3], $0xF7A  }
0x26: {  	[smem:$0x3F85] =	sst s1;
	(tag) =	ssettag s2;
	_ =	strace s9  }
0x27: {  	s1 =	sld [smem:$0x3F95]  }
0x28: {  	s2 =	sld [smem:$0x3F96]  }
0x29: {  	s4 =	sld [smem:$0x3F98]  }
0x2a: {  	p0 =	seq.s32 s5, $0x0;
	s5 =	sld [smem:$0x3F99]  }
0x2b: {  	s6 =	sld [smem:$0x3F9A]  }
0x2c: {  	s7 =	sld [smem:$0x3F9B]  }
0x2d: {  	s3 =	simm.s32 $0x108;
	s8 =	sld [smem:$0x3F9C]  }
0x2e: {  	s3 =	simm.s32 @!p0 $0x1082;
	s9 =	sld [smem:$0x3F9D]  }
0x2f: {  	lr =	sadd.s32 s0, s3;
	s0 =	sld [smem:$0x3F94]  }
0x30: {  	s3 =	sld [smem:$0x3F97]  }
0x31: {  	[smem:$0x3FA0] =	sst s10  }
0x32: {  	s10 =	sld [smem:$0x3F9E];
	_ =	sdelay $0x3  }
0x33: {  	p0 =	seq.s32 s10, $0x1;
	s10 =	sld [smem:$0x3FA0];
	_ =	sdelay $0x3  }
0x34: {  	[smem:$0x3FA0] =	sst s10  }
0x35: {  	s10 =	sld [smem:$0x3F9F];
	_ =	sdelay $0x3  }
0x36: {  	p1 =	seq.s32 s10, $0x1;
	s10 =	sld [smem:$0x3FA0];
	_ =	sdelay $0x3  }
0x37: {  	[smem:$0x3FA0] =	sst s10  }
0x38: {  	s10 =	sld [smem:$0x3FA1]  }
0x39: {  	_ = 	snop;
	(pc) =	sbr.ind lr, $3  }
0x3a: {  	_ = 	snop  }
0x3b: {  	_ = 	snop  }
0x3c: {  	p2 =	seq.s32 s10, $0x1;
	s10 =	sld [smem:$0x3FA0]  }
0x3d: {  	_ =	shalt  }
0x3e: {  	_ =	shalt  }
0x3f: {  	_ =	shalt  }
0x40: {  	_ =	shalt  }
0x41: {  	_ =	shalt  }
0x42: {  	_ =	shalt  }
0x43: {  	_ =	shalt  }
0x44: {  	_ =	shalt  }
0x45: {  	_ =	shalt  }
0x46: {  	_ =	shalt  }
0x47: {  	_ =	shalt  }
0x48: {  	_ =	shalt  }
0x49: {  	_ =	shalt  }
0x4a: {  	_ =	shalt  }
0x4b: {  	_ =	shalt  }
0x4c: {  	_ =	shalt  }
0x4d: {  	_ =	shalt  }
0x4e: {  	_ =	shalt  }
0x4f: {  	_ =	shalt  }
0x50: {  	_ =	shalt  }
0x51: {  	_ =	shalt  }
0x52: {  	_ =	shalt  }
0x53: {  	_ =	shalt  }
0x54: {  	_ =	shalt  }
0x55: {  	_ =	shalt  }
0x56: {  	_ =	shalt  }
0x57: {  	_ =	shalt  }
0x58: {  	_ =	shalt  }
0x59: {  	_ =	shalt  }
0x5a: {  	_ =	shalt  }
0x5b: {  	_ =	shalt  }
0x5c: {  	_ =	shalt  }
0x5d: {  	_ =	shalt  }
0x5e: {  	_ =	shalt  }
0x5f: {  	_ =	shalt  }
0x60: {  	_ =	shalt  }
0x61: {  	_ =	shalt  }
0x62: {  	_ =	shalt  }
0x63: {  	_ =	shalt  }
0x64: {  	_ =	shalt  }
0x65: {  	_ =	shalt  }
0x66: {  	_ =	shalt  }
0x67: {  	_ =	shalt  }
0x68: {  	_ =	shalt  }
0x69: {  	_ =	shalt  }
0x6a: {  	_ =	shalt  }
0x6b: {  	_ =	shalt  }
0x6c: {  	_ =	shalt  }
0x6d: {  	_ =	shalt  }
0x6e: {  	_ =	shalt  }
0x6f: {  	_ =	shalt  }
0x70: {  	_ =	shalt  }
0x71: {  	_ =	shalt  }
0x72: {  	_ =	shalt  }
0x73: {  	_ =	shalt  }
0x74: {  	_ =	shalt  }
0x75: {  	_ =	shalt  }
0x76: {  	_ =	shalt  }
0x77: {  	_ =	shalt  }
0x78: {  	_ =	shalt  }
0x79: {  	_ =	shalt  }
0x7a: {  	_ =	shalt  }
0x7b: {  	_ =	shalt  }
0x7c: {  	_ =	shalt  }
0x7d: {  	_ =	shalt  }
0x7e: {  	_ =	shalt  }
0x7f: {  	_ =	shalt  }
0x80: {  	_ =	shalt  }
0x81: {  	_ =	shalt  }
0x82: {  	_ =	shalt  }
0x83: {  	_ =	shalt  }
0x84: {  	_ =	shalt  }
0x85: {  	_ =	shalt  }
0x86: {  	_ =	shalt  }
0x87: {  	_ =	shalt  }
.Lfunc_end0:
.L_simem_size_0:
called_computation.4_lowered:
.L_overlay_start_0:
0x88: {  	s2 =	sld [smem:$0x3FD9]  }
0x89: {  	s3 =	sld [smem:$0x3FFE];
	_ =	sdelay $0x1  }
0x8a: {  	s1 =	srdreg.scid  }
0x8b: {  	s0 =	sand.u32 $0x1, s1  }
0x8c: {  	s16 =	sshll.u32 s0, $0xA;
	s2 =	sadd.s32 s3, s2  }
0x8d: {  	s2 =	sadd.s32 s2, s16  }
0x8e: {  	[smem:$0x3FAC] =	sst s2  }
0x8f: {  	_ = 	snop  }
0x90: {  	(tm) =	ssettm $0x1  }
0x91: {  	s17 =	sld [smem:$0x3FFB];
	_ =	sdelay $0x3  }
0x92: {  	_ =	strace s17  }
0x93: {  	s2 =	sld [smem:$0x3FFC];
	_ =	sdelay $0x3  }
0x94: {  	_ =	strace s2  }
0x95: {  	s2 =	sld [smem:$0x3FFD];
	_ =	sdelay $0x3  }
0x96: {  	_ =	strace s2  }
0x97: {  	_ =	strace $0x8FFFFFFF  }
0x98: {  	s18 =	sld [smem:$0x3FDB];
	_ =	sdelay $0x1  }
0x99: {  	s19 =	simm.s32 $_scs_section_size  }
0x9a: {  	s4 =	simm.s32 $_size__tile_overlayer_lowered;
	s5 =	simm.s32 $_tile_overlayer_lowered  }
0x9b: {  	s22 =	simm.s32 $0x1BFF;
	s21 =	sshll.u32 s5, $0x1;
	s2 =	sadd.s32 s19, s18  }
0x9c: {  	s6 =	simm.s32 $0x0;
	s20 =	sshll.u32 s4, $0x1;
	s4 =	sadd.s32 s21, s2  }
0x9d: {  	[timem:s6], [sflag:s22] =	dma.local [hbm:s4], s20  }
0x9e: {  	_ =	swait.ge [sflag:s22], s20  }
0x9f: {  	s3 =	ssub.s32 $0x0, s20;
	[sflag:s22] =	ssyncset.done $0x0  }
0xa0: {  	[sflag:s22] =	ssyncadd.s32 s3;
	_ =	sdelay $0x1  }
0xa1: {  	s23 =	simm.s32 $0x1B8B  }
0xa2: {  	_ =	swait.ge [sflag:s23], $0x1  }
0xa3: {  	[sflag:s23] =	ssyncset.done $0x0  }
0xa4: {  	s25 =	simm.s32 $0x1B8E;
	s24 =	sld [smem:$0x3FFE];
	[sflag:s23] =	ssyncadd.s32 $0xFFFFFFFF  }
0xa5: {  	s26 =	simm.s32 $execute0_lowered;
	[smem:$0x3FD2] =	sst s25  }
0xa6: {  	s4 =	sshll.u32 s26, $0x1;
	_ =	strace $0x80000052;
	[dreg:$0x1] =	wrdreg $0xFFFFFFFF  }
0xa7: {  	s28 =	simm.s32 $_size_execute0_lowered;
	s2 =	sadd.s32 s2, s4;
	[dreg:$0x0] =	wrdreg $0x0  }
0xa8: {  	s4 =	sshll.u32 s28, $0x1;
	[dreg:$0x2] =	wrdreg s2  }
0xa9: {  	[dreg:$0x3] =	wrdreg s4  }
0xaa: {  	[dreg:$0x4] =	wrdreg $0xC0  }
0xab: {  	_ =	task [dreg:s6], $0x5FFFF  }
0xac: {  	[dreg:$0x1] =	wrdreg $0xFFFFFFFF  }
0xad: {  	[dreg:$0x0] =	wrdreg $0x60  }
0xae: {  	[dreg:$0x2] =	wrdreg s24  }
0xaf: {  	[dreg:$0x3] =	wrdreg $0x4B800  }
0xb0: {  	[dreg:$0x4] =	wrdreg $0x9  }
0xb1: {  	_ =	task.clear_ibuf [dreg:s6], $0x5FFFF;
	_ =	strace $0x90000052  }
0xb2: {  	s29 =	simm.s32 $0x9;
	_ =	strace $0x80000054  }
0xb3: {  	_ =	swait.ge [sflag:s29], $0x1  }
0xb4: {  	[sflag:s29] =	ssyncadd.s32 $0xFFFFFFFF  }
0xb5: {  	_ =	strace $0x90000054  }
0xb6: {  	_ =	sfence  }
0xb7: {  	s30 =	sld [smem:$0x0];
	_ =	sdelay $0x2  }
0xb8: {  	s31 =	sshll.u32 s1, $0xD;
	s1 =	sshrl.u32 s1, $0x2  }
0xb9: {  	s3 =	sand.u32 $0x4000, s31;
	s1 =	sadd.s32 s1, s30  }
0xba: {  	s0 =	sor.u32 s3, s0;
	s1 =	sshll.u32 s1, $0x11  }
0xbb: {  	s0 =	sor.u32 s1, s0  }
0xbc: {  	s0 =	sadd.s32 $0x8F2B, s0  }
0xbd: {  	[sflag:s0] =	ssyncadd.remote.s32 $0x1  }
0xbe: {  	_ =	sfence.sel $0xFFFF  }
0xbf: {  	[dreg:$0x0] =	wrdreg $0xFFFFFFFF;
	(pc) =	sbr.abs _section_cstart, $3  }
0xc0: {  	[dreg:$0x1] =	wrdreg $0xFFFFFFFF  }
0xc1: {  	_ =	task.clear_ibuf [dreg:s6], $0x2FFFF;
	_ =	strace $0x9FFFFFFF  }
0xc2: {  	(tm) =	ssettm $0x7FFFFFFF  }
0xc3: {  	_ =	shalt  }
tec
execute0_lowered:
.L_overlay_start_1:
0x0: {  	(tag) =	ssettag $0x1  }
0x1: {  	s0 =	rddreg [dreg:$0x0];
	s2 =	srdreg.scid  }
0x2: {  	s3 =	stileid.u32;
	s1 =	rddreg [dreg:$0x1]  }
0x3: {  	s17 =	simm.s32 $0x1400;
	s18 =	simm.s32 $0x3800;
	s19 =	simm.s32 $0x2800  }
0x4: {  	s28 =	simm.s32 $0x4;
	s29 =	simm.s32 $0x0;
	s9 =	smul.u32 $0x1380, s3  }
0x5: {  	s4 =	sand.u32 $0x1, s2;
	s5 =	sshll.u32 s3, $0x1;
	s15 =	smul.u32 $0x14000, s3  }
0x6: {  	s2 =	simm.s32 $0x0;
	s13 =	sadd.s32 $0x8C00, s0;
	s24 =	smul.u32 $0x2800, s3  }
0x7: {  	s12 =	sadd.s32 $0x30C00, s0;
	s10 =	sadd.s32 $0x2C6800, s0;
	s14 =	smul.u32 $0x13880, s4  }
0x8: {  	p0 =	sne.s32 s3, $0x0;
	s5 =	sor.u32 s4, s5;
	s16 =	smul.u32 $0xA000, s4  }
0x9: {  	[smem:$0x7FF] =	sst s2;
	s6 =	ssub.s32 $0x2, s4;
	s4 =	smul.u32 $0x1400, s4  }
0xa: {  	s5 =	smul.u32 $0x280, s5;
	_ =	strace $0x80000053;
	s7 =	sshrl.u32 s9, $0x3  }
0xb: {  	s8 =	sshrl.u32 s6, $0x1;
	s26 =	sadd.s32 s24, s12;
	s30 =	sadd.s32 s24, s13  }
0xc: {  	s24 =	simm.s32 $0x2;
	s7 =	sadd.s32 s7, s0;
	s11 =	ssub.s32 s6, s8  }
0xd: {  	s6 =	sadd.s32 s9, s1;
	s8 =	sadd.s32 $0x13800, s1;
	s22 =	sadd.s32 s9, s14  }
0xe: {  	s14 =	sshrl.u32 s14, $0x3;
	s25 =	sadd.s32 s16, s15;
	s15 =	sadd.s32 s4, s26  }
0xf: {  	s31 =	sadd.s32 s4, s30;
	s16 =	simm.s32 $0x5;
	s26 =	simm.s32 $0x3  }
0x10: {  	s5 =	sadd.s32 s5, s0;
	s21 =	sadd.s32 $0x2C4000, s7;
	s0 =	sadd.s32 $0x2C6700, s0  }
0x11: {  	s23 =	sadd.s32 s10, s14;
	s11 =	smax.u32 s11, $0x1;
	s14 =	sadd.s32 $0x80, s15  }
0x12: {  	s15 =	sadd.s32 $0x80, s31;
	s20 =	sadd.s32 $0x2BA000, s5;
	[dreg:$0x5] =	wrdreg s21  }
0x13: {  	s5 =	sadd.s32 $0x2BF000, s5;
	[dreg:$0x6] =	wrdreg s0;
	s0 =	sshrl.u32 s22, $0x3  }
0x14: {  	s21 =	simm.s32 $0x3000;
	s22 =	simm.s32 $0x3400;
	[dreg:$0x3] =	wrdreg s20  }
0x15: {  	[dreg:$0x4] =	wrdreg s5;
	s9 =	sadd.s32 s10, s0;
	s10 =	sadd.s32 $0x2700, s23  }
0x16: {  	s0 =	sshrl.u32 s25, $0x3;
	s20 =	simm.s32 $0x2C00;
	s23 =	simm.s32 $0x1  }
0x17: {  	s25 =	simm.s32 $0x80;
	s12 =	sadd.s32 s0, s12;
	s13 =	sadd.s32 s0, s13  }
.LBB2_1:
0x18: {  	s0 =	rddreg [dreg:$0x3]  }
0x19: {  	[tilespmem:s2], [sflag:$0x5] =	stream.linear.gather [hbm4b:s0+s2], $0x1400, $0x38;
	[tilespmem:$0x5F08] =	vst v63  }
0x1a: {  	_ =	swait.ge [sflag:s16], $0x1400  }
0x1b: {  	[sflag:s16] =	ssyncset.done $0x0  }
0x1c: {  	s3 =	rddreg [dreg:$0x4];
	[sflag:s16] =	ssyncadd.s32 $0xFFFFEC00  }
0x1d: {  	[tilespmem:s17], [sflag:$0x5] =	stream.linear.gather [hbm4b:s3+s2], $0x1400, $0x38;
	[tilespmem:$0x5F08] =	vst v63  }
0x1e: {  	_ =	swait.ge [sflag:s16], $0x1400  }
0x1f: {  	[sflag:s16] =	ssyncset.done $0x0  }
0x20: {  	s4 =	rddreg [dreg:$0x5];
	[sflag:s16] =	ssyncadd.s32 $0xFFFFEC00  }
0x21: {  	[tilespmem:s18], [sflag:$0x5] =	stream.linear.gather [hbm4b:s4+s2], $0x1380, $0x38;
	[tilespmem:$0x5F08] =	vst v63  }
0x22: {  	_ =	swait.ge [sflag:s16], $0x1380  }
0x23: {  	[sflag:s16] =	ssyncset.done $0x0  }
0x24: {  	[sflag:s16] =	ssyncadd.s32 $0xFFFFEC80  }
0x25: {  	[spmem:s6] =	stream.linear.scatter [tilespmem:s18], [sflag:$0x5], $0x1380, $0x38;
	[tilespmem:$0x5F08] =	vst v63  }
0x26: {  	_ =	swait.ge [sflag:s16], $0x1380  }
0x27: {  	s0 =	simm.s32 @!p0 $0x0;
	[sflag:s16] =	ssyncset.done $0x0  }
0x28: {  	s3 =	simm.s32 @!p0 $0x3800;
	s4 =	rddreg [dreg:$0x6];
	[sflag:s16] =	ssyncadd.s32 $0xFFFFEC80  }
0x29: {  	[tilespmem:s3], [sflag:$0x5] =	stream.linear.gather @!p0 [hbm4b:s4+s0], $0x80, $0x38;
	[tilespmem:$0x5F08] =	vst v63  }
0x2a: {  	s0 =	simm.s32 @!p0 $0x5  }
0x2b: {  	_ =	swait.ge @!p0 [sflag:s0], $0x80  }
0x2c: {  	[sflag:s0] =	ssyncset.done @!p0 $0x0  }
0x2d: {  	[sflag:s0] =	ssyncadd.s32 @!p0 $0xFFFFFF80  }
0x2e: {  	[spmem:s8] =	stream.linear.scatter @!p0 [tilespmem:s3], [sflag:$0x5], $0x80, $0x38;
	[tilespmem:$0x5F08] =	vst v63  }
0x2f: {  	_ =	swait.ge @!p0 [sflag:s0], $0x80  }
0x30: {  	[sflag:s0] =	ssyncset.done @!p0 $0x0  }
0x31: {  	[sflag:s0] =	ssyncadd.s32 @!p0 $0xFFFFFF80  }
0x32: {  	s5 =	sadd.s32 $0x0, s13;
	[bflag:$0x0] =	sbarrier.arrive $0xFFFF  }
0x33: {  	[tilespmem:s19], [sflag:$0x1] =	stream.linear.gather [hbm4b:s5+s2], $0x400, $0x38;
	[tilespmem:$0x5F08] =	vst v63  }
0x34: {  	s7 =	sadd.s32 $0x0, s12  }
0x35: {  	[tilespmem:s20], [sflag:$0x2] =	stream.linear.gather [hbm4b:s7+s2], $0x400, $0x38;
	[tilespmem:$0x5F08] =	vst v63  }
0x36: {  	s3 =	sadd.s32 $0x0, s15  }
0x37: {  	[tilespmem:s21], [sflag:$0x3] =	stream.linear.gather [hbm4b:s3+s2], $0x400, $0x38;
	[tilespmem:$0x5F08] =	vst v63  }
0x38: {  	s4 =	sadd.s32 $0x0, s14  }
0x39: {  	[tilespmem:s22], [sflag:$0x4] =	stream.linear.gather [hbm4b:s4+s2], $0x400, $0x38;
	[tilespmem:$0x5F08] =	vst v63  }
0x3a: {  	_ =	swait.ge [sflag:s23], $0x400  }
0x3b: {  	[sflag:s23] =	ssyncset.done $0x0  }
0x3c: {  	[sflag:s23] =	ssyncadd.s32 $0xFFFFFC00  }
0x3d: {  	_ =	swait.ge [sflag:s24], $0x400  }
0x3e: {  	[sflag:s24] =	ssyncset.done $0x0  }
0x3f: {  	[sflag:s24] =	ssyncadd.s32 $0xFFFFFC00  }
0x40: {  	[spmem:s1] =	stream.indirect.scatter.add.f32 [tilespmem:s19], [sflag:$0x5], $0x8, s2, s25, $0xb8;
	[tilespmem:$0x5F08] =	vst v63  }
0x41: {  	_ =	swait.ge [sflag:s16], $0x400  }
0x42: {  	[sflag:s16] =	ssyncset.done $0x0  }
0x43: {  	[sflag:s16] =	ssyncadd.s32 $0xFFFFFC00  }
0x44: {  	[spmem:s1] =	stream.indirect.scatter.add.f32 [tilespmem:s20], [sflag:$0x5], $0x8, s17, s25, $0xb8;
	[tilespmem:$0x5F08] =	vst v63  }
0x45: {  	_ =	swait.ge [sflag:s16], $0x400  }
0x46: {  	[sflag:s16] =	ssyncset.done $0x0  }
0x47: {  	[sflag:s16] =	ssyncadd.s32 $0xFFFFFC00  }
0x48: {  	_ =	swait.ge [sflag:s26], $0x400  }
0x49: {  	[sflag:s26] =	ssyncset.done $0x0  }
0x4a: {  	[sflag:s26] =	ssyncadd.s32 $0xFFFFFC00  }
0x4b: {  	_ =	swait.ge [sflag:s28], $0x400  }
0x4c: {  	[sflag:s28] =	ssyncset.done $0x0  }
0x4d: {  	s5 =	simm.s32 $0x80;
	[sflag:s28] =	ssyncadd.s32 $0xFFFFFC00  }
0x4e: {  	[spmem:s1] =	stream.indirect.scatter.add.f32 [tilespmem:s21], [sflag:$0x5], $0x8, s5, s25, $0xb8;
	[tilespmem:$0x5F08] =	vst v63  }
0x4f: {  	_ =	swait.ge [sflag:s16], $0x400  }
0x50: {  	[sflag:s16] =	ssyncset.done $0x0  }
0x51: {  	s7 =	simm.s32 $0x1480;
	[sflag:s16] =	ssyncadd.s32 $0xFFFFFC00  }
0x52: {  	[spmem:s1] =	stream.indirect.scatter.add.f32 [tilespmem:s22], [sflag:$0x5], $0x8, s7, s25, $0xb8;
	[tilespmem:$0x5F08] =	vst v63  }
0x53: {  	s30 =	simm.s32 $0x1500;
	s31 =	simm.s32 $0x100;
	_ =	swait.ge [sflag:s16], $0x400  }
0x54: {  	s0 =	simm.s32 $0x100;
	s3 =	simm.s32 $0x200;
	[sflag:s16] =	ssyncset.done $0x0  }
.LBB2_2:
0x55: {  	s5 =	sadd.s32 s0, s13  }
0x56: {  	[sflag:s16] =	ssyncadd.s32 $0xFFFFFC00;
	s7 =	smov.u32 s3;
	s4 =	sadd.s32 $0x100, s3  }
0x57: {  	[tilespmem:s19], [sflag:$0x1] =	stream.linear.gather [hbm4b:s5+s2], $0x400, $0x38;
	[tilespmem:$0x5F08] =	vst v63  }
0x58: {  	p1 =	sne.s32 s3, $0x1300;
	s3 =	sadd.s32 s0, s12  }
0x59: {  	[tilespmem:s20], [sflag:$0x2] =	stream.linear.gather [hbm4b:s3+s2], $0x400, $0x38;
	[tilespmem:$0x5F08] =	vst v63  }
0x5a: {  	s3 =	sadd.s32 s0, s15  }
0x5b: {  	[tilespmem:s21], [sflag:$0x3] =	stream.linear.gather [hbm4b:s3+s2], $0x400, $0x38;
	[tilespmem:$0x5F08] =	vst v63  }
0x5c: {  	s3 =	sadd.s32 s0, s14;
	s0 =	smov.u32 s7  }
0x5d: {  	[tilespmem:s22], [sflag:$0x4] =	stream.linear.gather [hbm4b:s3+s2], $0x400, $0x38;
	[tilespmem:$0x5F08] =	vst v63  }
0x5e: {  	_ =	swait.ge [sflag:s23], $0x400  }
0x5f: {  	[sflag:s23] =	ssyncset.done $0x0  }
0x60: {  	[sflag:s23] =	ssyncadd.s32 $0xFFFFFC00  }
0x61: {  	_ =	swait.ge [sflag:s24], $0x400  }
0x62: {  	[sflag:s24] =	ssyncset.done $0x0  }
0x63: {  	[sflag:s24] =	ssyncadd.s32 $0xFFFFFC00  }
0x64: {  	[spmem:s1] =	stream.indirect.scatter.add.f32 [tilespmem:s19], [sflag:$0x5], $0x8, s31, s25, $0xb8;
	[tilespmem:$0x5F08] =	vst v63  }
0x65: {  	_ =	swait.ge [sflag:s16], $0x400  }
0x66: {  	[sflag:s16] =	ssyncset.done $0x0  }
0x67: {  	[sflag:s16] =	ssyncadd.s32 $0xFFFFFC00  }
0x68: {  	[spmem:s1] =	stream.indirect.scatter.add.f32 [tilespmem:s20], [sflag:$0x5], $0x8, s30, s25, $0xb8;
	[tilespmem:$0x5F08] =	vst v63  }
0x69: {  	_ =	swait.ge [sflag:s16], $0x400  }
0x6a: {  	[sflag:s16] =	ssyncset.done $0x0  }
0x6b: {  	[sflag:s16] =	ssyncadd.s32 $0xFFFFFC00  }
0x6c: {  	_ =	swait.ge [sflag:s26], $0x400  }
0x6d: {  	[sflag:s26] =	ssyncset.done $0x0  }
0x6e: {  	[sflag:s26] =	ssyncadd.s32 $0xFFFFFC00  }
0x6f: {  	_ =	swait.ge [sflag:s28], $0x400  }
0x70: {  	[sflag:s28] =	ssyncset.done $0x0  }
0x71: {  	s3 =	sadd.s32 $0x80, s31;
	[sflag:s28] =	ssyncadd.s32 $0xFFFFFC00  }
0x72: {  	[spmem:s1] =	stream.indirect.scatter.add.f32 [tilespmem:s21], [sflag:$0x5], $0x8, s3, s25, $0xb8;
	[tilespmem:$0x5F08] =	vst v63  }
0x73: {  	_ =	swait.ge [sflag:s16], $0x400  }
.Ltmp0:
0x74: {  	[sflag:s16] =	ssyncset.done $0x0;
	(pc) =	sbr.rel @p1 .LBB2_2-.Ltmp0, $4  }
0x75: {  	s3 =	sadd.s32 $0x80, s30;
	[sflag:s16] =	ssyncadd.s32 $0xFFFFFC00  }
0x76: {  	[spmem:s1] =	stream.indirect.scatter.add.f32 [tilespmem:s22], [sflag:$0x5], $0x8, s3, s25, $0xb8;
	[tilespmem:$0x5F08] =	vst v63  }
0x77: {  	s31 =	sadd.s32 $0x100, s31;
	_ =	swait.ge [sflag:s16], $0x400  }
0x78: {  	s30 =	sadd.s32 $0x100, s30;
	s3 =	smov.u32 s4;
	[sflag:s16] =	ssyncset.done $0x0  }
0x79: {  	s3 =	sadd.s32 s0, s13;
	[sflag:s16] =	ssyncadd.s32 $0xFFFFFC00  }
0x7a: {  	[tilespmem:s19], [sflag:$0x1] =	stream.linear.gather [hbm4b:s3+s2], $0x400, $0x38;
	[tilespmem:$0x5F08] =	vst v63  }
0x7b: {  	s7 =	sadd.s32 s0, s12  }
0x7c: {  	[tilespmem:s20], [sflag:$0x2] =	stream.linear.gather [hbm4b:s7+s2], $0x400, $0x38;
	[tilespmem:$0x5F08] =	vst v63  }
0x7d: {  	s4 =	sadd.s32 s0, s15  }
0x7e: {  	[tilespmem:s21], [sflag:$0x3] =	stream.linear.gather [hbm4b:s4+s2], $0x400, $0x38;
	[tilespmem:$0x5F08] =	vst v63  }
0x7f: {  	s5 =	sadd.s32 s0, s14  }
0x80: {  	[tilespmem:s22], [sflag:$0x4] =	stream.linear.gather [hbm4b:s5+s2], $0x400, $0x38;
	[tilespmem:$0x5F08] =	vst v63  }
0x81: {  	_ =	swait.ge [sflag:s23], $0x400  }
0x82: {  	[sflag:s23] =	ssyncset.done $0x0  }
0x83: {  	[sflag:s23] =	ssyncadd.s32 $0xFFFFFC00  }
0x84: {  	_ =	swait.ge [sflag:s24], $0x400  }
0x85: {  	[sflag:s24] =	ssyncset.done $0x0  }
0x86: {  	[sflag:s24] =	ssyncadd.s32 $0xFFFFFC00  }
0x87: {  	[spmem:s1] =	stream.indirect.scatter.add.f32 [tilespmem:s19], [sflag:$0x5], $0x8, s31, s25, $0xb8;
	[tilespmem:$0x5F08] =	vst v63  }
0x88: {  	_ =	swait.ge [sflag:s16], $0x400  }
0x89: {  	[sflag:s16] =	ssyncset.done $0x0  }
0x8a: {  	[sflag:s16] =	ssyncadd.s32 $0xFFFFFC00  }
0x8b: {  	[spmem:s1] =	stream.indirect.scatter.add.f32 [tilespmem:s20], [sflag:$0x5], $0x8, s30, s25, $0xb8;
	[tilespmem:$0x5F08] =	vst v63  }
0x8c: {  	_ =	swait.ge [sflag:s16], $0x400  }
0x8d: {  	[sflag:s16] =	ssyncset.done $0x0  }
0x8e: {  	[sflag:s16] =	ssyncadd.s32 $0xFFFFFC00  }
0x8f: {  	_ =	swait.ge [sflag:s26], $0x400  }
0x90: {  	[sflag:s26] =	ssyncset.done $0x0  }
0x91: {  	[sflag:s26] =	ssyncadd.s32 $0xFFFFFC00  }
0x92: {  	_ =	swait.ge [sflag:s28], $0x400  }
0x93: {  	[sflag:s28] =	ssyncset.done $0x0  }
0x94: {  	s7 =	sadd.s32 $0x80, s31;
	[sflag:s28] =	ssyncadd.s32 $0xFFFFFC00  }
0x95: {  	[spmem:s1] =	stream.indirect.scatter.add.f32 [tilespmem:s21], [sflag:$0x5], $0x8, s7, s25, $0xb8;
	[tilespmem:$0x5F08] =	vst v63  }
0x96: {  	_ =	swait.ge [sflag:s16], $0x400  }
0x97: {  	[sflag:s16] =	ssyncset.done $0x0  }
0x98: {  	s31 =	sadd.s32 $0x80, s30;
	[sflag:s16] =	ssyncadd.s32 $0xFFFFFC00  }
0x99: {  	[spmem:s1] =	stream.indirect.scatter.add.f32 [tilespmem:s22], [sflag:$0x5], $0x8, s31, s25, $0xb8;
	[tilespmem:$0x5F08] =	vst v63  }
0x9a: {  	_ =	swait.ge [sflag:s16], $0x400  }
0x9b: {  	[sflag:s16] =	ssyncset.done $0x0  }
0x9c: {  	[sflag:s16] =	ssyncadd.s32 $0xFFFFFC00  }
0x9d: {  	[bflag:$0x0] =	sbarrier.arrive $0xFFFF  }
0x9e: {  	[tilespmem:s18], [sflag:$0x5] =	stream.linear.gather [spmem:s6], $0x1380, $0x38;
	[tilespmem:$0x5F08] =	vst v63  }
0x9f: {  	_ =	swait.ge [sflag:s16], $0x1380  }
0xa0: {  	[sflag:s16] =	ssyncset.done $0x0  }
0xa1: {  	[sflag:s16] =	ssyncadd.s32 $0xFFFFEC80  }
0xa2: {  	[hbm4b:s9+s2] =	stream.linear.scatter [tilespmem:s18], [sflag:$0x5], $0x1380, $0x38;
	[tilespmem:$0x5F08] =	vst v63  }
0xa3: {  	_ =	swait.ge [sflag:s16], $0x1380  }
0xa4: {  	[sflag:s16] =	ssyncset.done $0x0  }
0xa5: {  	s0 =	simm.s32 @!p0 $0x3800;
	s3 =	simm.s32 @!p0 $0x5;
	[sflag:s16] =	ssyncadd.s32 $0xFFFFEC80  }
0xa6: {  	[tilespmem:s0], [sflag:$0x5] =	stream.linear.gather @!p0 [spmem:s8], $0x80, $0x38;
	[tilespmem:$0x5F08] =	vst v63  }
0xa7: {  	s29 =	sadd.s32 $0x1, s29;
	_ =	swait.ge @!p0 [sflag:s3], $0x80  }
0xa8: {  	p1 =	sne.s32 s29, s11;
	[sflag:s3] =	ssyncset.done @!p0 $0x0  }
.Ltmp1:
0xa9: {  	s4 =	simm.s32 @!p0 $0x0;
	[sflag:s3] =	ssyncadd.s32 @!p0 $0xFFFFFF80;
	(pc) =	sbr.rel @p1 .LBB2_1-.Ltmp1, $4  }
0xaa: {  	[hbm4b:s10+s4] =	stream.linear.scatter @!p0 [tilespmem:s0], [sflag:$0x5], $0x80, $0x38;
	[tilespmem:$0x5F08] =	vst v63  }
0xab: {  	_ =	swait.ge @!p0 [sflag:s3], $0x80  }
0xac: {  	[sflag:s3] =	ssyncset.done @!p0 $0x0  }
0xad: {  	[sflag:s3] =	ssyncadd.s32 @!p0 $0xFFFFFF80  }
0xae: {  	_ =	sfence.sel $0x180000  }
0xaf: {  	[bflag:$0x0] =	sbarrier.arrive $0xFFFF  }
0xb0: {  	_ =	strace $0x90000053  }
0xb1: {  	[bflag:$0x2] =	sbarrier.arrive $0xFFFF  }
0xb2: {  	s0 =	rddreg [dreg:$0x2]  }
0xb3: {  	s0 =	sadd.s32 @!p0 $0x100000, s0  }
0xb4: {  	[sflag:s0] =	ssyncadd.tile.s32 @!p0 $0x1;
	_ =	shalt  }
.Lfunc_end2:
_tile_overlayer_lowered:
.L_overlay_start_2:
0xb5: {  	(tag) =	ssettag $0x2  }
0xb6: {  	s0 =	rddreg [dreg:$0x0];
	s2 =	stileid.u32  }
0xb7: {  	s1 =	rddreg [dreg:$0x1];
	p0 =	sne.s32 s2, $0x0  }
0xb8: {  	s3 =	rddreg [dreg:$0x2];
	[bflag:$0x3] =	sbarrier.arrive $0xFFFF;
	s2 =	simm.s32 @!p0 $0x1C05  }
0xb9: {  	[timem:s3], [sflag:s2] =	dma.local @!p0 [hbm:s0], s1  }
0xba: {  	s0 =	simm.s32 @!p0 $0x5  }
0xbb: {  	_ =	swait.ge @!p0 [sflag:s0], s1  }
0xbc: {  	s1 =	ssub.s32 @!p0 $0x0, s1;
	[sflag:s0] =	ssyncset.done @!p0 $0x0  }
0xbd: {  	[sflag:s0] =	ssyncadd.s32 @!p0 s1  }
0xbe: {  	[bflag:$0x3] =	sbarrier.arrive $0xFFFF  }
0xbf: {  	_ =	shalt  }

</sc_bundles>
